<compile_context>
chip_gen: v7x
topology: tpu7x:2x2x1
jax: 0.10.2.dev20260603
libtpu: 0.0.44.dev20260713+nightly
codegen_flags: <defaults>
</compile_context>

<pallas_src>
import functools

import jax
import jax.numpy as jnp
from jax import lax
from jax.experimental import pallas as pl
from jax.experimental.pallas import tpu as pltpu
from jax.experimental.pallas import tpu_sc as plsc

N_NODES = 10000
E_EDGES = 320000
D = 128
HD = D // 2
NC, NS = 2, 16
NW = NC * NS
CH = 128
E_PAD = 327680
NCK = 4
EH = E_PAD // NCK
EPW = EH // NW
XW = 8
NROW = 10240
ZR = NROW // NS


@functools.lru_cache(maxsize=None)
def _sc_kernels():
    mesh = plsc.VectorSubcoreMesh(core_axis_name="c", subcore_axis_name="s")

    @functools.partial(
        pl.kernel,
        mesh=mesh,
        out_type=(jax.ShapeDtypeStruct((EH, D), jnp.int32),
                  jax.ShapeDtypeStruct((EH, D), jnp.int32)),
        scratch_types=[
            pltpu.VMEM((EPW,), jnp.int32),
            pltpu.VMEM((EPW,), jnp.int32),
            pltpu.VMEM((CH, D), jnp.int32),
            pltpu.VMEM((CH, D), jnp.int32),
            pltpu.VMEM((CH, D), jnp.int32),
            pltpu.VMEM((CH, D), jnp.int32),
            pltpu.SemaphoreType.DMA,
            pltpu.SemaphoreType.DMA,
            pltpu.SemaphoreType.DMA,
            pltpu.SemaphoreType.DMA,
        ],
    )
    def _sc_gather(tbl_hbm, i_hbm, j_hbm, ti_hbm, tj_hbm,
                   iva, jva, bi0, bj0, bi1, bj1, sg0, sg1, sw0, sw1):
        base = (lax.axis_index("c") * (EH // NC)
                + lax.axis_index("s") * EPW)
        G = EPW // CH // 2

        pltpu.sync_copy(i_hbm.at[pl.ds(base, EPW)], iva)
        pltpu.sync_copy(j_hbm.at[pl.ds(base, EPW)], jva)

        ixi = lambda c: tbl_hbm.at[iva.at[pl.ds(c * CH, CH)]]
        ixj = lambda c: tbl_hbm.at[jva.at[pl.ds(c * CH, CH)]]
        out_i = lambda c: ti_hbm.at[pl.ds(base + c * CH, CH)]
        out_j = lambda c: tj_hbm.at[pl.ds(base + c * CH, CH)]

        pltpu.async_copy(ixi(0), bi0, sg0)
        pltpu.async_copy(ixj(0), bj0, sg0)

        @pl.loop(0, G)
        def _(g):
            c0 = 2 * g
            c1 = c0 + 1
            @pl.when(g > 0)
            def _():
                pltpu.make_async_copy(bi1, out_i(c1), sw1).wait()
                pltpu.make_async_copy(bj1, out_j(c1), sw1).wait()
            pltpu.async_copy(ixi(c1), bi1, sg1)
            pltpu.async_copy(ixj(c1), bj1, sg1)
            pltpu.make_async_copy(ixi(c0), bi0, sg0).wait()
            pltpu.make_async_copy(ixj(c0), bj0, sg0).wait()
            pltpu.async_copy(bi0, out_i(c0), sw0)
            pltpu.async_copy(bj0, out_j(c0), sw0)
            pltpu.make_async_copy(bi0, out_i(c0), sw0).wait()
            pltpu.make_async_copy(bj0, out_j(c0), sw0).wait()

            @pl.when(g < G - 1)
            def _():
                pltpu.async_copy(ixi(c0 + 2), bi0, sg0)
                pltpu.async_copy(ixj(c0 + 2), bj0, sg0)
            pltpu.make_async_copy(ixi(c1), bi1, sg1).wait()
            pltpu.make_async_copy(ixj(c1), bj1, sg1).wait()
            pltpu.async_copy(bi1, out_i(c1), sw1)
            pltpu.async_copy(bj1, out_j(c1), sw1)

        pltpu.make_async_copy(bi1, out_i(1), sw1).wait()
        pltpu.make_async_copy(bj1, out_j(1), sw1).wait()

    @functools.partial(
        pl.kernel,
        mesh=mesh,
        out_type=(jax.ShapeDtypeStruct((NC, NROW, D), jnp.float32),
                  jax.ShapeDtypeStruct((NC, NROW, D), jnp.float32)),
        scratch_types=[
            pltpu.VMEM((CH,), jnp.int32),
            pltpu.VMEM((CH, D), jnp.float32),
            pltpu.VMEM_SHARED((NROW, D), jnp.float32),
        ],
    )
    def _sc_scatter(paym_hbm, payx_hbm, j_hbm, zm_hbm, outm_hbm, outx_hbm,
                    jv, bufm, accm):
        cid = lax.axis_index("c")
        sid = lax.axis_index("s")
        base = cid * (EH // NC) + sid * EPW

        for pay_hbm, out_hbm in ((paym_hbm, outm_hbm), (payx_hbm, outx_hbm)):
            pltpu.sync_copy(zm_hbm, accm.at[pl.ds(sid * ZR, ZR)])
            plsc.subcore_barrier()

            @pl.loop(0, EPW // CH)
            def _(c):
                off = base + c * CH
                pltpu.sync_copy(j_hbm.at[pl.ds(off, CH)], jv)
                pltpu.sync_copy(pay_hbm.at[pl.ds(off, CH)], bufm)
                pltpu.sync_copy(bufm, accm.at[jv], add=True)

            plsc.subcore_barrier()
            pltpu.sync_copy(accm.at[pl.ds(sid * ZR, ZR)],
                            out_hbm.at[cid, pl.ds(sid * ZR, ZR)])
            plsc.subcore_barrier()

    return _sc_gather, _sc_scatter


def _unpack(t):
    hw = t[:, :HD]
    ha = lax.bitcast_convert_type(hw << 16, jnp.float32)
    hb = lax.bitcast_convert_type(hw & jnp.int32(-65536),
                                  jnp.float32)
    h = jnp.concatenate([ha, hb], axis=1).astype(jnp.bfloat16)
    x = lax.bitcast_convert_type(t[:, HD:HD + XW], jnp.float32)
    return h, x


def _edge_body(ti_ref, tj_ref, a_ref, we1_ref, be1_ref, we2_ref, be2_ref,
               wx1_ref, bx1_ref, wx2_ref, bx2_ref, winf_ref, binf_ref,
               outm_ref, outx_ref):
    hi, xi = _unpack(ti_ref[...])
    hj, xj = _unpack(tj_ref[...])
    diff = xi - xj
    dist = jnp.sqrt(jnp.sum(diff * diff, axis=1, keepdims=True) + 1e-12)

    extras = jnp.concatenate([dist, a_ref[...]], axis=1)
    hhda = jnp.concatenate(
        [hi, hj, extras.astype(jnp.bfloat16)], axis=1)

    e1 = jnp.dot(hhda, we1_ref[...],
                 preferred_element_type=jnp.float32) + be1_ref[...]
    e1 = e1 * jax.nn.sigmoid(e1)
    m1 = jnp.dot(e1.astype(jnp.bfloat16), we2_ref[...],
                 preferred_element_type=jnp.float32) + be2_ref[...]
    m_ij = m1 * jax.nn.sigmoid(m1)

    x1 = jnp.dot(hhda, wx1_ref[...],
                 preferred_element_type=jnp.float32) + bx1_ref[...]
    x1 = x1 * jax.nn.sigmoid(x1)
    w_x = jnp.sum(x1 * wx2_ref[...], axis=1, keepdims=True) + bx2_ref[...]

    gate = jax.nn.sigmoid(
        jnp.sum(m_ij * winf_ref[...], axis=1, keepdims=True) + binf_ref[...])

    cnt_col = (lax.broadcasted_iota(jnp.int32, (1, D), 1) == 3)
    diff_w = jnp.pad(diff * w_x, ((0, 0), (0, D - XW)))
    outm_ref[...] = gate * m_ij
    outx_ref[...] = diff_w + cnt_col.astype(jnp.float32)


BE = 2048


def _edge_call(ti, tj, a7, we1p, be1r, we2b, be2r, wx1p, bx1r, wx2r, bx2s,
               winfr, binfs):
    full = lambda shape: pl.BlockSpec(shape, lambda i: (0, 0))
    row = lambda width: pl.BlockSpec((BE, width), lambda i: (i, 0))
    return pl.pallas_call(
        _edge_body,
        grid=(EH // BE,),
        in_specs=[
            row(D), row(D), row(7),
            full((264, D)), full((1, D)), full((D, D)), full((1, D)),
            full((264, D)), full((1, D)), full((1, D)), full((1, 1)),
            full((1, D)), full((1, 1)),
        ],
        out_specs=[row(D), row(D)],
        out_shape=[jax.ShapeDtypeStruct((EH, D), jnp.float32),
                   jax.ShapeDtypeStruct((EH, D), jnp.float32)],
    )(ti, tj, a7, we1p, be1r, we2b, be2r, wx1p, bx1r, wx2r, bx2s, winfr,
      binfs)


def _node_body(h_ref, xs_ref, *rest):
    m_refs = rest[:2 * NCK]
    p_refs = rest[2 * NCK:4 * NCK]
    (wh1_ref, bh1_ref, wh2_ref, bh2_ref, hout_ref, xout_ref) = rest[4 * NCK:]
    dwc = p_refs[0][:, :XW]
    for p in p_refs[1:]:
        dwc = dwc + p[:, :XW]
    cnt_col = (lax.broadcasted_iota(jnp.int32, (1, XW), 1) == 3)
    cnt = jnp.sum(dwc * cnt_col.astype(jnp.float32), axis=1, keepdims=True)
    xout_ref[...] = xs_ref[...] + dwc / jnp.maximum(cnt, 1.0)

    h = h_ref[...]
    m = m_refs[0][...]
    for mr in m_refs[1:]:
        m = m + mr[...]
    hcat = jnp.concatenate([h, m], axis=1).astype(jnp.bfloat16)
    t = jnp.dot(hcat, wh1_ref[...],
                preferred_element_type=jnp.float32) + bh1_ref[...]
    t = t * jax.nn.sigmoid(t)
    hout_ref[...] = h + jnp.dot(t.astype(jnp.bfloat16), wh2_ref[...],
                                preferred_element_type=jnp.float32) + bh2_ref[...]


BN = 1000


def _node_call(h, xs, ms, ps, wh1b, bh1r, wh2b, bh2r):
    full = lambda shape: pl.BlockSpec(shape, lambda i: (0, 0))
    row = lambda width: pl.BlockSpec((BN, width), lambda i: (i, 0))
    return pl.pallas_call(
        _node_body,
        grid=(N_NODES // BN,),
        in_specs=(
            [row(D), row(XW)] + [row(D)] * (4 * NCK)
            + [full((2 * D, D)), full((1, D)), full((D, D)), full((1, D))]
        ),
        out_specs=[row(D), row(XW)],
        out_shape=[jax.ShapeDtypeStruct((N_NODES, D), jnp.float32),
                   jax.ShapeDtypeStruct((N_NODES, XW), jnp.float32)],
    )(h, xs, *ms, *ps, wh1b, bh1r, wh2b, bh2r)


def _pack_table(h, x):
    hb = h.astype(jnp.bfloat16)
    lo = lax.bitcast_convert_type(hb[:, :HD], jnp.uint16).astype(jnp.uint32)
    hi = lax.bitcast_convert_type(hb[:, HD:], jnp.uint16).astype(jnp.uint32)
    hw = lax.bitcast_convert_type(lo | (hi << 16), jnp.int32)
    xw = lax.bitcast_convert_type(
        jnp.pad(x, ((0, 0), (0, HD - 3))), jnp.int32)
    return jnp.concatenate([hw, xw[:, :D - HD]], axis=1)


def kernel(h, x, edge_index, a_ij, We1, be1, We2, be2, Wx1, bx1, Wx2, bx2,
           Wh1, bh1, Wh2, bh2, Winf, binf):
    f32 = jnp.float32
    bf16 = jnp.bfloat16

    tbl = _pack_table(h, x)

    pad_e = E_PAD - E_EDGES
    spread = (jnp.arange(pad_e, dtype=jnp.int32) * 37) % N_NODES
    i_idx = jnp.concatenate([edge_index[0], spread])
    jg_idx = jnp.concatenate([edge_index[1], spread])
    js_idx = jnp.pad(edge_index[1], (0, pad_e),
                     constant_values=N_NODES)
    a7 = jnp.pad(a_ij, ((0, pad_e), (0, 3)))

    pack = lambda W: jnp.concatenate([W, jnp.zeros((3, D), f32)], axis=0)
    we1p = pack(We1).astype(bf16)
    wx1p = pack(Wx1).astype(bf16)
    we2b = We2.astype(bf16)
    wh1b = Wh1.astype(bf16)
    wh2b = Wh2.astype(bf16)
    r = lambda v: v.reshape(1, -1)

    sc_gather, sc_scatter = _sc_kernels()
    zm = jnp.zeros((ZR, D), f32)
    ms, ps = [], []
    for k in range(NCK):
        ti, tj = sc_gather(tbl, i_idx[k * EH:(k + 1) * EH],
                           jg_idx[k * EH:(k + 1) * EH])
        paym, payx = _edge_call(ti, tj, a7[k * EH:(k + 1) * EH], we1p,
                                r(be1), we2b, r(be2), wx1p, r(bx1), r(Wx2),
                                r(bx2), r(Winf), r(binf))
        pm, px = sc_scatter(paym, payx, js_idx[k * EH:(k + 1) * EH], zm)
        ms += [pm[0, :N_NODES], pm[1, :N_NODES]]
        ps += [px[0, :N_NODES], px[1, :N_NODES]]
    xs = jnp.pad(x, ((0, 0), (0, XW - 3)))
    h_new, x8 = _node_call(h, xs, ms, ps, wh1b, r(bh1), wh2b, r(bh2))
    return (h_new, x8[:, :3])

# --- scband reference (transcript-rebuilt; emitter-appended) ---
"""Pipeline reference for scband-egnnconv-87591563034740 (READ-ONLY COPY).

The authoritative reference and input builder live on the scoring server;
editing this copy changes nothing except your own understanding.
"""

import jax, jax.numpy as jnp
import numpy as np

N, E, D, A = 10000, 320000, 128, 4


def _lin(k, din, dout):
    W = jax.random.normal(k, (din, dout), jnp.float32) * (1.0 / np.sqrt(din))
    b = jnp.zeros((dout,), jnp.float32)
    return W, b


def setup_inputs(seed: int = 0) -> dict:
    key = jax.random.key(seed)
    ks = jax.random.split(key, 12)
    h = jax.random.normal(ks[0], (N, D), jnp.float32)
    x = jax.random.normal(ks[1], (N, 3), jnp.float32)
    edge_index = jax.random.randint(ks[2], (2, E), 0, N, dtype=jnp.int32)
    a_ij = jax.random.normal(ks[3], (E, A), jnp.float32)
    ein = 2 * D + 1 + A
    We1, be1 = _lin(ks[4], ein, D)
    We2, be2 = _lin(ks[5], D, D)
    Wx1, bx1 = _lin(ks[6], ein, D)
    Wx2, bx2 = _lin(ks[7], D, 1)
    Wh1, bh1 = _lin(ks[8], 2 * D, D)
    Wh2, bh2 = _lin(ks[9], D, D)
    Winf, binf = _lin(ks[10], D, 1)
    return dict(h=h, x=x, edge_index=edge_index, a_ij=a_ij,
                We1=We1, be1=be1, We2=We2, be2=be2,
                Wx1=Wx1, bx1=bx1, Wx2=Wx2, bx2=bx2,
                Wh1=Wh1, bh1=bh1, Wh2=Wh2, bh2=bh2,
                Winf=Winf, binf=binf)


def reference(h, x, edge_index, a_ij, We1, be1, We2, be2, Wx1, bx1, Wx2, bx2, Wh1, bh1, Wh2, bh2, Winf, binf):
    silu = jax.nn.silu
    i = edge_index[0]
    j = edge_index[1]
    diff = x[i] - x[j]
    dist = jnp.sqrt(jnp.sum(diff * diff, axis=-1, keepdims=True) + 1e-12)
    hhda = jnp.concatenate([h[i], h[j], dist, a_ij], axis=-1)
    # phi_e: MLP([2d+1+a, d, d], SiLU) followed by outer SiLU
    m_ij = silu(silu(hhda @ We1 + be1) @ We2 + be2)
    # phi_x: MLP -> scalar per edge
    w_x = silu(hhda @ Wx1 + bx1) @ Wx2 + bx2
    n = x.shape[0]
    num = jax.ops.segment_sum(diff * w_x, j, num_segments=n)
    cnt = jax.ops.segment_sum(jnp.ones((j.shape[0], 1), jnp.float32), j, num_segments=n)
    x_new = x + num / jnp.maximum(cnt, 1.0)
    # phi_inf gate, then scatter-sum of messages
    gate = jax.nn.sigmoid(m_ij @ Winf + binf)
    m = jax.ops.segment_sum(gate * m_ij, j, num_segments=n)
    h_new = h + silu(jnp.concatenate([h, m], axis=-1) @ Wh1 + bh1) @ Wh2 + bh2
    return (h_new, x_new)

if __name__ == "__main__":
    import jax
    _d = setup_inputs()
    print(jax.jit(kernel)(*tuple(_d.values())))

</pallas_src>

<mosaic_0001>
#map = affine_map<(d0, d1) -> (0, 0)>
#map1 = affine_map<(d0, d1) -> (0)>
module attributes {stable_mosaic.version = 14 : i64} {
  func.func @_sc_gather(%arg0: i32, %arg1: i32, %arg2: memref<10000x128xi32, #tpu.memory_space<hbm>>, %arg3: memref<81920xi32, #tpu.memory_space<hbm>>, %arg4: memref<81920xi32, #tpu.memory_space<hbm>>, %arg5: memref<81920x128xi32, #tpu.memory_space<hbm>>, %arg6: memref<81920x128xi32, #tpu.memory_space<hbm>>, %arg7: memref<2560xi32, #tpu.memory_space<vmem>>, %arg8: memref<2560xi32, #tpu.memory_space<vmem>>, %arg9: memref<128x128xi32, #tpu.memory_space<vmem>>, %arg10: memref<128x128xi32, #tpu.memory_space<vmem>>, %arg11: memref<128x128xi32, #tpu.memory_space<vmem>>, %arg12: memref<128x128xi32, #tpu.memory_space<vmem>>, %arg13: memref<!tpu.dma_semaphore, #tpu.memory_space<semaphore_mem>>, %arg14: memref<!tpu.dma_semaphore, #tpu.memory_space<semaphore_mem>>, %arg15: memref<!tpu.dma_semaphore, #tpu.memory_space<semaphore_mem>>, %arg16: memref<!tpu.dma_semaphore, #tpu.memory_space<semaphore_mem>>) attributes {dimension_semantics = [#tpu.dimension_semantics<core_parallel>, #tpu.dimension_semantics<subcore_parallel>], iteration_bounds = array<i64: 2, 16>, scalar_prefetch = 0 : i64, scratch_operands = 10 : i64, tpu.core_type = #tpu.core_type<sc_vector_subcore>, window_params = [{transform_indices = #map}, {transform_indices = #map1}, {transform_indices = #map1}, {transform_indices = #map}, {transform_indices = #map}]} {
    %mul3A = arith.constant 40960 : i32
    %mul3A_0 = arith.muli %arg0, %mul3A : i32
    %mul3A_1 = arith.constant 2560 : i32
    %mul3A_2 = arith.muli %arg1, %mul3A_1 : i32
    %add3A = arith.addi %mul3A_0, %mul3A_2 : i32
    "tpu.region"() ({
      %run_scoped3A = tpu.sem_alloc : memref<!tpu.dma_semaphore, #tpu.memory_space<semaphore_mem>>
      %dma_start3A_27 = tpu.memref_slice %arg3[%add3A] : memref<81920xi32, #tpu.memory_space<hbm>> -> memref<2560xi32, #tpu.memory_space<hbm>>
      %dma_start3A_28 = tpu.memref_slice %arg3[%add3A] : memref<81920xi32, #tpu.memory_space<hbm>> -> memref<2560xi32, #tpu.memory_space<hbm>>
      tpu.enqueue_dma source(%dma_start3A_28 : memref<2560xi32, #tpu.memory_space<hbm>>) target(%arg7 : memref<2560xi32, #tpu.memory_space<vmem>>) target_semaphore(%run_scoped3A : memref<!tpu.dma_semaphore, #tpu.memory_space<semaphore_mem>>)
      %dma_wait3A_29 = tpu.memref_slice %arg3[%add3A] : memref<81920xi32, #tpu.memory_space<hbm>> -> memref<2560xi32, #tpu.memory_space<hbm>>
      %dma_wait3A_30 = tpu.memref_slice %arg3[%add3A] : memref<81920xi32, #tpu.memory_space<hbm>> -> memref<2560xi32, #tpu.memory_space<hbm>>
      tpu.wait_dma2 semaphore(%run_scoped3A : memref<!tpu.dma_semaphore, #tpu.memory_space<semaphore_mem>>) src(%dma_wait3A_30 : memref<2560xi32, #tpu.memory_space<hbm>>) dst(%arg7 : memref<2560xi32, #tpu.memory_space<vmem>>)
      tpu.yield
    }) : () -> ()
    "tpu.region"() ({
      %run_scoped3A = tpu.sem_alloc : memref<!tpu.dma_semaphore, #tpu.memory_space<semaphore_mem>>
      %dma_start3A_27 = tpu.memref_slice %arg4[%add3A] : memref<81920xi32, #tpu.memory_space<hbm>> -> memref<2560xi32, #tpu.memory_space<hbm>>
      %dma_start3A_28 = tpu.memref_slice %arg4[%add3A] : memref<81920xi32, #tpu.memory_space<hbm>> -> memref<2560xi32, #tpu.memory_space<hbm>>
      tpu.enqueue_dma source(%dma_start3A_28 : memref<2560xi32, #tpu.memory_space<hbm>>) target(%arg8 : memref<2560xi32, #tpu.memory_space<vmem>>) target_semaphore(%run_scoped3A : memref<!tpu.dma_semaphore, #tpu.memory_space<semaphore_mem>>)
      %dma_wait3A_29 = tpu.memref_slice %arg4[%add3A] : memref<81920xi32, #tpu.memory_space<hbm>> -> memref<2560xi32, #tpu.memory_space<hbm>>
      %dma_wait3A_30 = tpu.memref_slice %arg4[%add3A] : memref<81920xi32, #tpu.memory_space<hbm>> -> memref<2560xi32, #tpu.memory_space<hbm>>
      tpu.wait_dma2 semaphore(%run_scoped3A : memref<!tpu.dma_semaphore, #tpu.memory_space<semaphore_mem>>) src(%dma_wait3A_30 : memref<2560xi32, #tpu.memory_space<hbm>>) dst(%arg8 : memref<2560xi32, #tpu.memory_space<vmem>>)
      tpu.yield
    }) : () -> ()
    %dma_start3A = arith.constant 0 : i32
    %dma_start3A_3 = tpu.memref_slice %arg7[%dma_start3A] : memref<2560xi32, #tpu.memory_space<vmem>> -> memref<128xi32, #tpu.memory_space<vmem>>
    %dma_start3A_4 = arith.constant 0 : i32
    %dma_start3A_5 = arith.constant 0 : i32
    %dma_start3A_6 = tpu.memref_slice %arg2[%dma_start3A_4, %dma_start3A_5] : memref<10000x128xi32, #tpu.memory_space<hbm>> -> memref<10000x128xi32, #tpu.memory_space<hbm>>
    tpu.enqueue_indirect_dma source(%dma_start3A_6 : memref<10000x128xi32, #tpu.memory_space<hbm>>) target(%arg9 : memref<128x128xi32, #tpu.memory_space<vmem>>) offsets(%dma_start3A_3 : memref<128xi32, #tpu.memory_space<vmem>>) semaphore(%arg13 : memref<!tpu.dma_semaphore, #tpu.memory_space<semaphore_mem>>)
    %dma_start3A_7 = arith.constant 0 : i32
    %dma_start3A_8 = tpu.memref_slice %arg8[%dma_start3A_7] : memref<2560xi32, #tpu.memory_space<vmem>> -> memref<128xi32, #tpu.memory_space<vmem>>
    %dma_start3A_9 = arith.constant 0 : i32
    %dma_start3A_10 = arith.constant 0 : i32
    %dma_start3A_11 = tpu.memref_slice %arg2[%dma_start3A_9, %dma_start3A_10] : memref<10000x128xi32, #tpu.memory_space<hbm>> -> memref<10000x128xi32, #tpu.memory_space<hbm>>
    tpu.enqueue_indirect_dma source(%dma_start3A_11 : memref<10000x128xi32, #tpu.memory_space<hbm>>) target(%arg10 : memref<128x128xi32, #tpu.memory_space<vmem>>) offsets(%dma_start3A_8 : memref<128xi32, #tpu.memory_space<vmem>>) semaphore(%arg13 : memref<!tpu.dma_semaphore, #tpu.memory_space<semaphore_mem>>)
    %scan3A = arith.constant 0 : i32
    %scan3A_12 = arith.constant 10 : i32
    %scan3A_13 = arith.addi %scan3A, %scan3A_12 : i32
    %scan3A_14 = arith.constant 1 : i32
    scf.for %scan3A_27 = %scan3A to %scan3A_13 step %scan3A_14  : i32 {
      %mul3A_28 = arith.constant 1 : i32
      %mul3A_29 = arith.muli %scan3A_27, %mul3A_28 : i32
      %add3A_30 = arith.constant 0 : i32
      %add3A_31 = arith.addi %add3A_30, %mul3A_29 : i32
      %mul3A_32 = arith.constant 2 : i32
      %mul3A_33 = arith.muli %mul3A_32, %add3A_31 : i32
      %add3A_34 = arith.constant 1 : i32
      %add3A_35 = arith.addi %mul3A_33, %add3A_34 : i32
      %gt3A = arith.constant 0 : i32
      %gt3A_36 = arith.cmpi sgt, %add3A_31, %gt3A : i32
      %convert_element_type3A = arith.extui %gt3A_36 : i1 to i32
      %cond3A = arith.constant 0 : i32
      %cond3A_37 = arith.cmpi ne, %convert_element_type3A, %cond3A : i32
      scf.if %cond3A_37 {
        %mul3A_120 = arith.constant 128 : i32
        %mul3A_121 = arith.muli %add3A_35, %mul3A_120 : i32
        %add3A_122 = arith.addi %add3A, %mul3A_121 : i32
        %dma_wait3A_123 = arith.constant 0 : i32
        %dma_wait3A_124 = tpu.memref_slice %arg5[%add3A_122, %dma_wait3A_123] : memref<81920x128xi32, #tpu.memory_space<hbm>> -> memref<128x128xi32, #tpu.memory_space<hbm>>
        %dma_wait3A_125 = arith.constant 0 : i32
        %dma_wait3A_126 = tpu.memref_slice %arg5[%add3A_122, %dma_wait3A_125] : memref<81920x128xi32, #tpu.memory_space<hbm>> -> memref<128x128xi32, #tpu.memory_space<hbm>>
        tpu.wait_dma2 semaphore(%arg16 : memref<!tpu.dma_semaphore, #tpu.memory_space<semaphore_mem>>) src(%arg11 : memref<128x128xi32, #tpu.memory_space<vmem>>) dst(%dma_wait3A_126 : memref<128x128xi32, #tpu.memory_space<hbm>>)
        %mul3A_127 = arith.constant 128 : i32
        %mul3A_128 = arith.muli %add3A_35, %mul3A_127 : i32
        %add3A_129 = arith.addi %add3A, %mul3A_128 : i32
        %dma_wait3A_130 = arith.constant 0 : i32
        %dma_wait3A_131 = tpu.memref_slice %arg6[%add3A_129, %dma_wait3A_130] : memref<81920x128xi32, #tpu.memory_space<hbm>> -> memref<128x128xi32, #tpu.memory_space<hbm>>
        %dma_wait3A_132 = arith.constant 0 : i32
        %dma_wait3A_133 = tpu.memref_slice %arg6[%add3A_129, %dma_wait3A_132] : memref<81920x128xi32, #tpu.memory_space<hbm>> -> memref<128x128xi32, #tpu.memory_space<hbm>>
        tpu.wait_dma2 semaphore(%arg16 : memref<!tpu.dma_semaphore, #tpu.memory_space<semaphore_mem>>) src(%arg12 : memref<128x128xi32, #tpu.memory_space<vmem>>) dst(%dma_wait3A_133 : memref<128x128xi32, #tpu.memory_space<hbm>>)
      } else {
      }
      %mul3A_38 = arith.constant 128 : i32
      %mul3A_39 = arith.muli %add3A_35, %mul3A_38 : i32
      %dma_start3A_40 = tpu.memref_slice %arg7[%mul3A_39] : memref<2560xi32, #tpu.memory_space<vmem>> -> memref<128xi32, #tpu.memory_space<vmem>>
      %dma_start3A_41 = arith.constant 0 : i32
      %dma_start3A_42 = arith.constant 0 : i32
      %dma_start3A_43 = tpu.memref_slice %arg2[%dma_start3A_41, %dma_start3A_42] : memref<10000x128xi32, #tpu.memory_space<hbm>> -> memref<10000x128xi32, #tpu.memory_space<hbm>>
      tpu.enqueue_indirect_dma source(%dma_start3A_43 : memref<10000x128xi32, #tpu.memory_space<hbm>>) target(%arg11 : memref<128x128xi32, #tpu.memory_space<vmem>>) offsets(%dma_start3A_40 : memref<128xi32, #tpu.memory_space<vmem>>) semaphore(%arg14 : memref<!tpu.dma_semaphore, #tpu.memory_space<semaphore_mem>>)
      %mul3A_44 = arith.constant 128 : i32
      %mul3A_45 = arith.muli %add3A_35, %mul3A_44 : i32
      %dma_start3A_46 = tpu.memref_slice %arg8[%mul3A_45] : memref<2560xi32, #tpu.memory_space<vmem>> -> memref<128xi32, #tpu.memory_space<vmem>>
      %dma_start3A_47 = arith.constant 0 : i32
      %dma_start3A_48 = arith.constant 0 : i32
      %dma_start3A_49 = tpu.memref_slice %arg2[%dma_start3A_47, %dma_start3A_48] : memref<10000x128xi32, #tpu.memory_space<hbm>> -> memref<10000x128xi32, #tpu.memory_space<hbm>>
      tpu.enqueue_indirect_dma source(%dma_start3A_49 : memref<10000x128xi32, #tpu.memory_space<hbm>>) target(%arg12 : memref<128x128xi32, #tpu.memory_space<vmem>>) offsets(%dma_start3A_46 : memref<128xi32, #tpu.memory_space<vmem>>) semaphore(%arg14 : memref<!tpu.dma_semaphore, #tpu.memory_space<semaphore_mem>>)
      %mul3A_50 = arith.constant 128 : i32
      %mul3A_51 = arith.muli %mul3A_33, %mul3A_50 : i32
      %dma_wait3A_52 = tpu.memref_slice %arg7[%mul3A_51] : memref<2560xi32, #tpu.memory_space<vmem>> -> memref<128xi32, #tpu.memory_space<vmem>>
      %dma_wait3A_53 = arith.constant 0 : i32
      %dma_wait3A_54 = arith.constant 0 : i32
      %dma_wait3A_55 = tpu.memref_slice %arg2[%dma_wait3A_53, %dma_wait3A_54] : memref<10000x128xi32, #tpu.memory_space<hbm>> -> memref<10000x128xi32, #tpu.memory_space<hbm>>
      tpu.wait_indirect_dma semaphore(%arg13 : memref<!tpu.dma_semaphore, #tpu.memory_space<semaphore_mem>>) src(%dma_wait3A_55 : memref<10000x128xi32, #tpu.memory_space<hbm>>) dst(%arg9 : memref<128x128xi32, #tpu.memory_space<vmem>>)
      %mul3A_56 = arith.constant 128 : i32
      %mul3A_57 = arith.muli %mul3A_33, %mul3A_56 : i32
      %dma_wait3A_58 = tpu.memref_slice %arg8[%mul3A_57] : memref<2560xi32, #tpu.memory_space<vmem>> -> memref<128xi32, #tpu.memory_space<vmem>>
      %dma_wait3A_59 = arith.constant 0 : i32
      %dma_wait3A_60 = arith.constant 0 : i32
      %dma_wait3A_61 = tpu.memref_slice %arg2[%dma_wait3A_59, %dma_wait3A_60] : memref<10000x128xi32, #tpu.memory_space<hbm>> -> memref<10000x128xi32, #tpu.memory_space<hbm>>
      tpu.wait_indirect_dma semaphore(%arg13 : memref<!tpu.dma_semaphore, #tpu.memory_space<semaphore_mem>>) src(%dma_wait3A_61 : memref<10000x128xi32, #tpu.memory_space<hbm>>) dst(%arg10 : memref<128x128xi32, #tpu.memory_space<vmem>>)
      %mul3A_62 = arith.constant 128 : i32
      %mul3A_63 = arith.muli %mul3A_33, %mul3A_62 : i32
      %add3A_64 = arith.addi %add3A, %mul3A_63 : i32
      %dma_start3A_65 = arith.constant 0 : i32
      %dma_start3A_66 = tpu.memref_slice %arg5[%add3A_64, %dma_start3A_65] : memref<81920x128xi32, #tpu.memory_space<hbm>> -> memref<128x128xi32, #tpu.memory_space<hbm>>
      %dma_start3A_67 = arith.constant 0 : i32
      %dma_start3A_68 = tpu.memref_slice %arg5[%add3A_64, %dma_start3A_67] : memref<81920x128xi32, #tpu.memory_space<hbm>> -> memref<128x128xi32, #tpu.memory_space<hbm>>
      tpu.enqueue_dma source(%arg9 : memref<128x128xi32, #tpu.memory_space<vmem>>) target(%dma_start3A_68 : memref<128x128xi32, #tpu.memory_space<hbm>>) target_semaphore(%arg15 : memref<!tpu.dma_semaphore, #tpu.memory_space<semaphore_mem>>)
      %mul3A_69 = arith.constant 128 : i32
      %mul3A_70 = arith.muli %mul3A_33, %mul3A_69 : i32
      %add3A_71 = arith.addi %add3A, %mul3A_70 : i32
      %dma_start3A_72 = arith.constant 0 : i32
      %dma_start3A_73 = tpu.memref_slice %arg6[%add3A_71, %dma_start3A_72] : memref<81920x128xi32, #tpu.memory_space<hbm>> -> memref<128x128xi32, #tpu.memory_space<hbm>>
      %dma_start3A_74 = arith.constant 0 : i32
      %dma_start3A_75 = tpu.memref_slice %arg6[%add3A_71, %dma_start3A_74] : memref<81920x128xi32, #tpu.memory_space<hbm>> -> memref<128x128xi32, #tpu.memory_space<hbm>>
      tpu.enqueue_dma source(%arg10 : memref<128x128xi32, #tpu.memory_space<vmem>>) target(%dma_start3A_75 : memref<128x128xi32, #tpu.memory_space<hbm>>) target_semaphore(%arg15 : memref<!tpu.dma_semaphore, #tpu.memory_space<semaphore_mem>>)
      %mul3A_76 = arith.constant 128 : i32
      %mul3A_77 = arith.muli %mul3A_33, %mul3A_76 : i32
      %add3A_78 = arith.addi %add3A, %mul3A_77 : i32
      %dma_wait3A_79 = arith.constant 0 : i32
      %dma_wait3A_80 = tpu.memref_slice %arg5[%add3A_78, %dma_wait3A_79] : memref<81920x128xi32, #tpu.memory_space<hbm>> -> memref<128x128xi32, #tpu.memory_space<hbm>>
      %dma_wait3A_81 = arith.constant 0 : i32
      %dma_wait3A_82 = tpu.memref_slice %arg5[%add3A_78, %dma_wait3A_81] : memref<81920x128xi32, #tpu.memory_space<hbm>> -> memref<128x128xi32, #tpu.memory_space<hbm>>
      tpu.wait_dma2 semaphore(%arg15 : memref<!tpu.dma_semaphore, #tpu.memory_space<semaphore_mem>>) src(%arg9 : memref<128x128xi32, #tpu.memory_space<vmem>>) dst(%dma_wait3A_82 : memref<128x128xi32, #tpu.memory_space<hbm>>)
      %mul3A_83 = arith.constant 128 : i32
      %mul3A_84 = arith.muli %mul3A_33, %mul3A_83 : i32
      %add3A_85 = arith.addi %add3A, %mul3A_84 : i32
      %dma_wait3A_86 = arith.constant 0 : i32
      %dma_wait3A_87 = tpu.memref_slice %arg6[%add3A_85, %dma_wait3A_86] : memref<81920x128xi32, #tpu.memory_space<hbm>> -> memref<128x128xi32, #tpu.memory_space<hbm>>
      %dma_wait3A_88 = arith.constant 0 : i32
      %dma_wait3A_89 = tpu.memref_slice %arg6[%add3A_85, %dma_wait3A_88] : memref<81920x128xi32, #tpu.memory_space<hbm>> -> memref<128x128xi32, #tpu.memory_space<hbm>>
      tpu.wait_dma2 semaphore(%arg15 : memref<!tpu.dma_semaphore, #tpu.memory_space<semaphore_mem>>) src(%arg10 : memref<128x128xi32, #tpu.memory_space<vmem>>) dst(%dma_wait3A_89 : memref<128x128xi32, #tpu.memory_space<hbm>>)
      %lt3A = arith.constant 9 : i32
      %lt3A_90 = arith.cmpi slt, %add3A_31, %lt3A : i32
      %convert_element_type3A_91 = arith.extui %lt3A_90 : i1 to i32
      %cond3A_92 = arith.constant 0 : i32
      %cond3A_93 = arith.cmpi ne, %convert_element_type3A_91, %cond3A_92 : i32
      scf.if %cond3A_93 {
        %add3A_120 = arith.constant 2 : i32
        %add3A_121 = arith.addi %mul3A_33, %add3A_120 : i32
        %mul3A_122 = arith.constant 128 : i32
        %mul3A_123 = arith.muli %add3A_121, %mul3A_122 : i32
        %dma_start3A_124 = tpu.memref_slice %arg7[%mul3A_123] : memref<2560xi32, #tpu.memory_space<vmem>> -> memref<128xi32, #tpu.memory_space<vmem>>
        %dma_start3A_125 = arith.constant 0 : i32
        %dma_start3A_126 = arith.constant 0 : i32
        %dma_start3A_127 = tpu.memref_slice %arg2[%dma_start3A_125, %dma_start3A_126] : memref<10000x128xi32, #tpu.memory_space<hbm>> -> memref<10000x128xi32, #tpu.memory_space<hbm>>
        tpu.enqueue_indirect_dma source(%dma_start3A_127 : memref<10000x128xi32, #tpu.memory_space<hbm>>) target(%arg9 : memref<128x128xi32, #tpu.memory_space<vmem>>) offsets(%dma_start3A_124 : memref<128xi32, #tpu.memory_space<vmem>>) semaphore(%arg13 : memref<!tpu.dma_semaphore, #tpu.memory_space<semaphore_mem>>)
        %add3A_128 = arith.constant 2 : i32
        %add3A_129 = arith.addi %mul3A_33, %add3A_128 : i32
        %mul3A_130 = arith.constant 128 : i32
        %mul3A_131 = arith.muli %add3A_129, %mul3A_130 : i32
        %dma_start3A_132 = tpu.memref_slice %arg8[%mul3A_131] : memref<2560xi32, #tpu.memory_space<vmem>> -> memref<128xi32, #tpu.memory_space<vmem>>
        %dma_start3A_133 = arith.constant 0 : i32
        %dma_start3A_134 = arith.constant 0 : i32
        %dma_start3A_135 = tpu.memref_slice %arg2[%dma_start3A_133, %dma_start3A_134] : memref<10000x128xi32, #tpu.memory_space<hbm>> -> memref<10000x128xi32, #tpu.memory_space<hbm>>
        tpu.enqueue_indirect_dma source(%dma_start3A_135 : memref<10000x128xi32, #tpu.memory_space<hbm>>) target(%arg10 : memref<128x128xi32, #tpu.memory_space<vmem>>) offsets(%dma_start3A_132 : memref<128xi32, #tpu.memory_space<vmem>>) semaphore(%arg13 : memref<!tpu.dma_semaphore, #tpu.memory_space<semaphore_mem>>)
      } else {
      }
      %mul3A_94 = arith.constant 128 : i32
      %mul3A_95 = arith.muli %add3A_35, %mul3A_94 : i32
      %dma_wait3A_96 = tpu.memref_slice %arg7[%mul3A_95] : memref<2560xi32, #tpu.memory_space<vmem>> -> memref<128xi32, #tpu.memory_space<vmem>>
      %dma_wait3A_97 = arith.constant 0 : i32
      %dma_wait3A_98 = arith.constant 0 : i32
      %dma_wait3A_99 = tpu.memref_slice %arg2[%dma_wait3A_97, %dma_wait3A_98] : memref<10000x128xi32, #tpu.memory_space<hbm>> -> memref<10000x128xi32, #tpu.memory_space<hbm>>
      tpu.wait_indirect_dma semaphore(%arg14 : memref<!tpu.dma_semaphore, #tpu.memory_space<semaphore_mem>>) src(%dma_wait3A_99 : memref<10000x128xi32, #tpu.memory_space<hbm>>) dst(%arg11 : memref<128x128xi32, #tpu.memory_space<vmem>>)
      %mul3A_100 = arith.constant 128 : i32
      %mul3A_101 = arith.muli %add3A_35, %mul3A_100 : i32
      %dma_wait3A_102 = tpu.memref_slice %arg8[%mul3A_101] : memref<2560xi32, #tpu.memory_space<vmem>> -> memref<128xi32, #tpu.memory_space<vmem>>
      %dma_wait3A_103 = arith.constant 0 : i32
      %dma_wait3A_104 = arith.constant 0 : i32
      %dma_wait3A_105 = tpu.memref_slice %arg2[%dma_wait3A_103, %dma_wait3A_104] : memref<10000x128xi32, #tpu.memory_space<hbm>> -> memref<10000x128xi32, #tpu.memory_space<hbm>>
      tpu.wait_indirect_dma semaphore(%arg14 : memref<!tpu.dma_semaphore, #tpu.memory_space<semaphore_mem>>) src(%dma_wait3A_105 : memref<10000x128xi32, #tpu.memory_space<hbm>>) dst(%arg12 : memref<128x128xi32, #tpu.memory_space<vmem>>)
      %mul3A_106 = arith.constant 128 : i32
      %mul3A_107 = arith.muli %add3A_35, %mul3A_106 : i32
      %add3A_108 = arith.addi %add3A, %mul3A_107 : i32
      %dma_start3A_109 = arith.constant 0 : i32
      %dma_start3A_110 = tpu.memref_slice %arg5[%add3A_108, %dma_start3A_109] : memref<81920x128xi32, #tpu.memory_space<hbm>> -> memref<128x128xi32, #tpu.memory_space<hbm>>
      %dma_start3A_111 = arith.constant 0 : i32
      %dma_start3A_112 = tpu.memref_slice %arg5[%add3A_108, %dma_start3A_111] : memref<81920x128xi32, #tpu.memory_space<hbm>> -> memref<128x128xi32, #tpu.memory_space<hbm>>
      tpu.enqueue_dma source(%arg11 : memref<128x128xi32, #tpu.memory_space<vmem>>) target(%dma_start3A_112 : memref<128x128xi32, #tpu.memory_space<hbm>>) target_semaphore(%arg16 : memref<!tpu.dma_semaphore, #tpu.memory_space<semaphore_mem>>)
      %mul3A_113 = arith.constant 128 : i32
      %mul3A_114 = arith.muli %add3A_35, %mul3A_113 : i32
      %add3A_115 = arith.addi %add3A, %mul3A_114 : i32
      %dma_start3A_116 = arith.constant 0 : i32
      %dma_start3A_117 = tpu.memref_slice %arg6[%add3A_115, %dma_start3A_116] : memref<81920x128xi32, #tpu.memory_space<hbm>> -> memref<128x128xi32, #tpu.memory_space<hbm>>
      %dma_start3A_118 = arith.constant 0 : i32
      %dma_start3A_119 = tpu.memref_slice %arg6[%add3A_115, %dma_start3A_118] : memref<81920x128xi32, #tpu.memory_space<hbm>> -> memref<128x128xi32, #tpu.memory_space<hbm>>
      tpu.enqueue_dma source(%arg12 : memref<128x128xi32, #tpu.memory_space<vmem>>) target(%dma_start3A_119 : memref<128x128xi32, #tpu.memory_space<hbm>>) target_semaphore(%arg16 : memref<!tpu.dma_semaphore, #tpu.memory_space<semaphore_mem>>)
    }
    %scan3A_15 = arith.constant 10 : i32
    %add3A_16 = arith.constant 128 : i32
    %add3A_17 = arith.addi %add3A, %add3A_16 : i32
    %dma_wait3A = arith.constant 0 : i32
    %dma_wait3A_18 = tpu.memref_slice %arg5[%add3A_17, %dma_wait3A] : memref<81920x128xi32, #tpu.memory_space<hbm>> -> memref<128x128xi32, #tpu.memory_space<hbm>>
    %dma_wait3A_19 = arith.constant 0 : i32
    %dma_wait3A_20 = tpu.memref_slice %arg5[%add3A_17, %dma_wait3A_19] : memref<81920x128xi32, #tpu.memory_space<hbm>> -> memref<128x128xi32, #tpu.memory_space<hbm>>
    tpu.wait_dma2 semaphore(%arg16 : memref<!tpu.dma_semaphore, #tpu.memory_space<semaphore_mem>>) src(%arg11 : memref<128x128xi32, #tpu.memory_space<vmem>>) dst(%dma_wait3A_20 : memref<128x128xi32, #tpu.memory_space<hbm>>)
    %add3A_21 = arith.constant 128 : i32
    %add3A_22 = arith.addi %add3A, %add3A_21 : i32
    %dma_wait3A_23 = arith.constant 0 : i32
    %dma_wait3A_24 = tpu.memref_slice %arg6[%add3A_22, %dma_wait3A_23] : memref<81920x128xi32, #tpu.memory_space<hbm>> -> memref<128x128xi32, #tpu.memory_space<hbm>>
    %dma_wait3A_25 = arith.constant 0 : i32
    %dma_wait3A_26 = tpu.memref_slice %arg6[%add3A_22, %dma_wait3A_25] : memref<81920x128xi32, #tpu.memory_space<hbm>> -> memref<128x128xi32, #tpu.memory_space<hbm>>
    tpu.wait_dma2 semaphore(%arg16 : memref<!tpu.dma_semaphore, #tpu.memory_space<semaphore_mem>>) src(%arg12 : memref<128x128xi32, #tpu.memory_space<vmem>>) dst(%dma_wait3A_26 : memref<128x128xi32, #tpu.memory_space<hbm>>)
    return
  }
}

#map = affine_map<(d0, d1) -> (0, 0)>
#map1 = affine_map<(d0, d1) -> (0)>
module attributes {stable_mosaic.version = 14 : i64} {
  func.func @_sc_gather(%arg0: i32, %arg1: i32, %arg2: memref<10000x128xi32, #tpu.memory_space<hbm>>, %arg3: memref<81920xi32, #tpu.memory_space<hbm>>, %arg4: memref<81920xi32, #tpu.memory_space<hbm>>, %arg5: memref<81920x128xi32, #tpu.memory_space<hbm>>, %arg6: memref<81920x128xi32, #tpu.memory_space<hbm>>, %arg7: memref<2560xi32, #tpu.memory_space<vmem>>, %arg8: memref<2560xi32, #tpu.memory_space<vmem>>, %arg9: memref<128x128xi32, #tpu.memory_space<vmem>>, %arg10: memref<128x128xi32, #tpu.memory_space<vmem>>, %arg11: memref<128x128xi32, #tpu.memory_space<vmem>>, %arg12: memref<128x128xi32, #tpu.memory_space<vmem>>, %arg13: memref<!tpu.dma_semaphore, #tpu.memory_space<semaphore_mem>>, %arg14: memref<!tpu.dma_semaphore, #tpu.memory_space<semaphore_mem>>, %arg15: memref<!tpu.dma_semaphore, #tpu.memory_space<semaphore_mem>>, %arg16: memref<!tpu.dma_semaphore, #tpu.memory_space<semaphore_mem>>) attributes {dimension_semantics = [#tpu.dimension_semantics<core_parallel>, #tpu.dimension_semantics<subcore_parallel>], iteration_bounds = array<i64: 2, 16>, scalar_prefetch = 0 : i64, scratch_operands = 10 : i64, tpu.core_type = #tpu.core_type<sc_vector_subcore>, window_params = [{transform_indices = #map}, {transform_indices = #map1}, {transform_indices = #map1}, {transform_indices = #map}, {transform_indices = #map}]} {
    %mul3A = arith.constant 40960 : i32
    %mul3A_0 = arith.muli %arg0, %mul3A : i32
    %mul3A_1 = arith.constant 2560 : i32
    %mul3A_2 = arith.muli %arg1, %mul3A_1 : i32
    %add3A = arith.addi %mul3A_0, %mul3A_2 : i32
    "tpu.region"() ({
      %run_scoped3A = tpu.sem_alloc : memref<!tpu.dma_semaphore, #tpu.memory_space<semaphore_mem>>
      %dma_start3A_27 = tpu.memref_slice %arg3[%add3A] : memref<81920xi32, #tpu.memory_space<hbm>> -> memref<2560xi32, #tpu.memory_space<hbm>>
      %dma_start3A_28 = tpu.memref_slice %arg3[%add3A] : memref<81920xi32, #tpu.memory_space<hbm>> -> memref<2560xi32, #tpu.memory_space<hbm>>
      tpu.enqueue_dma source(%dma_start3A_28 : memref<2560xi32, #tpu.memory_space<hbm>>) target(%arg7 : memref<2560xi32, #tpu.memory_space<vmem>>) target_semaphore(%run_scoped3A : memref<!tpu.dma_semaphore, #tpu.memory_space<semaphore_mem>>)
      %dma_wait3A_29 = tpu.memref_slice %arg3[%add3A] : memref<81920xi32, #tpu.memory_space<hbm>> -> memref<2560xi32, #tpu.memory_space<hbm>>
      %dma_wait3A_30 = tpu.memref_slice %arg3[%add3A] : memref<81920xi32, #tpu.memory_space<hbm>> -> memref<2560xi32, #tpu.memory_space<hbm>>
      tpu.wait_dma2 semaphore(%run_scoped3A : memref<!tpu.dma_semaphore, #tpu.memory_space<semaphore_mem>>) src(%dma_wait3A_30 : memref<2560xi32, #tpu.memory_space<hbm>>) dst(%arg7 : memref<2560xi32, #tpu.memory_space<vmem>>)
      tpu.yield
    }) : () -> ()
    "tpu.region"() ({
      %run_scoped3A = tpu.sem_alloc : memref<!tpu.dma_semaphore, #tpu.memory_space<semaphore_mem>>
      %dma_start3A_27 = tpu.memref_slice %arg4[%add3A] : memref<81920xi32, #tpu.memory_space<hbm>> -> memref<2560xi32, #tpu.memory_space<hbm>>
      %dma_start3A_28 = tpu.memref_slice %arg4[%add3A] : memref<81920xi32, #tpu.memory_space<hbm>> -> memref<2560xi32, #tpu.memory_space<hbm>>
      tpu.enqueue_dma source(%dma_start3A_28 : memref<2560xi32, #tpu.memory_space<hbm>>) target(%arg8 : memref<2560xi32, #tpu.memory_space<vmem>>) target_semaphore(%run_scoped3A : memref<!tpu.dma_semaphore, #tpu.memory_space<semaphore_mem>>)
      %dma_wait3A_29 = tpu.memref_slice %arg4[%add3A] : memref<81920xi32, #tpu.memory_space<hbm>> -> memref<2560xi32, #tpu.memory_space<hbm>>
      %dma_wait3A_30 = tpu.memref_slice %arg4[%add3A] : memref<81920xi32, #tpu.memory_space<hbm>> -> memref<2560xi32, #tpu.memory_space<hbm>>
      tpu.wait_dma2 semaphore(%run_scoped3A : memref<!tpu.dma_semaphore, #tpu.memory_space<semaphore_mem>>) src(%dma_wait3A_30 : memref<2560xi32, #tpu.memory_space<hbm>>) dst(%arg8 : memref<2560xi32, #tpu.memory_space<vmem>>)
      tpu.yield
    }) : () -> ()
    %dma_start3A = arith.constant 0 : i32
    %dma_start3A_3 = tpu.memref_slice %arg7[%dma_start3A] : memref<2560xi32, #tpu.memory_space<vmem>> -> memref<128xi32, #tpu.memory_space<vmem>>
    %dma_start3A_4 = arith.constant 0 : i32
    %dma_start3A_5 = arith.constant 0 : i32
    %dma_start3A_6 = tpu.memref_slice %arg2[%dma_start3A_4, %dma_start3A_5] : memref<10000x128xi32, #tpu.memory_space<hbm>> -> memref<10000x128xi32, #tpu.memory_space<hbm>>
    tpu.enqueue_indirect_dma source(%dma_start3A_6 : memref<10000x128xi32, #tpu.memory_space<hbm>>) target(%arg9 : memref<128x128xi32, #tpu.memory_space<vmem>>) offsets(%dma_start3A_3 : memref<128xi32, #tpu.memory_space<vmem>>) semaphore(%arg13 : memref<!tpu.dma_semaphore, #tpu.memory_space<semaphore_mem>>)
    %dma_start3A_7 = arith.constant 0 : i32
    %dma_start3A_8 = tpu.memref_slice %arg8[%dma_start3A_7] : memref<2560xi32, #tpu.memory_space<vmem>> -> memref<128xi32, #tpu.memory_space<vmem>>
    %dma_start3A_9 = arith.constant 0 : i32
    %dma_start3A_10 = arith.constant 0 : i32
    %dma_start3A_11 = tpu.memref_slice %arg2[%dma_start3A_9, %dma_start3A_10] : memref<10000x128xi32, #tpu.memory_space<hbm>> -> memref<10000x128xi32, #tpu.memory_space<hbm>>
    tpu.enqueue_indirect_dma source(%dma_start3A_11 : memref<10000x128xi32, #tpu.memory_space<hbm>>) target(%arg10 : memref<128x128xi32, #tpu.memory_space<vmem>>) offsets(%dma_start3A_8 : memref<128xi32, #tpu.memory_space<vmem>>) semaphore(%arg13 : memref<!tpu.dma_semaphore, #tpu.memory_space<semaphore_mem>>)
    %scan3A = arith.constant 0 : i32
    %scan3A_12 = arith.constant 10 : i32
    %scan3A_13 = arith.addi %scan3A, %scan3A_12 : i32
    %scan3A_14 = arith.constant 1 : i32
    scf.for %scan3A_27 = %scan3A to %scan3A_13 step %scan3A_14  : i32 {
      %mul3A_28 = arith.constant 1 : i32
      %mul3A_29 = arith.muli %scan3A_27, %mul3A_28 : i32
      %add3A_30 = arith.constant 0 : i32
      %add3A_31 = arith.addi %add3A_30, %mul3A_29 : i32
      %mul3A_32 = arith.constant 2 : i32
      %mul3A_33 = arith.muli %mul3A_32, %add3A_31 : i32
      %add3A_34 = arith.constant 1 : i32
      %add3A_35 = arith.addi %mul3A_33, %add3A_34 : i32
      %gt3A = arith.constant 0 : i32
      %gt3A_36 = arith.cmpi sgt, %add3A_31, %gt3A : i32
      %convert_element_type3A = arith.extui %gt3A_36 : i1 to i32
      %cond3A = arith.constant 0 : i32
      %cond3A_37 = arith.cmpi ne, %convert_element_type3A, %cond3A : i32
      scf.if %cond3A_37 {
        %mul3A_120 = arith.constant 128 : i32
        %mul3A_121 = arith.muli %add3A_35, %mul3A_120 : i32
        %add3A_122 = arith.addi %add3A, %mul3A_121 : i32
        %dma_wait3A_123 = arith.constant 0 : i32
        %dma_wait3A_124 = tpu.memref_slice %arg5[%add3A_122, %dma_wait3A_123] : memref<81920x128xi32, #tpu.memory_space<hbm>> -> memref<128x128xi32, #tpu.memory_space<hbm>>
        %dma_wait3A_125 = arith.constant 0 : i32
        %dma_wait3A_126 = tpu.memref_slice %arg5[%add3A_122, %dma_wait3A_125] : memref<81920x128xi32, #tpu.memory_space<hbm>> -> memref<128x128xi32, #tpu.memory_space<hbm>>
        tpu.wait_dma2 semaphore(%arg16 : memref<!tpu.dma_semaphore, #tpu.memory_space<semaphore_mem>>) src(%arg11 : memref<128x128xi32, #tpu.memory_space<vmem>>) dst(%dma_wait3A_126 : memref<128x128xi32, #tpu.memory_space<hbm>>)
        %mul3A_127 = arith.constant 128 : i32
        %mul3A_128 = arith.muli %add3A_35, %mul3A_127 : i32
        %add3A_129 = arith.addi %add3A, %mul3A_128 : i32
        %dma_wait3A_130 = arith.constant 0 : i32
        %dma_wait3A_131 = tpu.memref_slice %arg6[%add3A_129, %dma_wait3A_130] : memref<81920x128xi32, #tpu.memory_space<hbm>> -> memref<128x128xi32, #tpu.memory_space<hbm>>
        %dma_wait3A_132 = arith.constant 0 : i32
        %dma_wait3A_133 = tpu.memref_slice %arg6[%add3A_129, %dma_wait3A_132] : memref<81920x128xi32, #tpu.memory_space<hbm>> -> memref<128x128xi32, #tpu.memory_space<hbm>>
        tpu.wait_dma2 semaphore(%arg16 : memref<!tpu.dma_semaphore, #tpu.memory_space<semaphore_mem>>) src(%arg12 : memref<128x128xi32, #tpu.memory_space<vmem>>) dst(%dma_wait3A_133 : memref<128x128xi32, #tpu.memory_space<hbm>>)
      } else {
      }
      %mul3A_38 = arith.constant 128 : i32
      %mul3A_39 = arith.muli %add3A_35, %mul3A_38 : i32
      %dma_start3A_40 = tpu.memref_slice %arg7[%mul3A_39] : memref<2560xi32, #tpu.memory_space<vmem>> -> memref<128xi32, #tpu.memory_space<vmem>>
      %dma_start3A_41 = arith.constant 0 : i32
      %dma_start3A_42 = arith.constant 0 : i32
      %dma_start3A_43 = tpu.memref_slice %arg2[%dma_start3A_41, %dma_start3A_42] : memref<10000x128xi32, #tpu.memory_space<hbm>> -> memref<10000x128xi32, #tpu.memory_space<hbm>>
      tpu.enqueue_indirect_dma source(%dma_start3A_43 : memref<10000x128xi32, #tpu.memory_space<hbm>>) target(%arg11 : memref<128x128xi32, #tpu.memory_space<vmem>>) offsets(%dma_start3A_40 : memref<128xi32, #tpu.memory_space<vmem>>) semaphore(%arg14 : memref<!tpu.dma_semaphore, #tpu.memory_space<semaphore_mem>>)
      %mul3A_44 = arith.constant 128 : i32
      %mul3A_45 = arith.muli %add3A_35, %mul3A_44 : i32
      %dma_start3A_46 = tpu.memref_slice %arg8[%mul3A_45] : memref<2560xi32, #tpu.memory_space<vmem>> -> memref<128xi32, #tpu.memory_space<vmem>>
      %dma_start3A_47 = arith.constant 0 : i32
      %dma_start3A_48 = arith.constant 0 : i32
      %dma_start3A_49 = tpu.memref_slice %arg2[%dma_start3A_47, %dma_start3A_48] : memref<10000x128xi32, #tpu.memory_space<hbm>> -> memref<10000x128xi32, #tpu.memory_space<hbm>>
      tpu.enqueue_indirect_dma source(%dma_start3A_49 : memref<10000x128xi32, #tpu.memory_space<hbm>>) target(%arg12 : memref<128x128xi32, #tpu.memory_space<vmem>>) offsets(%dma_start3A_46 : memref<128xi32, #tpu.memory_space<vmem>>) semaphore(%arg14 : memref<!tpu.dma_semaphore, #tpu.memory_space<semaphore_mem>>)
      %mul3A_50 = arith.constant 128 : i32
      %mul3A_51 = arith.muli %mul3A_33, %mul3A_50 : i32
      %dma_wait3A_52 = tpu.memref_slice %arg7[%mul3A_51] : memref<2560xi32, #tpu.memory_space<vmem>> -> memref<128xi32, #tpu.memory_space<vmem>>
      %dma_wait3A_53 = arith.constant 0 : i32
      %dma_wait3A_54 = arith.constant 0 : i32
      %dma_wait3A_55 = tpu.memref_slice %arg2[%dma_wait3A_53, %dma_wait3A_54] : memref<10000x128xi32, #tpu.memory_space<hbm>> -> memref<10000x128xi32, #tpu.memory_space<hbm>>
      tpu.wait_indirect_dma semaphore(%arg13 : memref<!tpu.dma_semaphore, #tpu.memory_space<semaphore_mem>>) src(%dma_wait3A_55 : memref<10000x128xi32, #tpu.memory_space<hbm>>) dst(%arg9 : memref<128x128xi32, #tpu.memory_space<vmem>>)
      %mul3A_56 = arith.constant 128 : i32
      %mul3A_57 = arith.muli %mul3A_33, %mul3A_56 : i32
      %dma_wait3A_58 = tpu.memref_slice %arg8[%mul3A_57] : memref<2560xi32, #tpu.memory_space<vmem>> -> memref<128xi32, #tpu.memory_space<vmem>>
      %dma_wait3A_59 = arith.constant 0 : i32
      %dma_wait3A_60 = arith.constant 0 : i32
      %dma_wait3A_61 = tpu.memref_slice %arg2[%dma_wait3A_59, %dma_wait3A_60] : memref<10000x128xi32, #tpu.memory_space<hbm>> -> memref<10000x128xi32, #tpu.memory_space<hbm>>
      tpu.wait_indirect_dma semaphore(%arg13 : memref<!tpu.dma_semaphore, #tpu.memory_space<semaphore_mem>>) src(%dma_wait3A_61 : memref<10000x128xi32, #tpu.memory_space<hbm>>) dst(%arg10 : memref<128x128xi32, #tpu.memory_space<vmem>>)
      %mul3A_62 = arith.constant 128 : i32
      %mul3A_63 = arith.muli %mul3A_33, %mul3A_62 : i32
      %add3A_64 = arith.addi %add3A, %mul3A_63 : i32
      %dma_start3A_65 = arith.constant 0 : i32
      %dma_start3A_66 = tpu.memref_slice %arg5[%add3A_64, %dma_start3A_65] : memref<81920x128xi32, #tpu.memory_space<hbm>> -> memref<128x128xi32, #tpu.memory_space<hbm>>
      %dma_start3A_67 = arith.constant 0 : i32
      %dma_start3A_68 = tpu.memref_slice %arg5[%add3A_64, %dma_start3A_67] : memref<81920x128xi32, #tpu.memory_space<hbm>> -> memref<128x128xi32, #tpu.memory_space<hbm>>
      tpu.enqueue_dma source(%arg9 : memref<128x128xi32, #tpu.memory_space<vmem>>) target(%dma_start3A_68 : memref<128x128xi32, #tpu.memory_space<hbm>>) target_semaphore(%arg15 : memref<!tpu.dma_semaphore, #tpu.memory_space<semaphore_mem>>)
      %mul3A_69 = arith.constant 128 : i32
      %mul3A_70 = arith.muli %mul3A_33, %mul3A_69 : i32
      %add3A_71 = arith.addi %add3A, %mul3A_70 : i32
      %dma_start3A_72 = arith.constant 0 : i32
      %dma_start3A_73 = tpu.memref_slice %arg6[%add3A_71, %dma_start3A_72] : memref<81920x128xi32, #tpu.memory_space<hbm>> -> memref<128x128xi32, #tpu.memory_space<hbm>>
      %dma_start3A_74 = arith.constant 0 : i32
      %dma_start3A_75 = tpu.memref_slice %arg6[%add3A_71, %dma_start3A_74] : memref<81920x128xi32, #tpu.memory_space<hbm>> -> memref<128x128xi32, #tpu.memory_space<hbm>>
      tpu.enqueue_dma source(%arg10 : memref<128x128xi32, #tpu.memory_space<vmem>>) target(%dma_start3A_75 : memref<128x128xi32, #tpu.memory_space<hbm>>) target_semaphore(%arg15 : memref<!tpu.dma_semaphore, #tpu.memory_space<semaphore_mem>>)
      %mul3A_76 = arith.constant 128 : i32
      %mul3A_77 = arith.muli %mul3A_33, %mul3A_76 : i32
      %add3A_78 = arith.addi %add3A, %mul3A_77 : i32
      %dma_wait3A_79 = arith.constant 0 : i32
      %dma_wait3A_80 = tpu.memref_slice %arg5[%add3A_78, %dma_wait3A_79] : memref<81920x128xi32, #tpu.memory_space<hbm>> -> memref<128x128xi32, #tpu.memory_space<hbm>>
      %dma_wait3A_81 = arith.constant 0 : i32
      %dma_wait3A_82 = tpu.memref_slice %arg5[%add3A_78, %dma_wait3A_81] : memref<81920x128xi32, #tpu.memory_space<hbm>> -> memref<128x128xi32, #tpu.memory_space<hbm>>
      tpu.wait_dma2 semaphore(%arg15 : memref<!tpu.dma_semaphore, #tpu.memory_space<semaphore_mem>>) src(%arg9 : memref<128x128xi32, #tpu.memory_space<vmem>>) dst(%dma_wait3A_82 : memref<128x128xi32, #tpu.memory_space<hbm>>)
      %mul3A_83 = arith.constant 128 : i32
      %mul3A_84 = arith.muli %mul3A_33, %mul3A_83 : i32
      %add3A_85 = arith.addi %add3A, %mul3A_84 : i32
      %dma_wait3A_86 = arith.constant 0 : i32
      %dma_wait3A_87 = tpu.memref_slice %arg6[%add3A_85, %dma_wait3A_86] : memref<81920x128xi32, #tpu.memory_space<hbm>> -> memref<128x128xi32, #tpu.memory_space<hbm>>
      %dma_wait3A_88 = arith.constant 0 : i32
      %dma_wait3A_89 = tpu.memref_slice %arg6[%add3A_85, %dma_wait3A_88] : memref<81920x128xi32, #tpu.memory_space<hbm>> -> memref<128x128xi32, #tpu.memory_space<hbm>>
      tpu.wait_dma2 semaphore(%arg15 : memref<!tpu.dma_semaphore, #tpu.memory_space<semaphore_mem>>) src(%arg10 : memref<128x128xi32, #tpu.memory_space<vmem>>) dst(%dma_wait3A_89 : memref<128x128xi32, #tpu.memory_space<hbm>>)
      %lt3A = arith.constant 9 : i32
      %lt3A_90 = arith.cmpi slt, %add3A_31, %lt3A : i32
      %convert_element_type3A_91 = arith.extui %lt3A_90 : i1 to i32
      %cond3A_92 = arith.constant 0 : i32
      %cond3A_93 = arith.cmpi ne, %convert_element_type3A_91, %cond3A_92 : i32
      scf.if %cond3A_93 {
        %add3A_120 = arith.constant 2 : i32
        %add3A_121 = arith.addi %mul3A_33, %add3A_120 : i32
        %mul3A_122 = arith.constant 128 : i32
        %mul3A_123 = arith.muli %add3A_121, %mul3A_122 : i32
        %dma_start3A_124 = tpu.memref_slice %arg7[%mul3A_123] : memref<2560xi32, #tpu.memory_space<vmem>> -> memref<128xi32, #tpu.memory_space<vmem>>
        %dma_start3A_125 = arith.constant 0 : i32
        %dma_start3A_126 = arith.constant 0 : i32
        %dma_start3A_127 = tpu.memref_slice %arg2[%dma_start3A_125, %dma_start3A_126] : memref<10000x128xi32, #tpu.memory_space<hbm>> -> memref<10000x128xi32, #tpu.memory_space<hbm>>
        tpu.enqueue_indirect_dma source(%dma_start3A_127 : memref<10000x128xi32, #tpu.memory_space<hbm>>) target(%arg9 : memref<128x128xi32, #tpu.memory_space<vmem>>) offsets(%dma_start3A_124 : memref<128xi32, #tpu.memory_space<vmem>>) semaphore(%arg13 : memref<!tpu.dma_semaphore, #tpu.memory_space<semaphore_mem>>)
        %add3A_128 = arith.constant 2 : i32
        %add3A_129 = arith.addi %mul3A_33, %add3A_128 : i32
        %mul3A_130 = arith.constant 128 : i32
        %mul3A_131 = arith.muli %add3A_129, %mul3A_130 : i32
        %dma_start3A_132 = tpu.memref_slice %arg8[%mul3A_131] : memref<2560xi32, #tpu.memory_space<vmem>> -> memref<128xi32, #tpu.memory_space<vmem>>
        %dma_start3A_133 = arith.constant 0 : i32
        %dma_start3A_134 = arith.constant 0 : i32
        %dma_start3A_135 = tpu.memref_slice %arg2[%dma_start3A_133, %dma_start3A_134] : memref<10000x128xi32, #tpu.memory_space<hbm>> -> memref<10000x128xi32, #tpu.memory_space<hbm>>
        tpu.enqueue_indirect_dma source(%dma_start3A_135 : memref<10000x128xi32, #tpu.memory_space<hbm>>) target(%arg10 : memref<128x128xi32, #tpu.memory_space<vmem>>) offsets(%dma_start3A_132 : memref<128xi32, #tpu.memory_space<vmem>>) semaphore(%arg13 : memref<!tpu.dma_semaphore, #tpu.memory_space<semaphore_mem>>)
      } else {
      }
      %mul3A_94 = arith.constant 128 : i32
      %mul3A_95 = arith.muli %add3A_35, %mul3A_94 : i32
      %dma_wait3A_96 = tpu.memref_slice %arg7[%mul3A_95] : memref<2560xi32, #tpu.memory_space<vmem>> -> memref<128xi32, #tpu.memory_space<vmem>>
      %dma_wait3A_97 = arith.constant 0 : i32
      %dma_wait3A_98 = arith.constant 0 : i32
      %dma_wait3A_99 = tpu.memref_slice %arg2[%dma_wait3A_97, %dma_wait3A_98] : memref<10000x128xi32, #tpu.memory_space<hbm>> -> memref<10000x128xi32, #tpu.memory_space<hbm>>
      tpu.wait_indirect_dma semaphore(%arg14 : memref<!tpu.dma_semaphore, #tpu.memory_space<semaphore_mem>>) src(%dma_wait3A_99 : memref<10000x128xi32, #tpu.memory_space<hbm>>) dst(%arg11 : memref<128x128xi32, #tpu.memory_space<vmem>>)
      %mul3A_100 = arith.constant 128 : i32
      %mul3A_101 = arith.muli %add3A_35, %mul3A_100 : i32
      %dma_wait3A_102 = tpu.memref_slice %arg8[%mul3A_101] : memref<2560xi32, #tpu.memory_space<vmem>> -> memref<128xi32, #tpu.memory_space<vmem>>
      %dma_wait3A_103 = arith.constant 0 : i32
      %dma_wait3A_104 = arith.constant 0 : i32
      %dma_wait3A_105 = tpu.memref_slice %arg2[%dma_wait3A_103, %dma_wait3A_104] : memref<10000x128xi32, #tpu.memory_space<hbm>> -> memref<10000x128xi32, #tpu.memory_space<hbm>>
      tpu.wait_indirect_dma semaphore(%arg14 : memref<!tpu.dma_semaphore, #tpu.memory_space<semaphore_mem>>) src(%dma_wait3A_105 : memref<10000x128xi32, #tpu.memory_space<hbm>>) dst(%arg12 : memref<128x128xi32, #tpu.memory_space<vmem>>)
      %mul3A_106 = arith.constant 128 : i32
      %mul3A_107 = arith.muli %add3A_35, %mul3A_106 : i32
      %add3A_108 = arith.addi %add3A, %mul3A_107 : i32
      %dma_start3A_109 = arith.constant 0 : i32
      %dma_start3A_110 = tpu.memref_slice %arg5[%add3A_108, %dma_start3A_109] : memref<81920x128xi32, #tpu.memory_space<hbm>> -> memref<128x128xi32, #tpu.memory_space<hbm>>
      %dma_start3A_111 = arith.constant 0 : i32
      %dma_start3A_112 = tpu.memref_slice %arg5[%add3A_108, %dma_start3A_111] : memref<81920x128xi32, #tpu.memory_space<hbm>> -> memref<128x128xi32, #tpu.memory_space<hbm>>
      tpu.enqueue_dma source(%arg11 : memref<128x128xi32, #tpu.memory_space<vmem>>) target(%dma_start3A_112 : memref<128x128xi32, #tpu.memory_space<hbm>>) target_semaphore(%arg16 : memref<!tpu.dma_semaphore, #tpu.memory_space<semaphore_mem>>)
      %mul3A_113 = arith.constant 128 : i32
      %mul3A_114 = arith.muli %add3A_35, %mul3A_113 : i32
      %add3A_115 = arith.addi %add3A, %mul3A_114 : i32
      %dma_start3A_116 = arith.constant 0 : i32
      %dma_start3A_117 = tpu.memref_slice %arg6[%add3A_115, %dma_start3A_116] : memref<81920x128xi32, #tpu.memory_space<hbm>> -> memref<128x128xi32, #tpu.memory_space<hbm>>
      %dma_start3A_118 = arith.constant 0 : i32
      %dma_start3A_119 = tpu.memref_slice %arg6[%add3A_115, %dma_start3A_118] : memref<81920x128xi32, #tpu.memory_space<hbm>> -> memref<128x128xi32, #tpu.memory_space<hbm>>
      tpu.enqueue_dma source(%arg12 : memref<128x128xi32, #tpu.memory_space<vmem>>) target(%dma_start3A_119 : memref<128x128xi32, #tpu.memory_space<hbm>>) target_semaphore(%arg16 : memref<!tpu.dma_semaphore, #tpu.memory_space<semaphore_mem>>)
    }
    %scan3A_15 = arith.constant 10 : i32
    %add3A_16 = arith.constant 128 : i32
    %add3A_17 = arith.addi %add3A, %add3A_16 : i32
    %dma_wait3A = arith.constant 0 : i32
    %dma_wait3A_18 = tpu.memref_slice %arg5[%add3A_17, %dma_wait3A] : memref<81920x128xi32, #tpu.memory_space<hbm>> -> memref<128x128xi32, #tpu.memory_space<hbm>>
    %dma_wait3A_19 = arith.constant 0 : i32
    %dma_wait3A_20 = tpu.memref_slice %arg5[%add3A_17, %dma_wait3A_19] : memref<81920x128xi32, #tpu.memory_space<hbm>> -> memref<128x128xi32, #tpu.memory_space<hbm>>
    tpu.wait_dma2 semaphore(%arg16 : memref<!tpu.dma_semaphore, #tpu.memory_space<semaphore_mem>>) src(%arg11 : memref<128x128xi32, #tpu.memory_space<vmem>>) dst(%dma_wait3A_20 : memref<128x128xi32, #tpu.memory_space<hbm>>)
    %add3A_21 = arith.constant 128 : i32
    %add3A_22 = arith.addi %add3A, %add3A_21 : i32
    %dma_wait3A_23 = arith.constant 0 : i32
    %dma_wait3A_24 = tpu.memref_slice %arg6[%add3A_22, %dma_wait3A_23] : memref<81920x128xi32, #tpu.memory_space<hbm>> -> memref<128x128xi32, #tpu.memory_space<hbm>>
    %dma_wait3A_25 = arith.constant 0 : i32
    %dma_wait3A_26 = tpu.memref_slice %arg6[%add3A_22, %dma_wait3A_25] : memref<81920x128xi32, #tpu.memory_space<hbm>> -> memref<128x128xi32, #tpu.memory_space<hbm>>
    tpu.wait_dma2 semaphore(%arg16 : memref<!tpu.dma_semaphore, #tpu.memory_space<semaphore_mem>>) src(%arg12 : memref<128x128xi32, #tpu.memory_space<vmem>>) dst(%dma_wait3A_26 : memref<128x128xi32, #tpu.memory_space<hbm>>)
    return
  }
}

#map = affine_map<(d0, d1) -> (0, 0)>
#map1 = affine_map<(d0, d1) -> (0)>
module attributes {stable_mosaic.version = 14 : i64} {
  func.func @_sc_gather(%arg0: i32, %arg1: i32, %arg2: memref<10000x128xi32, #tpu.memory_space<hbm>>, %arg3: memref<81920xi32, #tpu.memory_space<hbm>>, %arg4: memref<81920xi32, #tpu.memory_space<hbm>>, %arg5: memref<81920x128xi32, #tpu.memory_space<hbm>>, %arg6: memref<81920x128xi32, #tpu.memory_space<hbm>>, %arg7: memref<2560xi32, #tpu.memory_space<vmem>>, %arg8: memref<2560xi32, #tpu.memory_space<vmem>>, %arg9: memref<128x128xi32, #tpu.memory_space<vmem>>, %arg10: memref<128x128xi32, #tpu.memory_space<vmem>>, %arg11: memref<128x128xi32, #tpu.memory_space<vmem>>, %arg12: memref<128x128xi32, #tpu.memory_space<vmem>>, %arg13: memref<!tpu.dma_semaphore, #tpu.memory_space<semaphore_mem>>, %arg14: memref<!tpu.dma_semaphore, #tpu.memory_space<semaphore_mem>>, %arg15: memref<!tpu.dma_semaphore, #tpu.memory_space<semaphore_mem>>, %arg16: memref<!tpu.dma_semaphore, #tpu.memory_space<semaphore_mem>>) attributes {dimension_semantics = [#tpu.dimension_semantics<core_parallel>, #tpu.dimension_semantics<subcore_parallel>], iteration_bounds = array<i64: 2, 16>, scalar_prefetch = 0 : i64, scratch_operands = 10 : i64, tpu.core_type = #tpu.core_type<sc_vector_subcore>, window_params = [{transform_indices = #map}, {transform_indices = #map1}, {transform_indices = #map1}, {transform_indices = #map}, {transform_indices = #map}]} {
    %mul3A = arith.constant 40960 : i32
    %mul3A_0 = arith.muli %arg0, %mul3A : i32
    %mul3A_1 = arith.constant 2560 : i32
    %mul3A_2 = arith.muli %arg1, %mul3A_1 : i32
    %add3A = arith.addi %mul3A_0, %mul3A_2 : i32
    "tpu.region"() ({
      %run_scoped3A = tpu.sem_alloc : memref<!tpu.dma_semaphore, #tpu.memory_space<semaphore_mem>>
      %dma_start3A_27 = tpu.memref_slice %arg3[%add3A] : memref<81920xi32, #tpu.memory_space<hbm>> -> memref<2560xi32, #tpu.memory_space<hbm>>
      %dma_start3A_28 = tpu.memref_slice %arg3[%add3A] : memref<81920xi32, #tpu.memory_space<hbm>> -> memref<2560xi32, #tpu.memory_space<hbm>>
      tpu.enqueue_dma source(%dma_start3A_28 : memref<2560xi32, #tpu.memory_space<hbm>>) target(%arg7 : memref<2560xi32, #tpu.memory_space<vmem>>) target_semaphore(%run_scoped3A : memref<!tpu.dma_semaphore, #tpu.memory_space<semaphore_mem>>)
      %dma_wait3A_29 = tpu.memref_slice %arg3[%add3A] : memref<81920xi32, #tpu.memory_space<hbm>> -> memref<2560xi32, #tpu.memory_space<hbm>>
      %dma_wait3A_30 = tpu.memref_slice %arg3[%add3A] : memref<81920xi32, #tpu.memory_space<hbm>> -> memref<2560xi32, #tpu.memory_space<hbm>>
      tpu.wait_dma2 semaphore(%run_scoped3A : memref<!tpu.dma_semaphore, #tpu.memory_space<semaphore_mem>>) src(%dma_wait3A_30 : memref<2560xi32, #tpu.memory_space<hbm>>) dst(%arg7 : memref<2560xi32, #tpu.memory_space<vmem>>)
      tpu.yield
    }) : () -> ()
    "tpu.region"() ({
      %run_scoped3A = tpu.sem_alloc : memref<!tpu.dma_semaphore, #tpu.memory_space<semaphore_mem>>
      %dma_start3A_27 = tpu.memref_slice %arg4[%add3A] : memref<81920xi32, #tpu.memory_space<hbm>> -> memref<2560xi32, #tpu.memory_space<hbm>>
      %dma_start3A_28 = tpu.memref_slice %arg4[%add3A] : memref<81920xi32, #tpu.memory_space<hbm>> -> memref<2560xi32, #tpu.memory_space<hbm>>
      tpu.enqueue_dma source(%dma_start3A_28 : memref<2560xi32, #tpu.memory_space<hbm>>) target(%arg8 : memref<2560xi32, #tpu.memory_space<vmem>>) target_semaphore(%run_scoped3A : memref<!tpu.dma_semaphore, #tpu.memory_space<semaphore_mem>>)
      %dma_wait3A_29 = tpu.memref_slice %arg4[%add3A] : memref<81920xi32, #tpu.memory_space<hbm>> -> memref<2560xi32, #tpu.memory_space<hbm>>
      %dma_wait3A_30 = tpu.memref_slice %arg4[%add3A] : memref<81920xi32, #tpu.memory_space<hbm>> -> memref<2560xi32, #tpu.memory_space<hbm>>
      tpu.wait_dma2 semaphore(%run_scoped3A : memref<!tpu.dma_semaphore, #tpu.memory_space<semaphore_mem>>) src(%dma_wait3A_30 : memref<2560xi32, #tpu.memory_space<hbm>>) dst(%arg8 : memref<2560xi32, #tpu.memory_space<vmem>>)
      tpu.yield
    }) : () -> ()
    %dma_start3A = arith.constant 0 : i32
    %dma_start3A_3 = tpu.memref_slice %arg7[%dma_start3A] : memref<2560xi32, #tpu.memory_space<vmem>> -> memref<128xi32, #tpu.memory_space<vmem>>
    %dma_start3A_4 = arith.constant 0 : i32
    %dma_start3A_5 = arith.constant 0 : i32
    %dma_start3A_6 = tpu.memref_slice %arg2[%dma_start3A_4, %dma_start3A_5] : memref<10000x128xi32, #tpu.memory_space<hbm>> -> memref<10000x128xi32, #tpu.memory_space<hbm>>
    tpu.enqueue_indirect_dma source(%dma_start3A_6 : memref<10000x128xi32, #tpu.memory_space<hbm>>) target(%arg9 : memref<128x128xi32, #tpu.memory_space<vmem>>) offsets(%dma_start3A_3 : memref<128xi32, #tpu.memory_space<vmem>>) semaphore(%arg13 : memref<!tpu.dma_semaphore, #tpu.memory_space<semaphore_mem>>)
    %dma_start3A_7 = arith.constant 0 : i32
    %dma_start3A_8 = tpu.memref_slice %arg8[%dma_start3A_7] : memref<2560xi32, #tpu.memory_space<vmem>> -> memref<128xi32, #tpu.memory_space<vmem>>
    %dma_start3A_9 = arith.constant 0 : i32
    %dma_start3A_10 = arith.constant 0 : i32
    %dma_start3A_11 = tpu.memref_slice %arg2[%dma_start3A_9, %dma_start3A_10] : memref<10000x128xi32, #tpu.memory_space<hbm>> -> memref<10000x128xi32, #tpu.memory_space<hbm>>
    tpu.enqueue_indirect_dma source(%dma_start3A_11 : memref<10000x128xi32, #tpu.memory_space<hbm>>) target(%arg10 : memref<128x128xi32, #tpu.memory_space<vmem>>) offsets(%dma_start3A_8 : memref<128xi32, #tpu.memory_space<vmem>>) semaphore(%arg13 : memref<!tpu.dma_semaphore, #tpu.memory_space<semaphore_mem>>)
    %scan3A = arith.constant 0 : i32
    %scan3A_12 = arith.constant 10 : i32
    %scan3A_13 = arith.addi %scan3A, %scan3A_12 : i32
    %scan3A_14 = arith.constant 1 : i32
    scf.for %scan3A_27 = %scan3A to %scan3A_13 step %scan3A_14  : i32 {
      %mul3A_28 = arith.constant 1 : i32
      %mul3A_29 = arith.muli %scan3A_27, %mul3A_28 : i32
      %add3A_30 = arith.constant 0 : i32
      %add3A_31 = arith.addi %add3A_30, %mul3A_29 : i32
      %mul3A_32 = arith.constant 2 : i32
      %mul3A_33 = arith.muli %mul3A_32, %add3A_31 : i32
      %add3A_34 = arith.constant 1 : i32
      %add3A_35 = arith.addi %mul3A_33, %add3A_34 : i32
      %gt3A = arith.constant 0 : i32
      %gt3A_36 = arith.cmpi sgt, %add3A_31, %gt3A : i32
      %convert_element_type3A = arith.extui %gt3A_36 : i1 to i32
      %cond3A = arith.constant 0 : i32
      %cond3A_37 = arith.cmpi ne, %convert_element_type3A, %cond3A : i32
      scf.if %cond3A_37 {
        %mul3A_120 = arith.constant 128 : i32
        %mul3A_121 = arith.muli %add3A_35, %mul3A_120 : i32
        %add3A_122 = arith.addi %add3A, %mul3A_121 : i32
        %dma_wait3A_123 = arith.constant 0 : i32
        %dma_wait3A_124 = tpu.memref_slice %arg5[%add3A_122, %dma_wait3A_123] : memref<81920x128xi32, #tpu.memory_space<hbm>> -> memref<128x128xi32, #tpu.memory_space<hbm>>
        %dma_wait3A_125 = arith.constant 0 : i32
        %dma_wait3A_126 = tpu.memref_slice %arg5[%add3A_122, %dma_wait3A_125] : memref<81920x128xi32, #tpu.memory_space<hbm>> -> memref<128x128xi32, #tpu.memory_space<hbm>>
        tpu.wait_dma2 semaphore(%arg16 : memref<!tpu.dma_semaphore, #tpu.memory_space<semaphore_mem>>) src(%arg11 : memref<128x128xi32, #tpu.memory_space<vmem>>) dst(%dma_wait3A_126 : memref<128x128xi32, #tpu.memory_space<hbm>>)
        %mul3A_127 = arith.constant 128 : i32
        %mul3A_128 = arith.muli %add3A_35, %mul3A_127 : i32
        %add3A_129 = arith.addi %add3A, %mul3A_128 : i32
        %dma_wait3A_130 = arith.constant 0 : i32
        %dma_wait3A_131 = tpu.memref_slice %arg6[%add3A_129, %dma_wait3A_130] : memref<81920x128xi32, #tpu.memory_space<hbm>> -> memref<128x128xi32, #tpu.memory_space<hbm>>
        %dma_wait3A_132 = arith.constant 0 : i32
        %dma_wait3A_133 = tpu.memref_slice %arg6[%add3A_129, %dma_wait3A_132] : memref<81920x128xi32, #tpu.memory_space<hbm>> -> memref<128x128xi32, #tpu.memory_space<hbm>>
        tpu.wait_dma2 semaphore(%arg16 : memref<!tpu.dma_semaphore, #tpu.memory_space<semaphore_mem>>) src(%arg12 : memref<128x128xi32, #tpu.memory_space<vmem>>) dst(%dma_wait3A_133 : memref<128x128xi32, #tpu.memory_space<hbm>>)
      } else {
      }
      %mul3A_38 = arith.constant 128 : i32
      %mul3A_39 = arith.muli %add3A_35, %mul3A_38 : i32
      %dma_start3A_40 = tpu.memref_slice %arg7[%mul3A_39] : memref<2560xi32, #tpu.memory_space<vmem>> -> memref<128xi32, #tpu.memory_space<vmem>>
      %dma_start3A_41 = arith.constant 0 : i32
      %dma_start3A_42 = arith.constant 0 : i32
      %dma_start3A_43 = tpu.memref_slice %arg2[%dma_start3A_41, %dma_start3A_42] : memref<10000x128xi32, #tpu.memory_space<hbm>> -> memref<10000x128xi32, #tpu.memory_space<hbm>>
      tpu.enqueue_indirect_dma source(%dma_start3A_43 : memref<10000x128xi32, #tpu.memory_space<hbm>>) target(%arg11 : memref<128x128xi32, #tpu.memory_space<vmem>>) offsets(%dma_start3A_40 : memref<128xi32, #tpu.memory_space<vmem>>) semaphore(%arg14 : memref<!tpu.dma_semaphore, #tpu.memory_space<semaphore_mem>>)
      %mul3A_44 = arith.constant 128 : i32
      %mul3A_45 = arith.muli %add3A_35, %mul3A_44 : i32
      %dma_start3A_46 = tpu.memref_slice %arg8[%mul3A_45] : memref<2560xi32, #tpu.memory_space<vmem>> -> memref<128xi32, #tpu.memory_space<vmem>>
      %dma_start3A_47 = arith.constant 0 : i32
      %dma_start3A_48 = arith.constant 0 : i32
      %dma_start3A_49 = tpu.memref_slice %arg2[%dma_start3A_47, %dma_start3A_48] : memref<10000x128xi32, #tpu.memory_space<hbm>> -> memref<10000x128xi32, #tpu.memory_space<hbm>>
      tpu.enqueue_indirect_dma source(%dma_start3A_49 : memref<10000x128xi32, #tpu.memory_space<hbm>>) target(%arg12 : memref<128x128xi32, #tpu.memory_space<vmem>>) offsets(%dma_start3A_46 : memref<128xi32, #tpu.memory_space<vmem>>) semaphore(%arg14 : memref<!tpu.dma_semaphore, #tpu.memory_space<semaphore_mem>>)
      %mul3A_50 = arith.constant 128 : i32
      %mul3A_51 = arith.muli %mul3A_33, %mul3A_50 : i32
      %dma_wait3A_52 = tpu.memref_slice %arg7[%mul3A_51] : memref<2560xi32, #tpu.memory_space<vmem>> -> memref<128xi32, #tpu.memory_space<vmem>>
      %dma_wait3A_53 = arith.constant 0 : i32
      %dma_wait3A_54 = arith.constant 0 : i32
      %dma_wait3A_55 = tpu.memref_slice %arg2[%dma_wait3A_53, %dma_wait3A_54] : memref<10000x128xi32, #tpu.memory_space<hbm>> -> memref<10000x128xi32, #tpu.memory_space<hbm>>
      tpu.wait_indirect_dma semaphore(%arg13 : memref<!tpu.dma_semaphore, #tpu.memory_space<semaphore_mem>>) src(%dma_wait3A_55 : memref<10000x128xi32, #tpu.memory_space<hbm>>) dst(%arg9 : memref<128x128xi32, #tpu.memory_space<vmem>>)
      %mul3A_56 = arith.constant 128 : i32
      %mul3A_57 = arith.muli %mul3A_33, %mul3A_56 : i32
      %dma_wait3A_58 = tpu.memref_slice %arg8[%mul3A_57] : memref<2560xi32, #tpu.memory_space<vmem>> -> memref<128xi32, #tpu.memory_space<vmem>>
      %dma_wait3A_59 = arith.constant 0 : i32
      %dma_wait3A_60 = arith.constant 0 : i32
      %dma_wait3A_61 = tpu.memref_slice %arg2[%dma_wait3A_59, %dma_wait3A_60] : memref<10000x128xi32, #tpu.memory_space<hbm>> -> memref<10000x128xi32, #tpu.memory_space<hbm>>
      tpu.wait_indirect_dma semaphore(%arg13 : memref<!tpu.dma_semaphore, #tpu.memory_space<semaphore_mem>>) src(%dma_wait3A_61 : memref<10000x128xi32, #tpu.memory_space<hbm>>) dst(%arg10 : memref<128x128xi32, #tpu.memory_space<vmem>>)
      %mul3A_62 = arith.constant 128 : i32
      %mul3A_63 = arith.muli %mul3A_33, %mul3A_62 : i32
      %add3A_64 = arith.addi %add3A, %mul3A_63 : i32
      %dma_start3A_65 = arith.constant 0 : i32
      %dma_start3A_66 = tpu.memref_slice %arg5[%add3A_64, %dma_start3A_65] : memref<81920x128xi32, #tpu.memory_space<hbm>> -> memref<128x128xi32, #tpu.memory_space<hbm>>
      %dma_start3A_67 = arith.constant 0 : i32
      %dma_start3A_68 = tpu.memref_slice %arg5[%add3A_64, %dma_start3A_67] : memref<81920x128xi32, #tpu.memory_space<hbm>> -> memref<128x128xi32, #tpu.memory_space<hbm>>
      tpu.enqueue_dma source(%arg9 : memref<128x128xi32, #tpu.memory_space<vmem>>) target(%dma_start3A_68 : memref<128x128xi32, #tpu.memory_space<hbm>>) target_semaphore(%arg15 : memref<!tpu.dma_semaphore, #tpu.memory_space<semaphore_mem>>)
      %mul3A_69 = arith.constant 128 : i32
      %mul3A_70 = arith.muli %mul3A_33, %mul3A_69 : i32
      %add3A_71 = arith.addi %add3A, %mul3A_70 : i32
      %dma_start3A_72 = arith.constant 0 : i32
      %dma_start3A_73 = tpu.memref_slice %arg6[%add3A_71, %dma_start3A_72] : memref<81920x128xi32, #tpu.memory_space<hbm>> -> memref<128x128xi32, #tpu.memory_space<hbm>>
      %dma_start3A_74 = arith.constant 0 : i32
      %dma_start3A_75 = tpu.memref_slice %arg6[%add3A_71, %dma_start3A_74] : memref<81920x128xi32, #tpu.memory_space<hbm>> -> memref<128x128xi32, #tpu.memory_space<hbm>>
      tpu.enqueue_dma source(%arg10 : memref<128x128xi32, #tpu.memory_space<vmem>>) target(%dma_start3A_75 : memref<128x128xi32, #tpu.memory_space<hbm>>) target_semaphore(%arg15 : memref<!tpu.dma_semaphore, #tpu.memory_space<semaphore_mem>>)
      %mul3A_76 = arith.constant 128 : i32
      %mul3A_77 = arith.muli %mul3A_33, %mul3A_76 : i32
      %add3A_78 = arith.addi %add3A, %mul3A_77 : i32
      %dma_wait3A_79 = arith.constant 0 : i32
      %dma_wait3A_80 = tpu.memref_slice %arg5[%add3A_78, %dma_wait3A_79] : memref<81920x128xi32, #tpu.memory_space<hbm>> -> memref<128x128xi32, #tpu.memory_space<hbm>>
      %dma_wait3A_81 = arith.constant 0 : i32
      %dma_wait3A_82 = tpu.memref_slice %arg5[%add3A_78, %dma_wait3A_81] : memref<81920x128xi32, #tpu.memory_space<hbm>> -> memref<128x128xi32, #tpu.memory_space<hbm>>
      tpu.wait_dma2 semaphore(%arg15 : memref<!tpu.dma_semaphore, #tpu.memory_space<semaphore_mem>>) src(%arg9 : memref<128x128xi32, #tpu.memory_space<vmem>>) dst(%dma_wait3A_82 : memref<128x128xi32, #tpu.memory_space<hbm>>)
      %mul3A_83 = arith.constant 128 : i32
      %mul3A_84 = arith.muli %mul3A_33, %mul3A_83 : i32
      %add3A_85 = arith.addi %add3A, %mul3A_84 : i32
      %dma_wait3A_86 = arith.constant 0 : i32
      %dma_wait3A_87 = tpu.memref_slice %arg6[%add3A_85, %dma_wait3A_86] : memref<81920x128xi32, #tpu.memory_space<hbm>> -> memref<128x128xi32, #tpu.memory_space<hbm>>
      %dma_wait3A_88 = arith.constant 0 : i32
      %dma_wait3A_89 = tpu.memref_slice %arg6[%add3A_85, %dma_wait3A_88] : memref<81920x128xi32, #tpu.memory_space<hbm>> -> memref<128x128xi32, #tpu.memory_space<hbm>>
      tpu.wait_dma2 semaphore(%arg15 : memref<!tpu.dma_semaphore, #tpu.memory_space<semaphore_mem>>) src(%arg10 : memref<128x128xi32, #tpu.memory_space<vmem>>) dst(%dma_wait3A_89 : memref<128x128xi32, #tpu.memory_space<hbm>>)
      %lt3A = arith.constant 9 : i32
      %lt3A_90 = arith.cmpi slt, %add3A_31, %lt3A : i32
      %convert_element_type3A_91 = arith.extui %lt3A_90 : i1 to i32
      %cond3A_92 = arith.constant 0 : i32
      %cond3A_93 = arith.cmpi ne, %convert_element_type3A_91, %cond3A_92 : i32
      scf.if %cond3A_93 {
        %add3A_120 = arith.constant 2 : i32
        %add3A_121 = arith.addi %mul3A_33, %add3A_120 : i32
        %mul3A_122 = arith.constant 128 : i32
        %mul3A_123 = arith.muli %add3A_121, %mul3A_122 : i32
        %dma_start3A_124 = tpu.memref_slice %arg7[%mul3A_123] : memref<2560xi32, #tpu.memory_space<vmem>> -> memref<128xi32, #tpu.memory_space<vmem>>
        %dma_start3A_125 = arith.constant 0 : i32
        %dma_start3A_126 = arith.constant 0 : i32
        %dma_start3A_127 = tpu.memref_slice %arg2[%dma_start3A_125, %dma_start3A_126] : memref<10000x128xi32, #tpu.memory_space<hbm>> -> memref<10000x128xi32, #tpu.memory_space<hbm>>
        tpu.enqueue_indirect_dma source(%dma_start3A_127 : memref<10000x128xi32, #tpu.memory_space<hbm>>) target(%arg9 : memref<128x128xi32, #tpu.memory_space<vmem>>) offsets(%dma_start3A_124 : memref<128xi32, #tpu.memory_space<vmem>>) semaphore(%arg13 : memref<!tpu.dma_semaphore, #tpu.memory_space<semaphore_mem>>)
        %add3A_128 = arith.constant 2 : i32
        %add3A_129 = arith.addi %mul3A_33, %add3A_128 : i32
        %mul3A_130 = arith.constant 128 : i32
        %mul3A_131 = arith.muli %add3A_129, %mul3A_130 : i32
        %dma_start3A_132 = tpu.memref_slice %arg8[%mul3A_131] : memref<2560xi32, #tpu.memory_space<vmem>> -> memref<128xi32, #tpu.memory_space<vmem>>
        %dma_start3A_133 = arith.constant 0 : i32
        %dma_start3A_134 = arith.constant 0 : i32
        %dma_start3A_135 = tpu.memref_slice %arg2[%dma_start3A_133, %dma_start3A_134] : memref<10000x128xi32, #tpu.memory_space<hbm>> -> memref<10000x128xi32, #tpu.memory_space<hbm>>
        tpu.enqueue_indirect_dma source(%dma_start3A_135 : memref<10000x128xi32, #tpu.memory_space<hbm>>) target(%arg10 : memref<128x128xi32, #tpu.memory_space<vmem>>) offsets(%dma_start3A_132 : memref<128xi32, #tpu.memory_space<vmem>>) semaphore(%arg13 : memref<!tpu.dma_semaphore, #tpu.memory_space<semaphore_mem>>)
      } else {
      }
      %mul3A_94 = arith.constant 128 : i32
      %mul3A_95 = arith.muli %add3A_35, %mul3A_94 : i32
      %dma_wait3A_96 = tpu.memref_slice %arg7[%mul3A_95] : memref<2560xi32, #tpu.memory_space<vmem>> -> memref<128xi32, #tpu.memory_space<vmem>>
      %dma_wait3A_97 = arith.constant 0 : i32
      %dma_wait3A_98 = arith.constant 0 : i32
      %dma_wait3A_99 = tpu.memref_slice %arg2[%dma_wait3A_97, %dma_wait3A_98] : memref<10000x128xi32, #tpu.memory_space<hbm>> -> memref<10000x128xi32, #tpu.memory_space<hbm>>
      tpu.wait_indirect_dma semaphore(%arg14 : memref<!tpu.dma_semaphore, #tpu.memory_space<semaphore_mem>>) src(%dma_wait3A_99 : memref<10000x128xi32, #tpu.memory_space<hbm>>) dst(%arg11 : memref<128x128xi32, #tpu.memory_space<vmem>>)
      %mul3A_100 = arith.constant 128 : i32
      %mul3A_101 = arith.muli %add3A_35, %mul3A_100 : i32
      %dma_wait3A_102 = tpu.memref_slice %arg8[%mul3A_101] : memref<2560xi32, #tpu.memory_space<vmem>> -> memref<128xi32, #tpu.memory_space<vmem>>
      %dma_wait3A_103 = arith.constant 0 : i32
      %dma_wait3A_104 = arith.constant 0 : i32
      %dma_wait3A_105 = tpu.memref_slice %arg2[%dma_wait3A_103, %dma_wait3A_104] : memref<10000x128xi32, #tpu.memory_space<hbm>> -> memref<10000x128xi32, #tpu.memory_space<hbm>>
      tpu.wait_indirect_dma semaphore(%arg14 : memref<!tpu.dma_semaphore, #tpu.memory_space<semaphore_mem>>) src(%dma_wait3A_105 : memref<10000x128xi32, #tpu.memory_space<hbm>>) dst(%arg12 : memref<128x128xi32, #tpu.memory_space<vmem>>)
      %mul3A_106 = arith.constant 128 : i32
      %mul3A_107 = arith.muli %add3A_35, %mul3A_106 : i32
      %add3A_108 = arith.addi %add3A, %mul3A_107 : i32
      %dma_start3A_109 = arith.constant 0 : i32
      %dma_start3A_110 = tpu.memref_slice %arg5[%add3A_108, %dma_start3A_109] : memref<81920x128xi32, #tpu.memory_space<hbm>> -> memref<128x128xi32, #tpu.memory_space<hbm>>
      %dma_start3A_111 = arith.constant 0 : i32
      %dma_start3A_112 = tpu.memref_slice %arg5[%add3A_108, %dma_start3A_111] : memref<81920x128xi32, #tpu.memory_space<hbm>> -> memref<128x128xi32, #tpu.memory_space<hbm>>
      tpu.enqueue_dma source(%arg11 : memref<128x128xi32, #tpu.memory_space<vmem>>) target(%dma_start3A_112 : memref<128x128xi32, #tpu.memory_space<hbm>>) target_semaphore(%arg16 : memref<!tpu.dma_semaphore, #tpu.memory_space<semaphore_mem>>)
      %mul3A_113 = arith.constant 128 : i32
      %mul3A_114 = arith.muli %add3A_35, %mul3A_113 : i32
      %add3A_115 = arith.addi %add3A, %mul3A_114 : i32
      %dma_start3A_116 = arith.constant 0 : i32
      %dma_start3A_117 = tpu.memref_slice %arg6[%add3A_115, %dma_start3A_116] : memref<81920x128xi32, #tpu.memory_space<hbm>> -> memref<128x128xi32, #tpu.memory_space<hbm>>
      %dma_start3A_118 = arith.constant 0 : i32
      %dma_start3A_119 = tpu.memref_slice %arg6[%add3A_115, %dma_start3A_118] : memref<81920x128xi32, #tpu.memory_space<hbm>> -> memref<128x128xi32, #tpu.memory_space<hbm>>
      tpu.enqueue_dma source(%arg12 : memref<128x128xi32, #tpu.memory_space<vmem>>) target(%dma_start3A_119 : memref<128x128xi32, #tpu.memory_space<hbm>>) target_semaphore(%arg16 : memref<!tpu.dma_semaphore, #tpu.memory_space<semaphore_mem>>)
    }
    %scan3A_15 = arith.constant 10 : i32
    %add3A_16 = arith.constant 128 : i32
    %add3A_17 = arith.addi %add3A, %add3A_16 : i32
    %dma_wait3A = arith.constant 0 : i32
    %dma_wait3A_18 = tpu.memref_slice %arg5[%add3A_17, %dma_wait3A] : memref<81920x128xi32, #tpu.memory_space<hbm>> -> memref<128x128xi32, #tpu.memory_space<hbm>>
    %dma_wait3A_19 = arith.constant 0 : i32
    %dma_wait3A_20 = tpu.memref_slice %arg5[%add3A_17, %dma_wait3A_19] : memref<81920x128xi32, #tpu.memory_space<hbm>> -> memref<128x128xi32, #tpu.memory_space<hbm>>
    tpu.wait_dma2 semaphore(%arg16 : memref<!tpu.dma_semaphore, #tpu.memory_space<semaphore_mem>>) src(%arg11 : memref<128x128xi32, #tpu.memory_space<vmem>>) dst(%dma_wait3A_20 : memref<128x128xi32, #tpu.memory_space<hbm>>)
    %add3A_21 = arith.constant 128 : i32
    %add3A_22 = arith.addi %add3A, %add3A_21 : i32
    %dma_wait3A_23 = arith.constant 0 : i32
    %dma_wait3A_24 = tpu.memref_slice %arg6[%add3A_22, %dma_wait3A_23] : memref<81920x128xi32, #tpu.memory_space<hbm>> -> memref<128x128xi32, #tpu.memory_space<hbm>>
    %dma_wait3A_25 = arith.constant 0 : i32
    %dma_wait3A_26 = tpu.memref_slice %arg6[%add3A_22, %dma_wait3A_25] : memref<81920x128xi32, #tpu.memory_space<hbm>> -> memref<128x128xi32, #tpu.memory_space<hbm>>
    tpu.wait_dma2 semaphore(%arg16 : memref<!tpu.dma_semaphore, #tpu.memory_space<semaphore_mem>>) src(%arg12 : memref<128x128xi32, #tpu.memory_space<vmem>>) dst(%dma_wait3A_26 : memref<128x128xi32, #tpu.memory_space<hbm>>)
    return
  }
}

#map = affine_map<(d0, d1) -> (0, 0)>
#map1 = affine_map<(d0, d1) -> (0)>
module attributes {stable_mosaic.version = 14 : i64} {
  func.func @_sc_gather(%arg0: i32, %arg1: i32, %arg2: memref<10000x128xi32, #tpu.memory_space<hbm>>, %arg3: memref<81920xi32, #tpu.memory_space<hbm>>, %arg4: memref<81920xi32, #tpu.memory_space<hbm>>, %arg5: memref<81920x128xi32, #tpu.memory_space<hbm>>, %arg6: memref<81920x128xi32, #tpu.memory_space<hbm>>, %arg7: memref<2560xi32, #tpu.memory_space<vmem>>, %arg8: memref<2560xi32, #tpu.memory_space<vmem>>, %arg9: memref<128x128xi32, #tpu.memory_space<vmem>>, %arg10: memref<128x128xi32, #tpu.memory_space<vmem>>, %arg11: memref<128x128xi32, #tpu.memory_space<vmem>>, %arg12: memref<128x128xi32, #tpu.memory_space<vmem>>, %arg13: memref<!tpu.dma_semaphore, #tpu.memory_space<semaphore_mem>>, %arg14: memref<!tpu.dma_semaphore, #tpu.memory_space<semaphore_mem>>, %arg15: memref<!tpu.dma_semaphore, #tpu.memory_space<semaphore_mem>>, %arg16: memref<!tpu.dma_semaphore, #tpu.memory_space<semaphore_mem>>) attributes {dimension_semantics = [#tpu.dimension_semantics<core_parallel>, #tpu.dimension_semantics<subcore_parallel>], iteration_bounds = array<i64: 2, 16>, scalar_prefetch = 0 : i64, scratch_operands = 10 : i64, tpu.core_type = #tpu.core_type<sc_vector_subcore>, window_params = [{transform_indices = #map}, {transform_indices = #map1}, {transform_indices = #map1}, {transform_indices = #map}, {transform_indices = #map}]} {
    %mul3A = arith.constant 40960 : i32
    %mul3A_0 = arith.muli %arg0, %mul3A : i32
    %mul3A_1 = arith.constant 2560 : i32
    %mul3A_2 = arith.muli %arg1, %mul3A_1 : i32
    %add3A = arith.addi %mul3A_0, %mul3A_2 : i32
    "tpu.region"() ({
      %run_scoped3A = tpu.sem_alloc : memref<!tpu.dma_semaphore, #tpu.memory_space<semaphore_mem>>
      %dma_start3A_27 = tpu.memref_slice %arg3[%add3A] : memref<81920xi32, #tpu.memory_space<hbm>> -> memref<2560xi32, #tpu.memory_space<hbm>>
      %dma_start3A_28 = tpu.memref_slice %arg3[%add3A] : memref<81920xi32, #tpu.memory_space<hbm>> -> memref<2560xi32, #tpu.memory_space<hbm>>
      tpu.enqueue_dma source(%dma_start3A_28 : memref<2560xi32, #tpu.memory_space<hbm>>) target(%arg7 : memref<2560xi32, #tpu.memory_space<vmem>>) target_semaphore(%run_scoped3A : memref<!tpu.dma_semaphore, #tpu.memory_space<semaphore_mem>>)
      %dma_wait3A_29 = tpu.memref_slice %arg3[%add3A] : memref<81920xi32, #tpu.memory_space<hbm>> -> memref<2560xi32, #tpu.memory_space<hbm>>
      %dma_wait3A_30 = tpu.memref_slice %arg3[%add3A] : memref<81920xi32, #tpu.memory_space<hbm>> -> memref<2560xi32, #tpu.memory_space<hbm>>
      tpu.wait_dma2 semaphore(%run_scoped3A : memref<!tpu.dma_semaphore, #tpu.memory_space<semaphore_mem>>) src(%dma_wait3A_30 : memref<2560xi32, #tpu.memory_space<hbm>>) dst(%arg7 : memref<2560xi32, #tpu.memory_space<vmem>>)
      tpu.yield
    }) : () -> ()
    "tpu.region"() ({
      %run_scoped3A = tpu.sem_alloc : memref<!tpu.dma_semaphore, #tpu.memory_space<semaphore_mem>>
      %dma_start3A_27 = tpu.memref_slice %arg4[%add3A] : memref<81920xi32, #tpu.memory_space<hbm>> -> memref<2560xi32, #tpu.memory_space<hbm>>
      %dma_start3A_28 = tpu.memref_slice %arg4[%add3A] : memref<81920xi32, #tpu.memory_space<hbm>> -> memref<2560xi32, #tpu.memory_space<hbm>>
      tpu.enqueue_dma source(%dma_start3A_28 : memref<2560xi32, #tpu.memory_space<hbm>>) target(%arg8 : memref<2560xi32, #tpu.memory_space<vmem>>) target_semaphore(%run_scoped3A : memref<!tpu.dma_semaphore, #tpu.memory_space<semaphore_mem>>)
      %dma_wait3A_29 = tpu.memref_slice %arg4[%add3A] : memref<81920xi32, #tpu.memory_space<hbm>> -> memref<2560xi32, #tpu.memory_space<hbm>>
      %dma_wait3A_30 = tpu.memref_slice %arg4[%add3A] : memref<81920xi32, #tpu.memory_space<hbm>> -> memref<2560xi32, #tpu.memory_space<hbm>>
      tpu.wait_dma2 semaphore(%run_scoped3A : memref<!tpu.dma_semaphore, #tpu.memory_space<semaphore_mem>>) src(%dma_wait3A_30 : memref<2560xi32, #tpu.memory_space<hbm>>) dst(%arg8 : memref<2560xi32, #tpu.memory_space<vmem>>)
      tpu.yield
    }) : () -> ()
    %dma_start3A = arith.constant 0 : i32
    %dma_start3A_3 = tpu.memref_slice %arg7[%dma_start3A] : memref<2560xi32, #tpu.memory_space<vmem>> -> memref<128xi32, #tpu.memory_space<vmem>>
    %dma_start3A_4 = arith.constant 0 : i32
    %dma_start3A_5 = arith.constant 0 : i32
    %dma_start3A_6 = tpu.memref_slice %arg2[%dma_start3A_4, %dma_start3A_5] : memref<10000x128xi32, #tpu.memory_space<hbm>> -> memref<10000x128xi32, #tpu.memory_space<hbm>>
    tpu.enqueue_indirect_dma source(%dma_start3A_6 : memref<10000x128xi32, #tpu.memory_space<hbm>>) target(%arg9 : memref<128x128xi32, #tpu.memory_space<vmem>>) offsets(%dma_start3A_3 : memref<128xi32, #tpu.memory_space<vmem>>) semaphore(%arg13 : memref<!tpu.dma_semaphore, #tpu.memory_space<semaphore_mem>>)
    %dma_start3A_7 = arith.constant 0 : i32
    %dma_start3A_8 = tpu.memref_slice %arg8[%dma_start3A_7] : memref<2560xi32, #tpu.memory_space<vmem>> -> memref<128xi32, #tpu.memory_space<vmem>>
    %dma_start3A_9 = arith.constant 0 : i32
    %dma_start3A_10 = arith.constant 0 : i32
    %dma_start3A_11 = tpu.memref_slice %arg2[%dma_start3A_9, %dma_start3A_10] : memref<10000x128xi32, #tpu.memory_space<hbm>> -> memref<10000x128xi32, #tpu.memory_space<hbm>>
    tpu.enqueue_indirect_dma source(%dma_start3A_11 : memref<10000x128xi32, #tpu.memory_space<hbm>>) target(%arg10 : memref<128x128xi32, #tpu.memory_space<vmem>>) offsets(%dma_start3A_8 : memref<128xi32, #tpu.memory_space<vmem>>) semaphore(%arg13 : memref<!tpu.dma_semaphore, #tpu.memory_space<semaphore_mem>>)
    %scan3A = arith.constant 0 : i32
    %scan3A_12 = arith.constant 10 : i32
    %scan3A_13 = arith.addi %scan3A, %scan3A_12 : i32
    %scan3A_14 = arith.constant 1 : i32
    scf.for %scan3A_27 = %scan3A to %scan3A_13 step %scan3A_14  : i32 {
      %mul3A_28 = arith.constant 1 : i32
      %mul3A_29 = arith.muli %scan3A_27, %mul3A_28 : i32
      %add3A_30 = arith.constant 0 : i32
      %add3A_31 = arith.addi %add3A_30, %mul3A_29 : i32
      %mul3A_32 = arith.constant 2 : i32
      %mul3A_33 = arith.muli %mul3A_32, %add3A_31 : i32
      %add3A_34 = arith.constant 1 : i32
      %add3A_35 = arith.addi %mul3A_33, %add3A_34 : i32
      %gt3A = arith.constant 0 : i32
      %gt3A_36 = arith.cmpi sgt, %add3A_31, %gt3A : i32
      %convert_element_type3A = arith.extui %gt3A_36 : i1 to i32
      %cond3A = arith.constant 0 : i32
      %cond3A_37 = arith.cmpi ne, %convert_element_type3A, %cond3A : i32
      scf.if %cond3A_37 {
        %mul3A_120 = arith.constant 128 : i32
        %mul3A_121 = arith.muli %add3A_35, %mul3A_120 : i32
        %add3A_122 = arith.addi %add3A, %mul3A_121 : i32
        %dma_wait3A_123 = arith.constant 0 : i32
        %dma_wait3A_124 = tpu.memref_slice %arg5[%add3A_122, %dma_wait3A_123] : memref<81920x128xi32, #tpu.memory_space<hbm>> -> memref<128x128xi32, #tpu.memory_space<hbm>>
        %dma_wait3A_125 = arith.constant 0 : i32
        %dma_wait3A_126 = tpu.memref_slice %arg5[%add3A_122, %dma_wait3A_125] : memref<81920x128xi32, #tpu.memory_space<hbm>> -> memref<128x128xi32, #tpu.memory_space<hbm>>
        tpu.wait_dma2 semaphore(%arg16 : memref<!tpu.dma_semaphore, #tpu.memory_space<semaphore_mem>>) src(%arg11 : memref<128x128xi32, #tpu.memory_space<vmem>>) dst(%dma_wait3A_126 : memref<128x128xi32, #tpu.memory_space<hbm>>)
        %mul3A_127 = arith.constant 128 : i32
        %mul3A_128 = arith.muli %add3A_35, %mul3A_127 : i32
        %add3A_129 = arith.addi %add3A, %mul3A_128 : i32
        %dma_wait3A_130 = arith.constant 0 : i32
        %dma_wait3A_131 = tpu.memref_slice %arg6[%add3A_129, %dma_wait3A_130] : memref<81920x128xi32, #tpu.memory_space<hbm>> -> memref<128x128xi32, #tpu.memory_space<hbm>>
        %dma_wait3A_132 = arith.constant 0 : i32
        %dma_wait3A_133 = tpu.memref_slice %arg6[%add3A_129, %dma_wait3A_132] : memref<81920x128xi32, #tpu.memory_space<hbm>> -> memref<128x128xi32, #tpu.memory_space<hbm>>
        tpu.wait_dma2 semaphore(%arg16 : memref<!tpu.dma_semaphore, #tpu.memory_space<semaphore_mem>>) src(%arg12 : memref<128x128xi32, #tpu.memory_space<vmem>>) dst(%dma_wait3A_133 : memref<128x128xi32, #tpu.memory_space<hbm>>)
      } else {
      }
      %mul3A_38 = arith.constant 128 : i32
      %mul3A_39 = arith.muli %add3A_35, %mul3A_38 : i32
      %dma_start3A_40 = tpu.memref_slice %arg7[%mul3A_39] : memref<2560xi32, #tpu.memory_space<vmem>> -> memref<128xi32, #tpu.memory_space<vmem>>
      %dma_start3A_41 = arith.constant 0 : i32
      %dma_start3A_42 = arith.constant 0 : i32
      %dma_start3A_43 = tpu.memref_slice %arg2[%dma_start3A_41, %dma_start3A_42] : memref<10000x128xi32, #tpu.memory_space<hbm>> -> memref<10000x128xi32, #tpu.memory_space<hbm>>
      tpu.enqueue_indirect_dma source(%dma_start3A_43 : memref<10000x128xi32, #tpu.memory_space<hbm>>) target(%arg11 : memref<128x128xi32, #tpu.memory_space<vmem>>) offsets(%dma_start3A_40 : memref<128xi32, #tpu.memory_space<vmem>>) semaphore(%arg14 : memref<!tpu.dma_semaphore, #tpu.memory_space<semaphore_mem>>)
      %mul3A_44 = arith.constant 128 : i32
      %mul3A_45 = arith.muli %add3A_35, %mul3A_44 : i32
      %dma_start3A_46 = tpu.memref_slice %arg8[%mul3A_45] : memref<2560xi32, #tpu.memory_space<vmem>> -> memref<128xi32, #tpu.memory_space<vmem>>
      %dma_start3A_47 = arith.constant 0 : i32
      %dma_start3A_48 = arith.constant 0 : i32
      %dma_start3A_49 = tpu.memref_slice %arg2[%dma_start3A_47, %dma_start3A_48] : memref<10000x128xi32, #tpu.memory_space<hbm>> -> memref<10000x128xi32, #tpu.memory_space<hbm>>
      tpu.enqueue_indirect_dma source(%dma_start3A_49 : memref<10000x128xi32, #tpu.memory_space<hbm>>) target(%arg12 : memref<128x128xi32, #tpu.memory_space<vmem>>) offsets(%dma_start3A_46 : memref<128xi32, #tpu.memory_space<vmem>>) semaphore(%arg14 : memref<!tpu.dma_semaphore, #tpu.memory_space<semaphore_mem>>)
      %mul3A_50 = arith.constant 128 : i32
      %mul3A_51 = arith.muli %mul3A_33, %mul3A_50 : i32
      %dma_wait3A_52 = tpu.memref_slice %arg7[%mul3A_51] : memref<2560xi32, #tpu.memory_space<vmem>> -> memref<128xi32, #tpu.memory_space<vmem>>
      %dma_wait3A_53 = arith.constant 0 : i32
      %dma_wait3A_54 = arith.constant 0 : i32
      %dma_wait3A_55 = tpu.memref_slice %arg2[%dma_wait3A_53, %dma_wait3A_54] : memref<10000x128xi32, #tpu.memory_space<hbm>> -> memref<10000x128xi32, #tpu.memory_space<hbm>>
      tpu.wait_indirect_dma semaphore(%arg13 : memref<!tpu.dma_semaphore, #tpu.memory_space<semaphore_mem>>) src(%dma_wait3A_55 : memref<10000x128xi32, #tpu.memory_space<hbm>>) dst(%arg9 : memref<128x128xi32, #tpu.memory_space<vmem>>)
      %mul3A_56 = arith.constant 128 : i32
      %mul3A_57 = arith.muli %mul3A_33, %mul3A_56 : i32
      %dma_wait3A_58 = tpu.memref_slice %arg8[%mul3A_57] : memref<2560xi32, #tpu.memory_space<vmem>> -> memref<128xi32, #tpu.memory_space<vmem>>
      %dma_wait3A_59 = arith.constant 0 : i32
      %dma_wait3A_60 = arith.constant 0 : i32
      %dma_wait3A_61 = tpu.memref_slice %arg2[%dma_wait3A_59, %dma_wait3A_60] : memref<10000x128xi32, #tpu.memory_space<hbm>> -> memref<10000x128xi32, #tpu.memory_space<hbm>>
      tpu.wait_indirect_dma semaphore(%arg13 : memref<!tpu.dma_semaphore, #tpu.memory_space<semaphore_mem>>) src(%dma_wait3A_61 : memref<10000x128xi32, #tpu.memory_space<hbm>>) dst(%arg10 : memref<128x128xi32, #tpu.memory_space<vmem>>)
      %mul3A_62 = arith.constant 128 : i32
      %mul3A_63 = arith.muli %mul3A_33, %mul3A_62 : i32
      %add3A_64 = arith.addi %add3A, %mul3A_63 : i32
      %dma_start3A_65 = arith.constant 0 : i32
      %dma_start3A_66 = tpu.memref_slice %arg5[%add3A_64, %dma_start3A_65] : memref<81920x128xi32, #tpu.memory_space<hbm>> -> memref<128x128xi32, #tpu.memory_space<hbm>>
      %dma_start3A_67 = arith.constant 0 : i32
      %dma_start3A_68 = tpu.memref_slice %arg5[%add3A_64, %dma_start3A_67] : memref<81920x128xi32, #tpu.memory_space<hbm>> -> memref<128x128xi32, #tpu.memory_space<hbm>>
      tpu.enqueue_dma source(%arg9 : memref<128x128xi32, #tpu.memory_space<vmem>>) target(%dma_start3A_68 : memref<128x128xi32, #tpu.memory_space<hbm>>) target_semaphore(%arg15 : memref<!tpu.dma_semaphore, #tpu.memory_space<semaphore_mem>>)
      %mul3A_69 = arith.constant 128 : i32
      %mul3A_70 = arith.muli %mul3A_33, %mul3A_69 : i32
      %add3A_71 = arith.addi %add3A, %mul3A_70 : i32
      %dma_start3A_72 = arith.constant 0 : i32
      %dma_start3A_73 = tpu.memref_slice %arg6[%add3A_71, %dma_start3A_72] : memref<81920x128xi32, #tpu.memory_space<hbm>> -> memref<128x128xi32, #tpu.memory_space<hbm>>
      %dma_start3A_74 = arith.constant 0 : i32
      %dma_start3A_75 = tpu.memref_slice %arg6[%add3A_71, %dma_start3A_74] : memref<81920x128xi32, #tpu.memory_space<hbm>> -> memref<128x128xi32, #tpu.memory_space<hbm>>
      tpu.enqueue_dma source(%arg10 : memref<128x128xi32, #tpu.memory_space<vmem>>) target(%dma_start3A_75 : memref<128x128xi32, #tpu.memory_space<hbm>>) target_semaphore(%arg15 : memref<!tpu.dma_semaphore, #tpu.memory_space<semaphore_mem>>)
      %mul3A_76 = arith.constant 128 : i32
      %mul3A_77 = arith.muli %mul3A_33, %mul3A_76 : i32
      %add3A_78 = arith.addi %add3A, %mul3A_77 : i32
      %dma_wait3A_79 = arith.constant 0 : i32
      %dma_wait3A_80 = tpu.memref_slice %arg5[%add3A_78, %dma_wait3A_79] : memref<81920x128xi32, #tpu.memory_space<hbm>> -> memref<128x128xi32, #tpu.memory_space<hbm>>
      %dma_wait3A_81 = arith.constant 0 : i32
      %dma_wait3A_82 = tpu.memref_slice %arg5[%add3A_78, %dma_wait3A_81] : memref<81920x128xi32, #tpu.memory_space<hbm>> -> memref<128x128xi32, #tpu.memory_space<hbm>>
      tpu.wait_dma2 semaphore(%arg15 : memref<!tpu.dma_semaphore, #tpu.memory_space<semaphore_mem>>) src(%arg9 : memref<128x128xi32, #tpu.memory_space<vmem>>) dst(%dma_wait3A_82 : memref<128x128xi32, #tpu.memory_space<hbm>>)
      %mul3A_83 = arith.constant 128 : i32
      %mul3A_84 = arith.muli %mul3A_33, %mul3A_83 : i32
      %add3A_85 = arith.addi %add3A, %mul3A_84 : i32
      %dma_wait3A_86 = arith.constant 0 : i32
      %dma_wait3A_87 = tpu.memref_slice %arg6[%add3A_85, %dma_wait3A_86] : memref<81920x128xi32, #tpu.memory_space<hbm>> -> memref<128x128xi32, #tpu.memory_space<hbm>>
      %dma_wait3A_88 = arith.constant 0 : i32
      %dma_wait3A_89 = tpu.memref_slice %arg6[%add3A_85, %dma_wait3A_88] : memref<81920x128xi32, #tpu.memory_space<hbm>> -> memref<128x128xi32, #tpu.memory_space<hbm>>
      tpu.wait_dma2 semaphore(%arg15 : memref<!tpu.dma_semaphore, #tpu.memory_space<semaphore_mem>>) src(%arg10 : memref<128x128xi32, #tpu.memory_space<vmem>>) dst(%dma_wait3A_89 : memref<128x128xi32, #tpu.memory_space<hbm>>)
      %lt3A = arith.constant 9 : i32
      %lt3A_90 = arith.cmpi slt, %add3A_31, %lt3A : i32
      %convert_element_type3A_91 = arith.extui %lt3A_90 : i1 to i32
      %cond3A_92 = arith.constant 0 : i32
      %cond3A_93 = arith.cmpi ne, %convert_element_type3A_91, %cond3A_92 : i32
      scf.if %cond3A_93 {
        %add3A_120 = arith.constant 2 : i32
        %add3A_121 = arith.addi %mul3A_33, %add3A_120 : i32
        %mul3A_122 = arith.constant 128 : i32
        %mul3A_123 = arith.muli %add3A_121, %mul3A_122 : i32
        %dma_start3A_124 = tpu.memref_slice %arg7[%mul3A_123] : memref<2560xi32, #tpu.memory_space<vmem>> -> memref<128xi32, #tpu.memory_space<vmem>>
        %dma_start3A_125 = arith.constant 0 : i32
        %dma_start3A_126 = arith.constant 0 : i32
        %dma_start3A_127 = tpu.memref_slice %arg2[%dma_start3A_125, %dma_start3A_126] : memref<10000x128xi32, #tpu.memory_space<hbm>> -> memref<10000x128xi32, #tpu.memory_space<hbm>>
        tpu.enqueue_indirect_dma source(%dma_start3A_127 : memref<10000x128xi32, #tpu.memory_space<hbm>>) target(%arg9 : memref<128x128xi32, #tpu.memory_space<vmem>>) offsets(%dma_start3A_124 : memref<128xi32, #tpu.memory_space<vmem>>) semaphore(%arg13 : memref<!tpu.dma_semaphore, #tpu.memory_space<semaphore_mem>>)
        %add3A_128 = arith.constant 2 : i32
        %add3A_129 = arith.addi %mul3A_33, %add3A_128 : i32
        %mul3A_130 = arith.constant 128 : i32
        %mul3A_131 = arith.muli %add3A_129, %mul3A_130 : i32
        %dma_start3A_132 = tpu.memref_slice %arg8[%mul3A_131] : memref<2560xi32, #tpu.memory_space<vmem>> -> memref<128xi32, #tpu.memory_space<vmem>>
        %dma_start3A_133 = arith.constant 0 : i32
        %dma_start3A_134 = arith.constant 0 : i32
        %dma_start3A_135 = tpu.memref_slice %arg2[%dma_start3A_133, %dma_start3A_134] : memref<10000x128xi32, #tpu.memory_space<hbm>> -> memref<10000x128xi32, #tpu.memory_space<hbm>>
        tpu.enqueue_indirect_dma source(%dma_start3A_135 : memref<10000x128xi32, #tpu.memory_space<hbm>>) target(%arg10 : memref<128x128xi32, #tpu.memory_space<vmem>>) offsets(%dma_start3A_132 : memref<128xi32, #tpu.memory_space<vmem>>) semaphore(%arg13 : memref<!tpu.dma_semaphore, #tpu.memory_space<semaphore_mem>>)
      } else {
      }
      %mul3A_94 = arith.constant 128 : i32
      %mul3A_95 = arith.muli %add3A_35, %mul3A_94 : i32
      %dma_wait3A_96 = tpu.memref_slice %arg7[%mul3A_95] : memref<2560xi32, #tpu.memory_space<vmem>> -> memref<128xi32, #tpu.memory_space<vmem>>
      %dma_wait3A_97 = arith.constant 0 : i32
      %dma_wait3A_98 = arith.constant 0 : i32
      %dma_wait3A_99 = tpu.memref_slice %arg2[%dma_wait3A_97, %dma_wait3A_98] : memref<10000x128xi32, #tpu.memory_space<hbm>> -> memref<10000x128xi32, #tpu.memory_space<hbm>>
      tpu.wait_indirect_dma semaphore(%arg14 : memref<!tpu.dma_semaphore, #tpu.memory_space<semaphore_mem>>) src(%dma_wait3A_99 : memref<10000x128xi32, #tpu.memory_space<hbm>>) dst(%arg11 : memref<128x128xi32, #tpu.memory_space<vmem>>)
      %mul3A_100 = arith.constant 128 : i32
      %mul3A_101 = arith.muli %add3A_35, %mul3A_100 : i32
      %dma_wait3A_102 = tpu.memref_slice %arg8[%mul3A_101] : memref<2560xi32, #tpu.memory_space<vmem>> -> memref<128xi32, #tpu.memory_space<vmem>>
      %dma_wait3A_103 = arith.constant 0 : i32
      %dma_wait3A_104 = arith.constant 0 : i32
      %dma_wait3A_105 = tpu.memref_slice %arg2[%dma_wait3A_103, %dma_wait3A_104] : memref<10000x128xi32, #tpu.memory_space<hbm>> -> memref<10000x128xi32, #tpu.memory_space<hbm>>
      tpu.wait_indirect_dma semaphore(%arg14 : memref<!tpu.dma_semaphore, #tpu.memory_space<semaphore_mem>>) src(%dma_wait3A_105 : memref<10000x128xi32, #tpu.memory_space<hbm>>) dst(%arg12 : memref<128x128xi32, #tpu.memory_space<vmem>>)
      %mul3A_106 = arith.constant 128 : i32
      %mul3A_107 = arith.muli %add3A_35, %mul3A_106 : i32
      %add3A_108 = arith.addi %add3A, %mul3A_107 : i32
      %dma_start3A_109 = arith.constant 0 : i32
      %dma_start3A_110 = tpu.memref_slice %arg5[%add3A_108, %dma_start3A_109] : memref<81920x128xi32, #tpu.memory_space<hbm>> -> memref<128x128xi32, #tpu.memory_space<hbm>>
      %dma_start3A_111 = arith.constant 0 : i32
      %dma_start3A_112 = tpu.memref_slice %arg5[%add3A_108, %dma_start3A_111] : memref<81920x128xi32, #tpu.memory_space<hbm>> -> memref<128x128xi32, #tpu.memory_space<hbm>>
      tpu.enqueue_dma source(%arg11 : memref<128x128xi32, #tpu.memory_space<vmem>>) target(%dma_start3A_112 : memref<128x128xi32, #tpu.memory_space<hbm>>) target_semaphore(%arg16 : memref<!tpu.dma_semaphore, #tpu.memory_space<semaphore_mem>>)
      %mul3A_113 = arith.constant 128 : i32
      %mul3A_114 = arith.muli %add3A_35, %mul3A_113 : i32
      %add3A_115 = arith.addi %add3A, %mul3A_114 : i32
      %dma_start3A_116 = arith.constant 0 : i32
      %dma_start3A_117 = tpu.memref_slice %arg6[%add3A_115, %dma_start3A_116] : memref<81920x128xi32, #tpu.memory_space<hbm>> -> memref<128x128xi32, #tpu.memory_space<hbm>>
      %dma_start3A_118 = arith.constant 0 : i32
      %dma_start3A_119 = tpu.memref_slice %arg6[%add3A_115, %dma_start3A_118] : memref<81920x128xi32, #tpu.memory_space<hbm>> -> memref<128x128xi32, #tpu.memory_space<hbm>>
      tpu.enqueue_dma source(%arg12 : memref<128x128xi32, #tpu.memory_space<vmem>>) target(%dma_start3A_119 : memref<128x128xi32, #tpu.memory_space<hbm>>) target_semaphore(%arg16 : memref<!tpu.dma_semaphore, #tpu.memory_space<semaphore_mem>>)
    }
    %scan3A_15 = arith.constant 10 : i32
    %add3A_16 = arith.constant 128 : i32
    %add3A_17 = arith.addi %add3A, %add3A_16 : i32
    %dma_wait3A = arith.constant 0 : i32
    %dma_wait3A_18 = tpu.memref_slice %arg5[%add3A_17, %dma_wait3A] : memref<81920x128xi32, #tpu.memory_space<hbm>> -> memref<128x128xi32, #tpu.memory_space<hbm>>
    %dma_wait3A_19 = arith.constant 0 : i32
    %dma_wait3A_20 = tpu.memref_slice %arg5[%add3A_17, %dma_wait3A_19] : memref<81920x128xi32, #tpu.memory_space<hbm>> -> memref<128x128xi32, #tpu.memory_space<hbm>>
    tpu.wait_dma2 semaphore(%arg16 : memref<!tpu.dma_semaphore, #tpu.memory_space<semaphore_mem>>) src(%arg11 : memref<128x128xi32, #tpu.memory_space<vmem>>) dst(%dma_wait3A_20 : memref<128x128xi32, #tpu.memory_space<hbm>>)
    %add3A_21 = arith.constant 128 : i32
    %add3A_22 = arith.addi %add3A, %add3A_21 : i32
    %dma_wait3A_23 = arith.constant 0 : i32
    %dma_wait3A_24 = tpu.memref_slice %arg6[%add3A_22, %dma_wait3A_23] : memref<81920x128xi32, #tpu.memory_space<hbm>> -> memref<128x128xi32, #tpu.memory_space<hbm>>
    %dma_wait3A_25 = arith.constant 0 : i32
    %dma_wait3A_26 = tpu.memref_slice %arg6[%add3A_22, %dma_wait3A_25] : memref<81920x128xi32, #tpu.memory_space<hbm>> -> memref<128x128xi32, #tpu.memory_space<hbm>>
    tpu.wait_dma2 semaphore(%arg16 : memref<!tpu.dma_semaphore, #tpu.memory_space<semaphore_mem>>) src(%arg12 : memref<128x128xi32, #tpu.memory_space<vmem>>) dst(%dma_wait3A_26 : memref<128x128xi32, #tpu.memory_space<hbm>>)
    return
  }
}

#map = affine_map<(d0, d1) -> (0, 0)>
#map1 = affine_map<(d0, d1) -> (0)>
#map2 = affine_map<(d0, d1) -> (0, 0, 0)>
module attributes {stable_mosaic.version = 14 : i64} {
  func.func @_sc_scatter(%arg0: i32, %arg1: i32, %arg2: memref<81920x128xf32, #tpu.memory_space<hbm>>, %arg3: memref<81920x128xf32, #tpu.memory_space<hbm>>, %arg4: memref<81920xi32, #tpu.memory_space<hbm>>, %arg5: memref<640x128xf32, #tpu.memory_space<hbm>>, %arg6: memref<2x10240x128xf32, #tpu.memory_space<hbm>>, %arg7: memref<2x10240x128xf32, #tpu.memory_space<hbm>>, %arg8: memref<128xi32, #tpu.memory_space<vmem>>, %arg9: memref<128x128xf32, #tpu.memory_space<vmem>>, %arg10: memref<10240x128xf32, #tpu.memory_space<vmem_shared>>) attributes {dimension_semantics = [#tpu.dimension_semantics<core_parallel>, #tpu.dimension_semantics<subcore_parallel>], iteration_bounds = array<i64: 2, 16>, scalar_prefetch = 0 : i64, scratch_operands = 3 : i64, tpu.core_type = #tpu.core_type<sc_vector_subcore>, window_params = [{transform_indices = #map}, {transform_indices = #map}, {transform_indices = #map1}, {transform_indices = #map}, {transform_indices = #map2}, {transform_indices = #map2}]} {
    %mul3A = arith.constant 40960 : i32
    %mul3A_0 = arith.muli %arg0, %mul3A : i32
    %mul3A_1 = arith.constant 2560 : i32
    %mul3A_2 = arith.muli %arg1, %mul3A_1 : i32
    %add3A = arith.addi %mul3A_0, %mul3A_2 : i32
    %mul3A_3 = arith.constant 640 : i32
    %mul3A_4 = arith.muli %arg1, %mul3A_3 : i32
    "tpu.region"() ({
      %run_scoped3A = tpu.sem_alloc : memref<!tpu.dma_semaphore, #tpu.memory_space<semaphore_mem>>
      %dma_start3A = arith.constant 0 : i32
      %dma_start3A_29 = tpu.memref_slice %arg10[%mul3A_4, %dma_start3A] : memref<10240x128xf32, #tpu.memory_space<vmem_shared>> -> memref<640x128xf32, #tpu.memory_space<vmem_shared>>
      tpu.enqueue_dma source(%arg5 : memref<640x128xf32, #tpu.memory_space<hbm>>) target(%dma_start3A_29 : memref<640x128xf32, #tpu.memory_space<vmem_shared>>) target_semaphore(%run_scoped3A : memref<!tpu.dma_semaphore, #tpu.memory_space<semaphore_mem>>)
      %dma_wait3A = arith.constant 0 : i32
      %dma_wait3A_30 = tpu.memref_slice %arg10[%mul3A_4, %dma_wait3A] : memref<10240x128xf32, #tpu.memory_space<vmem_shared>> -> memref<640x128xf32, #tpu.memory_space<vmem_shared>>
      tpu.wait_dma2 semaphore(%run_scoped3A : memref<!tpu.dma_semaphore, #tpu.memory_space<semaphore_mem>>) src(%arg5 : memref<640x128xf32, #tpu.memory_space<hbm>>) dst(%dma_wait3A_30 : memref<640x128xf32, #tpu.memory_space<vmem_shared>>)
      tpu.yield
    }) : () -> ()
    %barrier3A = arith.constant 0 : index
    tpu.barrier barrier_id(%barrier3A)
    %scan3A = arith.constant 0 : i32
    %scan3A_5 = arith.constant 20 : i32
    %scan3A_6 = arith.addi %scan3A, %scan3A_5 : i32
    %scan3A_7 = arith.constant 1 : i32
    scf.for %scan3A_29 = %scan3A to %scan3A_6 step %scan3A_7  : i32 {
      %mul3A_30 = arith.constant 1 : i32
      %mul3A_31 = arith.muli %scan3A_29, %mul3A_30 : i32
      %add3A_32 = arith.constant 0 : i32
      %add3A_33 = arith.addi %add3A_32, %mul3A_31 : i32
      %mul3A_34 = arith.constant 128 : i32
      %mul3A_35 = arith.muli %add3A_33, %mul3A_34 : i32
      %add3A_36 = arith.addi %add3A, %mul3A_35 : i32
      "tpu.region"() ({
        %run_scoped3A = tpu.sem_alloc : memref<!tpu.dma_semaphore, #tpu.memory_space<semaphore_mem>>
        %dma_start3A = tpu.memref_slice %arg4[%add3A_36] : memref<81920xi32, #tpu.memory_space<hbm>> -> memref<128xi32, #tpu.memory_space<hbm>>
        %dma_start3A_37 = tpu.memref_slice %arg4[%add3A_36] : memref<81920xi32, #tpu.memory_space<hbm>> -> memref<128xi32, #tpu.memory_space<hbm>>
        tpu.enqueue_dma source(%dma_start3A_37 : memref<128xi32, #tpu.memory_space<hbm>>) target(%arg8 : memref<128xi32, #tpu.memory_space<vmem>>) target_semaphore(%run_scoped3A : memref<!tpu.dma_semaphore, #tpu.memory_space<semaphore_mem>>)
        %dma_wait3A = tpu.memref_slice %arg4[%add3A_36] : memref<81920xi32, #tpu.memory_space<hbm>> -> memref<128xi32, #tpu.memory_space<hbm>>
        %dma_wait3A_38 = tpu.memref_slice %arg4[%add3A_36] : memref<81920xi32, #tpu.memory_space<hbm>> -> memref<128xi32, #tpu.memory_space<hbm>>
        tpu.wait_dma2 semaphore(%run_scoped3A : memref<!tpu.dma_semaphore, #tpu.memory_space<semaphore_mem>>) src(%dma_wait3A_38 : memref<128xi32, #tpu.memory_space<hbm>>) dst(%arg8 : memref<128xi32, #tpu.memory_space<vmem>>)
        tpu.yield
      }) : () -> ()
      "tpu.region"() ({
        %run_scoped3A = tpu.sem_alloc : memref<!tpu.dma_semaphore, #tpu.memory_space<semaphore_mem>>
        %dma_start3A = arith.constant 0 : i32
        %dma_start3A_37 = tpu.memref_slice %arg2[%add3A_36, %dma_start3A] : memref<81920x128xf32, #tpu.memory_space<hbm>> -> memref<128x128xf32, #tpu.memory_space<hbm>>
        %dma_start3A_38 = arith.constant 0 : i32
        %dma_start3A_39 = tpu.memref_slice %arg2[%add3A_36, %dma_start3A_38] : memref<81920x128xf32, #tpu.memory_space<hbm>> -> memref<128x128xf32, #tpu.memory_space<hbm>>
        tpu.enqueue_dma source(%dma_start3A_39 : memref<128x128xf32, #tpu.memory_space<hbm>>) target(%arg9 : memref<128x128xf32, #tpu.memory_space<vmem>>) target_semaphore(%run_scoped3A : memref<!tpu.dma_semaphore, #tpu.memory_space<semaphore_mem>>)
        %dma_wait3A = arith.constant 0 : i32
        %dma_wait3A_40 = tpu.memref_slice %arg2[%add3A_36, %dma_wait3A] : memref<81920x128xf32, #tpu.memory_space<hbm>> -> memref<128x128xf32, #tpu.memory_space<hbm>>
        %dma_wait3A_41 = arith.constant 0 : i32
        %dma_wait3A_42 = tpu.memref_slice %arg2[%add3A_36, %dma_wait3A_41] : memref<81920x128xf32, #tpu.memory_space<hbm>> -> memref<128x128xf32, #tpu.memory_space<hbm>>
        tpu.wait_dma2 semaphore(%run_scoped3A : memref<!tpu.dma_semaphore, #tpu.memory_space<semaphore_mem>>) src(%dma_wait3A_42 : memref<128x128xf32, #tpu.memory_space<hbm>>) dst(%arg9 : memref<128x128xf32, #tpu.memory_space<vmem>>)
        tpu.yield
      }) : () -> ()
      "tpu.region"() ({
        %run_scoped3A = tpu.sem_alloc : memref<!tpu.dma_semaphore, #tpu.memory_space<semaphore_mem>>
        %dma_start3A = arith.constant 0 : i32
        %dma_start3A_37 = arith.constant 0 : i32
        %dma_start3A_38 = tpu.memref_slice %arg10[%dma_start3A, %dma_start3A_37] : memref<10240x128xf32, #tpu.memory_space<vmem_shared>> -> memref<10240x128xf32, #tpu.memory_space<vmem_shared>>
        tpu.enqueue_indirect_dma source(%arg9 : memref<128x128xf32, #tpu.memory_space<vmem>>) target(%dma_start3A_38 : memref<10240x128xf32, #tpu.memory_space<vmem_shared>>) offsets(%arg8 : memref<128xi32, #tpu.memory_space<vmem>>) semaphore(%run_scoped3A : memref<!tpu.dma_semaphore, #tpu.memory_space<semaphore_mem>>) {add = true}
        %dma_wait3A = arith.constant 0 : i32
        %dma_wait3A_39 = arith.constant 0 : i32
        %dma_wait3A_40 = tpu.memref_slice %arg10[%dma_wait3A, %dma_wait3A_39] : memref<10240x128xf32, #tpu.memory_space<vmem_shared>> -> memref<10240x128xf32, #tpu.memory_space<vmem_shared>>
        tpu.wait_indirect_dma semaphore(%run_scoped3A : memref<!tpu.dma_semaphore, #tpu.memory_space<semaphore_mem>>) src(%arg9 : memref<128x128xf32, #tpu.memory_space<vmem>>) dst(%dma_wait3A_40 : memref<10240x128xf32, #tpu.memory_space<vmem_shared>>)
        tpu.yield
      }) : () -> ()
    }
    %scan3A_8 = arith.constant 20 : i32
    %barrier3A_9 = arith.constant 0 : index
    tpu.barrier barrier_id(%barrier3A_9)
    %mul3A_10 = arith.constant 640 : i32
    %mul3A_11 = arith.muli %arg1, %mul3A_10 : i32
    %mul3A_12 = arith.constant 640 : i32
    %mul3A_13 = arith.muli %arg1, %mul3A_12 : i32
    "tpu.region"() ({
      %run_scoped3A = tpu.sem_alloc : memref<!tpu.dma_semaphore, #tpu.memory_space<semaphore_mem>>
      %dma_start3A = arith.constant 0 : i32
      %dma_start3A_29 = tpu.memref_slice %arg6[%arg0, %mul3A_13, %dma_start3A] : memref<2x10240x128xf32, #tpu.memory_space<hbm>> -> memref<1x640x128xf32, #tpu.memory_space<hbm>>
      %dma_start3A_30 = tpu.memref_squeeze %dma_start3A_29 : memref<1x640x128xf32, #tpu.memory_space<hbm>> -> memref<640x128xf32, #tpu.memory_space<hbm>>
      %dma_start3A_31 = arith.constant 0 : i32
      %dma_start3A_32 = tpu.memref_slice %arg10[%mul3A_11, %dma_start3A_31] : memref<10240x128xf32, #tpu.memory_space<vmem_shared>> -> memref<640x128xf32, #tpu.memory_space<vmem_shared>>
      tpu.enqueue_dma source(%dma_start3A_32 : memref<640x128xf32, #tpu.memory_space<vmem_shared>>) target(%dma_start3A_30 : memref<640x128xf32, #tpu.memory_space<hbm>>) target_semaphore(%run_scoped3A : memref<!tpu.dma_semaphore, #tpu.memory_space<semaphore_mem>>)
      %dma_wait3A = arith.constant 0 : i32
      %dma_wait3A_33 = tpu.memref_slice %arg6[%arg0, %mul3A_13, %dma_wait3A] : memref<2x10240x128xf32, #tpu.memory_space<hbm>> -> memref<1x640x128xf32, #tpu.memory_space<hbm>>
      %dma_wait3A_34 = tpu.memref_squeeze %dma_wait3A_33 : memref<1x640x128xf32, #tpu.memory_space<hbm>> -> memref<640x128xf32, #tpu.memory_space<hbm>>
      %dma_wait3A_35 = arith.constant 0 : i32
      %dma_wait3A_36 = tpu.memref_slice %arg10[%mul3A_11, %dma_wait3A_35] : memref<10240x128xf32, #tpu.memory_space<vmem_shared>> -> memref<640x128xf32, #tpu.memory_space<vmem_shared>>
      tpu.wait_dma2 semaphore(%run_scoped3A : memref<!tpu.dma_semaphore, #tpu.memory_space<semaphore_mem>>) src(%dma_wait3A_36 : memref<640x128xf32, #tpu.memory_space<vmem_shared>>) dst(%dma_wait3A_34 : memref<640x128xf32, #tpu.memory_space<hbm>>)
      tpu.yield
    }) : () -> ()
    %barrier3A_14 = arith.constant 0 : index
    tpu.barrier barrier_id(%barrier3A_14)
    %mul3A_15 = arith.constant 640 : i32
    %mul3A_16 = arith.muli %arg1, %mul3A_15 : i32
    "tpu.region"() ({
      %run_scoped3A = tpu.sem_alloc : memref<!tpu.dma_semaphore, #tpu.memory_space<semaphore_mem>>
      %dma_start3A = arith.constant 0 : i32
      %dma_start3A_29 = tpu.memref_slice %arg10[%mul3A_16, %dma_start3A] : memref<10240x128xf32, #tpu.memory_space<vmem_shared>> -> memref<640x128xf32, #tpu.memory_space<vmem_shared>>
      tpu.enqueue_dma source(%arg5 : memref<640x128xf32, #tpu.memory_space<hbm>>) target(%dma_start3A_29 : memref<640x128xf32, #tpu.memory_space<vmem_shared>>) target_semaphore(%run_scoped3A : memref<!tpu.dma_semaphore, #tpu.memory_space<semaphore_mem>>)
      %dma_wait3A = arith.constant 0 : i32
      %dma_wait3A_30 = tpu.memref_slice %arg10[%mul3A_16, %dma_wait3A] : memref<10240x128xf32, #tpu.memory_space<vmem_shared>> -> memref<640x128xf32, #tpu.memory_space<vmem_shared>>
      tpu.wait_dma2 semaphore(%run_scoped3A : memref<!tpu.dma_semaphore, #tpu.memory_space<semaphore_mem>>) src(%arg5 : memref<640x128xf32, #tpu.memory_space<hbm>>) dst(%dma_wait3A_30 : memref<640x128xf32, #tpu.memory_space<vmem_shared>>)
      tpu.yield
    }) : () -> ()
    %barrier3A_17 = arith.constant 0 : index
    tpu.barrier barrier_id(%barrier3A_17)
    %scan3A_18 = arith.constant 0 : i32
    %scan3A_19 = arith.constant 20 : i32
    %scan3A_20 = arith.addi %scan3A_18, %scan3A_19 : i32
    %scan3A_21 = arith.constant 1 : i32
    scf.for %scan3A_29 = %scan3A_18 to %scan3A_20 step %scan3A_21  : i32 {
      %mul3A_30 = arith.constant 1 : i32
      %mul3A_31 = arith.muli %scan3A_29, %mul3A_30 : i32
      %add3A_32 = arith.constant 0 : i32
      %add3A_33 = arith.addi %add3A_32, %mul3A_31 : i32
      %mul3A_34 = arith.constant 128 : i32
      %mul3A_35 = arith.muli %add3A_33, %mul3A_34 : i32
      %add3A_36 = arith.addi %add3A, %mul3A_35 : i32
      "tpu.region"() ({
        %run_scoped3A = tpu.sem_alloc : memref<!tpu.dma_semaphore, #tpu.memory_space<semaphore_mem>>
        %dma_start3A = tpu.memref_slice %arg4[%add3A_36] : memref<81920xi32, #tpu.memory_space<hbm>> -> memref<128xi32, #tpu.memory_space<hbm>>
        %dma_start3A_37 = tpu.memref_slice %arg4[%add3A_36] : memref<81920xi32, #tpu.memory_space<hbm>> -> memref<128xi32, #tpu.memory_space<hbm>>
        tpu.enqueue_dma source(%dma_start3A_37 : memref<128xi32, #tpu.memory_space<hbm>>) target(%arg8 : memref<128xi32, #tpu.memory_space<vmem>>) target_semaphore(%run_scoped3A : memref<!tpu.dma_semaphore, #tpu.memory_space<semaphore_mem>>)
        %dma_wait3A = tpu.memref_slice %arg4[%add3A_36] : memref<81920xi32, #tpu.memory_space<hbm>> -> memref<128xi32, #tpu.memory_space<hbm>>
        %dma_wait3A_38 = tpu.memref_slice %arg4[%add3A_36] : memref<81920xi32, #tpu.memory_space<hbm>> -> memref<128xi32, #tpu.memory_space<hbm>>
        tpu.wait_dma2 semaphore(%run_scoped3A : memref<!tpu.dma_semaphore, #tpu.memory_space<semaphore_mem>>) src(%dma_wait3A_38 : memref<128xi32, #tpu.memory_space<hbm>>) dst(%arg8 : memref<128xi32, #tpu.memory_space<vmem>>)
        tpu.yield
      }) : () -> ()
      "tpu.region"() ({
        %run_scoped3A = tpu.sem_alloc : memref<!tpu.dma_semaphore, #tpu.memory_space<semaphore_mem>>
        %dma_start3A = arith.constant 0 : i32
        %dma_start3A_37 = tpu.memref_slice %arg3[%add3A_36, %dma_start3A] : memref<81920x128xf32, #tpu.memory_space<hbm>> -> memref<128x128xf32, #tpu.memory_space<hbm>>
        %dma_start3A_38 = arith.constant 0 : i32
        %dma_start3A_39 = tpu.memref_slice %arg3[%add3A_36, %dma_start3A_38] : memref<81920x128xf32, #tpu.memory_space<hbm>> -> memref<128x128xf32, #tpu.memory_space<hbm>>
        tpu.enqueue_dma source(%dma_start3A_39 : memref<128x128xf32, #tpu.memory_space<hbm>>) target(%arg9 : memref<128x128xf32, #tpu.memory_space<vmem>>) target_semaphore(%run_scoped3A : memref<!tpu.dma_semaphore, #tpu.memory_space<semaphore_mem>>)
        %dma_wait3A = arith.constant 0 : i32
        %dma_wait3A_40 = tpu.memref_slice %arg3[%add3A_36, %dma_wait3A] : memref<81920x128xf32, #tpu.memory_space<hbm>> -> memref<128x128xf32, #tpu.memory_space<hbm>>
        %dma_wait3A_41 = arith.constant 0 : i32
        %dma_wait3A_42 = tpu.memref_slice %arg3[%add3A_36, %dma_wait3A_41] : memref<81920x128xf32, #tpu.memory_space<hbm>> -> memref<128x128xf32, #tpu.memory_space<hbm>>
        tpu.wait_dma2 semaphore(%run_scoped3A : memref<!tpu.dma_semaphore, #tpu.memory_space<semaphore_mem>>) src(%dma_wait3A_42 : memref<128x128xf32, #tpu.memory_space<hbm>>) dst(%arg9 : memref<128x128xf32, #tpu.memory_space<vmem>>)
        tpu.yield
      }) : () -> ()
      "tpu.region"() ({
        %run_scoped3A = tpu.sem_alloc : memref<!tpu.dma_semaphore, #tpu.memory_space<semaphore_mem>>
        %dma_start3A = arith.constant 0 : i32
        %dma_start3A_37 = arith.constant 0 : i32
        %dma_start3A_38 = tpu.memref_slice %arg10[%dma_start3A, %dma_start3A_37] : memref<10240x128xf32, #tpu.memory_space<vmem_shared>> -> memref<10240x128xf32, #tpu.memory_space<vmem_shared>>
        tpu.enqueue_indirect_dma source(%arg9 : memref<128x128xf32, #tpu.memory_space<vmem>>) target(%dma_start3A_38 : memref<10240x128xf32, #tpu.memory_space<vmem_shared>>) offsets(%arg8 : memref<128xi32, #tpu.memory_space<vmem>>) semaphore(%run_scoped3A : memref<!tpu.dma_semaphore, #tpu.memory_space<semaphore_mem>>) {add = true}
        %dma_wait3A = arith.constant 0 : i32
        %dma_wait3A_39 = arith.constant 0 : i32
        %dma_wait3A_40 = tpu.memref_slice %arg10[%dma_wait3A, %dma_wait3A_39] : memref<10240x128xf32, #tpu.memory_space<vmem_shared>> -> memref<10240x128xf32, #tpu.memory_space<vmem_shared>>
        tpu.wait_indirect_dma semaphore(%run_scoped3A : memref<!tpu.dma_semaphore, #tpu.memory_space<semaphore_mem>>) src(%arg9 : memref<128x128xf32, #tpu.memory_space<vmem>>) dst(%dma_wait3A_40 : memref<10240x128xf32, #tpu.memory_space<vmem_shared>>)
        tpu.yield
      }) : () -> ()
    }
    %scan3A_22 = arith.constant 20 : i32
    %barrier3A_23 = arith.constant 0 : index
    tpu.barrier barrier_id(%barrier3A_23)
    %mul3A_24 = arith.constant 640 : i32
    %mul3A_25 = arith.muli %arg1, %mul3A_24 : i32
    %mul3A_26 = arith.constant 640 : i32
    %mul3A_27 = arith.muli %arg1, %mul3A_26 : i32
    "tpu.region"() ({
      %run_scoped3A = tpu.sem_alloc : memref<!tpu.dma_semaphore, #tpu.memory_space<semaphore_mem>>
      %dma_start3A = arith.constant 0 : i32
      %dma_start3A_29 = tpu.memref_slice %arg7[%arg0, %mul3A_27, %dma_start3A] : memref<2x10240x128xf32, #tpu.memory_space<hbm>> -> memref<1x640x128xf32, #tpu.memory_space<hbm>>
      %dma_start3A_30 = tpu.memref_squeeze %dma_start3A_29 : memref<1x640x128xf32, #tpu.memory_space<hbm>> -> memref<640x128xf32, #tpu.memory_space<hbm>>
      %dma_start3A_31 = arith.constant 0 : i32
      %dma_start3A_32 = tpu.memref_slice %arg10[%mul3A_25, %dma_start3A_31] : memref<10240x128xf32, #tpu.memory_space<vmem_shared>> -> memref<640x128xf32, #tpu.memory_space<vmem_shared>>
      tpu.enqueue_dma source(%dma_start3A_32 : memref<640x128xf32, #tpu.memory_space<vmem_shared>>) target(%dma_start3A_30 : memref<640x128xf32, #tpu.memory_space<hbm>>) target_semaphore(%run_scoped3A : memref<!tpu.dma_semaphore, #tpu.memory_space<semaphore_mem>>)
      %dma_wait3A = arith.constant 0 : i32
      %dma_wait3A_33 = tpu.memref_slice %arg7[%arg0, %mul3A_27, %dma_wait3A] : memref<2x10240x128xf32, #tpu.memory_space<hbm>> -> memref<1x640x128xf32, #tpu.memory_space<hbm>>
      %dma_wait3A_34 = tpu.memref_squeeze %dma_wait3A_33 : memref<1x640x128xf32, #tpu.memory_space<hbm>> -> memref<640x128xf32, #tpu.memory_space<hbm>>
      %dma_wait3A_35 = arith.constant 0 : i32
      %dma_wait3A_36 = tpu.memref_slice %arg10[%mul3A_25, %dma_wait3A_35] : memref<10240x128xf32, #tpu.memory_space<vmem_shared>> -> memref<640x128xf32, #tpu.memory_space<vmem_shared>>
      tpu.wait_dma2 semaphore(%run_scoped3A : memref<!tpu.dma_semaphore, #tpu.memory_space<semaphore_mem>>) src(%dma_wait3A_36 : memref<640x128xf32, #tpu.memory_space<vmem_shared>>) dst(%dma_wait3A_34 : memref<640x128xf32, #tpu.memory_space<hbm>>)
      tpu.yield
    }) : () -> ()
    %barrier3A_28 = arith.constant 0 : index
    tpu.barrier barrier_id(%barrier3A_28)
    return
  }
}

#map = affine_map<(d0, d1) -> (0, 0)>
#map1 = affine_map<(d0, d1) -> (0)>
#map2 = affine_map<(d0, d1) -> (0, 0, 0)>
module attributes {stable_mosaic.version = 14 : i64} {
  func.func @_sc_scatter(%arg0: i32, %arg1: i32, %arg2: memref<81920x128xf32, #tpu.memory_space<hbm>>, %arg3: memref<81920x128xf32, #tpu.memory_space<hbm>>, %arg4: memref<81920xi32, #tpu.memory_space<hbm>>, %arg5: memref<640x128xf32, #tpu.memory_space<hbm>>, %arg6: memref<2x10240x128xf32, #tpu.memory_space<hbm>>, %arg7: memref<2x10240x128xf32, #tpu.memory_space<hbm>>, %arg8: memref<128xi32, #tpu.memory_space<vmem>>, %arg9: memref<128x128xf32, #tpu.memory_space<vmem>>, %arg10: memref<10240x128xf32, #tpu.memory_space<vmem_shared>>) attributes {dimension_semantics = [#tpu.dimension_semantics<core_parallel>, #tpu.dimension_semantics<subcore_parallel>], iteration_bounds = array<i64: 2, 16>, scalar_prefetch = 0 : i64, scratch_operands = 3 : i64, tpu.core_type = #tpu.core_type<sc_vector_subcore>, window_params = [{transform_indices = #map}, {transform_indices = #map}, {transform_indices = #map1}, {transform_indices = #map}, {transform_indices = #map2}, {transform_indices = #map2}]} {
    %mul3A = arith.constant 40960 : i32
    %mul3A_0 = arith.muli %arg0, %mul3A : i32
    %mul3A_1 = arith.constant 2560 : i32
    %mul3A_2 = arith.muli %arg1, %mul3A_1 : i32
    %add3A = arith.addi %mul3A_0, %mul3A_2 : i32
    %mul3A_3 = arith.constant 640 : i32
    %mul3A_4 = arith.muli %arg1, %mul3A_3 : i32
    "tpu.region"() ({
      %run_scoped3A = tpu.sem_alloc : memref<!tpu.dma_semaphore, #tpu.memory_space<semaphore_mem>>
      %dma_start3A = arith.constant 0 : i32
      %dma_start3A_29 = tpu.memref_slice %arg10[%mul3A_4, %dma_start3A] : memref<10240x128xf32, #tpu.memory_space<vmem_shared>> -> memref<640x128xf32, #tpu.memory_space<vmem_shared>>
      tpu.enqueue_dma source(%arg5 : memref<640x128xf32, #tpu.memory_space<hbm>>) target(%dma_start3A_29 : memref<640x128xf32, #tpu.memory_space<vmem_shared>>) target_semaphore(%run_scoped3A : memref<!tpu.dma_semaphore, #tpu.memory_space<semaphore_mem>>)
      %dma_wait3A = arith.constant 0 : i32
      %dma_wait3A_30 = tpu.memref_slice %arg10[%mul3A_4, %dma_wait3A] : memref<10240x128xf32, #tpu.memory_space<vmem_shared>> -> memref<640x128xf32, #tpu.memory_space<vmem_shared>>
      tpu.wait_dma2 semaphore(%run_scoped3A : memref<!tpu.dma_semaphore, #tpu.memory_space<semaphore_mem>>) src(%arg5 : memref<640x128xf32, #tpu.memory_space<hbm>>) dst(%dma_wait3A_30 : memref<640x128xf32, #tpu.memory_space<vmem_shared>>)
      tpu.yield
    }) : () -> ()
    %barrier3A = arith.constant 0 : index
    tpu.barrier barrier_id(%barrier3A)
    %scan3A = arith.constant 0 : i32
    %scan3A_5 = arith.constant 20 : i32
    %scan3A_6 = arith.addi %scan3A, %scan3A_5 : i32
    %scan3A_7 = arith.constant 1 : i32
    scf.for %scan3A_29 = %scan3A to %scan3A_6 step %scan3A_7  : i32 {
      %mul3A_30 = arith.constant 1 : i32
      %mul3A_31 = arith.muli %scan3A_29, %mul3A_30 : i32
      %add3A_32 = arith.constant 0 : i32
      %add3A_33 = arith.addi %add3A_32, %mul3A_31 : i32
      %mul3A_34 = arith.constant 128 : i32
      %mul3A_35 = arith.muli %add3A_33, %mul3A_34 : i32
      %add3A_36 = arith.addi %add3A, %mul3A_35 : i32
      "tpu.region"() ({
        %run_scoped3A = tpu.sem_alloc : memref<!tpu.dma_semaphore, #tpu.memory_space<semaphore_mem>>
        %dma_start3A = tpu.memref_slice %arg4[%add3A_36] : memref<81920xi32, #tpu.memory_space<hbm>> -> memref<128xi32, #tpu.memory_space<hbm>>
        %dma_start3A_37 = tpu.memref_slice %arg4[%add3A_36] : memref<81920xi32, #tpu.memory_space<hbm>> -> memref<128xi32, #tpu.memory_space<hbm>>
        tpu.enqueue_dma source(%dma_start3A_37 : memref<128xi32, #tpu.memory_space<hbm>>) target(%arg8 : memref<128xi32, #tpu.memory_space<vmem>>) target_semaphore(%run_scoped3A : memref<!tpu.dma_semaphore, #tpu.memory_space<semaphore_mem>>)
        %dma_wait3A = tpu.memref_slice %arg4[%add3A_36] : memref<81920xi32, #tpu.memory_space<hbm>> -> memref<128xi32, #tpu.memory_space<hbm>>
        %dma_wait3A_38 = tpu.memref_slice %arg4[%add3A_36] : memref<81920xi32, #tpu.memory_space<hbm>> -> memref<128xi32, #tpu.memory_space<hbm>>
        tpu.wait_dma2 semaphore(%run_scoped3A : memref<!tpu.dma_semaphore, #tpu.memory_space<semaphore_mem>>) src(%dma_wait3A_38 : memref<128xi32, #tpu.memory_space<hbm>>) dst(%arg8 : memref<128xi32, #tpu.memory_space<vmem>>)
        tpu.yield
      }) : () -> ()
      "tpu.region"() ({
        %run_scoped3A = tpu.sem_alloc : memref<!tpu.dma_semaphore, #tpu.memory_space<semaphore_mem>>
        %dma_start3A = arith.constant 0 : i32
        %dma_start3A_37 = tpu.memref_slice %arg2[%add3A_36, %dma_start3A] : memref<81920x128xf32, #tpu.memory_space<hbm>> -> memref<128x128xf32, #tpu.memory_space<hbm>>
        %dma_start3A_38 = arith.constant 0 : i32
        %dma_start3A_39 = tpu.memref_slice %arg2[%add3A_36, %dma_start3A_38] : memref<81920x128xf32, #tpu.memory_space<hbm>> -> memref<128x128xf32, #tpu.memory_space<hbm>>
        tpu.enqueue_dma source(%dma_start3A_39 : memref<128x128xf32, #tpu.memory_space<hbm>>) target(%arg9 : memref<128x128xf32, #tpu.memory_space<vmem>>) target_semaphore(%run_scoped3A : memref<!tpu.dma_semaphore, #tpu.memory_space<semaphore_mem>>)
        %dma_wait3A = arith.constant 0 : i32
        %dma_wait3A_40 = tpu.memref_slice %arg2[%add3A_36, %dma_wait3A] : memref<81920x128xf32, #tpu.memory_space<hbm>> -> memref<128x128xf32, #tpu.memory_space<hbm>>
        %dma_wait3A_41 = arith.constant 0 : i32
        %dma_wait3A_42 = tpu.memref_slice %arg2[%add3A_36, %dma_wait3A_41] : memref<81920x128xf32, #tpu.memory_space<hbm>> -> memref<128x128xf32, #tpu.memory_space<hbm>>
        tpu.wait_dma2 semaphore(%run_scoped3A : memref<!tpu.dma_semaphore, #tpu.memory_space<semaphore_mem>>) src(%dma_wait3A_42 : memref<128x128xf32, #tpu.memory_space<hbm>>) dst(%arg9 : memref<128x128xf32, #tpu.memory_space<vmem>>)
        tpu.yield
      }) : () -> ()
      "tpu.region"() ({
        %run_scoped3A = tpu.sem_alloc : memref<!tpu.dma_semaphore, #tpu.memory_space<semaphore_mem>>
        %dma_start3A = arith.constant 0 : i32
        %dma_start3A_37 = arith.constant 0 : i32
        %dma_start3A_38 = tpu.memref_slice %arg10[%dma_start3A, %dma_start3A_37] : memref<10240x128xf32, #tpu.memory_space<vmem_shared>> -> memref<10240x128xf32, #tpu.memory_space<vmem_shared>>
        tpu.enqueue_indirect_dma source(%arg9 : memref<128x128xf32, #tpu.memory_space<vmem>>) target(%dma_start3A_38 : memref<10240x128xf32, #tpu.memory_space<vmem_shared>>) offsets(%arg8 : memref<128xi32, #tpu.memory_space<vmem>>) semaphore(%run_scoped3A : memref<!tpu.dma_semaphore, #tpu.memory_space<semaphore_mem>>) {add = true}
        %dma_wait3A = arith.constant 0 : i32
        %dma_wait3A_39 = arith.constant 0 : i32
        %dma_wait3A_40 = tpu.memref_slice %arg10[%dma_wait3A, %dma_wait3A_39] : memref<10240x128xf32, #tpu.memory_space<vmem_shared>> -> memref<10240x128xf32, #tpu.memory_space<vmem_shared>>
        tpu.wait_indirect_dma semaphore(%run_scoped3A : memref<!tpu.dma_semaphore, #tpu.memory_space<semaphore_mem>>) src(%arg9 : memref<128x128xf32, #tpu.memory_space<vmem>>) dst(%dma_wait3A_40 : memref<10240x128xf32, #tpu.memory_space<vmem_shared>>)
        tpu.yield
      }) : () -> ()
    }
    %scan3A_8 = arith.constant 20 : i32
    %barrier3A_9 = arith.constant 0 : index
    tpu.barrier barrier_id(%barrier3A_9)
    %mul3A_10 = arith.constant 640 : i32
    %mul3A_11 = arith.muli %arg1, %mul3A_10 : i32
    %mul3A_12 = arith.constant 640 : i32
    %mul3A_13 = arith.muli %arg1, %mul3A_12 : i32
    "tpu.region"() ({
      %run_scoped3A = tpu.sem_alloc : memref<!tpu.dma_semaphore, #tpu.memory_space<semaphore_mem>>
      %dma_start3A = arith.constant 0 : i32
      %dma_start3A_29 = tpu.memref_slice %arg6[%arg0, %mul3A_13, %dma_start3A] : memref<2x10240x128xf32, #tpu.memory_space<hbm>> -> memref<1x640x128xf32, #tpu.memory_space<hbm>>
      %dma_start3A_30 = tpu.memref_squeeze %dma_start3A_29 : memref<1x640x128xf32, #tpu.memory_space<hbm>> -> memref<640x128xf32, #tpu.memory_space<hbm>>
      %dma_start3A_31 = arith.constant 0 : i32
      %dma_start3A_32 = tpu.memref_slice %arg10[%mul3A_11, %dma_start3A_31] : memref<10240x128xf32, #tpu.memory_space<vmem_shared>> -> memref<640x128xf32, #tpu.memory_space<vmem_shared>>
      tpu.enqueue_dma source(%dma_start3A_32 : memref<640x128xf32, #tpu.memory_space<vmem_shared>>) target(%dma_start3A_30 : memref<640x128xf32, #tpu.memory_space<hbm>>) target_semaphore(%run_scoped3A : memref<!tpu.dma_semaphore, #tpu.memory_space<semaphore_mem>>)
      %dma_wait3A = arith.constant 0 : i32
      %dma_wait3A_33 = tpu.memref_slice %arg6[%arg0, %mul3A_13, %dma_wait3A] : memref<2x10240x128xf32, #tpu.memory_space<hbm>> -> memref<1x640x128xf32, #tpu.memory_space<hbm>>
      %dma_wait3A_34 = tpu.memref_squeeze %dma_wait3A_33 : memref<1x640x128xf32, #tpu.memory_space<hbm>> -> memref<640x128xf32, #tpu.memory_space<hbm>>
      %dma_wait3A_35 = arith.constant 0 : i32
      %dma_wait3A_36 = tpu.memref_slice %arg10[%mul3A_11, %dma_wait3A_35] : memref<10240x128xf32, #tpu.memory_space<vmem_shared>> -> memref<640x128xf32, #tpu.memory_space<vmem_shared>>
      tpu.wait_dma2 semaphore(%run_scoped3A : memref<!tpu.dma_semaphore, #tpu.memory_space<semaphore_mem>>) src(%dma_wait3A_36 : memref<640x128xf32, #tpu.memory_space<vmem_shared>>) dst(%dma_wait3A_34 : memref<640x128xf32, #tpu.memory_space<hbm>>)
      tpu.yield
    }) : () -> ()
    %barrier3A_14 = arith.constant 0 : index
    tpu.barrier barrier_id(%barrier3A_14)
    %mul3A_15 = arith.constant 640 : i32
    %mul3A_16 = arith.muli %arg1, %mul3A_15 : i32
    "tpu.region"() ({
      %run_scoped3A = tpu.sem_alloc : memref<!tpu.dma_semaphore, #tpu.memory_space<semaphore_mem>>
      %dma_start3A = arith.constant 0 : i32
      %dma_start3A_29 = tpu.memref_slice %arg10[%mul3A_16, %dma_start3A] : memref<10240x128xf32, #tpu.memory_space<vmem_shared>> -> memref<640x128xf32, #tpu.memory_space<vmem_shared>>
      tpu.enqueue_dma source(%arg5 : memref<640x128xf32, #tpu.memory_space<hbm>>) target(%dma_start3A_29 : memref<640x128xf32, #tpu.memory_space<vmem_shared>>) target_semaphore(%run_scoped3A : memref<!tpu.dma_semaphore, #tpu.memory_space<semaphore_mem>>)
      %dma_wait3A = arith.constant 0 : i32
      %dma_wait3A_30 = tpu.memref_slice %arg10[%mul3A_16, %dma_wait3A] : memref<10240x128xf32, #tpu.memory_space<vmem_shared>> -> memref<640x128xf32, #tpu.memory_space<vmem_shared>>
      tpu.wait_dma2 semaphore(%run_scoped3A : memref<!tpu.dma_semaphore, #tpu.memory_space<semaphore_mem>>) src(%arg5 : memref<640x128xf32, #tpu.memory_space<hbm>>) dst(%dma_wait3A_30 : memref<640x128xf32, #tpu.memory_space<vmem_shared>>)
      tpu.yield
    }) : () -> ()
    %barrier3A_17 = arith.constant 0 : index
    tpu.barrier barrier_id(%barrier3A_17)
    %scan3A_18 = arith.constant 0 : i32
    %scan3A_19 = arith.constant 20 : i32
    %scan3A_20 = arith.addi %scan3A_18, %scan3A_19 : i32
    %scan3A_21 = arith.constant 1 : i32
    scf.for %scan3A_29 = %scan3A_18 to %scan3A_20 step %scan3A_21  : i32 {
      %mul3A_30 = arith.constant 1 : i32
      %mul3A_31 = arith.muli %scan3A_29, %mul3A_30 : i32
      %add3A_32 = arith.constant 0 : i32
      %add3A_33 = arith.addi %add3A_32, %mul3A_31 : i32
      %mul3A_34 = arith.constant 128 : i32
      %mul3A_35 = arith.muli %add3A_33, %mul3A_34 : i32
      %add3A_36 = arith.addi %add3A, %mul3A_35 : i32
      "tpu.region"() ({
        %run_scoped3A = tpu.sem_alloc : memref<!tpu.dma_semaphore, #tpu.memory_space<semaphore_mem>>
        %dma_start3A = tpu.memref_slice %arg4[%add3A_36] : memref<81920xi32, #tpu.memory_space<hbm>> -> memref<128xi32, #tpu.memory_space<hbm>>
        %dma_start3A_37 = tpu.memref_slice %arg4[%add3A_36] : memref<81920xi32, #tpu.memory_space<hbm>> -> memref<128xi32, #tpu.memory_space<hbm>>
        tpu.enqueue_dma source(%dma_start3A_37 : memref<128xi32, #tpu.memory_space<hbm>>) target(%arg8 : memref<128xi32, #tpu.memory_space<vmem>>) target_semaphore(%run_scoped3A : memref<!tpu.dma_semaphore, #tpu.memory_space<semaphore_mem>>)
        %dma_wait3A = tpu.memref_slice %arg4[%add3A_36] : memref<81920xi32, #tpu.memory_space<hbm>> -> memref<128xi32, #tpu.memory_space<hbm>>
        %dma_wait3A_38 = tpu.memref_slice %arg4[%add3A_36] : memref<81920xi32, #tpu.memory_space<hbm>> -> memref<128xi32, #tpu.memory_space<hbm>>
        tpu.wait_dma2 semaphore(%run_scoped3A : memref<!tpu.dma_semaphore, #tpu.memory_space<semaphore_mem>>) src(%dma_wait3A_38 : memref<128xi32, #tpu.memory_space<hbm>>) dst(%arg8 : memref<128xi32, #tpu.memory_space<vmem>>)
        tpu.yield
      }) : () -> ()
      "tpu.region"() ({
        %run_scoped3A = tpu.sem_alloc : memref<!tpu.dma_semaphore, #tpu.memory_space<semaphore_mem>>
        %dma_start3A = arith.constant 0 : i32
        %dma_start3A_37 = tpu.memref_slice %arg3[%add3A_36, %dma_start3A] : memref<81920x128xf32, #tpu.memory_space<hbm>> -> memref<128x128xf32, #tpu.memory_space<hbm>>
        %dma_start3A_38 = arith.constant 0 : i32
        %dma_start3A_39 = tpu.memref_slice %arg3[%add3A_36, %dma_start3A_38] : memref<81920x128xf32, #tpu.memory_space<hbm>> -> memref<128x128xf32, #tpu.memory_space<hbm>>
        tpu.enqueue_dma source(%dma_start3A_39 : memref<128x128xf32, #tpu.memory_space<hbm>>) target(%arg9 : memref<128x128xf32, #tpu.memory_space<vmem>>) target_semaphore(%run_scoped3A : memref<!tpu.dma_semaphore, #tpu.memory_space<semaphore_mem>>)
        %dma_wait3A = arith.constant 0 : i32
        %dma_wait3A_40 = tpu.memref_slice %arg3[%add3A_36, %dma_wait3A] : memref<81920x128xf32, #tpu.memory_space<hbm>> -> memref<128x128xf32, #tpu.memory_space<hbm>>
        %dma_wait3A_41 = arith.constant 0 : i32
        %dma_wait3A_42 = tpu.memref_slice %arg3[%add3A_36, %dma_wait3A_41] : memref<81920x128xf32, #tpu.memory_space<hbm>> -> memref<128x128xf32, #tpu.memory_space<hbm>>
        tpu.wait_dma2 semaphore(%run_scoped3A : memref<!tpu.dma_semaphore, #tpu.memory_space<semaphore_mem>>) src(%dma_wait3A_42 : memref<128x128xf32, #tpu.memory_space<hbm>>) dst(%arg9 : memref<128x128xf32, #tpu.memory_space<vmem>>)
        tpu.yield
      }) : () -> ()
      "tpu.region"() ({
        %run_scoped3A = tpu.sem_alloc : memref<!tpu.dma_semaphore, #tpu.memory_space<semaphore_mem>>
        %dma_start3A = arith.constant 0 : i32
        %dma_start3A_37 = arith.constant 0 : i32
        %dma_start3A_38 = tpu.memref_slice %arg10[%dma_start3A, %dma_start3A_37] : memref<10240x128xf32, #tpu.memory_space<vmem_shared>> -> memref<10240x128xf32, #tpu.memory_space<vmem_shared>>
        tpu.enqueue_indirect_dma source(%arg9 : memref<128x128xf32, #tpu.memory_space<vmem>>) target(%dma_start3A_38 : memref<10240x128xf32, #tpu.memory_space<vmem_shared>>) offsets(%arg8 : memref<128xi32, #tpu.memory_space<vmem>>) semaphore(%run_scoped3A : memref<!tpu.dma_semaphore, #tpu.memory_space<semaphore_mem>>) {add = true}
        %dma_wait3A = arith.constant 0 : i32
        %dma_wait3A_39 = arith.constant 0 : i32
        %dma_wait3A_40 = tpu.memref_slice %arg10[%dma_wait3A, %dma_wait3A_39] : memref<10240x128xf32, #tpu.memory_space<vmem_shared>> -> memref<10240x128xf32, #tpu.memory_space<vmem_shared>>
        tpu.wait_indirect_dma semaphore(%run_scoped3A : memref<!tpu.dma_semaphore, #tpu.memory_space<semaphore_mem>>) src(%arg9 : memref<128x128xf32, #tpu.memory_space<vmem>>) dst(%dma_wait3A_40 : memref<10240x128xf32, #tpu.memory_space<vmem_shared>>)
        tpu.yield
      }) : () -> ()
    }
    %scan3A_22 = arith.constant 20 : i32
    %barrier3A_23 = arith.constant 0 : index
    tpu.barrier barrier_id(%barrier3A_23)
    %mul3A_24 = arith.constant 640 : i32
    %mul3A_25 = arith.muli %arg1, %mul3A_24 : i32
    %mul3A_26 = arith.constant 640 : i32
    %mul3A_27 = arith.muli %arg1, %mul3A_26 : i32
    "tpu.region"() ({
      %run_scoped3A = tpu.sem_alloc : memref<!tpu.dma_semaphore, #tpu.memory_space<semaphore_mem>>
      %dma_start3A = arith.constant 0 : i32
      %dma_start3A_29 = tpu.memref_slice %arg7[%arg0, %mul3A_27, %dma_start3A] : memref<2x10240x128xf32, #tpu.memory_space<hbm>> -> memref<1x640x128xf32, #tpu.memory_space<hbm>>
      %dma_start3A_30 = tpu.memref_squeeze %dma_start3A_29 : memref<1x640x128xf32, #tpu.memory_space<hbm>> -> memref<640x128xf32, #tpu.memory_space<hbm>>
      %dma_start3A_31 = arith.constant 0 : i32
      %dma_start3A_32 = tpu.memref_slice %arg10[%mul3A_25, %dma_start3A_31] : memref<10240x128xf32, #tpu.memory_space<vmem_shared>> -> memref<640x128xf32, #tpu.memory_space<vmem_shared>>
      tpu.enqueue_dma source(%dma_start3A_32 : memref<640x128xf32, #tpu.memory_space<vmem_shared>>) target(%dma_start3A_30 : memref<640x128xf32, #tpu.memory_space<hbm>>) target_semaphore(%run_scoped3A : memref<!tpu.dma_semaphore, #tpu.memory_space<semaphore_mem>>)
      %dma_wait3A = arith.constant 0 : i32
      %dma_wait3A_33 = tpu.memref_slice %arg7[%arg0, %mul3A_27, %dma_wait3A] : memref<2x10240x128xf32, #tpu.memory_space<hbm>> -> memref<1x640x128xf32, #tpu.memory_space<hbm>>
      %dma_wait3A_34 = tpu.memref_squeeze %dma_wait3A_33 : memref<1x640x128xf32, #tpu.memory_space<hbm>> -> memref<640x128xf32, #tpu.memory_space<hbm>>
      %dma_wait3A_35 = arith.constant 0 : i32
      %dma_wait3A_36 = tpu.memref_slice %arg10[%mul3A_25, %dma_wait3A_35] : memref<10240x128xf32, #tpu.memory_space<vmem_shared>> -> memref<640x128xf32, #tpu.memory_space<vmem_shared>>
      tpu.wait_dma2 semaphore(%run_scoped3A : memref<!tpu.dma_semaphore, #tpu.memory_space<semaphore_mem>>) src(%dma_wait3A_36 : memref<640x128xf32, #tpu.memory_space<vmem_shared>>) dst(%dma_wait3A_34 : memref<640x128xf32, #tpu.memory_space<hbm>>)
      tpu.yield
    }) : () -> ()
    %barrier3A_28 = arith.constant 0 : index
    tpu.barrier barrier_id(%barrier3A_28)
    return
  }
}

#map = affine_map<(d0, d1) -> (0, 0)>
#map1 = affine_map<(d0, d1) -> (0)>
#map2 = affine_map<(d0, d1) -> (0, 0, 0)>
module attributes {stable_mosaic.version = 14 : i64} {
  func.func @_sc_scatter(%arg0: i32, %arg1: i32, %arg2: memref<81920x128xf32, #tpu.memory_space<hbm>>, %arg3: memref<81920x128xf32, #tpu.memory_space<hbm>>, %arg4: memref<81920xi32, #tpu.memory_space<hbm>>, %arg5: memref<640x128xf32, #tpu.memory_space<hbm>>, %arg6: memref<2x10240x128xf32, #tpu.memory_space<hbm>>, %arg7: memref<2x10240x128xf32, #tpu.memory_space<hbm>>, %arg8: memref<128xi32, #tpu.memory_space<vmem>>, %arg9: memref<128x128xf32, #tpu.memory_space<vmem>>, %arg10: memref<10240x128xf32, #tpu.memory_space<vmem_shared>>) attributes {dimension_semantics = [#tpu.dimension_semantics<core_parallel>, #tpu.dimension_semantics<subcore_parallel>], iteration_bounds = array<i64: 2, 16>, scalar_prefetch = 0 : i64, scratch_operands = 3 : i64, tpu.core_type = #tpu.core_type<sc_vector_subcore>, window_params = [{transform_indices = #map}, {transform_indices = #map}, {transform_indices = #map1}, {transform_indices = #map}, {transform_indices = #map2}, {transform_indices = #map2}]} {
    %mul3A = arith.constant 40960 : i32
    %mul3A_0 = arith.muli %arg0, %mul3A : i32
    %mul3A_1 = arith.constant 2560 : i32
    %mul3A_2 = arith.muli %arg1, %mul3A_1 : i32
    %add3A = arith.addi %mul3A_0, %mul3A_2 : i32
    %mul3A_3 = arith.constant 640 : i32
    %mul3A_4 = arith.muli %arg1, %mul3A_3 : i32
    "tpu.region"() ({
      %run_scoped3A = tpu.sem_alloc : memref<!tpu.dma_semaphore, #tpu.memory_space<semaphore_mem>>
      %dma_start3A = arith.constant 0 : i32
      %dma_start3A_29 = tpu.memref_slice %arg10[%mul3A_4, %dma_start3A] : memref<10240x128xf32, #tpu.memory_space<vmem_shared>> -> memref<640x128xf32, #tpu.memory_space<vmem_shared>>
      tpu.enqueue_dma source(%arg5 : memref<640x128xf32, #tpu.memory_space<hbm>>) target(%dma_start3A_29 : memref<640x128xf32, #tpu.memory_space<vmem_shared>>) target_semaphore(%run_scoped3A : memref<!tpu.dma_semaphore, #tpu.memory_space<semaphore_mem>>)
      %dma_wait3A = arith.constant 0 : i32
      %dma_wait3A_30 = tpu.memref_slice %arg10[%mul3A_4, %dma_wait3A] : memref<10240x128xf32, #tpu.memory_space<vmem_shared>> -> memref<640x128xf32, #tpu.memory_space<vmem_shared>>
      tpu.wait_dma2 semaphore(%run_scoped3A : memref<!tpu.dma_semaphore, #tpu.memory_space<semaphore_mem>>) src(%arg5 : memref<640x128xf32, #tpu.memory_space<hbm>>) dst(%dma_wait3A_30 : memref<640x128xf32, #tpu.memory_space<vmem_shared>>)
      tpu.yield
    }) : () -> ()
    %barrier3A = arith.constant 0 : index
    tpu.barrier barrier_id(%barrier3A)
    %scan3A = arith.constant 0 : i32
    %scan3A_5 = arith.constant 20 : i32
    %scan3A_6 = arith.addi %scan3A, %scan3A_5 : i32
    %scan3A_7 = arith.constant 1 : i32
    scf.for %scan3A_29 = %scan3A to %scan3A_6 step %scan3A_7  : i32 {
      %mul3A_30 = arith.constant 1 : i32
      %mul3A_31 = arith.muli %scan3A_29, %mul3A_30 : i32
      %add3A_32 = arith.constant 0 : i32
      %add3A_33 = arith.addi %add3A_32, %mul3A_31 : i32
      %mul3A_34 = arith.constant 128 : i32
      %mul3A_35 = arith.muli %add3A_33, %mul3A_34 : i32
      %add3A_36 = arith.addi %add3A, %mul3A_35 : i32
      "tpu.region"() ({
        %run_scoped3A = tpu.sem_alloc : memref<!tpu.dma_semaphore, #tpu.memory_space<semaphore_mem>>
        %dma_start3A = tpu.memref_slice %arg4[%add3A_36] : memref<81920xi32, #tpu.memory_space<hbm>> -> memref<128xi32, #tpu.memory_space<hbm>>
        %dma_start3A_37 = tpu.memref_slice %arg4[%add3A_36] : memref<81920xi32, #tpu.memory_space<hbm>> -> memref<128xi32, #tpu.memory_space<hbm>>
        tpu.enqueue_dma source(%dma_start3A_37 : memref<128xi32, #tpu.memory_space<hbm>>) target(%arg8 : memref<128xi32, #tpu.memory_space<vmem>>) target_semaphore(%run_scoped3A : memref<!tpu.dma_semaphore, #tpu.memory_space<semaphore_mem>>)
        %dma_wait3A = tpu.memref_slice %arg4[%add3A_36] : memref<81920xi32, #tpu.memory_space<hbm>> -> memref<128xi32, #tpu.memory_space<hbm>>
        %dma_wait3A_38 = tpu.memref_slice %arg4[%add3A_36] : memref<81920xi32, #tpu.memory_space<hbm>> -> memref<128xi32, #tpu.memory_space<hbm>>
        tpu.wait_dma2 semaphore(%run_scoped3A : memref<!tpu.dma_semaphore, #tpu.memory_space<semaphore_mem>>) src(%dma_wait3A_38 : memref<128xi32, #tpu.memory_space<hbm>>) dst(%arg8 : memref<128xi32, #tpu.memory_space<vmem>>)
        tpu.yield
      }) : () -> ()
      "tpu.region"() ({
        %run_scoped3A = tpu.sem_alloc : memref<!tpu.dma_semaphore, #tpu.memory_space<semaphore_mem>>
        %dma_start3A = arith.constant 0 : i32
        %dma_start3A_37 = tpu.memref_slice %arg2[%add3A_36, %dma_start3A] : memref<81920x128xf32, #tpu.memory_space<hbm>> -> memref<128x128xf32, #tpu.memory_space<hbm>>
        %dma_start3A_38 = arith.constant 0 : i32
        %dma_start3A_39 = tpu.memref_slice %arg2[%add3A_36, %dma_start3A_38] : memref<81920x128xf32, #tpu.memory_space<hbm>> -> memref<128x128xf32, #tpu.memory_space<hbm>>
        tpu.enqueue_dma source(%dma_start3A_39 : memref<128x128xf32, #tpu.memory_space<hbm>>) target(%arg9 : memref<128x128xf32, #tpu.memory_space<vmem>>) target_semaphore(%run_scoped3A : memref<!tpu.dma_semaphore, #tpu.memory_space<semaphore_mem>>)
        %dma_wait3A = arith.constant 0 : i32
        %dma_wait3A_40 = tpu.memref_slice %arg2[%add3A_36, %dma_wait3A] : memref<81920x128xf32, #tpu.memory_space<hbm>> -> memref<128x128xf32, #tpu.memory_space<hbm>>
        %dma_wait3A_41 = arith.constant 0 : i32
        %dma_wait3A_42 = tpu.memref_slice %arg2[%add3A_36, %dma_wait3A_41] : memref<81920x128xf32, #tpu.memory_space<hbm>> -> memref<128x128xf32, #tpu.memory_space<hbm>>
        tpu.wait_dma2 semaphore(%run_scoped3A : memref<!tpu.dma_semaphore, #tpu.memory_space<semaphore_mem>>) src(%dma_wait3A_42 : memref<128x128xf32, #tpu.memory_space<hbm>>) dst(%arg9 : memref<128x128xf32, #tpu.memory_space<vmem>>)
        tpu.yield
      }) : () -> ()
      "tpu.region"() ({
        %run_scoped3A = tpu.sem_alloc : memref<!tpu.dma_semaphore, #tpu.memory_space<semaphore_mem>>
        %dma_start3A = arith.constant 0 : i32
        %dma_start3A_37 = arith.constant 0 : i32
        %dma_start3A_38 = tpu.memref_slice %arg10[%dma_start3A, %dma_start3A_37] : memref<10240x128xf32, #tpu.memory_space<vmem_shared>> -> memref<10240x128xf32, #tpu.memory_space<vmem_shared>>
        tpu.enqueue_indirect_dma source(%arg9 : memref<128x128xf32, #tpu.memory_space<vmem>>) target(%dma_start3A_38 : memref<10240x128xf32, #tpu.memory_space<vmem_shared>>) offsets(%arg8 : memref<128xi32, #tpu.memory_space<vmem>>) semaphore(%run_scoped3A : memref<!tpu.dma_semaphore, #tpu.memory_space<semaphore_mem>>) {add = true}
        %dma_wait3A = arith.constant 0 : i32
        %dma_wait3A_39 = arith.constant 0 : i32
        %dma_wait3A_40 = tpu.memref_slice %arg10[%dma_wait3A, %dma_wait3A_39] : memref<10240x128xf32, #tpu.memory_space<vmem_shared>> -> memref<10240x128xf32, #tpu.memory_space<vmem_shared>>
        tpu.wait_indirect_dma semaphore(%run_scoped3A : memref<!tpu.dma_semaphore, #tpu.memory_space<semaphore_mem>>) src(%arg9 : memref<128x128xf32, #tpu.memory_space<vmem>>) dst(%dma_wait3A_40 : memref<10240x128xf32, #tpu.memory_space<vmem_shared>>)
        tpu.yield
      }) : () -> ()
    }
    %scan3A_8 = arith.constant 20 : i32
    %barrier3A_9 = arith.constant 0 : index
    tpu.barrier barrier_id(%barrier3A_9)
    %mul3A_10 = arith.constant 640 : i32
    %mul3A_11 = arith.muli %arg1, %mul3A_10 : i32
    %mul3A_12 = arith.constant 640 : i32
    %mul3A_13 = arith.muli %arg1, %mul3A_12 : i32
    "tpu.region"() ({
      %run_scoped3A = tpu.sem_alloc : memref<!tpu.dma_semaphore, #tpu.memory_space<semaphore_mem>>
      %dma_start3A = arith.constant 0 : i32
      %dma_start3A_29 = tpu.memref_slice %arg6[%arg0, %mul3A_13, %dma_start3A] : memref<2x10240x128xf32, #tpu.memory_space<hbm>> -> memref<1x640x128xf32, #tpu.memory_space<hbm>>
      %dma_start3A_30 = tpu.memref_squeeze %dma_start3A_29 : memref<1x640x128xf32, #tpu.memory_space<hbm>> -> memref<640x128xf32, #tpu.memory_space<hbm>>
      %dma_start3A_31 = arith.constant 0 : i32
      %dma_start3A_32 = tpu.memref_slice %arg10[%mul3A_11, %dma_start3A_31] : memref<10240x128xf32, #tpu.memory_space<vmem_shared>> -> memref<640x128xf32, #tpu.memory_space<vmem_shared>>
      tpu.enqueue_dma source(%dma_start3A_32 : memref<640x128xf32, #tpu.memory_space<vmem_shared>>) target(%dma_start3A_30 : memref<640x128xf32, #tpu.memory_space<hbm>>) target_semaphore(%run_scoped3A : memref<!tpu.dma_semaphore, #tpu.memory_space<semaphore_mem>>)
      %dma_wait3A = arith.constant 0 : i32
      %dma_wait3A_33 = tpu.memref_slice %arg6[%arg0, %mul3A_13, %dma_wait3A] : memref<2x10240x128xf32, #tpu.memory_space<hbm>> -> memref<1x640x128xf32, #tpu.memory_space<hbm>>
      %dma_wait3A_34 = tpu.memref_squeeze %dma_wait3A_33 : memref<1x640x128xf32, #tpu.memory_space<hbm>> -> memref<640x128xf32, #tpu.memory_space<hbm>>
      %dma_wait3A_35 = arith.constant 0 : i32
      %dma_wait3A_36 = tpu.memref_slice %arg10[%mul3A_11, %dma_wait3A_35] : memref<10240x128xf32, #tpu.memory_space<vmem_shared>> -> memref<640x128xf32, #tpu.memory_space<vmem_shared>>
      tpu.wait_dma2 semaphore(%run_scoped3A : memref<!tpu.dma_semaphore, #tpu.memory_space<semaphore_mem>>) src(%dma_wait3A_36 : memref<640x128xf32, #tpu.memory_space<vmem_shared>>) dst(%dma_wait3A_34 : memref<640x128xf32, #tpu.memory_space<hbm>>)
      tpu.yield
    }) : () -> ()
    %barrier3A_14 = arith.constant 0 : index
    tpu.barrier barrier_id(%barrier3A_14)
    %mul3A_15 = arith.constant 640 : i32
    %mul3A_16 = arith.muli %arg1, %mul3A_15 : i32
    "tpu.region"() ({
      %run_scoped3A = tpu.sem_alloc : memref<!tpu.dma_semaphore, #tpu.memory_space<semaphore_mem>>
      %dma_start3A = arith.constant 0 : i32
      %dma_start3A_29 = tpu.memref_slice %arg10[%mul3A_16, %dma_start3A] : memref<10240x128xf32, #tpu.memory_space<vmem_shared>> -> memref<640x128xf32, #tpu.memory_space<vmem_shared>>
      tpu.enqueue_dma source(%arg5 : memref<640x128xf32, #tpu.memory_space<hbm>>) target(%dma_start3A_29 : memref<640x128xf32, #tpu.memory_space<vmem_shared>>) target_semaphore(%run_scoped3A : memref<!tpu.dma_semaphore, #tpu.memory_space<semaphore_mem>>)
      %dma_wait3A = arith.constant 0 : i32
      %dma_wait3A_30 = tpu.memref_slice %arg10[%mul3A_16, %dma_wait3A] : memref<10240x128xf32, #tpu.memory_space<vmem_shared>> -> memref<640x128xf32, #tpu.memory_space<vmem_shared>>
      tpu.wait_dma2 semaphore(%run_scoped3A : memref<!tpu.dma_semaphore, #tpu.memory_space<semaphore_mem>>) src(%arg5 : memref<640x128xf32, #tpu.memory_space<hbm>>) dst(%dma_wait3A_30 : memref<640x128xf32, #tpu.memory_space<vmem_shared>>)
      tpu.yield
    }) : () -> ()
    %barrier3A_17 = arith.constant 0 : index
    tpu.barrier barrier_id(%barrier3A_17)
    %scan3A_18 = arith.constant 0 : i32
    %scan3A_19 = arith.constant 20 : i32
    %scan3A_20 = arith.addi %scan3A_18, %scan3A_19 : i32
    %scan3A_21 = arith.constant 1 : i32
    scf.for %scan3A_29 = %scan3A_18 to %scan3A_20 step %scan3A_21  : i32 {
      %mul3A_30 = arith.constant 1 : i32
      %mul3A_31 = arith.muli %scan3A_29, %mul3A_30 : i32
      %add3A_32 = arith.constant 0 : i32
      %add3A_33 = arith.addi %add3A_32, %mul3A_31 : i32
      %mul3A_34 = arith.constant 128 : i32
      %mul3A_35 = arith.muli %add3A_33, %mul3A_34 : i32
      %add3A_36 = arith.addi %add3A, %mul3A_35 : i32
      "tpu.region"() ({
        %run_scoped3A = tpu.sem_alloc : memref<!tpu.dma_semaphore, #tpu.memory_space<semaphore_mem>>
        %dma_start3A = tpu.memref_slice %arg4[%add3A_36] : memref<81920xi32, #tpu.memory_space<hbm>> -> memref<128xi32, #tpu.memory_space<hbm>>
        %dma_start3A_37 = tpu.memref_slice %arg4[%add3A_36] : memref<81920xi32, #tpu.memory_space<hbm>> -> memref<128xi32, #tpu.memory_space<hbm>>
        tpu.enqueue_dma source(%dma_start3A_37 : memref<128xi32, #tpu.memory_space<hbm>>) target(%arg8 : memref<128xi32, #tpu.memory_space<vmem>>) target_semaphore(%run_scoped3A : memref<!tpu.dma_semaphore, #tpu.memory_space<semaphore_mem>>)
        %dma_wait3A = tpu.memref_slice %arg4[%add3A_36] : memref<81920xi32, #tpu.memory_space<hbm>> -> memref<128xi32, #tpu.memory_space<hbm>>
        %dma_wait3A_38 = tpu.memref_slice %arg4[%add3A_36] : memref<81920xi32, #tpu.memory_space<hbm>> -> memref<128xi32, #tpu.memory_space<hbm>>
        tpu.wait_dma2 semaphore(%run_scoped3A : memref<!tpu.dma_semaphore, #tpu.memory_space<semaphore_mem>>) src(%dma_wait3A_38 : memref<128xi32, #tpu.memory_space<hbm>>) dst(%arg8 : memref<128xi32, #tpu.memory_space<vmem>>)
        tpu.yield
      }) : () -> ()
      "tpu.region"() ({
        %run_scoped3A = tpu.sem_alloc : memref<!tpu.dma_semaphore, #tpu.memory_space<semaphore_mem>>
        %dma_start3A = arith.constant 0 : i32
        %dma_start3A_37 = tpu.memref_slice %arg3[%add3A_36, %dma_start3A] : memref<81920x128xf32, #tpu.memory_space<hbm>> -> memref<128x128xf32, #tpu.memory_space<hbm>>
        %dma_start3A_38 = arith.constant 0 : i32
        %dma_start3A_39 = tpu.memref_slice %arg3[%add3A_36, %dma_start3A_38] : memref<81920x128xf32, #tpu.memory_space<hbm>> -> memref<128x128xf32, #tpu.memory_space<hbm>>
        tpu.enqueue_dma source(%dma_start3A_39 : memref<128x128xf32, #tpu.memory_space<hbm>>) target(%arg9 : memref<128x128xf32, #tpu.memory_space<vmem>>) target_semaphore(%run_scoped3A : memref<!tpu.dma_semaphore, #tpu.memory_space<semaphore_mem>>)
        %dma_wait3A = arith.constant 0 : i32
        %dma_wait3A_40 = tpu.memref_slice %arg3[%add3A_36, %dma_wait3A] : memref<81920x128xf32, #tpu.memory_space<hbm>> -> memref<128x128xf32, #tpu.memory_space<hbm>>
        %dma_wait3A_41 = arith.constant 0 : i32
        %dma_wait3A_42 = tpu.memref_slice %arg3[%add3A_36, %dma_wait3A_41] : memref<81920x128xf32, #tpu.memory_space<hbm>> -> memref<128x128xf32, #tpu.memory_space<hbm>>
        tpu.wait_dma2 semaphore(%run_scoped3A : memref<!tpu.dma_semaphore, #tpu.memory_space<semaphore_mem>>) src(%dma_wait3A_42 : memref<128x128xf32, #tpu.memory_space<hbm>>) dst(%arg9 : memref<128x128xf32, #tpu.memory_space<vmem>>)
        tpu.yield
      }) : () -> ()
      "tpu.region"() ({
        %run_scoped3A = tpu.sem_alloc : memref<!tpu.dma_semaphore, #tpu.memory_space<semaphore_mem>>
        %dma_start3A = arith.constant 0 : i32
        %dma_start3A_37 = arith.constant 0 : i32
        %dma_start3A_38 = tpu.memref_slice %arg10[%dma_start3A, %dma_start3A_37] : memref<10240x128xf32, #tpu.memory_space<vmem_shared>> -> memref<10240x128xf32, #tpu.memory_space<vmem_shared>>
        tpu.enqueue_indirect_dma source(%arg9 : memref<128x128xf32, #tpu.memory_space<vmem>>) target(%dma_start3A_38 : memref<10240x128xf32, #tpu.memory_space<vmem_shared>>) offsets(%arg8 : memref<128xi32, #tpu.memory_space<vmem>>) semaphore(%run_scoped3A : memref<!tpu.dma_semaphore, #tpu.memory_space<semaphore_mem>>) {add = true}
        %dma_wait3A = arith.constant 0 : i32
        %dma_wait3A_39 = arith.constant 0 : i32
        %dma_wait3A_40 = tpu.memref_slice %arg10[%dma_wait3A, %dma_wait3A_39] : memref<10240x128xf32, #tpu.memory_space<vmem_shared>> -> memref<10240x128xf32, #tpu.memory_space<vmem_shared>>
        tpu.wait_indirect_dma semaphore(%run_scoped3A : memref<!tpu.dma_semaphore, #tpu.memory_space<semaphore_mem>>) src(%arg9 : memref<128x128xf32, #tpu.memory_space<vmem>>) dst(%dma_wait3A_40 : memref<10240x128xf32, #tpu.memory_space<vmem_shared>>)
        tpu.yield
      }) : () -> ()
    }
    %scan3A_22 = arith.constant 20 : i32
    %barrier3A_23 = arith.constant 0 : index
    tpu.barrier barrier_id(%barrier3A_23)
    %mul3A_24 = arith.constant 640 : i32
    %mul3A_25 = arith.muli %arg1, %mul3A_24 : i32
    %mul3A_26 = arith.constant 640 : i32
    %mul3A_27 = arith.muli %arg1, %mul3A_26 : i32
    "tpu.region"() ({
      %run_scoped3A = tpu.sem_alloc : memref<!tpu.dma_semaphore, #tpu.memory_space<semaphore_mem>>
      %dma_start3A = arith.constant 0 : i32
      %dma_start3A_29 = tpu.memref_slice %arg7[%arg0, %mul3A_27, %dma_start3A] : memref<2x10240x128xf32, #tpu.memory_space<hbm>> -> memref<1x640x128xf32, #tpu.memory_space<hbm>>
      %dma_start3A_30 = tpu.memref_squeeze %dma_start3A_29 : memref<1x640x128xf32, #tpu.memory_space<hbm>> -> memref<640x128xf32, #tpu.memory_space<hbm>>
      %dma_start3A_31 = arith.constant 0 : i32
      %dma_start3A_32 = tpu.memref_slice %arg10[%mul3A_25, %dma_start3A_31] : memref<10240x128xf32, #tpu.memory_space<vmem_shared>> -> memref<640x128xf32, #tpu.memory_space<vmem_shared>>
      tpu.enqueue_dma source(%dma_start3A_32 : memref<640x128xf32, #tpu.memory_space<vmem_shared>>) target(%dma_start3A_30 : memref<640x128xf32, #tpu.memory_space<hbm>>) target_semaphore(%run_scoped3A : memref<!tpu.dma_semaphore, #tpu.memory_space<semaphore_mem>>)
      %dma_wait3A = arith.constant 0 : i32
      %dma_wait3A_33 = tpu.memref_slice %arg7[%arg0, %mul3A_27, %dma_wait3A] : memref<2x10240x128xf32, #tpu.memory_space<hbm>> -> memref<1x640x128xf32, #tpu.memory_space<hbm>>
      %dma_wait3A_34 = tpu.memref_squeeze %dma_wait3A_33 : memref<1x640x128xf32, #tpu.memory_space<hbm>> -> memref<640x128xf32, #tpu.memory_space<hbm>>
      %dma_wait3A_35 = arith.constant 0 : i32
      %dma_wait3A_36 = tpu.memref_slice %arg10[%mul3A_25, %dma_wait3A_35] : memref<10240x128xf32, #tpu.memory_space<vmem_shared>> -> memref<640x128xf32, #tpu.memory_space<vmem_shared>>
      tpu.wait_dma2 semaphore(%run_scoped3A : memref<!tpu.dma_semaphore, #tpu.memory_space<semaphore_mem>>) src(%dma_wait3A_36 : memref<640x128xf32, #tpu.memory_space<vmem_shared>>) dst(%dma_wait3A_34 : memref<640x128xf32, #tpu.memory_space<hbm>>)
      tpu.yield
    }) : () -> ()
    %barrier3A_28 = arith.constant 0 : index
    tpu.barrier barrier_id(%barrier3A_28)
    return
  }
}

#map = affine_map<(d0, d1) -> (0, 0)>
#map1 = affine_map<(d0, d1) -> (0)>
#map2 = affine_map<(d0, d1) -> (0, 0, 0)>
module attributes {stable_mosaic.version = 14 : i64} {
  func.func @_sc_scatter(%arg0: i32, %arg1: i32, %arg2: memref<81920x128xf32, #tpu.memory_space<hbm>>, %arg3: memref<81920x128xf32, #tpu.memory_space<hbm>>, %arg4: memref<81920xi32, #tpu.memory_space<hbm>>, %arg5: memref<640x128xf32, #tpu.memory_space<hbm>>, %arg6: memref<2x10240x128xf32, #tpu.memory_space<hbm>>, %arg7: memref<2x10240x128xf32, #tpu.memory_space<hbm>>, %arg8: memref<128xi32, #tpu.memory_space<vmem>>, %arg9: memref<128x128xf32, #tpu.memory_space<vmem>>, %arg10: memref<10240x128xf32, #tpu.memory_space<vmem_shared>>) attributes {dimension_semantics = [#tpu.dimension_semantics<core_parallel>, #tpu.dimension_semantics<subcore_parallel>], iteration_bounds = array<i64: 2, 16>, scalar_prefetch = 0 : i64, scratch_operands = 3 : i64, tpu.core_type = #tpu.core_type<sc_vector_subcore>, window_params = [{transform_indices = #map}, {transform_indices = #map}, {transform_indices = #map1}, {transform_indices = #map}, {transform_indices = #map2}, {transform_indices = #map2}]} {
    %mul3A = arith.constant 40960 : i32
    %mul3A_0 = arith.muli %arg0, %mul3A : i32
    %mul3A_1 = arith.constant 2560 : i32
    %mul3A_2 = arith.muli %arg1, %mul3A_1 : i32
    %add3A = arith.addi %mul3A_0, %mul3A_2 : i32
    %mul3A_3 = arith.constant 640 : i32
    %mul3A_4 = arith.muli %arg1, %mul3A_3 : i32
    "tpu.region"() ({
      %run_scoped3A = tpu.sem_alloc : memref<!tpu.dma_semaphore, #tpu.memory_space<semaphore_mem>>
      %dma_start3A = arith.constant 0 : i32
      %dma_start3A_29 = tpu.memref_slice %arg10[%mul3A_4, %dma_start3A] : memref<10240x128xf32, #tpu.memory_space<vmem_shared>> -> memref<640x128xf32, #tpu.memory_space<vmem_shared>>
      tpu.enqueue_dma source(%arg5 : memref<640x128xf32, #tpu.memory_space<hbm>>) target(%dma_start3A_29 : memref<640x128xf32, #tpu.memory_space<vmem_shared>>) target_semaphore(%run_scoped3A : memref<!tpu.dma_semaphore, #tpu.memory_space<semaphore_mem>>)
      %dma_wait3A = arith.constant 0 : i32
      %dma_wait3A_30 = tpu.memref_slice %arg10[%mul3A_4, %dma_wait3A] : memref<10240x128xf32, #tpu.memory_space<vmem_shared>> -> memref<640x128xf32, #tpu.memory_space<vmem_shared>>
      tpu.wait_dma2 semaphore(%run_scoped3A : memref<!tpu.dma_semaphore, #tpu.memory_space<semaphore_mem>>) src(%arg5 : memref<640x128xf32, #tpu.memory_space<hbm>>) dst(%dma_wait3A_30 : memref<640x128xf32, #tpu.memory_space<vmem_shared>>)
      tpu.yield
    }) : () -> ()
    %barrier3A = arith.constant 0 : index
    tpu.barrier barrier_id(%barrier3A)
    %scan3A = arith.constant 0 : i32
    %scan3A_5 = arith.constant 20 : i32
    %scan3A_6 = arith.addi %scan3A, %scan3A_5 : i32
    %scan3A_7 = arith.constant 1 : i32
    scf.for %scan3A_29 = %scan3A to %scan3A_6 step %scan3A_7  : i32 {
      %mul3A_30 = arith.constant 1 : i32
      %mul3A_31 = arith.muli %scan3A_29, %mul3A_30 : i32
      %add3A_32 = arith.constant 0 : i32
      %add3A_33 = arith.addi %add3A_32, %mul3A_31 : i32
      %mul3A_34 = arith.constant 128 : i32
      %mul3A_35 = arith.muli %add3A_33, %mul3A_34 : i32
      %add3A_36 = arith.addi %add3A, %mul3A_35 : i32
      "tpu.region"() ({
        %run_scoped3A = tpu.sem_alloc : memref<!tpu.dma_semaphore, #tpu.memory_space<semaphore_mem>>
        %dma_start3A = tpu.memref_slice %arg4[%add3A_36] : memref<81920xi32, #tpu.memory_space<hbm>> -> memref<128xi32, #tpu.memory_space<hbm>>
        %dma_start3A_37 = tpu.memref_slice %arg4[%add3A_36] : memref<81920xi32, #tpu.memory_space<hbm>> -> memref<128xi32, #tpu.memory_space<hbm>>
        tpu.enqueue_dma source(%dma_start3A_37 : memref<128xi32, #tpu.memory_space<hbm>>) target(%arg8 : memref<128xi32, #tpu.memory_space<vmem>>) target_semaphore(%run_scoped3A : memref<!tpu.dma_semaphore, #tpu.memory_space<semaphore_mem>>)
        %dma_wait3A = tpu.memref_slice %arg4[%add3A_36] : memref<81920xi32, #tpu.memory_space<hbm>> -> memref<128xi32, #tpu.memory_space<hbm>>
        %dma_wait3A_38 = tpu.memref_slice %arg4[%add3A_36] : memref<81920xi32, #tpu.memory_space<hbm>> -> memref<128xi32, #tpu.memory_space<hbm>>
        tpu.wait_dma2 semaphore(%run_scoped3A : memref<!tpu.dma_semaphore, #tpu.memory_space<semaphore_mem>>) src(%dma_wait3A_38 : memref<128xi32, #tpu.memory_space<hbm>>) dst(%arg8 : memref<128xi32, #tpu.memory_space<vmem>>)
        tpu.yield
      }) : () -> ()
      "tpu.region"() ({
        %run_scoped3A = tpu.sem_alloc : memref<!tpu.dma_semaphore, #tpu.memory_space<semaphore_mem>>
        %dma_start3A = arith.constant 0 : i32
        %dma_start3A_37 = tpu.memref_slice %arg2[%add3A_36, %dma_start3A] : memref<81920x128xf32, #tpu.memory_space<hbm>> -> memref<128x128xf32, #tpu.memory_space<hbm>>
        %dma_start3A_38 = arith.constant 0 : i32
        %dma_start3A_39 = tpu.memref_slice %arg2[%add3A_36, %dma_start3A_38] : memref<81920x128xf32, #tpu.memory_space<hbm>> -> memref<128x128xf32, #tpu.memory_space<hbm>>
        tpu.enqueue_dma source(%dma_start3A_39 : memref<128x128xf32, #tpu.memory_space<hbm>>) target(%arg9 : memref<128x128xf32, #tpu.memory_space<vmem>>) target_semaphore(%run_scoped3A : memref<!tpu.dma_semaphore, #tpu.memory_space<semaphore_mem>>)
        %dma_wait3A = arith.constant 0 : i32
        %dma_wait3A_40 = tpu.memref_slice %arg2[%add3A_36, %dma_wait3A] : memref<81920x128xf32, #tpu.memory_space<hbm>> -> memref<128x128xf32, #tpu.memory_space<hbm>>
        %dma_wait3A_41 = arith.constant 0 : i32
        %dma_wait3A_42 = tpu.memref_slice %arg2[%add3A_36, %dma_wait3A_41] : memref<81920x128xf32, #tpu.memory_space<hbm>> -> memref<128x128xf32, #tpu.memory_space<hbm>>
        tpu.wait_dma2 semaphore(%run_scoped3A : memref<!tpu.dma_semaphore, #tpu.memory_space<semaphore_mem>>) src(%dma_wait3A_42 : memref<128x128xf32, #tpu.memory_space<hbm>>) dst(%arg9 : memref<128x128xf32, #tpu.memory_space<vmem>>)
        tpu.yield
      }) : () -> ()
      "tpu.region"() ({
        %run_scoped3A = tpu.sem_alloc : memref<!tpu.dma_semaphore, #tpu.memory_space<semaphore_mem>>
        %dma_start3A = arith.constant 0 : i32
        %dma_start3A_37 = arith.constant 0 : i32
        %dma_start3A_38 = tpu.memref_slice %arg10[%dma_start3A, %dma_start3A_37] : memref<10240x128xf32, #tpu.memory_space<vmem_shared>> -> memref<10240x128xf32, #tpu.memory_space<vmem_shared>>
        tpu.enqueue_indirect_dma source(%arg9 : memref<128x128xf32, #tpu.memory_space<vmem>>) target(%dma_start3A_38 : memref<10240x128xf32, #tpu.memory_space<vmem_shared>>) offsets(%arg8 : memref<128xi32, #tpu.memory_space<vmem>>) semaphore(%run_scoped3A : memref<!tpu.dma_semaphore, #tpu.memory_space<semaphore_mem>>) {add = true}
        %dma_wait3A = arith.constant 0 : i32
        %dma_wait3A_39 = arith.constant 0 : i32
        %dma_wait3A_40 = tpu.memref_slice %arg10[%dma_wait3A, %dma_wait3A_39] : memref<10240x128xf32, #tpu.memory_space<vmem_shared>> -> memref<10240x128xf32, #tpu.memory_space<vmem_shared>>
        tpu.wait_indirect_dma semaphore(%run_scoped3A : memref<!tpu.dma_semaphore, #tpu.memory_space<semaphore_mem>>) src(%arg9 : memref<128x128xf32, #tpu.memory_space<vmem>>) dst(%dma_wait3A_40 : memref<10240x128xf32, #tpu.memory_space<vmem_shared>>)
        tpu.yield
      }) : () -> ()
    }
    %scan3A_8 = arith.constant 20 : i32
    %barrier3A_9 = arith.constant 0 : index
    tpu.barrier barrier_id(%barrier3A_9)
    %mul3A_10 = arith.constant 640 : i32
    %mul3A_11 = arith.muli %arg1, %mul3A_10 : i32
    %mul3A_12 = arith.constant 640 : i32
    %mul3A_13 = arith.muli %arg1, %mul3A_12 : i32
    "tpu.region"() ({
      %run_scoped3A = tpu.sem_alloc : memref<!tpu.dma_semaphore, #tpu.memory_space<semaphore_mem>>
      %dma_start3A = arith.constant 0 : i32
      %dma_start3A_29 = tpu.memref_slice %arg6[%arg0, %mul3A_13, %dma_start3A] : memref<2x10240x128xf32, #tpu.memory_space<hbm>> -> memref<1x640x128xf32, #tpu.memory_space<hbm>>
      %dma_start3A_30 = tpu.memref_squeeze %dma_start3A_29 : memref<1x640x128xf32, #tpu.memory_space<hbm>> -> memref<640x128xf32, #tpu.memory_space<hbm>>
      %dma_start3A_31 = arith.constant 0 : i32
      %dma_start3A_32 = tpu.memref_slice %arg10[%mul3A_11, %dma_start3A_31] : memref<10240x128xf32, #tpu.memory_space<vmem_shared>> -> memref<640x128xf32, #tpu.memory_space<vmem_shared>>
      tpu.enqueue_dma source(%dma_start3A_32 : memref<640x128xf32, #tpu.memory_space<vmem_shared>>) target(%dma_start3A_30 : memref<640x128xf32, #tpu.memory_space<hbm>>) target_semaphore(%run_scoped3A : memref<!tpu.dma_semaphore, #tpu.memory_space<semaphore_mem>>)
      %dma_wait3A = arith.constant 0 : i32
      %dma_wait3A_33 = tpu.memref_slice %arg6[%arg0, %mul3A_13, %dma_wait3A] : memref<2x10240x128xf32, #tpu.memory_space<hbm>> -> memref<1x640x128xf32, #tpu.memory_space<hbm>>
      %dma_wait3A_34 = tpu.memref_squeeze %dma_wait3A_33 : memref<1x640x128xf32, #tpu.memory_space<hbm>> -> memref<640x128xf32, #tpu.memory_space<hbm>>
      %dma_wait3A_35 = arith.constant 0 : i32
      %dma_wait3A_36 = tpu.memref_slice %arg10[%mul3A_11, %dma_wait3A_35] : memref<10240x128xf32, #tpu.memory_space<vmem_shared>> -> memref<640x128xf32, #tpu.memory_space<vmem_shared>>
      tpu.wait_dma2 semaphore(%run_scoped3A : memref<!tpu.dma_semaphore, #tpu.memory_space<semaphore_mem>>) src(%dma_wait3A_36 : memref<640x128xf32, #tpu.memory_space<vmem_shared>>) dst(%dma_wait3A_34 : memref<640x128xf32, #tpu.memory_space<hbm>>)
      tpu.yield
    }) : () -> ()
    %barrier3A_14 = arith.constant 0 : index
    tpu.barrier barrier_id(%barrier3A_14)
    %mul3A_15 = arith.constant 640 : i32
    %mul3A_16 = arith.muli %arg1, %mul3A_15 : i32
    "tpu.region"() ({
      %run_scoped3A = tpu.sem_alloc : memref<!tpu.dma_semaphore, #tpu.memory_space<semaphore_mem>>
      %dma_start3A = arith.constant 0 : i32
      %dma_start3A_29 = tpu.memref_slice %arg10[%mul3A_16, %dma_start3A] : memref<10240x128xf32, #tpu.memory_space<vmem_shared>> -> memref<640x128xf32, #tpu.memory_space<vmem_shared>>
      tpu.enqueue_dma source(%arg5 : memref<640x128xf32, #tpu.memory_space<hbm>>) target(%dma_start3A_29 : memref<640x128xf32, #tpu.memory_space<vmem_shared>>) target_semaphore(%run_scoped3A : memref<!tpu.dma_semaphore, #tpu.memory_space<semaphore_mem>>)
      %dma_wait3A = arith.constant 0 : i32
      %dma_wait3A_30 = tpu.memref_slice %arg10[%mul3A_16, %dma_wait3A] : memref<10240x128xf32, #tpu.memory_space<vmem_shared>> -> memref<640x128xf32, #tpu.memory_space<vmem_shared>>
      tpu.wait_dma2 semaphore(%run_scoped3A : memref<!tpu.dma_semaphore, #tpu.memory_space<semaphore_mem>>) src(%arg5 : memref<640x128xf32, #tpu.memory_space<hbm>>) dst(%dma_wait3A_30 : memref<640x128xf32, #tpu.memory_space<vmem_shared>>)
      tpu.yield
    }) : () -> ()
    %barrier3A_17 = arith.constant 0 : index
    tpu.barrier barrier_id(%barrier3A_17)
    %scan3A_18 = arith.constant 0 : i32
    %scan3A_19 = arith.constant 20 : i32
    %scan3A_20 = arith.addi %scan3A_18, %scan3A_19 : i32
    %scan3A_21 = arith.constant 1 : i32
    scf.for %scan3A_29 = %scan3A_18 to %scan3A_20 step %scan3A_21  : i32 {
      %mul3A_30 = arith.constant 1 : i32
      %mul3A_31 = arith.muli %scan3A_29, %mul3A_30 : i32
      %add3A_32 = arith.constant 0 : i32
      %add3A_33 = arith.addi %add3A_32, %mul3A_31 : i32
      %mul3A_34 = arith.constant 128 : i32
      %mul3A_35 = arith.muli %add3A_33, %mul3A_34 : i32
      %add3A_36 = arith.addi %add3A, %mul3A_35 : i32
      "tpu.region"() ({
        %run_scoped3A = tpu.sem_alloc : memref<!tpu.dma_semaphore, #tpu.memory_space<semaphore_mem>>
        %dma_start3A = tpu.memref_slice %arg4[%add3A_36] : memref<81920xi32, #tpu.memory_space<hbm>> -> memref<128xi32, #tpu.memory_space<hbm>>
        %dma_start3A_37 = tpu.memref_slice %arg4[%add3A_36] : memref<81920xi32, #tpu.memory_space<hbm>> -> memref<128xi32, #tpu.memory_space<hbm>>
        tpu.enqueue_dma source(%dma_start3A_37 : memref<128xi32, #tpu.memory_space<hbm>>) target(%arg8 : memref<128xi32, #tpu.memory_space<vmem>>) target_semaphore(%run_scoped3A : memref<!tpu.dma_semaphore, #tpu.memory_space<semaphore_mem>>)
        %dma_wait3A = tpu.memref_slice %arg4[%add3A_36] : memref<81920xi32, #tpu.memory_space<hbm>> -> memref<128xi32, #tpu.memory_space<hbm>>
        %dma_wait3A_38 = tpu.memref_slice %arg4[%add3A_36] : memref<81920xi32, #tpu.memory_space<hbm>> -> memref<128xi32, #tpu.memory_space<hbm>>
        tpu.wait_dma2 semaphore(%run_scoped3A : memref<!tpu.dma_semaphore, #tpu.memory_space<semaphore_mem>>) src(%dma_wait3A_38 : memref<128xi32, #tpu.memory_space<hbm>>) dst(%arg8 : memref<128xi32, #tpu.memory_space<vmem>>)
        tpu.yield
      }) : () -> ()
      "tpu.region"() ({
        %run_scoped3A = tpu.sem_alloc : memref<!tpu.dma_semaphore, #tpu.memory_space<semaphore_mem>>
        %dma_start3A = arith.constant 0 : i32
        %dma_start3A_37 = tpu.memref_slice %arg3[%add3A_36, %dma_start3A] : memref<81920x128xf32, #tpu.memory_space<hbm>> -> memref<128x128xf32, #tpu.memory_space<hbm>>
        %dma_start3A_38 = arith.constant 0 : i32
        %dma_start3A_39 = tpu.memref_slice %arg3[%add3A_36, %dma_start3A_38] : memref<81920x128xf32, #tpu.memory_space<hbm>> -> memref<128x128xf32, #tpu.memory_space<hbm>>
        tpu.enqueue_dma source(%dma_start3A_39 : memref<128x128xf32, #tpu.memory_space<hbm>>) target(%arg9 : memref<128x128xf32, #tpu.memory_space<vmem>>) target_semaphore(%run_scoped3A : memref<!tpu.dma_semaphore, #tpu.memory_space<semaphore_mem>>)
        %dma_wait3A = arith.constant 0 : i32
        %dma_wait3A_40 = tpu.memref_slice %arg3[%add3A_36, %dma_wait3A] : memref<81920x128xf32, #tpu.memory_space<hbm>> -> memref<128x128xf32, #tpu.memory_space<hbm>>
        %dma_wait3A_41 = arith.constant 0 : i32
        %dma_wait3A_42 = tpu.memref_slice %arg3[%add3A_36, %dma_wait3A_41] : memref<81920x128xf32, #tpu.memory_space<hbm>> -> memref<128x128xf32, #tpu.memory_space<hbm>>
        tpu.wait_dma2 semaphore(%run_scoped3A : memref<!tpu.dma_semaphore, #tpu.memory_space<semaphore_mem>>) src(%dma_wait3A_42 : memref<128x128xf32, #tpu.memory_space<hbm>>) dst(%arg9 : memref<128x128xf32, #tpu.memory_space<vmem>>)
        tpu.yield
      }) : () -> ()
      "tpu.region"() ({
        %run_scoped3A = tpu.sem_alloc : memref<!tpu.dma_semaphore, #tpu.memory_space<semaphore_mem>>
        %dma_start3A = arith.constant 0 : i32
        %dma_start3A_37 = arith.constant 0 : i32
        %dma_start3A_38 = tpu.memref_slice %arg10[%dma_start3A, %dma_start3A_37] : memref<10240x128xf32, #tpu.memory_space<vmem_shared>> -> memref<10240x128xf32, #tpu.memory_space<vmem_shared>>
        tpu.enqueue_indirect_dma source(%arg9 : memref<128x128xf32, #tpu.memory_space<vmem>>) target(%dma_start3A_38 : memref<10240x128xf32, #tpu.memory_space<vmem_shared>>) offsets(%arg8 : memref<128xi32, #tpu.memory_space<vmem>>) semaphore(%run_scoped3A : memref<!tpu.dma_semaphore, #tpu.memory_space<semaphore_mem>>) {add = true}
        %dma_wait3A = arith.constant 0 : i32
        %dma_wait3A_39 = arith.constant 0 : i32
        %dma_wait3A_40 = tpu.memref_slice %arg10[%dma_wait3A, %dma_wait3A_39] : memref<10240x128xf32, #tpu.memory_space<vmem_shared>> -> memref<10240x128xf32, #tpu.memory_space<vmem_shared>>
        tpu.wait_indirect_dma semaphore(%run_scoped3A : memref<!tpu.dma_semaphore, #tpu.memory_space<semaphore_mem>>) src(%arg9 : memref<128x128xf32, #tpu.memory_space<vmem>>) dst(%dma_wait3A_40 : memref<10240x128xf32, #tpu.memory_space<vmem_shared>>)
        tpu.yield
      }) : () -> ()
    }
    %scan3A_22 = arith.constant 20 : i32
    %barrier3A_23 = arith.constant 0 : index
    tpu.barrier barrier_id(%barrier3A_23)
    %mul3A_24 = arith.constant 640 : i32
    %mul3A_25 = arith.muli %arg1, %mul3A_24 : i32
    %mul3A_26 = arith.constant 640 : i32
    %mul3A_27 = arith.muli %arg1, %mul3A_26 : i32
    "tpu.region"() ({
      %run_scoped3A = tpu.sem_alloc : memref<!tpu.dma_semaphore, #tpu.memory_space<semaphore_mem>>
      %dma_start3A = arith.constant 0 : i32
      %dma_start3A_29 = tpu.memref_slice %arg7[%arg0, %mul3A_27, %dma_start3A] : memref<2x10240x128xf32, #tpu.memory_space<hbm>> -> memref<1x640x128xf32, #tpu.memory_space<hbm>>
      %dma_start3A_30 = tpu.memref_squeeze %dma_start3A_29 : memref<1x640x128xf32, #tpu.memory_space<hbm>> -> memref<640x128xf32, #tpu.memory_space<hbm>>
      %dma_start3A_31 = arith.constant 0 : i32
      %dma_start3A_32 = tpu.memref_slice %arg10[%mul3A_25, %dma_start3A_31] : memref<10240x128xf32, #tpu.memory_space<vmem_shared>> -> memref<640x128xf32, #tpu.memory_space<vmem_shared>>
      tpu.enqueue_dma source(%dma_start3A_32 : memref<640x128xf32, #tpu.memory_space<vmem_shared>>) target(%dma_start3A_30 : memref<640x128xf32, #tpu.memory_space<hbm>>) target_semaphore(%run_scoped3A : memref<!tpu.dma_semaphore, #tpu.memory_space<semaphore_mem>>)
      %dma_wait3A = arith.constant 0 : i32
      %dma_wait3A_33 = tpu.memref_slice %arg7[%arg0, %mul3A_27, %dma_wait3A] : memref<2x10240x128xf32, #tpu.memory_space<hbm>> -> memref<1x640x128xf32, #tpu.memory_space<hbm>>
      %dma_wait3A_34 = tpu.memref_squeeze %dma_wait3A_33 : memref<1x640x128xf32, #tpu.memory_space<hbm>> -> memref<640x128xf32, #tpu.memory_space<hbm>>
      %dma_wait3A_35 = arith.constant 0 : i32
      %dma_wait3A_36 = tpu.memref_slice %arg10[%mul3A_25, %dma_wait3A_35] : memref<10240x128xf32, #tpu.memory_space<vmem_shared>> -> memref<640x128xf32, #tpu.memory_space<vmem_shared>>
      tpu.wait_dma2 semaphore(%run_scoped3A : memref<!tpu.dma_semaphore, #tpu.memory_space<semaphore_mem>>) src(%dma_wait3A_36 : memref<640x128xf32, #tpu.memory_space<vmem_shared>>) dst(%dma_wait3A_34 : memref<640x128xf32, #tpu.memory_space<hbm>>)
      tpu.yield
    }) : () -> ()
    %barrier3A_28 = arith.constant 0 : index
    tpu.barrier barrier_id(%barrier3A_28)
    return
  }
}

module attributes {stable_mosaic.version = 14 : i64} {
  func.func @_edge_body(%arg0: i32, %arg1: memref<2048x128xi32, #tpu.memory_space<vmem>>, %arg2: memref<2048x128xi32, #tpu.memory_space<vmem>>, %arg3: memref<2048x7xf32, #tpu.memory_space<vmem>>, %arg4: memref<264x128xbf16, #tpu.memory_space<vmem>>, %arg5: memref<1x128xf32, #tpu.memory_space<vmem>>, %arg6: memref<128x128xbf16, #tpu.memory_space<vmem>>, %arg7: memref<1x128xf32, #tpu.memory_space<vmem>>, %arg8: memref<264x128xbf16, #tpu.memory_space<vmem>>, %arg9: memref<1x128xf32, #tpu.memory_space<vmem>>, %arg10: memref<1x128xf32, #tpu.memory_space<vmem>>, %arg11: memref<1x1xf32, #tpu.memory_space<vmem>>, %arg12: memref<1x128xf32, #tpu.memory_space<vmem>>, %arg13: memref<1x1xf32, #tpu.memory_space<vmem>>, %arg14: memref<2048x128xf32, #tpu.memory_space<vmem>>, %arg15: memref<2048x128xf32, #tpu.memory_space<vmem>>) attributes {dimension_semantics = [#tpu.dimension_semantics<arbitrary>], iteration_bounds = array<i64: 40>, scalar_prefetch = 0 : i64, scratch_operands = 0 : i64, tpu.core_type = #tpu.core_type<tc>, window_params = [{transform_indices = @transform_0, window_bounds = array<i64: 2048, 128>}, {transform_indices = @transform_1, window_bounds = array<i64: 2048, 128>}, {transform_indices = @transform_2, window_bounds = array<i64: 2048, 7>}, {pipeline_mode = #tpu.pipeline_mode<synchronous>, transform_indices = @transform_3, window_bounds = array<i64: 264, 128>}, {pipeline_mode = #tpu.pipeline_mode<synchronous>, transform_indices = @transform_4, window_bounds = array<i64: 1, 128>}, {pipeline_mode = #tpu.pipeline_mode<synchronous>, transform_indices = @transform_5, window_bounds = array<i64: 128, 128>}, {pipeline_mode = #tpu.pipeline_mode<synchronous>, transform_indices = @transform_6, window_bounds = array<i64: 1, 128>}, {pipeline_mode = #tpu.pipeline_mode<synchronous>, transform_indices = @transform_7, window_bounds = array<i64: 264, 128>}, {pipeline_mode = #tpu.pipeline_mode<synchronous>, transform_indices = @transform_8, window_bounds = array<i64: 1, 128>}, {pipeline_mode = #tpu.pipeline_mode<synchronous>, transform_indices = @transform_9, window_bounds = array<i64: 1, 128>}, {pipeline_mode = #tpu.pipeline_mode<synchronous>, transform_indices = @transform_10, window_bounds = array<i64: 1, 1>}, {pipeline_mode = #tpu.pipeline_mode<synchronous>, transform_indices = @transform_11, window_bounds = array<i64: 1, 128>}, {pipeline_mode = #tpu.pipeline_mode<synchronous>, transform_indices = @transform_12, window_bounds = array<i64: 1, 1>}, {transform_indices = @transform_13, window_bounds = array<i64: 2048, 128>}, {transform_indices = @transform_14, window_bounds = array<i64: 2048, 128>}]} {
    %get3A = arith.constant 0 : index
    %get3A_0 = arith.constant 0 : index
    %get3A_1 = vector.load %arg1[%get3A, %get3A_0] : memref<2048x128xi32, #tpu.memory_space<vmem>>, vector<2048x128xi32>
    %slice3A = vector.extract_strided_slice %get3A_1 {offsets = [0, 0], sizes = [2048, 64], strides = [1, 1]} : vector<2048x128xi32> to vector<2048x64xi32>
    %shift_left3A = arith.constant 16 : i32
    %shift_left3A_2 = vector.broadcast %shift_left3A : i32 to vector<2048x64xi32>
    %shift_left3A_3 = arith.shli %slice3A, %shift_left3A_2 : vector<2048x64xi32>
    %bitcast_convert_type3A = tpu.bitcast %shift_left3A_3 : vector<2048x64xi32> -> vector<2048x64xf32>
    %and3A = arith.constant -65536 : i32
    %and3A_4 = vector.broadcast %and3A : i32 to vector<2048x64xi32>
    %and3A_5 = arith.andi %slice3A, %and3A_4 : vector<2048x64xi32>
    %bitcast_convert_type3A_6 = tpu.bitcast %and3A_5 : vector<2048x64xi32> -> vector<2048x64xf32>
    %concatenate3A = tpu.concatenate %bitcast_convert_type3A, %bitcast_convert_type3A_6 in 1 : vector<2048x64xf32>, vector<2048x64xf32> -> vector<2048x128xf32>
    %convert_element_type3A = arith.truncf %concatenate3A : vector<2048x128xf32> to vector<2048x128xbf16>
    %slice3A_7 = vector.extract_strided_slice %get3A_1 {offsets = [0, 64], sizes = [2048, 8], strides = [1, 1]} : vector<2048x128xi32> to vector<2048x8xi32>
    %bitcast_convert_type3A_8 = tpu.bitcast %slice3A_7 : vector<2048x8xi32> -> vector<2048x8xf32>
    %get3A_9 = arith.constant 0 : index
    %get3A_10 = arith.constant 0 : index
    %get3A_11 = vector.load %arg2[%get3A_9, %get3A_10] : memref<2048x128xi32, #tpu.memory_space<vmem>>, vector<2048x128xi32>
    %slice3A_12 = vector.extract_strided_slice %get3A_11 {offsets = [0, 0], sizes = [2048, 64], strides = [1, 1]} : vector<2048x128xi32> to vector<2048x64xi32>
    %shift_left3A_13 = arith.constant 16 : i32
    %shift_left3A_14 = vector.broadcast %shift_left3A_13 : i32 to vector<2048x64xi32>
    %shift_left3A_15 = arith.shli %slice3A_12, %shift_left3A_14 : vector<2048x64xi32>
    %bitcast_convert_type3A_16 = tpu.bitcast %shift_left3A_15 : vector<2048x64xi32> -> vector<2048x64xf32>
    %and3A_17 = arith.constant -65536 : i32
    %and3A_18 = vector.broadcast %and3A_17 : i32 to vector<2048x64xi32>
    %and3A_19 = arith.andi %slice3A_12, %and3A_18 : vector<2048x64xi32>
    %bitcast_convert_type3A_20 = tpu.bitcast %and3A_19 : vector<2048x64xi32> -> vector<2048x64xf32>
    %concatenate3A_21 = tpu.concatenate %bitcast_convert_type3A_16, %bitcast_convert_type3A_20 in 1 : vector<2048x64xf32>, vector<2048x64xf32> -> vector<2048x128xf32>
    %convert_element_type3A_22 = arith.truncf %concatenate3A_21 : vector<2048x128xf32> to vector<2048x128xbf16>
    %slice3A_23 = vector.extract_strided_slice %get3A_11 {offsets = [0, 64], sizes = [2048, 8], strides = [1, 1]} : vector<2048x128xi32> to vector<2048x8xi32>
    %bitcast_convert_type3A_24 = tpu.bitcast %slice3A_23 : vector<2048x8xi32> -> vector<2048x8xf32>
    %sub3A = arith.subf %bitcast_convert_type3A_8, %bitcast_convert_type3A_24 : vector<2048x8xf32>
    %mul3A = arith.mulf %sub3A, %sub3A : vector<2048x8xf32>
    %reduce_sum3A = arith.constant dense<0.000000e+00> : vector<2048xf32>
    %reduce_sum3A_25 = vector.multi_reduction <add>, %mul3A, %reduce_sum3A [1] : vector<2048x8xf32> to vector<2048xf32>
    %broadcast_in_dim3A = vector.shape_cast %reduce_sum3A_25 : vector<2048xf32> to vector<2048x1xf32>
    %add3A = arith.constant 9.99999996E-13 : f32
    %add3A_26 = vector.broadcast %add3A : f32 to vector<2048x1xf32>
    %add3A_27 = arith.addf %broadcast_in_dim3A, %add3A_26 : vector<2048x1xf32>
    %sqrt3A = math.sqrt %add3A_27 : vector<2048x1xf32>
    %get3A_28 = arith.constant 0 : index
    %get3A_29 = arith.constant 0 : index
    %get3A_30 = vector.load %arg3[%get3A_28, %get3A_29] : memref<2048x7xf32, #tpu.memory_space<vmem>>, vector<2048x7xf32>
    %concatenate3A_31 = tpu.concatenate %sqrt3A, %get3A_30 in 1 : vector<2048x1xf32>, vector<2048x7xf32> -> vector<2048x8xf32>
    %convert_element_type3A_32 = arith.truncf %concatenate3A_31 : vector<2048x8xf32> to vector<2048x8xbf16>
    %concatenate3A_33 = tpu.concatenate %convert_element_type3A, %convert_element_type3A_22, %convert_element_type3A_32 in 1 : vector<2048x128xbf16>, vector<2048x128xbf16>, vector<2048x8xbf16> -> vector<2048x264xbf16>
    %get3A_34 = arith.constant 0 : index
    %get3A_35 = arith.constant 0 : index
    %get3A_36 = vector.load %arg4[%get3A_34, %get3A_35] : memref<264x128xbf16, #tpu.memory_space<vmem>>, vector<264x128xbf16>
    %dot_general3A = arith.constant dense<0.000000e+00> : vector<2048x128xf32>
    %dot_general3A_37 = tpu.matmul %concatenate3A_33, %get3A_36, %dot_general3A {dimension_numbers = #tpu.dot_dimension_numbers<[1], [0], [0], [1], [0, 0, 1, 1], [], []>, transpose_lhs_hint = false} : vector<2048x264xbf16>, vector<264x128xbf16>, vector<2048x128xf32> -> vector<2048x128xf32>
    %get3A_38 = arith.constant 0 : index
    %get3A_39 = arith.constant 0 : index
    %get3A_40 = vector.load %arg5[%get3A_38, %get3A_39] : memref<1x128xf32, #tpu.memory_space<vmem>>, vector<1x128xf32>
    %add3A_41 = vector.broadcast %get3A_40 : vector<1x128xf32> to vector<2048x128xf32>
    %add3A_42 = arith.addf %dot_general3A_37, %add3A_41 : vector<2048x128xf32>
    %logistic3A = arith.negf %add3A_42 : vector<2048x128xf32>
    %logistic3A_43 = math.exp %logistic3A : vector<2048x128xf32>
    %logistic3A_44 = arith.constant 1.000000e+00 : f32
    %logistic3A_45 = vector.broadcast %logistic3A_44 : f32 to vector<2048x128xf32>
    %logistic3A_46 = arith.addf %logistic3A_45, %logistic3A_43 : vector<2048x128xf32>
    %logistic3A_47 = arith.divf %logistic3A_45, %logistic3A_46 : vector<2048x128xf32>
    %mul3A_48 = arith.mulf %add3A_42, %logistic3A_47 : vector<2048x128xf32>
    %convert_element_type3A_49 = arith.truncf %mul3A_48 : vector<2048x128xf32> to vector<2048x128xbf16>
    %get3A_50 = arith.constant 0 : index
    %get3A_51 = arith.constant 0 : index
    %get3A_52 = vector.load %arg6[%get3A_50, %get3A_51] : memref<128x128xbf16, #tpu.memory_space<vmem>>, vector<128x128xbf16>
    %dot_general3A_53 = arith.constant dense<0.000000e+00> : vector<2048x128xf32>
    %dot_general3A_54 = tpu.matmul %convert_element_type3A_49, %get3A_52, %dot_general3A_53 {dimension_numbers = #tpu.dot_dimension_numbers<[1], [0], [0], [1], [0, 0, 1, 1], [], []>, transpose_lhs_hint = false} : vector<2048x128xbf16>, vector<128x128xbf16>, vector<2048x128xf32> -> vector<2048x128xf32>
    %get3A_55 = arith.constant 0 : index
    %get3A_56 = arith.constant 0 : index
    %get3A_57 = vector.load %arg7[%get3A_55, %get3A_56] : memref<1x128xf32, #tpu.memory_space<vmem>>, vector<1x128xf32>
    %add3A_58 = vector.broadcast %get3A_57 : vector<1x128xf32> to vector<2048x128xf32>
    %add3A_59 = arith.addf %dot_general3A_54, %add3A_58 : vector<2048x128xf32>
    %logistic3A_60 = arith.negf %add3A_59 : vector<2048x128xf32>
    %logistic3A_61 = math.exp %logistic3A_60 : vector<2048x128xf32>
    %logistic3A_62 = arith.constant 1.000000e+00 : f32
    %logistic3A_63 = vector.broadcast %logistic3A_62 : f32 to vector<2048x128xf32>
    %logistic3A_64 = arith.addf %logistic3A_63, %logistic3A_61 : vector<2048x128xf32>
    %logistic3A_65 = arith.divf %logistic3A_63, %logistic3A_64 : vector<2048x128xf32>
    %mul3A_66 = arith.mulf %add3A_59, %logistic3A_65 : vector<2048x128xf32>
    %get3A_67 = arith.constant 0 : index
    %get3A_68 = arith.constant 0 : index
    %get3A_69 = vector.load %arg8[%get3A_67, %get3A_68] : memref<264x128xbf16, #tpu.memory_space<vmem>>, vector<264x128xbf16>
    %dot_general3A_70 = arith.constant dense<0.000000e+00> : vector<2048x128xf32>
    %dot_general3A_71 = tpu.matmul %concatenate3A_33, %get3A_69, %dot_general3A_70 {dimension_numbers = #tpu.dot_dimension_numbers<[1], [0], [0], [1], [0, 0, 1, 1], [], []>, transpose_lhs_hint = false} : vector<2048x264xbf16>, vector<264x128xbf16>, vector<2048x128xf32> -> vector<2048x128xf32>
    %get3A_72 = arith.constant 0 : index
    %get3A_73 = arith.constant 0 : index
    %get3A_74 = vector.load %arg9[%get3A_72, %get3A_73] : memref<1x128xf32, #tpu.memory_space<vmem>>, vector<1x128xf32>
    %add3A_75 = vector.broadcast %get3A_74 : vector<1x128xf32> to vector<2048x128xf32>
    %add3A_76 = arith.addf %dot_general3A_71, %add3A_75 : vector<2048x128xf32>
    %logistic3A_77 = arith.negf %add3A_76 : vector<2048x128xf32>
    %logistic3A_78 = math.exp %logistic3A_77 : vector<2048x128xf32>
    %logistic3A_79 = arith.constant 1.000000e+00 : f32
    %logistic3A_80 = vector.broadcast %logistic3A_79 : f32 to vector<2048x128xf32>
    %logistic3A_81 = arith.addf %logistic3A_80, %logistic3A_78 : vector<2048x128xf32>
    %logistic3A_82 = arith.divf %logistic3A_80, %logistic3A_81 : vector<2048x128xf32>
    %mul3A_83 = arith.mulf %add3A_76, %logistic3A_82 : vector<2048x128xf32>
    %get3A_84 = arith.constant 0 : index
    %get3A_85 = arith.constant 0 : index
    %get3A_86 = vector.load %arg10[%get3A_84, %get3A_85] : memref<1x128xf32, #tpu.memory_space<vmem>>, vector<1x128xf32>
    %mul3A_87 = vector.broadcast %get3A_86 : vector<1x128xf32> to vector<2048x128xf32>
    %mul3A_88 = arith.mulf %mul3A_83, %mul3A_87 : vector<2048x128xf32>
    %reduce_sum3A_89 = arith.constant dense<0.000000e+00> : vector<2048xf32>
    %reduce_sum3A_90 = vector.multi_reduction <add>, %mul3A_88, %reduce_sum3A_89 [1] : vector<2048x128xf32> to vector<2048xf32>
    %broadcast_in_dim3A_91 = vector.shape_cast %reduce_sum3A_90 : vector<2048xf32> to vector<2048x1xf32>
    %get3A_92 = arith.constant 0 : index
    %get3A_93 = arith.constant 0 : index
    %get3A_94 = vector.load %arg11[%get3A_92, %get3A_93] : memref<1x1xf32, #tpu.memory_space<vmem>>, vector<1x1xf32>
    %add3A_95 = vector.broadcast %get3A_94 : vector<1x1xf32> to vector<2048x1xf32>
    %add3A_96 = arith.addf %broadcast_in_dim3A_91, %add3A_95 : vector<2048x1xf32>
    %get3A_97 = arith.constant 0 : index
    %get3A_98 = arith.constant 0 : index
    %get3A_99 = vector.load %arg12[%get3A_97, %get3A_98] : memref<1x128xf32, #tpu.memory_space<vmem>>, vector<1x128xf32>
    %mul3A_100 = vector.broadcast %get3A_99 : vector<1x128xf32> to vector<2048x128xf32>
    %mul3A_101 = arith.mulf %mul3A_66, %mul3A_100 : vector<2048x128xf32>
    %reduce_sum3A_102 = arith.constant dense<0.000000e+00> : vector<2048xf32>
    %reduce_sum3A_103 = vector.multi_reduction <add>, %mul3A_101, %reduce_sum3A_102 [1] : vector<2048x128xf32> to vector<2048xf32>
    %broadcast_in_dim3A_104 = vector.shape_cast %reduce_sum3A_103 : vector<2048xf32> to vector<2048x1xf32>
    %get3A_105 = arith.constant 0 : index
    %get3A_106 = arith.constant 0 : index
    %get3A_107 = vector.load %arg13[%get3A_105, %get3A_106] : memref<1x1xf32, #tpu.memory_space<vmem>>, vector<1x1xf32>
    %add3A_108 = vector.broadcast %get3A_107 : vector<1x1xf32> to vector<2048x1xf32>
    %add3A_109 = arith.addf %broadcast_in_dim3A_104, %add3A_108 : vector<2048x1xf32>
    %logistic3A_110 = arith.negf %add3A_109 : vector<2048x1xf32>
    %logistic3A_111 = math.exp %logistic3A_110 : vector<2048x1xf32>
    %logistic3A_112 = arith.constant 1.000000e+00 : f32
    %logistic3A_113 = vector.broadcast %logistic3A_112 : f32 to vector<2048x1xf32>
    %logistic3A_114 = arith.addf %logistic3A_113, %logistic3A_111 : vector<2048x1xf32>
    %logistic3A_115 = arith.divf %logistic3A_113, %logistic3A_114 : vector<2048x1xf32>
    %iota3A = tpu.iota {dimensions = array<i32: 1>} : vector<1x128xi32>
    %eq3A = arith.constant 3 : i32
    %eq3A_116 = vector.broadcast %eq3A : i32 to vector<1x128xi32>
    %eq3A_117 = arith.cmpi eq, %iota3A, %eq3A_116 : vector<1x128xi32>
    %mul3A_118 = vector.broadcast %add3A_96 : vector<2048x1xf32> to vector<2048x8xf32>
    %mul3A_119 = arith.mulf %sub3A, %mul3A_118 : vector<2048x8xf32>
    %jit3A = arith.constant 0 : i32
    %convert_element_type3A_120 = arith.sitofp %jit3A : i32 to f32
    %pad3A = vector.broadcast %convert_element_type3A_120 : f32 to vector<2048x120xf32>
    %pad3A_121 = tpu.concatenate %mul3A_119, %pad3A in 1 : vector<2048x8xf32>, vector<2048x120xf32> -> vector<2048x128xf32>
    %mul3A_122 = vector.broadcast %logistic3A_115 : vector<2048x1xf32> to vector<2048x128xf32>
    %mul3A_123 = arith.mulf %mul3A_122, %mul3A_66 : vector<2048x128xf32>
    %swap3A = arith.constant 0 : index
    %swap3A_124 = arith.constant 0 : index
    %swap3A_125 = vector.load %arg14[%swap3A, %swap3A_124] : memref<2048x128xf32, #tpu.memory_space<vmem>>, vector<2048x128xf32>
    tpu.vector_store %arg14[%swap3A, %swap3A_124], %mul3A_123 {strides = array<i32>} : memref<2048x128xf32, #tpu.memory_space<vmem>>, vector<2048x128xf32>,
    %convert_element_type3A_126 = arith.extui %eq3A_117 : vector<1x128xi1> to vector<1x128xi32>
    %convert_element_type3A_127 = arith.sitofp %convert_element_type3A_126 : vector<1x128xi32> to vector<1x128xf32>
    %add3A_128 = vector.broadcast %convert_element_type3A_127 : vector<1x128xf32> to vector<2048x128xf32>
    %add3A_129 = arith.addf %pad3A_121, %add3A_128 : vector<2048x128xf32>
    %swap3A_130 = arith.constant 0 : index
    %swap3A_131 = arith.constant 0 : index
    %swap3A_132 = vector.load %arg15[%swap3A_130, %swap3A_131] : memref<2048x128xf32, #tpu.memory_space<vmem>>, vector<2048x128xf32>
    tpu.vector_store %arg15[%swap3A_130, %swap3A_131], %add3A_129 {strides = array<i32>} : memref<2048x128xf32, #tpu.memory_space<vmem>>, vector<2048x128xf32>,
    return
  }
  func.func @transform_0(%arg0: i32) -> (i32, i32) {
    %c0_i32 = arith.constant 0 : i32
    %c0_i32_0 = arith.constant 0 : i32
    return %arg0, %c0_i32 : i32, i32
  }
  func.func @transform_1(%arg0: i32) -> (i32, i32) {
    %c0_i32 = arith.constant 0 : i32
    %c0_i32_0 = arith.constant 0 : i32
    return %arg0, %c0_i32 : i32, i32
  }
  func.func @transform_2(%arg0: i32) -> (i32, i32) {
    %c0_i32 = arith.constant 0 : i32
    %c0_i32_0 = arith.constant 0 : i32
    return %arg0, %c0_i32 : i32, i32
  }
  func.func @transform_3(%arg0: i32) -> (i32, i32) {
    %c0_i32 = arith.constant 0 : i32
    %c0_i32_0 = arith.constant 0 : i32
    %c0_i32_1 = arith.constant 0 : i32
    return %c0_i32, %c0_i32_0 : i32, i32
  }
  func.func @transform_4(%arg0: i32) -> (i32, i32) {
    %c0_i32 = arith.constant 0 : i32
    %c0_i32_0 = arith.constant 0 : i32
    %c0_i32_1 = arith.constant 0 : i32
    return %c0_i32, %c0_i32_0 : i32, i32
  }
  func.func @transform_5(%arg0: i32) -> (i32, i32) {
    %c0_i32 = arith.constant 0 : i32
    %c0_i32_0 = arith.constant 0 : i32
    %c0_i32_1 = arith.constant 0 : i32
    return %c0_i32, %c0_i32_0 : i32, i32
  }
  func.func @transform_6(%arg0: i32) -> (i32, i32) {
    %c0_i32 = arith.constant 0 : i32
    %c0_i32_0 = arith.constant 0 : i32
    %c0_i32_1 = arith.constant 0 : i32
    return %c0_i32, %c0_i32_0 : i32, i32
  }
  func.func @transform_7(%arg0: i32) -> (i32, i32) {
    %c0_i32 = arith.constant 0 : i32
    %c0_i32_0 = arith.constant 0 : i32
    %c0_i32_1 = arith.constant 0 : i32
    return %c0_i32, %c0_i32_0 : i32, i32
  }
  func.func @transform_8(%arg0: i32) -> (i32, i32) {
    %c0_i32 = arith.constant 0 : i32
    %c0_i32_0 = arith.constant 0 : i32
    %c0_i32_1 = arith.constant 0 : i32
    return %c0_i32, %c0_i32_0 : i32, i32
  }
  func.func @transform_9(%arg0: i32) -> (i32, i32) {
    %c0_i32 = arith.constant 0 : i32
    %c0_i32_0 = arith.constant 0 : i32
    %c0_i32_1 = arith.constant 0 : i32
    return %c0_i32, %c0_i32_0 : i32, i32
  }
  func.func @transform_10(%arg0: i32) -> (i32, i32) {
    %c0_i32 = arith.constant 0 : i32
    %c0_i32_0 = arith.constant 0 : i32
    %c0_i32_1 = arith.constant 0 : i32
    return %c0_i32, %c0_i32_0 : i32, i32
  }
  func.func @transform_11(%arg0: i32) -> (i32, i32) {
    %c0_i32 = arith.constant 0 : i32
    %c0_i32_0 = arith.constant 0 : i32
    %c0_i32_1 = arith.constant 0 : i32
    return %c0_i32, %c0_i32_0 : i32, i32
  }
  func.func @transform_12(%arg0: i32) -> (i32, i32) {
    %c0_i32 = arith.constant 0 : i32
    %c0_i32_0 = arith.constant 0 : i32
    %c0_i32_1 = arith.constant 0 : i32
    return %c0_i32, %c0_i32_0 : i32, i32
  }
  func.func @transform_13(%arg0: i32) -> (i32, i32) {
    %c0_i32 = arith.constant 0 : i32
    %c0_i32_0 = arith.constant 0 : i32
    return %arg0, %c0_i32 : i32, i32
  }
  func.func @transform_14(%arg0: i32) -> (i32, i32) {
    %c0_i32 = arith.constant 0 : i32
    %c0_i32_0 = arith.constant 0 : i32
    return %arg0, %c0_i32 : i32, i32
  }
}

module attributes {stable_mosaic.version = 14 : i64} {
  func.func @_node_body(%arg0: i32, %arg1: memref<1000x128xf32, #tpu.memory_space<vmem>>, %arg2: memref<1000x8xf32, #tpu.memory_space<vmem>>, %arg3: memref<1000x128xf32, #tpu.memory_space<vmem>>, %arg4: memref<1000x128xf32, #tpu.memory_space<vmem>>, %arg5: memref<1000x128xf32, #tpu.memory_space<vmem>>, %arg6: memref<1000x128xf32, #tpu.memory_space<vmem>>, %arg7: memref<1000x128xf32, #tpu.memory_space<vmem>>, %arg8: memref<1000x128xf32, #tpu.memory_space<vmem>>, %arg9: memref<1000x128xf32, #tpu.memory_space<vmem>>, %arg10: memref<1000x128xf32, #tpu.memory_space<vmem>>, %arg11: memref<1000x128xf32, #tpu.memory_space<vmem>>, %arg12: memref<1000x128xf32, #tpu.memory_space<vmem>>, %arg13: memref<1000x128xf32, #tpu.memory_space<vmem>>, %arg14: memref<1000x128xf32, #tpu.memory_space<vmem>>, %arg15: memref<1000x128xf32, #tpu.memory_space<vmem>>, %arg16: memref<1000x128xf32, #tpu.memory_space<vmem>>, %arg17: memref<1000x128xf32, #tpu.memory_space<vmem>>, %arg18: memref<1000x128xf32, #tpu.memory_space<vmem>>, %arg19: memref<256x128xbf16, #tpu.memory_space<vmem>>, %arg20: memref<1x128xf32, #tpu.memory_space<vmem>>, %arg21: memref<128x128xbf16, #tpu.memory_space<vmem>>, %arg22: memref<1x128xf32, #tpu.memory_space<vmem>>, %arg23: memref<1000x128xf32, #tpu.memory_space<vmem>>, %arg24: memref<1000x8xf32, #tpu.memory_space<vmem>>) attributes {dimension_semantics = [#tpu.dimension_semantics<arbitrary>], iteration_bounds = array<i64: 10>, scalar_prefetch = 0 : i64, scratch_operands = 0 : i64, tpu.core_type = #tpu.core_type<tc>, window_params = [{transform_indices = @transform_0, window_bounds = array<i64: 1000, 128>}, {transform_indices = @transform_1, window_bounds = array<i64: 1000, 8>}, {transform_indices = @transform_2, window_bounds = array<i64: 1000, 128>}, {transform_indices = @transform_3, window_bounds = array<i64: 1000, 128>}, {transform_indices = @transform_4, window_bounds = array<i64: 1000, 128>}, {transform_indices = @transform_5, window_bounds = array<i64: 1000, 128>}, {transform_indices = @transform_6, window_bounds = array<i64: 1000, 128>}, {transform_indices = @transform_7, window_bounds = array<i64: 1000, 128>}, {transform_indices = @transform_8, window_bounds = array<i64: 1000, 128>}, {transform_indices = @transform_9, window_bounds = array<i64: 1000, 128>}, {transform_indices = @transform_10, window_bounds = array<i64: 1000, 128>}, {transform_indices = @transform_11, window_bounds = array<i64: 1000, 128>}, {transform_indices = @transform_12, window_bounds = array<i64: 1000, 128>}, {transform_indices = @transform_13, window_bounds = array<i64: 1000, 128>}, {transform_indices = @transform_14, window_bounds = array<i64: 1000, 128>}, {transform_indices = @transform_15, window_bounds = array<i64: 1000, 128>}, {transform_indices = @transform_16, window_bounds = array<i64: 1000, 128>}, {transform_indices = @transform_17, window_bounds = array<i64: 1000, 128>}, {pipeline_mode = #tpu.pipeline_mode<synchronous>, transform_indices = @transform_18, window_bounds = array<i64: 256, 128>}, {pipeline_mode = #tpu.pipeline_mode<synchronous>, transform_indices = @transform_19, window_bounds = array<i64: 1, 128>}, {pipeline_mode = #tpu.pipeline_mode<synchronous>, transform_indices = @transform_20, window_bounds = array<i64: 128, 128>}, {pipeline_mode = #tpu.pipeline_mode<synchronous>, transform_indices = @transform_21, window_bounds = array<i64: 1, 128>}, {transform_indices = @transform_22, window_bounds = array<i64: 1000, 128>}, {transform_indices = @transform_23, window_bounds = array<i64: 1000, 8>}]} {
    %get3A = arith.constant 0 : index
    %get3A_0 = arith.constant 0 : index
    %get3A_1 = vector.load %arg11[%get3A, %get3A_0] : memref<1000x128xf32, #tpu.memory_space<vmem>>, vector<1000x8xf32>
    %get3A_2 = arith.constant 0 : index
    %get3A_3 = arith.constant 0 : index
    %get3A_4 = vector.load %arg12[%get3A_2, %get3A_3] : memref<1000x128xf32, #tpu.memory_space<vmem>>, vector<1000x8xf32>
    %add3A = arith.addf %get3A_1, %get3A_4 : vector<1000x8xf32>
    %get3A_5 = arith.constant 0 : index
    %get3A_6 = arith.constant 0 : index
    %get3A_7 = vector.load %arg13[%get3A_5, %get3A_6] : memref<1000x128xf32, #tpu.memory_space<vmem>>, vector<1000x8xf32>
    %add3A_8 = arith.addf %add3A, %get3A_7 : vector<1000x8xf32>
    %get3A_9 = arith.constant 0 : index
    %get3A_10 = arith.constant 0 : index
    %get3A_11 = vector.load %arg14[%get3A_9, %get3A_10] : memref<1000x128xf32, #tpu.memory_space<vmem>>, vector<1000x8xf32>
    %add3A_12 = arith.addf %add3A_8, %get3A_11 : vector<1000x8xf32>
    %get3A_13 = arith.constant 0 : index
    %get3A_14 = arith.constant 0 : index
    %get3A_15 = vector.load %arg15[%get3A_13, %get3A_14] : memref<1000x128xf32, #tpu.memory_space<vmem>>, vector<1000x8xf32>
    %add3A_16 = arith.addf %add3A_12, %get3A_15 : vector<1000x8xf32>
    %get3A_17 = arith.constant 0 : index
    %get3A_18 = arith.constant 0 : index
    %get3A_19 = vector.load %arg16[%get3A_17, %get3A_18] : memref<1000x128xf32, #tpu.memory_space<vmem>>, vector<1000x8xf32>
    %add3A_20 = arith.addf %add3A_16, %get3A_19 : vector<1000x8xf32>
    %get3A_21 = arith.constant 0 : index
    %get3A_22 = arith.constant 0 : index
    %get3A_23 = vector.load %arg17[%get3A_21, %get3A_22] : memref<1000x128xf32, #tpu.memory_space<vmem>>, vector<1000x8xf32>
    %add3A_24 = arith.addf %add3A_20, %get3A_23 : vector<1000x8xf32>
    %get3A_25 = arith.constant 0 : index
    %get3A_26 = arith.constant 0 : index
    %get3A_27 = vector.load %arg18[%get3A_25, %get3A_26] : memref<1000x128xf32, #tpu.memory_space<vmem>>, vector<1000x8xf32>
    %add3A_28 = arith.addf %add3A_24, %get3A_27 : vector<1000x8xf32>
    %iota3A = tpu.iota {dimensions = array<i32: 1>} : vector<1x8xi32>
    %eq3A = arith.constant 3 : i32
    %eq3A_29 = vector.broadcast %eq3A : i32 to vector<1x8xi32>
    %eq3A_30 = arith.cmpi eq, %iota3A, %eq3A_29 : vector<1x8xi32>
    %convert_element_type3A = arith.extui %eq3A_30 : vector<1x8xi1> to vector<1x8xi32>
    %convert_element_type3A_31 = arith.sitofp %convert_element_type3A : vector<1x8xi32> to vector<1x8xf32>
    %mul3A = vector.broadcast %convert_element_type3A_31 : vector<1x8xf32> to vector<1000x8xf32>
    %mul3A_32 = arith.mulf %add3A_28, %mul3A : vector<1000x8xf32>
    %reduce_sum3A = arith.constant dense<0.000000e+00> : vector<1000xf32>
    %reduce_sum3A_33 = vector.multi_reduction <add>, %mul3A_32, %reduce_sum3A [1] : vector<1000x8xf32> to vector<1000xf32>
    %broadcast_in_dim3A = vector.shape_cast %reduce_sum3A_33 : vector<1000xf32> to vector<1000x1xf32>
    %get3A_34 = arith.constant 0 : index
    %get3A_35 = arith.constant 0 : index
    %get3A_36 = vector.load %arg2[%get3A_34, %get3A_35] : memref<1000x8xf32, #tpu.memory_space<vmem>>, vector<1000x8xf32>
    %max3A = arith.constant 1.000000e+00 : f32
    %max3A_37 = vector.broadcast %max3A : f32 to vector<1000x1xf32>
    %max3A_38 = arith.maximumf %broadcast_in_dim3A, %max3A_37 : vector<1000x1xf32>
    %div3A = vector.broadcast %max3A_38 : vector<1000x1xf32> to vector<1000x8xf32>
    %div3A_39 = arith.divf %add3A_28, %div3A : vector<1000x8xf32>
    %add3A_40 = arith.addf %get3A_36, %div3A_39 : vector<1000x8xf32>
    %swap3A = arith.constant 0 : index
    %swap3A_41 = arith.constant 0 : index
    %swap3A_42 = vector.load %arg24[%swap3A, %swap3A_41] : memref<1000x8xf32, #tpu.memory_space<vmem>>, vector<1000x8xf32>
    tpu.vector_store %arg24[%swap3A, %swap3A_41], %add3A_40 {strides = array<i32>} : memref<1000x8xf32, #tpu.memory_space<vmem>>, vector<1000x8xf32>,
    %get3A_43 = arith.constant 0 : index
    %get3A_44 = arith.constant 0 : index
    %get3A_45 = vector.load %arg1[%get3A_43, %get3A_44] : memref<1000x128xf32, #tpu.memory_space<vmem>>, vector<1000x128xf32>
    %get3A_46 = arith.constant 0 : index
    %get3A_47 = arith.constant 0 : index
    %get3A_48 = vector.load %arg3[%get3A_46, %get3A_47] : memref<1000x128xf32, #tpu.memory_space<vmem>>, vector<1000x128xf32>
    %get3A_49 = arith.constant 0 : index
    %get3A_50 = arith.constant 0 : index
    %get3A_51 = vector.load %arg4[%get3A_49, %get3A_50] : memref<1000x128xf32, #tpu.memory_space<vmem>>, vector<1000x128xf32>
    %add3A_52 = arith.addf %get3A_48, %get3A_51 : vector<1000x128xf32>
    %get3A_53 = arith.constant 0 : index
    %get3A_54 = arith.constant 0 : index
    %get3A_55 = vector.load %arg5[%get3A_53, %get3A_54] : memref<1000x128xf32, #tpu.memory_space<vmem>>, vector<1000x128xf32>
    %add3A_56 = arith.addf %add3A_52, %get3A_55 : vector<1000x128xf32>
    %get3A_57 = arith.constant 0 : index
    %get3A_58 = arith.constant 0 : index
    %get3A_59 = vector.load %arg6[%get3A_57, %get3A_58] : memref<1000x128xf32, #tpu.memory_space<vmem>>, vector<1000x128xf32>
    %add3A_60 = arith.addf %add3A_56, %get3A_59 : vector<1000x128xf32>
    %get3A_61 = arith.constant 0 : index
    %get3A_62 = arith.constant 0 : index
    %get3A_63 = vector.load %arg7[%get3A_61, %get3A_62] : memref<1000x128xf32, #tpu.memory_space<vmem>>, vector<1000x128xf32>
    %add3A_64 = arith.addf %add3A_60, %get3A_63 : vector<1000x128xf32>
    %get3A_65 = arith.constant 0 : index
    %get3A_66 = arith.constant 0 : index
    %get3A_67 = vector.load %arg8[%get3A_65, %get3A_66] : memref<1000x128xf32, #tpu.memory_space<vmem>>, vector<1000x128xf32>
    %add3A_68 = arith.addf %add3A_64, %get3A_67 : vector<1000x128xf32>
    %get3A_69 = arith.constant 0 : index
    %get3A_70 = arith.constant 0 : index
    %get3A_71 = vector.load %arg9[%get3A_69, %get3A_70] : memref<1000x128xf32, #tpu.memory_space<vmem>>, vector<1000x128xf32>
    %add3A_72 = arith.addf %add3A_68, %get3A_71 : vector<1000x128xf32>
    %get3A_73 = arith.constant 0 : index
    %get3A_74 = arith.constant 0 : index
    %get3A_75 = vector.load %arg10[%get3A_73, %get3A_74] : memref<1000x128xf32, #tpu.memory_space<vmem>>, vector<1000x128xf32>
    %add3A_76 = arith.addf %add3A_72, %get3A_75 : vector<1000x128xf32>
    %concatenate3A = tpu.concatenate %get3A_45, %add3A_76 in 1 : vector<1000x128xf32>, vector<1000x128xf32> -> vector<1000x256xf32>
    %convert_element_type3A_77 = arith.truncf %concatenate3A : vector<1000x256xf32> to vector<1000x256xbf16>
    %get3A_78 = arith.constant 0 : index
    %get3A_79 = arith.constant 0 : index
    %get3A_80 = vector.load %arg19[%get3A_78, %get3A_79] : memref<256x128xbf16, #tpu.memory_space<vmem>>, vector<256x128xbf16>
    %dot_general3A = arith.constant dense<0.000000e+00> : vector<1000x128xf32>
    %dot_general3A_81 = tpu.matmul %convert_element_type3A_77, %get3A_80, %dot_general3A {dimension_numbers = #tpu.dot_dimension_numbers<[1], [0], [0], [1], [0, 0, 1, 1], [], []>, transpose_lhs_hint = false} : vector<1000x256xbf16>, vector<256x128xbf16>, vector<1000x128xf32> -> vector<1000x128xf32>
    %get3A_82 = arith.constant 0 : index
    %get3A_83 = arith.constant 0 : index
    %get3A_84 = vector.load %arg20[%get3A_82, %get3A_83] : memref<1x128xf32, #tpu.memory_space<vmem>>, vector<1x128xf32>
    %add3A_85 = vector.broadcast %get3A_84 : vector<1x128xf32> to vector<1000x128xf32>
    %add3A_86 = arith.addf %dot_general3A_81, %add3A_85 : vector<1000x128xf32>
    %logistic3A = arith.negf %add3A_86 : vector<1000x128xf32>
    %logistic3A_87 = math.exp %logistic3A : vector<1000x128xf32>
    %logistic3A_88 = arith.constant 1.000000e+00 : f32
    %logistic3A_89 = vector.broadcast %logistic3A_88 : f32 to vector<1000x128xf32>
    %logistic3A_90 = arith.addf %logistic3A_89, %logistic3A_87 : vector<1000x128xf32>
    %logistic3A_91 = arith.divf %logistic3A_89, %logistic3A_90 : vector<1000x128xf32>
    %mul3A_92 = arith.mulf %add3A_86, %logistic3A_91 : vector<1000x128xf32>
    %convert_element_type3A_93 = arith.truncf %mul3A_92 : vector<1000x128xf32> to vector<1000x128xbf16>
    %get3A_94 = arith.constant 0 : index
    %get3A_95 = arith.constant 0 : index
    %get3A_96 = vector.load %arg21[%get3A_94, %get3A_95] : memref<128x128xbf16, #tpu.memory_space<vmem>>, vector<128x128xbf16>
    %dot_general3A_97 = arith.constant dense<0.000000e+00> : vector<1000x128xf32>
    %dot_general3A_98 = tpu.matmul %convert_element_type3A_93, %get3A_96, %dot_general3A_97 {dimension_numbers = #tpu.dot_dimension_numbers<[1], [0], [0], [1], [0, 0, 1, 1], [], []>, transpose_lhs_hint = false} : vector<1000x128xbf16>, vector<128x128xbf16>, vector<1000x128xf32> -> vector<1000x128xf32>
    %add3A_99 = arith.addf %get3A_45, %dot_general3A_98 : vector<1000x128xf32>
    %get3A_100 = arith.constant 0 : index
    %get3A_101 = arith.constant 0 : index
    %get3A_102 = vector.load %arg22[%get3A_100, %get3A_101] : memref<1x128xf32, #tpu.memory_space<vmem>>, vector<1x128xf32>
    %add3A_103 = vector.broadcast %get3A_102 : vector<1x128xf32> to vector<1000x128xf32>
    %add3A_104 = arith.addf %add3A_99, %add3A_103 : vector<1000x128xf32>
    %swap3A_105 = arith.constant 0 : index
    %swap3A_106 = arith.constant 0 : index
    %swap3A_107 = vector.load %arg23[%swap3A_105, %swap3A_106] : memref<1000x128xf32, #tpu.memory_space<vmem>>, vector<1000x128xf32>
    tpu.vector_store %arg23[%swap3A_105, %swap3A_106], %add3A_104 {strides = array<i32>} : memref<1000x128xf32, #tpu.memory_space<vmem>>, vector<1000x128xf32>,
    return
  }
  func.func @transform_0(%arg0: i32) -> (i32, i32) {
    %c0_i32 = arith.constant 0 : i32
    %c0_i32_0 = arith.constant 0 : i32
    return %arg0, %c0_i32 : i32, i32
  }
  func.func @transform_1(%arg0: i32) -> (i32, i32) {
    %c0_i32 = arith.constant 0 : i32
    %c0_i32_0 = arith.constant 0 : i32
    return %arg0, %c0_i32 : i32, i32
  }
  func.func @transform_2(%arg0: i32) -> (i32, i32) {
    %c0_i32 = arith.constant 0 : i32
    %c0_i32_0 = arith.constant 0 : i32
    return %arg0, %c0_i32 : i32, i32
  }
  func.func @transform_3(%arg0: i32) -> (i32, i32) {
    %c0_i32 = arith.constant 0 : i32
    %c0_i32_0 = arith.constant 0 : i32
    return %arg0, %c0_i32 : i32, i32
  }
  func.func @transform_4(%arg0: i32) -> (i32, i32) {
    %c0_i32 = arith.constant 0 : i32
    %c0_i32_0 = arith.constant 0 : i32
    return %arg0, %c0_i32 : i32, i32
  }
  func.func @transform_5(%arg0: i32) -> (i32, i32) {
    %c0_i32 = arith.constant 0 : i32
    %c0_i32_0 = arith.constant 0 : i32
    return %arg0, %c0_i32 : i32, i32
  }
  func.func @transform_6(%arg0: i32) -> (i32, i32) {
    %c0_i32 = arith.constant 0 : i32
    %c0_i32_0 = arith.constant 0 : i32
    return %arg0, %c0_i32 : i32, i32
  }
  func.func @transform_7(%arg0: i32) -> (i32, i32) {
    %c0_i32 = arith.constant 0 : i32
    %c0_i32_0 = arith.constant 0 : i32
    return %arg0, %c0_i32 : i32, i32
  }
  func.func @transform_8(%arg0: i32) -> (i32, i32) {
    %c0_i32 = arith.constant 0 : i32
    %c0_i32_0 = arith.constant 0 : i32
    return %arg0, %c0_i32 : i32, i32
  }
  func.func @transform_9(%arg0: i32) -> (i32, i32) {
    %c0_i32 = arith.constant 0 : i32
    %c0_i32_0 = arith.constant 0 : i32
    return %arg0, %c0_i32 : i32, i32
  }
  func.func @transform_10(%arg0: i32) -> (i32, i32) {
    %c0_i32 = arith.constant 0 : i32
    %c0_i32_0 = arith.constant 0 : i32
    return %arg0, %c0_i32 : i32, i32
  }
  func.func @transform_11(%arg0: i32) -> (i32, i32) {
    %c0_i32 = arith.constant 0 : i32
    %c0_i32_0 = arith.constant 0 : i32
    return %arg0, %c0_i32 : i32, i32
  }
  func.func @transform_12(%arg0: i32) -> (i32, i32) {
    %c0_i32 = arith.constant 0 : i32
    %c0_i32_0 = arith.constant 0 : i32
    return %arg0, %c0_i32 : i32, i32
  }
  func.func @transform_13(%arg0: i32) -> (i32, i32) {
    %c0_i32 = arith.constant 0 : i32
    %c0_i32_0 = arith.constant 0 : i32
    return %arg0, %c0_i32 : i32, i32
  }
  func.func @transform_14(%arg0: i32) -> (i32, i32) {
    %c0_i32 = arith.constant 0 : i32
    %c0_i32_0 = arith.constant 0 : i32
    return %arg0, %c0_i32 : i32, i32
  }
  func.func @transform_15(%arg0: i32) -> (i32, i32) {
    %c0_i32 = arith.constant 0 : i32
    %c0_i32_0 = arith.constant 0 : i32
    return %arg0, %c0_i32 : i32, i32
  }
  func.func @transform_16(%arg0: i32) -> (i32, i32) {
    %c0_i32 = arith.constant 0 : i32
    %c0_i32_0 = arith.constant 0 : i32
    return %arg0, %c0_i32 : i32, i32
  }
  func.func @transform_17(%arg0: i32) -> (i32, i32) {
    %c0_i32 = arith.constant 0 : i32
    %c0_i32_0 = arith.constant 0 : i32
    return %arg0, %c0_i32 : i32, i32
  }
  func.func @transform_18(%arg0: i32) -> (i32, i32) {
    %c0_i32 = arith.constant 0 : i32
    %c0_i32_0 = arith.constant 0 : i32
    %c0_i32_1 = arith.constant 0 : i32
    return %c0_i32, %c0_i32_0 : i32, i32
  }
  func.func @transform_19(%arg0: i32) -> (i32, i32) {
    %c0_i32 = arith.constant 0 : i32
    %c0_i32_0 = arith.constant 0 : i32
    %c0_i32_1 = arith.constant 0 : i32
    return %c0_i32, %c0_i32_0 : i32, i32
  }
  func.func @transform_20(%arg0: i32) -> (i32, i32) {
    %c0_i32 = arith.constant 0 : i32
    %c0_i32_0 = arith.constant 0 : i32
    %c0_i32_1 = arith.constant 0 : i32
    return %c0_i32, %c0_i32_0 : i32, i32
  }
  func.func @transform_21(%arg0: i32) -> (i32, i32) {
    %c0_i32 = arith.constant 0 : i32
    %c0_i32_0 = arith.constant 0 : i32
    %c0_i32_1 = arith.constant 0 : i32
    return %c0_i32, %c0_i32_0 : i32, i32
  }
  func.func @transform_22(%arg0: i32) -> (i32, i32) {
    %c0_i32 = arith.constant 0 : i32
    %c0_i32_0 = arith.constant 0 : i32
    return %arg0, %c0_i32 : i32, i32
  }
  func.func @transform_23(%arg0: i32) -> (i32, i32) {
    %c0_i32 = arith.constant 0 : i32
    %c0_i32_0 = arith.constant 0 : i32
    return %arg0, %c0_i32 : i32, i32
  }
}

</mosaic_0001>

<sc_bundles>
// kernel: kernel.15.cloned.1.call-start
scs
__scs_entry_jumppad:
0x0: {  	(pc) =	sbr.rel $0x88, $3  }
0x1: {  	(tag) =	ssettag $0x0;
	lr =	simm.s32 $0x1  }
0x2: {  	[smem:$0x3F8F] =	sst lr;
	_ =	strace $0xD0000000  }
0x3: {  	_ = 	snop  }
0x4: {  	_ = 	snop  }
0x5: {  	_ = 	snop  }
0x6: {  	_ = 	snop  }
0x7: {  	_ = 	snop  }
__scs_overlays_trampoline_lowered:
0x8: {  	[smem:$0x3F9E] =	sst s0  }
0x9: {  	[smem:$0x3F9F] =	sst s1  }
0xa: {  	[smem:$0x3FA0] =	sst s2  }
0xb: {  	[smem:$0x3FA1] =	sst s3  }
0xc: {  	[smem:$0x3FA2] =	sst s4  }
0xd: {  	[smem:$0x3FA3] =	sst s5  }
0xe: {  	[smem:$0x3FA4] =	sst s6  }
0xf: {  	[smem:$0x3FA5] =	sst s7  }
0x10: {  	[smem:$0x3FA6] =	sst s8  }
0x11: {  	[smem:$0x3FA7] =	sst s9;
	s0 =	simm.s32 @!p0 $0x0  }
0x12: {  	s1 =	sld [smem:$0x3F8D];
	s0 =	simm.s32 @p0 $0x1  }
0x13: {  	[smem:$0x3FA8] =	sst s0;
	s0 =	simm.s32 @!p1 $0x0  }
0x14: {  	s2 =	sld [smem:$0x3F8C];
	s0 =	simm.s32 @p1 $0x1  }
0x15: {  	[smem:$0x3FA9] =	sst s0;
	s0 =	simm.s32 @!p2 $0x0  }
0x16: {  	s3 =	sld [smem:$0x3FDB];
	s0 =	simm.s32 @p2 $0x1  }
0x17: {  	s4 =	simm.s32 $0x1BF5;
	[smem:$0x3FAB] =	sst s0  }
0x18: {  	s0 =	sld [smem:$0x3F8E];
	_ =	swait.ge [sflag:s4], $0x0  }
0x19: {  	s7 =	sld [smem:$0x3F8F]  }
0x1a: {  	s8 =	sadd.s32 $0xFFFFE003, lr  }
0x1b: {  	s9 =	sadd.s32 $0xFFFFFEF7, lr;
	s5 =	simm.s32 $0xFFFFFFFF;
	p2 =	slt.u32 s8, $0xFFFFF086  }
0x1c: {  	p1 =	slt.u32 s9, $0xF7A;
	s5 =	simm.s32 @!p2 $0x0  }
0x1d: {  	s5 =	simm.s32 @p1 $0x1;
	p0 =	seq.s32 s7, s2  }
0x1e: {  	s7 =	smul.u32 @!p0 $0xF7A, s2;
	p2 =	seq.s32 @!p0 s5, $0x0  }
0x1f: {  	s9 =	smul.u32 $0xF7A, s1;
	s8 =	simm.s32 @!p0 $0x1BF5;
	p2 =	por !p2, p0  }
0x20: {  	[sflag:s8] =	ssyncset.s32 @!p0 $0xFFFFF086;
	s6 =	sadd.s32 @!p0 s3, s7;
	s7 =	simm.s32 @!p0 $0x108  }
0x21: {  	s3 =	sadd.s32 s3, s9;
	s6 =	sadd.s32 @!p0 $0x88, s6;
	s7 =	simm.s32 @p2 $0x1082  }
0x22: {  	[simem:s7], [sflag:s8] =	dma.local @!p0 [hbm:s6], $0xF7A  }
0x23: {  	s9 =	sor.u32 $0xD0000000, s2;
	s6 =	simm.s32 $0x108;
	_ =	swait.ge @!p0 [sflag:s8], $0x0  }
0x24: {  	s3 =	sadd.s32 $0x88, s3;
	s6 =	simm.s32 @!p1 $0x1082;
	[sflag:s4] =	ssyncset.s32 $0xFFFFF086  }
0x25: {  	[simem:s6], [sflag:s4] =	dma.local [hbm:s3], $0xF7A  }
0x26: {  	[smem:$0x3F8F] =	sst s1;
	(tag) =	ssettag s2;
	_ =	strace s9  }
0x27: {  	s1 =	sld [smem:$0x3F9F]  }
0x28: {  	s2 =	sld [smem:$0x3FA0]  }
0x29: {  	s4 =	sld [smem:$0x3FA2]  }
0x2a: {  	p0 =	seq.s32 s5, $0x0;
	s5 =	sld [smem:$0x3FA3]  }
0x2b: {  	s6 =	sld [smem:$0x3FA4]  }
0x2c: {  	s7 =	sld [smem:$0x3FA5]  }
0x2d: {  	s3 =	simm.s32 $0x108;
	s8 =	sld [smem:$0x3FA6]  }
0x2e: {  	s3 =	simm.s32 @!p0 $0x1082;
	s9 =	sld [smem:$0x3FA7]  }
0x2f: {  	lr =	sadd.s32 s0, s3;
	s0 =	sld [smem:$0x3F9E]  }
0x30: {  	s3 =	sld [smem:$0x3FA1]  }
0x31: {  	[smem:$0x3FAA] =	sst s10  }
0x32: {  	s10 =	sld [smem:$0x3FA8];
	_ =	sdelay $0x3  }
0x33: {  	p0 =	seq.s32 s10, $0x1;
	s10 =	sld [smem:$0x3FAA];
	_ =	sdelay $0x3  }
0x34: {  	[smem:$0x3FAA] =	sst s10  }
0x35: {  	s10 =	sld [smem:$0x3FA9];
	_ =	sdelay $0x3  }
0x36: {  	p1 =	seq.s32 s10, $0x1;
	s10 =	sld [smem:$0x3FAA];
	_ =	sdelay $0x3  }
0x37: {  	[smem:$0x3FAA] =	sst s10  }
0x38: {  	s10 =	sld [smem:$0x3FAB]  }
0x39: {  	_ = 	snop;
	(pc) =	sbr.ind lr, $3  }
0x3a: {  	_ = 	snop  }
0x3b: {  	_ = 	snop  }
0x3c: {  	p2 =	seq.s32 s10, $0x1;
	s10 =	sld [smem:$0x3FAA]  }
0x3d: {  	_ =	shalt  }
0x3e: {  	_ =	shalt  }
0x3f: {  	_ =	shalt  }
0x40: {  	_ =	shalt  }
0x41: {  	_ =	shalt  }
0x42: {  	_ =	shalt  }
0x43: {  	_ =	shalt  }
0x44: {  	_ =	shalt  }
0x45: {  	_ =	shalt  }
0x46: {  	_ =	shalt  }
0x47: {  	_ =	shalt  }
0x48: {  	_ =	shalt  }
0x49: {  	_ =	shalt  }
0x4a: {  	_ =	shalt  }
0x4b: {  	_ =	shalt  }
0x4c: {  	_ =	shalt  }
0x4d: {  	_ =	shalt  }
0x4e: {  	_ =	shalt  }
0x4f: {  	_ =	shalt  }
0x50: {  	_ =	shalt  }
0x51: {  	_ =	shalt  }
0x52: {  	_ =	shalt  }
0x53: {  	_ =	shalt  }
0x54: {  	_ =	shalt  }
0x55: {  	_ =	shalt  }
0x56: {  	_ =	shalt  }
0x57: {  	_ =	shalt  }
0x58: {  	_ =	shalt  }
0x59: {  	_ =	shalt  }
0x5a: {  	_ =	shalt  }
0x5b: {  	_ =	shalt  }
0x5c: {  	_ =	shalt  }
0x5d: {  	_ =	shalt  }
0x5e: {  	_ =	shalt  }
0x5f: {  	_ =	shalt  }
0x60: {  	_ =	shalt  }
0x61: {  	_ =	shalt  }
0x62: {  	_ =	shalt  }
0x63: {  	_ =	shalt  }
0x64: {  	_ =	shalt  }
0x65: {  	_ =	shalt  }
0x66: {  	_ =	shalt  }
0x67: {  	_ =	shalt  }
0x68: {  	_ =	shalt  }
0x69: {  	_ =	shalt  }
0x6a: {  	_ =	shalt  }
0x6b: {  	_ =	shalt  }
0x6c: {  	_ =	shalt  }
0x6d: {  	_ =	shalt  }
0x6e: {  	_ =	shalt  }
0x6f: {  	_ =	shalt  }
0x70: {  	_ =	shalt  }
0x71: {  	_ =	shalt  }
0x72: {  	_ =	shalt  }
0x73: {  	_ =	shalt  }
0x74: {  	_ =	shalt  }
0x75: {  	_ =	shalt  }
0x76: {  	_ =	shalt  }
0x77: {  	_ =	shalt  }
0x78: {  	_ =	shalt  }
0x79: {  	_ =	shalt  }
0x7a: {  	_ =	shalt  }
0x7b: {  	_ =	shalt  }
0x7c: {  	_ =	shalt  }
0x7d: {  	_ =	shalt  }
0x7e: {  	_ =	shalt  }
0x7f: {  	_ =	shalt  }
0x80: {  	_ =	shalt  }
0x81: {  	_ =	shalt  }
0x82: {  	_ =	shalt  }
0x83: {  	_ =	shalt  }
0x84: {  	_ =	shalt  }
0x85: {  	_ =	shalt  }
0x86: {  	_ =	shalt  }
0x87: {  	_ =	shalt  }
.Lfunc_end0:
.L_simem_size_0:
called_computation_lowered:
.L_overlay_start_0:
0x88: {  	s2 =	sld [smem:$0x3FD9]  }
0x89: {  	s3 =	sld [smem:$0x3FFE];
	_ =	sdelay $0x1  }
0x8a: {  	s1 =	srdreg.scid  }
0x8b: {  	s0 =	sand.u32 $0x1, s1  }
0x8c: {  	s16 =	sshll.u32 s0, $0xA;
	s2 =	sadd.s32 s3, s2  }
0x8d: {  	s2 =	sadd.s32 s2, s16  }
0x8e: {  	[smem:$0x3FB6] =	sst s2  }
0x8f: {  	_ = 	snop  }
0x90: {  	(tm) =	ssettm $0x1  }
0x91: {  	s17 =	sld [smem:$0x3FFB];
	_ =	sdelay $0x3  }
0x92: {  	_ =	strace s17  }
0x93: {  	s2 =	sld [smem:$0x3FFC];
	_ =	sdelay $0x3  }
0x94: {  	_ =	strace s2  }
0x95: {  	s2 =	sld [smem:$0x3FFD];
	_ =	sdelay $0x3  }
0x96: {  	_ =	strace s2  }
0x97: {  	_ =	strace $0x8FFFFFFF  }
0x98: {  	s18 =	sld [smem:$0x3FDB];
	_ =	sdelay $0x1  }
0x99: {  	s19 =	simm.s32 $_scs_section_size  }
0x9a: {  	s4 =	simm.s32 $_size__tile_overlayer_lowered;
	s5 =	simm.s32 $_tile_overlayer_lowered  }
0x9b: {  	s22 =	simm.s32 $0x1BFF;
	s21 =	sshll.u32 s5, $0x1;
	s2 =	sadd.s32 s19, s18  }
0x9c: {  	s6 =	simm.s32 $0x0;
	s20 =	sshll.u32 s4, $0x1;
	s4 =	sadd.s32 s21, s2  }
0x9d: {  	[timem:s6], [sflag:s22] =	dma.local [hbm:s4], s20  }
0x9e: {  	_ =	swait.ge [sflag:s22], s20  }
0x9f: {  	s3 =	ssub.s32 $0x0, s20;
	[sflag:s22] =	ssyncset.done $0x0  }
0xa0: {  	[sflag:s22] =	ssyncadd.s32 s3;
	_ =	sdelay $0x1  }
0xa1: {  	s23 =	simm.s32 $0x1B8B  }
0xa2: {  	_ =	swait.ge [sflag:s23], $0x1  }
0xa3: {  	[sflag:s23] =	ssyncset.done $0x0  }
0xa4: {  	s25 =	simm.s32 $0x1B8E;
	s24 =	sld [smem:$0x3FFE];
	[sflag:s23] =	ssyncadd.s32 $0xFFFFFFFF  }
0xa5: {  	s26 =	simm.s32 $execute0_lowered;
	[smem:$0x3FD2] =	sst s25  }
0xa6: {  	s4 =	sshll.u32 s26, $0x1;
	_ =	strace $0x80000046;
	[dreg:$0x1] =	wrdreg $0xFFFFFFFF  }
0xa7: {  	s28 =	simm.s32 $_size_execute0_lowered;
	s2 =	sadd.s32 s2, s4;
	[dreg:$0x0] =	wrdreg $0x0  }
0xa8: {  	s4 =	sshll.u32 s28, $0x1;
	[dreg:$0x2] =	wrdreg s2  }
0xa9: {  	[dreg:$0x3] =	wrdreg s4  }
0xaa: {  	[dreg:$0x4] =	wrdreg $0xC0  }
0xab: {  	_ =	task [dreg:s6], $0x5FFFF  }
0xac: {  	[dreg:$0x1] =	wrdreg $0xFFFFFFFF  }
0xad: {  	[dreg:$0x0] =	wrdreg $0x60  }
0xae: {  	[dreg:$0x2] =	wrdreg s24  }
0xaf: {  	[dreg:$0x3] =	wrdreg $0x9  }
0xb0: {  	_ =	task.clear_ibuf [dreg:s6], $0x4FFFF;
	_ =	strace $0x90000046  }
0xb1: {  	s29 =	simm.s32 $0x9;
	_ =	strace $0x80000048  }
0xb2: {  	_ =	swait.ge [sflag:s29], $0x1  }
0xb3: {  	[sflag:s29] =	ssyncadd.s32 $0xFFFFFFFF  }
0xb4: {  	_ =	strace $0x90000048  }
0xb5: {  	_ =	sfence  }
0xb6: {  	s30 =	sld [smem:$0x0];
	_ =	sdelay $0x2  }
0xb7: {  	s31 =	sshll.u32 s1, $0xD;
	s1 =	sshrl.u32 s1, $0x2  }
0xb8: {  	s3 =	sand.u32 $0x4000, s31;
	s1 =	sadd.s32 s1, s30  }
0xb9: {  	s0 =	sor.u32 s3, s0;
	s1 =	sshll.u32 s1, $0x11  }
0xba: {  	s0 =	sor.u32 s1, s0  }
0xbb: {  	s0 =	sadd.s32 $0x8F2B, s0  }
0xbc: {  	[sflag:s0] =	ssyncadd.remote.s32 $0x1  }
0xbd: {  	_ =	sfence.sel $0xFFFF  }
0xbe: {  	[dreg:$0x0] =	wrdreg $0xFFFFFFFF;
	(pc) =	sbr.abs _section_cstart, $3  }
0xbf: {  	[dreg:$0x1] =	wrdreg $0xFFFFFFFF  }
0xc0: {  	_ =	task.clear_ibuf [dreg:s6], $0x2FFFF;
	_ =	strace $0x9FFFFFFF  }
0xc1: {  	(tm) =	ssettm $0x7FFFFFFF  }
tec
execute0_lowered:
.L_overlay_start_1:
0x0: {  	(tag) =	ssettag $0x1  }
0x1: {  	s0 =	srdreg.scid;
	s13 =	stileid.u32  }
0x2: {  	s4 =	rddreg [dreg:$0x0];
	s2 =	simm.s32 $0x0;
	s18 =	simm.s32 $0xA00  }
0x3: {  	s19 =	simm.s32 $0x80;
	s20 =	simm.s32 $0x1400;
	s21 =	simm.s32 $0x5400  }
0x4: {  	s22 =	simm.s32 $0x9400;
	s24 =	simm.s32 $0xD400;
	s25 =	simm.s32 $0x1  }
0x5: {  	s30 =	simm.s32 $0x2;
	s31 =	simm.s32 $0x4;
	s3 =	smul.u32 $0xA00, s13  }
0x6: {  	s23 =	simm.s32 $0x0;
	s0 =	sand.u32 $0x1, s0;
	s17 =	smul.u32 $0xA000, s13  }
0x7: {  	[smem:$0x7FF] =	sst s2;
	s14 =	sadd.s32 $0x37600, s4;
	s1 =	smul.u32 $0xA000, s0  }
0x8: {  	s16 =	sadd.s32 $0x177600, s4;
	s6 =	ssub.s32 $0x2, s0;
	s0 =	smul.u32 $0xA0000, s0  }
0x9: {  	_ =	strace $0x80000047;
	s26 =	sshrl.u32 s6, $0x1;
	s1 =	sadd.s32 s3, s1  }
0xa: {  	s3 =	sadd.s32 $0x10400, s4;
	s6 =	ssub.s32 s6, s26;
	s15 =	sadd.s32 s0, s14  }
0xb: {  	s0 =	sadd.s32 s0, s16;
	s26 =	simm.s32 $0x3;
	s5 =	sshrl.u32 s1, $0x3  }
0xc: {  	s1 =	sshll.u32 s1, $0x4;
	s6 =	smax.u32 s6, $0x1;
	s15 =	sadd.s32 s17, s15  }
0xd: {  	s5 =	sadd.s32 s5, s4;
	s10 =	sor.u32 $0x800, s1;
	s7 =	sadd.s32 s14, s1  }
0xe: {  	s8 =	sadd.s32 s16, s1;
	s12 =	sadd.s32 $0x9000, s1;
	s1 =	sadd.s32 $0x9800, s1  }
0xf: {  	s28 =	sadd.s32 $0xB400, s5;
	s29 =	sadd.s32 $0xDC00, s5;
	s9 =	sadd.s32 s14, s10  }
0x10: {  	s10 =	sadd.s32 s16, s10;
	s11 =	sadd.s32 s14, s12;
	s12 =	sadd.s32 s16, s12  }
0x11: {  	s13 =	sadd.s32 s14, s1;
	s14 =	sadd.s32 s16, s1;
	[dreg:$0x2] =	wrdreg s28  }
0x12: {  	s16 =	sadd.s32 s17, s0;
	s17 =	simm.s32 $0x5;
	[dreg:$0x3] =	wrdreg s29  }
.LBB2_1:
0x13: {  	s0 =	rddreg [dreg:$0x2]  }
0x14: {  	[tilespmem:s2], [sflag:$0x5] =	stream.linear.gather [hbm4b:s0+s2], $0xA00, $0x38;
	[tilespmem:$0x11400] =	vst v63  }
0x15: {  	_ =	swait.ge [sflag:s17], $0xA00  }
0x16: {  	[sflag:s17] =	ssyncset.done $0x0  }
0x17: {  	s5 =	rddreg [dreg:$0x3];
	[sflag:s17] =	ssyncadd.s32 $0xFFFFF600  }
0x18: {  	[tilespmem:s18], [sflag:$0x5] =	stream.linear.gather [hbm4b:s5+s2], $0xA00, $0x38;
	[tilespmem:$0x11400] =	vst v63  }
0x19: {  	_ =	swait.ge [sflag:s17], $0xA00  }
0x1a: {  	[sflag:s17] =	ssyncset.done $0x0  }
0x1b: {  	[sflag:s17] =	ssyncadd.s32 $0xFFFFF600  }
0x1c: {  	[tilespmem:s20], [sflag:$0x1] =	stream.indirect.gather [hbm4b:s3+s19], $0x80, s2, s19, $0xb8;
	[tilespmem:$0x11400] =	vst v63  }
0x1d: {  	_ = 	snop  }
0x1e: {  	[tilespmem:s21], [sflag:$0x1] =	stream.indirect.gather [hbm4b:s3+s19], $0x80, s18, s19, $0xb8;
	[tilespmem:$0x11400] =	vst v63  }
0x1f: {  	_ = 	snop  }
0x20: {  	[tilespmem:s22], [sflag:$0x2] =	stream.indirect.gather [hbm4b:s3+s19], $0x80, s19, s19, $0xb8;
	[tilespmem:$0x11400] =	vst v63  }
0x21: {  	s1 =	simm.s32 $0xA80  }
0x22: {  	[tilespmem:s24], [sflag:$0x2] =	stream.indirect.gather [hbm4b:s3+s19], $0x80, s1, s19, $0xb8;
	[tilespmem:$0x11400] =	vst v63  }
0x23: {  	_ =	swait.ge [sflag:s25], $0x4000  }
0x24: {  	[sflag:s25] =	ssyncset.done $0x0  }
0x25: {  	[sflag:s25] =	ssyncadd.s32 $0xFFFFC000  }
0x26: {  	_ =	swait.ge [sflag:s25], $0x4000  }
0x27: {  	[sflag:s25] =	ssyncset.done $0x0  }
0x28: {  	[sflag:s25] =	ssyncadd.s32 $0xFFFFC000  }
0x29: {  	[hbm4b:s7+s2] =	stream.linear.scatter [tilespmem:s20], [sflag:$0x3], $0x4000, $0x38;
	[tilespmem:$0x11400] =	vst v63  }
0x2a: {  	_ = 	snop  }
0x2b: {  	[hbm4b:s8+s2] =	stream.linear.scatter [tilespmem:s21], [sflag:$0x3], $0x4000, $0x38;
	[tilespmem:$0x11400] =	vst v63  }
0x2c: {  	_ =	swait.ge [sflag:s26], $0x4000  }
0x2d: {  	[sflag:s26] =	ssyncset.done $0x0  }
0x2e: {  	[sflag:s26] =	ssyncadd.s32 $0xFFFFC000  }
0x2f: {  	_ =	swait.ge [sflag:s26], $0x4000  }
0x30: {  	[sflag:s26] =	ssyncset.done $0x0  }
0x31: {  	s4 =	simm.s32 $0x100;
	[sflag:s26] =	ssyncadd.s32 $0xFFFFC000  }
0x32: {  	[tilespmem:s20], [sflag:$0x1] =	stream.indirect.gather [hbm4b:s3+s19], $0x80, s4, s19, $0xb8;
	[tilespmem:$0x11400] =	vst v63  }
0x33: {  	s5 =	simm.s32 $0xB00  }
0x34: {  	[tilespmem:s21], [sflag:$0x1] =	stream.indirect.gather [hbm4b:s3+s19], $0x80, s5, s19, $0xb8;
	[tilespmem:$0x11400] =	vst v63  }
0x35: {  	_ =	swait.ge [sflag:s30], $0x4000  }
0x36: {  	[sflag:s30] =	ssyncset.done $0x0  }
0x37: {  	[sflag:s30] =	ssyncadd.s32 $0xFFFFC000  }
0x38: {  	_ =	swait.ge [sflag:s30], $0x4000  }
0x39: {  	[sflag:s30] =	ssyncset.done $0x0  }
0x3a: {  	[sflag:s30] =	ssyncadd.s32 $0xFFFFC000  }
0x3b: {  	[hbm4b:s9+s2] =	stream.linear.scatter [tilespmem:s22], [sflag:$0x4], $0x4000, $0x38;
	[tilespmem:$0x11400] =	vst v63  }
0x3c: {  	_ = 	snop  }
0x3d: {  	[hbm4b:s10+s2] =	stream.linear.scatter [tilespmem:s24], [sflag:$0x4], $0x4000, $0x38;
	[tilespmem:$0x11400] =	vst v63  }
0x3e: {  	_ =	swait.ge [sflag:s31], $0x4000  }
0x3f: {  	[sflag:s31] =	ssyncset.done $0x0  }
0x40: {  	[sflag:s31] =	ssyncadd.s32 $0xFFFFC000  }
0x41: {  	_ =	swait.ge [sflag:s31], $0x4000  }
0x42: {  	[sflag:s31] =	ssyncset.done $0x0  }
0x43: {  	s1 =	simm.s32 $0x180;
	[sflag:s31] =	ssyncadd.s32 $0xFFFFC000  }
0x44: {  	[tilespmem:s22], [sflag:$0x2] =	stream.indirect.gather [hbm4b:s3+s19], $0x80, s1, s19, $0xb8;
	[tilespmem:$0x11400] =	vst v63  }
0x45: {  	s4 =	simm.s32 $0xB80  }
0x46: {  	[tilespmem:s24], [sflag:$0x2] =	stream.indirect.gather [hbm4b:s3+s19], $0x80, s4, s19, $0xb8;
	[tilespmem:$0x11400] =	vst v63  }
0x47: {  	_ =	swait.ge [sflag:s25], $0x4000  }
0x48: {  	[sflag:s25] =	ssyncset.done $0x0  }
0x49: {  	[sflag:s25] =	ssyncadd.s32 $0xFFFFC000  }
0x4a: {  	_ =	swait.ge [sflag:s25], $0x4000  }
0x4b: {  	s0 =	sadd.s32 $0x0, s15;
	[sflag:s25] =	ssyncset.done $0x0  }
0x4c: {  	s29 =	sadd.s32 $0x0, s16;
	s1 =	sadd.s32 $0x1000, s0;
	[sflag:s25] =	ssyncadd.s32 $0xFFFFC000  }
0x4d: {  	[hbm4b:s1+s2] =	stream.linear.scatter [tilespmem:s20], [sflag:$0x3], $0x4000, $0x38;
	[tilespmem:$0x11400] =	vst v63  }
0x4e: {  	s5 =	sadd.s32 $0x1000, s29  }
0x4f: {  	[hbm4b:s5+s2] =	stream.linear.scatter [tilespmem:s21], [sflag:$0x3], $0x4000, $0x38;
	[tilespmem:$0x11400] =	vst v63  }
0x50: {  	_ =	swait.ge [sflag:s26], $0x4000  }
0x51: {  	[sflag:s26] =	ssyncset.done $0x0  }
0x52: {  	[sflag:s26] =	ssyncadd.s32 $0xFFFFC000  }
0x53: {  	_ =	swait.ge [sflag:s26], $0x4000  }
0x54: {  	[sflag:s26] =	ssyncset.done $0x0  }
0x55: {  	s4 =	simm.s32 $0x200;
	[sflag:s26] =	ssyncadd.s32 $0xFFFFC000  }
0x56: {  	[tilespmem:s20], [sflag:$0x1] =	stream.indirect.gather [hbm4b:s3+s19], $0x80, s4, s19, $0xb8;
	[tilespmem:$0x11400] =	vst v63  }
0x57: {  	s5 =	simm.s32 $0xC00  }
0x58: {  	[tilespmem:s21], [sflag:$0x1] =	stream.indirect.gather [hbm4b:s3+s19], $0x80, s5, s19, $0xb8;
	[tilespmem:$0x11400] =	vst v63  }
0x59: {  	_ =	swait.ge [sflag:s30], $0x4000  }
0x5a: {  	[sflag:s30] =	ssyncset.done $0x0  }
0x5b: {  	[sflag:s30] =	ssyncadd.s32 $0xFFFFC000  }
0x5c: {  	_ =	swait.ge [sflag:s30], $0x4000  }
0x5d: {  	[sflag:s30] =	ssyncset.done $0x0  }
0x5e: {  	s28 =	simm.s32 $0x1000;
	s0 =	sadd.s32 $0x1800, s0;
	[sflag:s30] =	ssyncadd.s32 $0xFFFFC000  }
0x5f: {  	[hbm4b:s0+s2] =	stream.linear.scatter [tilespmem:s22], [sflag:$0x4], $0x4000, $0x38;
	[tilespmem:$0x11400] =	vst v63  }
0x60: {  	s1 =	simm.s32 $0xC80;
	s0 =	sadd.s32 $0x1800, s29;
	s29 =	simm.s32 $0x280  }
.LBB2_2:
0x61: {  	[hbm4b:s0+s2] =	stream.linear.scatter [tilespmem:s24], [sflag:$0x4], $0x4000, $0x38;
	[tilespmem:$0x11400] =	vst v63  }
0x62: {  	s0 =	smov.u32 s28  }
0x63: {  	p0 =	sne.s32 s28, $0x7000;
	s28 =	sadd.s32 $0x1000, s28;
	_ =	swait.ge [sflag:s31], $0x4000  }
0x64: {  	[sflag:s31] =	ssyncset.done $0x0  }
0x65: {  	[sflag:s31] =	ssyncadd.s32 $0xFFFFC000  }
0x66: {  	_ =	swait.ge [sflag:s31], $0x4000  }
0x67: {  	[sflag:s31] =	ssyncset.done $0x0  }
0x68: {  	[sflag:s31] =	ssyncadd.s32 $0xFFFFC000  }
0x69: {  	[tilespmem:s22], [sflag:$0x2] =	stream.indirect.gather [hbm4b:s3+s19], $0x80, s29, s19, $0xb8;
	[tilespmem:$0x11400] =	vst v63  }
0x6a: {  	_ = 	snop  }
0x6b: {  	[tilespmem:s24], [sflag:$0x2] =	stream.indirect.gather [hbm4b:s3+s19], $0x80, s1, s19, $0xb8;
	[tilespmem:$0x11400] =	vst v63  }
0x6c: {  	_ =	swait.ge [sflag:s25], $0x4000  }
0x6d: {  	[sflag:s25] =	ssyncset.done $0x0  }
0x6e: {  	[sflag:s25] =	ssyncadd.s32 $0xFFFFC000  }
0x6f: {  	_ =	swait.ge [sflag:s25], $0x4000  }
0x70: {  	s4 =	sadd.s32 s0, s15;
	[sflag:s25] =	ssyncset.done $0x0  }
0x71: {  	s0 =	sadd.s32 s0, s16;
	s5 =	sadd.s32 $0x1000, s4;
	[sflag:s25] =	ssyncadd.s32 $0xFFFFC000  }
0x72: {  	[hbm4b:s5+s2] =	stream.linear.scatter [tilespmem:s20], [sflag:$0x3], $0x4000, $0x38;
	[tilespmem:$0x11400] =	vst v63  }
0x73: {  	s5 =	sadd.s32 $0x1000, s0  }
0x74: {  	[hbm4b:s5+s2] =	stream.linear.scatter [tilespmem:s21], [sflag:$0x3], $0x4000, $0x38;
	[tilespmem:$0x11400] =	vst v63  }
0x75: {  	_ =	swait.ge [sflag:s26], $0x4000  }
0x76: {  	[sflag:s26] =	ssyncset.done $0x0  }
0x77: {  	[sflag:s26] =	ssyncadd.s32 $0xFFFFC000  }
0x78: {  	_ =	swait.ge [sflag:s26], $0x4000  }
0x79: {  	[sflag:s26] =	ssyncset.done $0x0  }
0x7a: {  	s5 =	sadd.s32 $0x80, s29;
	[sflag:s26] =	ssyncadd.s32 $0xFFFFC000  }
0x7b: {  	[tilespmem:s20], [sflag:$0x1] =	stream.indirect.gather [hbm4b:s3+s19], $0x80, s5, s19, $0xb8;
	[tilespmem:$0x11400] =	vst v63  }
0x7c: {  	s5 =	sadd.s32 $0x80, s1  }
0x7d: {  	[tilespmem:s21], [sflag:$0x1] =	stream.indirect.gather [hbm4b:s3+s19], $0x80, s5, s19, $0xb8;
	[tilespmem:$0x11400] =	vst v63  }
0x7e: {  	_ =	swait.ge [sflag:s30], $0x4000  }
0x7f: {  	[sflag:s30] =	ssyncset.done $0x0  }
0x80: {  	[sflag:s30] =	ssyncadd.s32 $0xFFFFC000  }
.Ltmp0:
0x81: {  	_ =	swait.ge [sflag:s30], $0x4000;
	(pc) =	sbr.rel @p0 .LBB2_2-.Ltmp0, $4  }
0x82: {  	[sflag:s30] =	ssyncset.done $0x0  }
0x83: {  	s4 =	sadd.s32 $0x1800, s4;
	[sflag:s30] =	ssyncadd.s32 $0xFFFFC000  }
0x84: {  	[hbm4b:s4+s2] =	stream.linear.scatter [tilespmem:s22], [sflag:$0x4], $0x4000, $0x38;
	[tilespmem:$0x11400] =	vst v63  }
0x85: {  	s0 =	sadd.s32 $0x1800, s0;
	s29 =	sadd.s32 $0x100, s29;
	s1 =	sadd.s32 $0x100, s1  }
0x86: {  	[hbm4b:s0+s2] =	stream.linear.scatter [tilespmem:s24], [sflag:$0x4], $0x4000, $0x38;
	[tilespmem:$0x11400] =	vst v63  }
0x87: {  	_ =	swait.ge [sflag:s31], $0x4000  }
0x88: {  	[sflag:s31] =	ssyncset.done $0x0  }
0x89: {  	[sflag:s31] =	ssyncadd.s32 $0xFFFFC000  }
0x8a: {  	_ =	swait.ge [sflag:s31], $0x4000  }
0x8b: {  	[sflag:s31] =	ssyncset.done $0x0  }
0x8c: {  	s28 =	simm.s32 $0x980;
	[sflag:s31] =	ssyncadd.s32 $0xFFFFC000  }
0x8d: {  	[tilespmem:s22], [sflag:$0x2] =	stream.indirect.gather [hbm4b:s3+s19], $0x80, s28, s19, $0xb8;
	[tilespmem:$0x11400] =	vst v63  }
0x8e: {  	s29 =	simm.s32 $0x1380  }
0x8f: {  	[tilespmem:s24], [sflag:$0x2] =	stream.indirect.gather [hbm4b:s3+s19], $0x80, s29, s19, $0xb8;
	[tilespmem:$0x11400] =	vst v63  }
0x90: {  	_ =	swait.ge [sflag:s25], $0x4000  }
0x91: {  	[sflag:s25] =	ssyncset.done $0x0  }
0x92: {  	[sflag:s25] =	ssyncadd.s32 $0xFFFFC000  }
0x93: {  	_ =	swait.ge [sflag:s25], $0x4000  }
0x94: {  	[sflag:s25] =	ssyncset.done $0x0  }
0x95: {  	[sflag:s25] =	ssyncadd.s32 $0xFFFFC000  }
0x96: {  	[hbm4b:s11+s2] =	stream.linear.scatter [tilespmem:s20], [sflag:$0x3], $0x4000, $0x38;
	[tilespmem:$0x11400] =	vst v63  }
0x97: {  	_ = 	snop  }
0x98: {  	[hbm4b:s12+s2] =	stream.linear.scatter [tilespmem:s21], [sflag:$0x3], $0x4000, $0x38;
	[tilespmem:$0x11400] =	vst v63  }
0x99: {  	_ =	swait.ge [sflag:s26], $0x4000  }
0x9a: {  	[sflag:s26] =	ssyncset.done $0x0  }
0x9b: {  	[sflag:s26] =	ssyncadd.s32 $0xFFFFC000  }
0x9c: {  	_ =	swait.ge [sflag:s26], $0x4000  }
0x9d: {  	[sflag:s26] =	ssyncset.done $0x0  }
0x9e: {  	[sflag:s26] =	ssyncadd.s32 $0xFFFFC000  }
0x9f: {  	_ =	swait.ge [sflag:s30], $0x4000  }
0xa0: {  	[sflag:s30] =	ssyncset.done $0x0  }
0xa1: {  	[sflag:s30] =	ssyncadd.s32 $0xFFFFC000  }
0xa2: {  	_ =	swait.ge [sflag:s30], $0x4000  }
0xa3: {  	[sflag:s30] =	ssyncset.done $0x0  }
0xa4: {  	[sflag:s30] =	ssyncadd.s32 $0xFFFFC000  }
0xa5: {  	[hbm4b:s13+s2] =	stream.linear.scatter [tilespmem:s22], [sflag:$0x4], $0x4000, $0x38;
	[tilespmem:$0x11400] =	vst v63  }
0xa6: {  	s23 =	sadd.s32 $0x1, s23  }
0xa7: {  	[hbm4b:s14+s2] =	stream.linear.scatter [tilespmem:s24], [sflag:$0x4], $0x4000, $0x38;
	[tilespmem:$0x11400] =	vst v63  }
0xa8: {  	p0 =	sne.s32 s23, s6;
	_ =	swait.ge [sflag:s31], $0x4000  }
.Ltmp1:
0xa9: {  	[sflag:s31] =	ssyncset.done $0x0;
	(pc) =	sbr.rel @p0 .LBB2_1-.Ltmp1, $4  }
0xaa: {  	[sflag:s31] =	ssyncadd.s32 $0xFFFFC000  }
0xab: {  	_ =	swait.ge [sflag:s31], $0x4000  }
0xac: {  	[sflag:s31] =	ssyncset.done $0x0  }
0xad: {  	[sflag:s31] =	ssyncadd.s32 $0xFFFFC000  }
0xae: {  	_ =	sfence.sel $0x180000  }
0xaf: {  	[bflag:$0x0] =	sbarrier.arrive $0xFFFF  }
0xb0: {  	_ =	strace $0x90000047  }
0xb1: {  	s0 =	stileid.u32;
	[bflag:$0x2] =	sbarrier.arrive $0xFFFF  }
0xb2: {  	p0 =	sne.s32 s0, $0x0;
	s0 =	rddreg [dreg:$0x1]  }
0xb3: {  	s0 =	sadd.s32 @!p0 $0x100000, s0  }
0xb4: {  	[sflag:s0] =	ssyncadd.tile.s32 @!p0 $0x1;
	_ =	shalt  }
.Lfunc_end2:
_tile_overlayer_lowered:
.L_overlay_start_2:
0xb5: {  	(tag) =	ssettag $0x2  }
0xb6: {  	s0 =	rddreg [dreg:$0x0];
	s2 =	stileid.u32  }
0xb7: {  	s1 =	rddreg [dreg:$0x1];
	p0 =	sne.s32 s2, $0x0  }
0xb8: {  	s3 =	rddreg [dreg:$0x2];
	[bflag:$0x3] =	sbarrier.arrive $0xFFFF;
	s2 =	simm.s32 @!p0 $0x1C05  }
0xb9: {  	[timem:s3], [sflag:s2] =	dma.local @!p0 [hbm:s0], s1  }
0xba: {  	s0 =	simm.s32 @!p0 $0x5  }
0xbb: {  	_ =	swait.ge @!p0 [sflag:s0], s1  }
0xbc: {  	s1 =	ssub.s32 @!p0 $0x0, s1;
	[sflag:s0] =	ssyncset.done @!p0 $0x0  }
0xbd: {  	[sflag:s0] =	ssyncadd.s32 @!p0 s1  }
0xbe: {  	[bflag:$0x3] =	sbarrier.arrive $0xFFFF  }
0xbf: {  	_ =	shalt  }

// kernel: kernel.18.cloned.1.call-start
scs
__scs_entry_jumppad:
0x0: {  	(pc) =	sbr.rel $0x88, $3  }
0x1: {  	(tag) =	ssettag $0x0;
	lr =	simm.s32 $0x1  }
0x2: {  	[smem:$0x3F8F] =	sst lr;
	_ =	strace $0xD0000000  }
0x3: {  	_ = 	snop  }
0x4: {  	_ = 	snop  }
0x5: {  	_ = 	snop  }
0x6: {  	_ = 	snop  }
0x7: {  	_ = 	snop  }
__scs_overlays_trampoline_lowered:
0x8: {  	[smem:$0x3F9E] =	sst s0  }
0x9: {  	[smem:$0x3F9F] =	sst s1  }
0xa: {  	[smem:$0x3FA0] =	sst s2  }
0xb: {  	[smem:$0x3FA1] =	sst s3  }
0xc: {  	[smem:$0x3FA2] =	sst s4  }
0xd: {  	[smem:$0x3FA3] =	sst s5  }
0xe: {  	[smem:$0x3FA4] =	sst s6  }
0xf: {  	[smem:$0x3FA5] =	sst s7  }
0x10: {  	[smem:$0x3FA6] =	sst s8  }
0x11: {  	[smem:$0x3FA7] =	sst s9;
	s0 =	simm.s32 @!p0 $0x0  }
0x12: {  	s1 =	sld [smem:$0x3F8D];
	s0 =	simm.s32 @p0 $0x1  }
0x13: {  	[smem:$0x3FA8] =	sst s0;
	s0 =	simm.s32 @!p1 $0x0  }
0x14: {  	s2 =	sld [smem:$0x3F8C];
	s0 =	simm.s32 @p1 $0x1  }
0x15: {  	[smem:$0x3FA9] =	sst s0;
	s0 =	simm.s32 @!p2 $0x0  }
0x16: {  	s3 =	sld [smem:$0x3FDB];
	s0 =	simm.s32 @p2 $0x1  }
0x17: {  	s4 =	simm.s32 $0x1BF5;
	[smem:$0x3FAB] =	sst s0  }
0x18: {  	s0 =	sld [smem:$0x3F8E];
	_ =	swait.ge [sflag:s4], $0x0  }
0x19: {  	s7 =	sld [smem:$0x3F8F]  }
0x1a: {  	s8 =	sadd.s32 $0xFFFFE003, lr  }
0x1b: {  	s9 =	sadd.s32 $0xFFFFFEF7, lr;
	s5 =	simm.s32 $0xFFFFFFFF;
	p2 =	slt.u32 s8, $0xFFFFF086  }
0x1c: {  	p1 =	slt.u32 s9, $0xF7A;
	s5 =	simm.s32 @!p2 $0x0  }
0x1d: {  	s5 =	simm.s32 @p1 $0x1;
	p0 =	seq.s32 s7, s2  }
0x1e: {  	s7 =	smul.u32 @!p0 $0xF7A, s2;
	p2 =	seq.s32 @!p0 s5, $0x0  }
0x1f: {  	s9 =	smul.u32 $0xF7A, s1;
	s8 =	simm.s32 @!p0 $0x1BF5;
	p2 =	por !p2, p0  }
0x20: {  	[sflag:s8] =	ssyncset.s32 @!p0 $0xFFFFF086;
	s6 =	sadd.s32 @!p0 s3, s7;
	s7 =	simm.s32 @!p0 $0x108  }
0x21: {  	s3 =	sadd.s32 s3, s9;
	s6 =	sadd.s32 @!p0 $0x88, s6;
	s7 =	simm.s32 @p2 $0x1082  }
0x22: {  	[simem:s7], [sflag:s8] =	dma.local @!p0 [hbm:s6], $0xF7A  }
0x23: {  	s9 =	sor.u32 $0xD0000000, s2;
	s6 =	simm.s32 $0x108;
	_ =	swait.ge @!p0 [sflag:s8], $0x0  }
0x24: {  	s3 =	sadd.s32 $0x88, s3;
	s6 =	simm.s32 @!p1 $0x1082;
	[sflag:s4] =	ssyncset.s32 $0xFFFFF086  }
0x25: {  	[simem:s6], [sflag:s4] =	dma.local [hbm:s3], $0xF7A  }
0x26: {  	[smem:$0x3F8F] =	sst s1;
	(tag) =	ssettag s2;
	_ =	strace s9  }
0x27: {  	s1 =	sld [smem:$0x3F9F]  }
0x28: {  	s2 =	sld [smem:$0x3FA0]  }
0x29: {  	s4 =	sld [smem:$0x3FA2]  }
0x2a: {  	p0 =	seq.s32 s5, $0x0;
	s5 =	sld [smem:$0x3FA3]  }
0x2b: {  	s6 =	sld [smem:$0x3FA4]  }
0x2c: {  	s7 =	sld [smem:$0x3FA5]  }
0x2d: {  	s3 =	simm.s32 $0x108;
	s8 =	sld [smem:$0x3FA6]  }
0x2e: {  	s3 =	simm.s32 @!p0 $0x1082;
	s9 =	sld [smem:$0x3FA7]  }
0x2f: {  	lr =	sadd.s32 s0, s3;
	s0 =	sld [smem:$0x3F9E]  }
0x30: {  	s3 =	sld [smem:$0x3FA1]  }
0x31: {  	[smem:$0x3FAA] =	sst s10  }
0x32: {  	s10 =	sld [smem:$0x3FA8];
	_ =	sdelay $0x3  }
0x33: {  	p0 =	seq.s32 s10, $0x1;
	s10 =	sld [smem:$0x3FAA];
	_ =	sdelay $0x3  }
0x34: {  	[smem:$0x3FAA] =	sst s10  }
0x35: {  	s10 =	sld [smem:$0x3FA9];
	_ =	sdelay $0x3  }
0x36: {  	p1 =	seq.s32 s10, $0x1;
	s10 =	sld [smem:$0x3FAA];
	_ =	sdelay $0x3  }
0x37: {  	[smem:$0x3FAA] =	sst s10  }
0x38: {  	s10 =	sld [smem:$0x3FAB]  }
0x39: {  	_ = 	snop;
	(pc) =	sbr.ind lr, $3  }
0x3a: {  	_ = 	snop  }
0x3b: {  	_ = 	snop  }
0x3c: {  	p2 =	seq.s32 s10, $0x1;
	s10 =	sld [smem:$0x3FAA]  }
0x3d: {  	_ =	shalt  }
0x3e: {  	_ =	shalt  }
0x3f: {  	_ =	shalt  }
0x40: {  	_ =	shalt  }
0x41: {  	_ =	shalt  }
0x42: {  	_ =	shalt  }
0x43: {  	_ =	shalt  }
0x44: {  	_ =	shalt  }
0x45: {  	_ =	shalt  }
0x46: {  	_ =	shalt  }
0x47: {  	_ =	shalt  }
0x48: {  	_ =	shalt  }
0x49: {  	_ =	shalt  }
0x4a: {  	_ =	shalt  }
0x4b: {  	_ =	shalt  }
0x4c: {  	_ =	shalt  }
0x4d: {  	_ =	shalt  }
0x4e: {  	_ =	shalt  }
0x4f: {  	_ =	shalt  }
0x50: {  	_ =	shalt  }
0x51: {  	_ =	shalt  }
0x52: {  	_ =	shalt  }
0x53: {  	_ =	shalt  }
0x54: {  	_ =	shalt  }
0x55: {  	_ =	shalt  }
0x56: {  	_ =	shalt  }
0x57: {  	_ =	shalt  }
0x58: {  	_ =	shalt  }
0x59: {  	_ =	shalt  }
0x5a: {  	_ =	shalt  }
0x5b: {  	_ =	shalt  }
0x5c: {  	_ =	shalt  }
0x5d: {  	_ =	shalt  }
0x5e: {  	_ =	shalt  }
0x5f: {  	_ =	shalt  }
0x60: {  	_ =	shalt  }
0x61: {  	_ =	shalt  }
0x62: {  	_ =	shalt  }
0x63: {  	_ =	shalt  }
0x64: {  	_ =	shalt  }
0x65: {  	_ =	shalt  }
0x66: {  	_ =	shalt  }
0x67: {  	_ =	shalt  }
0x68: {  	_ =	shalt  }
0x69: {  	_ =	shalt  }
0x6a: {  	_ =	shalt  }
0x6b: {  	_ =	shalt  }
0x6c: {  	_ =	shalt  }
0x6d: {  	_ =	shalt  }
0x6e: {  	_ =	shalt  }
0x6f: {  	_ =	shalt  }
0x70: {  	_ =	shalt  }
0x71: {  	_ =	shalt  }
0x72: {  	_ =	shalt  }
0x73: {  	_ =	shalt  }
0x74: {  	_ =	shalt  }
0x75: {  	_ =	shalt  }
0x76: {  	_ =	shalt  }
0x77: {  	_ =	shalt  }
0x78: {  	_ =	shalt  }
0x79: {  	_ =	shalt  }
0x7a: {  	_ =	shalt  }
0x7b: {  	_ =	shalt  }
0x7c: {  	_ =	shalt  }
0x7d: {  	_ =	shalt  }
0x7e: {  	_ =	shalt  }
0x7f: {  	_ =	shalt  }
0x80: {  	_ =	shalt  }
0x81: {  	_ =	shalt  }
0x82: {  	_ =	shalt  }
0x83: {  	_ =	shalt  }
0x84: {  	_ =	shalt  }
0x85: {  	_ =	shalt  }
0x86: {  	_ =	shalt  }
0x87: {  	_ =	shalt  }
.Lfunc_end0:
.L_simem_size_0:
called_computation.1_lowered:
.L_overlay_start_0:
0x88: {  	s2 =	sld [smem:$0x3FD9]  }
0x89: {  	s3 =	sld [smem:$0x3FFE];
	_ =	sdelay $0x1  }
0x8a: {  	s1 =	srdreg.scid  }
0x8b: {  	s0 =	sand.u32 $0x1, s1  }
0x8c: {  	s17 =	sshll.u32 s0, $0xA;
	s2 =	sadd.s32 s3, s2  }
0x8d: {  	s2 =	sadd.s32 s2, s17  }
0x8e: {  	[smem:$0x3FB6] =	sst s2  }
0x8f: {  	_ = 	snop  }
0x90: {  	(tm) =	ssettm $0x1  }
0x91: {  	s18 =	sld [smem:$0x3FFB];
	_ =	sdelay $0x3  }
0x92: {  	_ =	strace s18  }
0x93: {  	s2 =	sld [smem:$0x3FFC];
	_ =	sdelay $0x3  }
0x94: {  	_ =	strace s2  }
0x95: {  	s2 =	sld [smem:$0x3FFD];
	_ =	sdelay $0x3  }
0x96: {  	_ =	strace s2  }
0x97: {  	_ =	strace $0x8FFFFFFF  }
0x98: {  	s19 =	sld [smem:$0x3FDB];
	_ =	sdelay $0x1  }
0x99: {  	s20 =	simm.s32 $_scs_section_size  }
0x9a: {  	s4 =	simm.s32 $_size__tile_overlayer_lowered;
	s5 =	simm.s32 $_tile_overlayer_lowered  }
0x9b: {  	s6 =	simm.s32 $0x1BFF;
	s21 =	sshll.u32 s5, $0x1;
	s3 =	sadd.s32 s20, s19  }
0x9c: {  	s22 =	simm.s32 $0x0;
	s4 =	sshll.u32 s4, $0x1;
	s5 =	sadd.s32 s21, s3  }
0x9d: {  	[timem:s22], [sflag:s6] =	dma.local [hbm:s5], s4  }
0x9e: {  	_ =	swait.ge [sflag:s6], s4  }
0x9f: {  	s4 =	ssub.s32 $0x0, s4;
	[sflag:s6] =	ssyncset.done $0x0  }
0xa0: {  	[sflag:s6] =	ssyncadd.s32 s4;
	_ =	sdelay $0x1  }
0xa1: {  	s23 =	simm.s32 $0x1B8B  }
0xa2: {  	_ =	swait.ge [sflag:s23], $0x1  }
0xa3: {  	[sflag:s23] =	ssyncset.done $0x0  }
0xa4: {  	[sflag:s23] =	ssyncadd.s32 $0xFFFFFFFF  }
0xa5: {  	s4 =	sld [smem:$0x0]  }
0xa6: {  	s5 =	sand.u32 $0xFFFFFFFE, s1  }
0xa7: {  	p0 =	sne.s32 s1, s5  }
0xa8: {  	s5 =	sshll.u32 @p0 s5, $0xE  }
0xa9: {  	s5 =	sadd.s32 @p0 $0x11B8D, s5;
	s6 =	sshll.u32 @p0 s4, $0x11  }
0xaa: {  	s5 =	sor.u32 @p0 s6, s5  }
0xab: {  	[sflag:s5] =	ssyncadd.remote.s32 @p0 $0x1;
	_ =	sdelay $0x1  }
0xac: {  	s5 =	simm.s32 @p0 $0x1B8D  }
0xad: {  	_ =	swait.eq @p0 [sflag:s5], $0x1  }
0xae: {  	[sflag:s5] =	ssyncadd.s32 @p0 $0xFFFFFFFF  }
0xaf: {  	s6 =	sshll.u32 @!p0 s1, $0xE  }
0xb0: {  	s6 =	sor.u32 @!p0 $0x4000, s6;
	s5 =	simm.s32 @!p0 $0x1B8D  }
0xb1: {  	s4 =	sshll.u32 @!p0 s4, $0x11;
	s6 =	sadd.s32 @!p0 $0x11B8D, s6;
	_ =	swait.eq @!p0 [sflag:s5], $0x1  }
0xb2: {  	s4 =	sor.u32 @!p0 s4, s6;
	[sflag:s5] =	ssyncadd.s32 @!p0 $0xFFFFFFFF  }
0xb3: {  	s25 =	simm.s32 $0x1B8E;
	s24 =	sld [smem:$0x3FFE];
	[sflag:s4] =	ssyncadd.remote.s32 @!p0 $0x1  }
0xb4: {  	s26 =	simm.s32 $execute0_lowered;
	[smem:$0x3FD2] =	sst s25  }
0xb5: {  	s5 =	sshll.u32 s26, $0x1;
	_ =	strace $0x80000052;
	[dreg:$0x1] =	wrdreg $0xFFFFFFFF  }
0xb6: {  	s28 =	simm.s32 $_size_execute0_lowered;
	s3 =	sadd.s32 s3, s5;
	[dreg:$0x0] =	wrdreg $0x0  }
0xb7: {  	s5 =	sshll.u32 s28, $0x1;
	[dreg:$0x2] =	wrdreg s3  }
0xb8: {  	[dreg:$0x3] =	wrdreg s5  }
0xb9: {  	[dreg:$0x4] =	wrdreg $0xC0  }
0xba: {  	_ =	task [dreg:s22], $0x5FFFF  }
0xbb: {  	[dreg:$0x1] =	wrdreg $0xFFFFFFFF  }
0xbc: {  	[dreg:$0x0] =	wrdreg $0x60  }
0xbd: {  	[dreg:$0x2] =	wrdreg s24  }
0xbe: {  	[dreg:$0x3] =	wrdreg $0x40800  }
0xbf: {  	[dreg:$0x4] =	wrdreg $0x9  }
0xc0: {  	_ =	task.clear_ibuf [dreg:s22], $0x5FFFF;
	_ =	strace $0x90000052  }
0xc1: {  	s29 =	simm.s32 $0x9;
	_ =	strace $0x80000054  }
0xc2: {  	_ =	swait.ge [sflag:s29], $0x1  }
0xc3: {  	[sflag:s29] =	ssyncadd.s32 $0xFFFFFFFF  }
0xc4: {  	_ =	strace $0x90000054  }
0xc5: {  	_ =	sfence  }
0xc6: {  	s30 =	sld [smem:$0x0];
	_ =	sdelay $0x2  }
0xc7: {  	s31 =	sshll.u32 s1, $0xD;
	s1 =	sshrl.u32 s1, $0x2  }
0xc8: {  	s4 =	sand.u32 $0x4000, s31;
	s1 =	sadd.s32 s1, s30  }
0xc9: {  	s0 =	sor.u32 s4, s0;
	s1 =	sshll.u32 s1, $0x11  }
0xca: {  	s0 =	sor.u32 s1, s0  }
0xcb: {  	s0 =	sadd.s32 $0x8F2B, s0  }
0xcc: {  	[sflag:s0] =	ssyncadd.remote.s32 $0x1  }
0xcd: {  	_ =	sfence.sel $0xFFFF  }
0xce: {  	[dreg:$0x0] =	wrdreg $0xFFFFFFFF;
	(pc) =	sbr.abs _section_cstart, $3  }
0xcf: {  	[dreg:$0x1] =	wrdreg $0xFFFFFFFF  }
0xd0: {  	_ =	task.clear_ibuf [dreg:s22], $0x2FFFF;
	_ =	strace $0x9FFFFFFF  }
0xd1: {  	(tm) =	ssettm $0x7FFFFFFF  }
tec
execute0_lowered:
.L_overlay_start_1:
0x0: {  	(tag) =	ssettag $0x1  }
0x1: {  	s0 =	srdreg.scid  }
0x2: {  	s6 =	rddreg [dreg:$0x0];
	s5 =	sand.u32 $0x1, s0  }
0x3: {  	s2 =	rddreg [dreg:$0x1];
	s4 =	smul.u32 $0xA0000, s5  }
0x4: {  	s0 =	stileid.u32;
	s7 =	smul.u32 $0xA000, s5  }
0x5: {  	s1 =	rddreg [dreg:$0x2];
	s8 =	smul.u32 $0xA00, s0  }
0x6: {  	s3 =	simm.s32 $0x0;
	s14 =	simm.s32 $0x80;
	s9 =	smul.u32 $0x140000, s5  }
0x7: {  	s15 =	simm.s32 $0x0;
	[smem:$0x7FF] =	sst s3;
	s10 =	smul.u32 $0x14000, s0  }
0x8: {  	_ =	strace $0x80000053;
	s29 =	smul.u32 $0x50000, s0;
	s5 =	ssub.s32 $0x2, s5  }
0x9: {  	s11 =	smul.u32 $0xA000, s0;
	s31 =	sshll.u32 s0, $0x6;
	s30 =	sshrl.u32 s5, $0x1  }
0xa: {  	s7 =	sadd.s32 s8, s7;
	s24 =	sadd.s32 s4, s6;
	s26 =	sadd.s32 s10, s9  }
0xb: {  	s4 =	sadd.s32 $0xB400, s6;
	s9 =	sshrl.u32 s29, $0x2;
	s12 =	ssub.s32 s5, s30  }
0xc: {  	s5 =	sor.u32 $0x1C01, s31;
	s25 =	sshrl.u32 s7, $0x3;
	s7 =	sshrl.u32 s26, $0x3  }
0xd: {  	s13 =	sadd.s32 s9, s2;
	s11 =	sadd.s32 s11, s24;
	s8 =	smax.u32 s12, $0x1  }
0xe: {  	s28 =	sadd.s32 s25, s6;
	s7 =	sadd.s32 s7, s6;
	s9 =	sadd.s32 $0xA48E00, s11  }
0xf: {  	s11 =	sadd.s32 $0xB88E00, s11;
	s12 =	sshrl.u32 s13, $0x3;
	s13 =	simm.s32 $0x1  }
0x10: {  	s6 =	sadd.s32 $0xF2B000, s7;
	s7 =	sadd.s32 $0xF7B000, s7;
	s10 =	sadd.s32 $0xDC00, s28  }
.LBB2_1:
0x11: {  	[spmem:s12], [sflag:s5] =	dma.local [hbm:s4], $0x2800  }
0x12: {  	_ =	swait.ge [sflag:s13], $0x2800  }
0x13: {  	[sflag:s13] =	ssyncset.done $0x0  }
0x14: {  	[sflag:s13] =	ssyncadd.s32 $0xFFFFD800  }
0x15: {  	s16 =	sadd.s32 $0x0, s10;
	[bflag:$0x0] =	sbarrier.arrive $0xFFFF  }
0x16: {  	[tilespmem:s3], [sflag:$0x1] =	stream.linear.gather [hbm4b:s16+s3], $0x80, $0x38;
	[tilespmem:$0x18080] =	vst v63  }
0x17: {  	_ =	swait.ge [sflag:s13], $0x80  }
0x18: {  	[sflag:s13] =	ssyncset.done $0x0  }
0x19: {  	[sflag:s13] =	ssyncadd.s32 $0xFFFFFF80  }
0x1a: {  	[tilespmem:s14], [sflag:$0x1] =	stream.linear.gather [hbm4b:s9+s3], $0x4000, $0x38;
	[tilespmem:$0x18080] =	vst v63  }
0x1b: {  	_ =	swait.ge [sflag:s13], $0x4000  }
0x1c: {  	[sflag:s13] =	ssyncset.done $0x0  }
0x1d: {  	[sflag:s13] =	ssyncadd.s32 $0xFFFFC000  }
0x1e: {  	[spmem:s2] =	stream.indirect.scatter.add.f32 [tilespmem:s14], [sflag:$0x1], $0x80, s3, s14, $0xb8;
	[tilespmem:$0x18080] =	vst v63  }
0x1f: {  	s17 =	simm.s32 $0x10;
	_ =	swait.ge [sflag:s13], $0x4000  }
0x20: {  	s18 =	simm.s32 $0x20;
	s16 =	sadd.s32 $0x800, s9;
	[sflag:s13] =	ssyncset.done $0x0  }
.LBB2_2:
0x21: {  	s19 =	sadd.s32 s17, s10  }
0x22: {  	[sflag:s13] =	ssyncadd.s32 $0xFFFFC000;
	s17 =	smov.u32 s18;
	s20 =	sadd.s32 $0x10, s18  }
0x23: {  	[tilespmem:s3], [sflag:$0x1] =	stream.linear.gather [hbm4b:s19+s3], $0x80, $0x38;
	[tilespmem:$0x18080] =	vst v63  }
0x24: {  	p0 =	sne.s32 s18, $0x130;
	_ =	swait.ge [sflag:s13], $0x80  }
0x25: {  	[sflag:s13] =	ssyncset.done $0x0  }
0x26: {  	[sflag:s13] =	ssyncadd.s32 $0xFFFFFF80  }
0x27: {  	[tilespmem:s14], [sflag:$0x1] =	stream.linear.gather [hbm4b:s16+s3], $0x4000, $0x38;
	[tilespmem:$0x18080] =	vst v63  }
0x28: {  	_ =	swait.ge [sflag:s13], $0x4000  }
.Ltmp0:
0x29: {  	[sflag:s13] =	ssyncset.done $0x0;
	(pc) =	sbr.rel @p0 .LBB2_2-.Ltmp0, $4  }
0x2a: {  	[sflag:s13] =	ssyncadd.s32 $0xFFFFC000  }
0x2b: {  	[spmem:s2] =	stream.indirect.scatter.add.f32 [tilespmem:s14], [sflag:$0x1], $0x80, s3, s14, $0xb8;
	[tilespmem:$0x18080] =	vst v63  }
0x2c: {  	_ =	swait.ge [sflag:s13], $0x4000  }
0x2d: {  	s18 =	smov.u32 s20;
	s16 =	sadd.s32 $0x800, s16;
	[sflag:s13] =	ssyncset.done $0x0  }
0x2e: {  	s17 =	sadd.s32 s17, s10;
	[sflag:s13] =	ssyncadd.s32 $0xFFFFC000  }
0x2f: {  	[tilespmem:s3], [sflag:$0x1] =	stream.linear.gather [hbm4b:s17+s3], $0x80, $0x38;
	[tilespmem:$0x18080] =	vst v63  }
0x30: {  	_ =	swait.ge [sflag:s13], $0x80  }
0x31: {  	[sflag:s13] =	ssyncset.done $0x0  }
0x32: {  	[sflag:s13] =	ssyncadd.s32 $0xFFFFFF80  }
0x33: {  	[tilespmem:s14], [sflag:$0x1] =	stream.linear.gather [hbm4b:s16+s3], $0x4000, $0x38;
	[tilespmem:$0x18080] =	vst v63  }
0x34: {  	_ =	swait.ge [sflag:s13], $0x4000  }
0x35: {  	[sflag:s13] =	ssyncset.done $0x0  }
0x36: {  	[sflag:s13] =	ssyncadd.s32 $0xFFFFC000  }
0x37: {  	[spmem:s2] =	stream.indirect.scatter.add.f32 [tilespmem:s14], [sflag:$0x1], $0x80, s3, s14, $0xb8;
	[tilespmem:$0x18080] =	vst v63  }
0x38: {  	_ =	swait.ge [sflag:s13], $0x4000  }
0x39: {  	[sflag:s13] =	ssyncset.done $0x0  }
0x3a: {  	[sflag:s13] =	ssyncadd.s32 $0xFFFFC000  }
0x3b: {  	[bflag:$0x0] =	sbarrier.arrive $0xFFFF  }
0x3c: {  	[hbm:s6], [sflag:s5] =	dma.local [spmem:s12], $0x2800  }
0x3d: {  	_ =	swait.ge [sflag:s13], $0x2800  }
0x3e: {  	[sflag:s13] =	ssyncset.done $0x0  }
0x3f: {  	[sflag:s13] =	ssyncadd.s32 $0xFFFFD800  }
0x40: {  	[bflag:$0x0] =	sbarrier.arrive $0xFFFF  }
0x41: {  	[spmem:s12], [sflag:s5] =	dma.local [hbm:s4], $0x2800  }
0x42: {  	_ =	swait.ge [sflag:s13], $0x2800  }
0x43: {  	[sflag:s13] =	ssyncset.done $0x0  }
0x44: {  	[sflag:s13] =	ssyncadd.s32 $0xFFFFD800  }
0x45: {  	s31 =	sadd.s32 $0x0, s10;
	[bflag:$0x0] =	sbarrier.arrive $0xFFFF  }
0x46: {  	[tilespmem:s3], [sflag:$0x1] =	stream.linear.gather [hbm4b:s31+s3], $0x80, $0x38;
	[tilespmem:$0x18080] =	vst v63  }
0x47: {  	_ =	swait.ge [sflag:s13], $0x80  }
0x48: {  	[sflag:s13] =	ssyncset.done $0x0  }
0x49: {  	[sflag:s13] =	ssyncadd.s32 $0xFFFFFF80  }
0x4a: {  	[tilespmem:s14], [sflag:$0x1] =	stream.linear.gather [hbm4b:s11+s3], $0x4000, $0x38;
	[tilespmem:$0x18080] =	vst v63  }
0x4b: {  	_ =	swait.ge [sflag:s13], $0x4000  }
0x4c: {  	[sflag:s13] =	ssyncset.done $0x0  }
0x4d: {  	[sflag:s13] =	ssyncadd.s32 $0xFFFFC000  }
0x4e: {  	[spmem:s2] =	stream.indirect.scatter.add.f32 [tilespmem:s14], [sflag:$0x1], $0x80, s3, s14, $0xb8;
	[tilespmem:$0x18080] =	vst v63  }
0x4f: {  	s18 =	simm.s32 $0x20;
	_ =	swait.ge [sflag:s13], $0x4000  }
0x50: {  	s17 =	simm.s32 $0x10;
	s16 =	sadd.s32 $0x800, s11;
	[sflag:s13] =	ssyncset.done $0x0  }
.LBB2_4:
0x51: {  	s19 =	sadd.s32 s17, s10  }
0x52: {  	[sflag:s13] =	ssyncadd.s32 $0xFFFFC000;
	s17 =	smov.u32 s18;
	s20 =	sadd.s32 $0x10, s18  }
0x53: {  	[tilespmem:s3], [sflag:$0x1] =	stream.linear.gather [hbm4b:s19+s3], $0x80, $0x38;
	[tilespmem:$0x18080] =	vst v63  }
0x54: {  	p0 =	sne.s32 s18, $0x130;
	_ =	swait.ge [sflag:s13], $0x80  }
0x55: {  	[sflag:s13] =	ssyncset.done $0x0  }
0x56: {  	[sflag:s13] =	ssyncadd.s32 $0xFFFFFF80  }
0x57: {  	[tilespmem:s14], [sflag:$0x1] =	stream.linear.gather [hbm4b:s16+s3], $0x4000, $0x38;
	[tilespmem:$0x18080] =	vst v63  }
0x58: {  	_ =	swait.ge [sflag:s13], $0x4000  }
.Ltmp1:
0x59: {  	[sflag:s13] =	ssyncset.done $0x0;
	(pc) =	sbr.rel @p0 .LBB2_4-.Ltmp1, $4  }
0x5a: {  	[sflag:s13] =	ssyncadd.s32 $0xFFFFC000  }
0x5b: {  	[spmem:s2] =	stream.indirect.scatter.add.f32 [tilespmem:s14], [sflag:$0x1], $0x80, s3, s14, $0xb8;
	[tilespmem:$0x18080] =	vst v63  }
0x5c: {  	_ =	swait.ge [sflag:s13], $0x4000  }
0x5d: {  	s18 =	smov.u32 s20;
	s16 =	sadd.s32 $0x800, s16;
	[sflag:s13] =	ssyncset.done $0x0  }
0x5e: {  	s17 =	sadd.s32 s17, s10;
	[sflag:s13] =	ssyncadd.s32 $0xFFFFC000  }
0x5f: {  	[tilespmem:s3], [sflag:$0x1] =	stream.linear.gather [hbm4b:s17+s3], $0x80, $0x38;
	[tilespmem:$0x18080] =	vst v63  }
0x60: {  	_ =	swait.ge [sflag:s13], $0x80  }
0x61: {  	[sflag:s13] =	ssyncset.done $0x0  }
0x62: {  	[sflag:s13] =	ssyncadd.s32 $0xFFFFFF80  }
0x63: {  	[tilespmem:s14], [sflag:$0x1] =	stream.linear.gather [hbm4b:s16+s3], $0x4000, $0x38;
	[tilespmem:$0x18080] =	vst v63  }
0x64: {  	_ =	swait.ge [sflag:s13], $0x4000  }
0x65: {  	[sflag:s13] =	ssyncset.done $0x0  }
0x66: {  	[sflag:s13] =	ssyncadd.s32 $0xFFFFC000  }
0x67: {  	[spmem:s2] =	stream.indirect.scatter.add.f32 [tilespmem:s14], [sflag:$0x1], $0x80, s3, s14, $0xb8;
	[tilespmem:$0x18080] =	vst v63  }
0x68: {  	_ =	swait.ge [sflag:s13], $0x4000  }
0x69: {  	[sflag:s13] =	ssyncset.done $0x0  }
0x6a: {  	s15 =	sadd.s32 $0x1, s15;
	[sflag:s13] =	ssyncadd.s32 $0xFFFFC000  }
0x6b: {  	p0 =	sne.s32 s15, s8;
	[bflag:$0x0] =	sbarrier.arrive $0xFFFF  }
0x6c: {  	[hbm:s7], [sflag:s5] =	dma.local [spmem:s12], $0x2800  }
.Ltmp2:
0x6d: {  	_ =	swait.ge [sflag:s13], $0x2800;
	(pc) =	sbr.rel @p0 .LBB2_1-.Ltmp2, $3  }
0x6e: {  	[sflag:s13] =	ssyncset.done $0x0  }
0x6f: {  	[sflag:s13] =	ssyncadd.s32 $0xFFFFD800  }
0x70: {  	[bflag:$0x0] =	sbarrier.arrive $0xFFFF;
	_ =	sdelay $0x1  }
0x71: {  	_ =	sfence.sel $0x180000  }
0x72: {  	[bflag:$0x0] =	sbarrier.arrive $0xFFFF  }
0x73: {  	p0 =	sne.s32 s0, $0x0;
	_ =	strace $0x90000053  }
0x74: {  	s0 =	sadd.s32 @!p0 $0x100000, s1;
	[bflag:$0x2] =	sbarrier.arrive $0xFFFF  }
0x75: {  	[sflag:s0] =	ssyncadd.tile.s32 @!p0 $0x1;
	_ =	shalt  }
.Lfunc_end2:
_tile_overlayer_lowered:
.L_overlay_start_2:
0x76: {  	(tag) =	ssettag $0x2  }
0x77: {  	s0 =	rddreg [dreg:$0x0];
	s2 =	stileid.u32  }
0x78: {  	s1 =	rddreg [dreg:$0x1];
	p0 =	sne.s32 s2, $0x0  }
0x79: {  	s3 =	rddreg [dreg:$0x2];
	[bflag:$0x3] =	sbarrier.arrive $0xFFFF;
	s2 =	simm.s32 @!p0 $0x1C01  }
0x7a: {  	[timem:s3], [sflag:s2] =	dma.local @!p0 [hbm:s0], s1  }
0x7b: {  	s0 =	simm.s32 @!p0 $0x1  }
0x7c: {  	_ =	swait.ge @!p0 [sflag:s0], s1  }
0x7d: {  	s1 =	ssub.s32 @!p0 $0x0, s1;
	[sflag:s0] =	ssyncset.done @!p0 $0x0  }
0x7e: {  	[sflag:s0] =	ssyncadd.s32 @!p0 s1  }
0x7f: {  	[bflag:$0x3] =	sbarrier.arrive $0xFFFF  }
0x80: {  	_ =	shalt  }

// kernel: kernel.21.cloned.1.call-start
scs
__scs_entry_jumppad:
0x0: {  	(pc) =	sbr.rel $0x88, $3  }
0x1: {  	(tag) =	ssettag $0x0;
	lr =	simm.s32 $0x1  }
0x2: {  	[smem:$0x3F8F] =	sst lr;
	_ =	strace $0xD0000000  }
0x3: {  	_ = 	snop  }
0x4: {  	_ = 	snop  }
0x5: {  	_ = 	snop  }
0x6: {  	_ = 	snop  }
0x7: {  	_ = 	snop  }
__scs_overlays_trampoline_lowered:
0x8: {  	[smem:$0x3F9E] =	sst s0  }
0x9: {  	[smem:$0x3F9F] =	sst s1  }
0xa: {  	[smem:$0x3FA0] =	sst s2  }
0xb: {  	[smem:$0x3FA1] =	sst s3  }
0xc: {  	[smem:$0x3FA2] =	sst s4  }
0xd: {  	[smem:$0x3FA3] =	sst s5  }
0xe: {  	[smem:$0x3FA4] =	sst s6  }
0xf: {  	[smem:$0x3FA5] =	sst s7  }
0x10: {  	[smem:$0x3FA6] =	sst s8  }
0x11: {  	[smem:$0x3FA7] =	sst s9;
	s0 =	simm.s32 @!p0 $0x0  }
0x12: {  	s1 =	sld [smem:$0x3F8D];
	s0 =	simm.s32 @p0 $0x1  }
0x13: {  	[smem:$0x3FA8] =	sst s0;
	s0 =	simm.s32 @!p1 $0x0  }
0x14: {  	s2 =	sld [smem:$0x3F8C];
	s0 =	simm.s32 @p1 $0x1  }
0x15: {  	[smem:$0x3FA9] =	sst s0;
	s0 =	simm.s32 @!p2 $0x0  }
0x16: {  	s3 =	sld [smem:$0x3FDB];
	s0 =	simm.s32 @p2 $0x1  }
0x17: {  	s4 =	simm.s32 $0x1BF5;
	[smem:$0x3FAB] =	sst s0  }
0x18: {  	s0 =	sld [smem:$0x3F8E];
	_ =	swait.ge [sflag:s4], $0x0  }
0x19: {  	s7 =	sld [smem:$0x3F8F]  }
0x1a: {  	s8 =	sadd.s32 $0xFFFFE003, lr  }
0x1b: {  	s9 =	sadd.s32 $0xFFFFFEF7, lr;
	s5 =	simm.s32 $0xFFFFFFFF;
	p2 =	slt.u32 s8, $0xFFFFF086  }
0x1c: {  	p1 =	slt.u32 s9, $0xF7A;
	s5 =	simm.s32 @!p2 $0x0  }
0x1d: {  	s5 =	simm.s32 @p1 $0x1;
	p0 =	seq.s32 s7, s2  }
0x1e: {  	s7 =	smul.u32 @!p0 $0xF7A, s2;
	p2 =	seq.s32 @!p0 s5, $0x0  }
0x1f: {  	s9 =	smul.u32 $0xF7A, s1;
	s8 =	simm.s32 @!p0 $0x1BF5;
	p2 =	por !p2, p0  }
0x20: {  	[sflag:s8] =	ssyncset.s32 @!p0 $0xFFFFF086;
	s6 =	sadd.s32 @!p0 s3, s7;
	s7 =	simm.s32 @!p0 $0x108  }
0x21: {  	s3 =	sadd.s32 s3, s9;
	s6 =	sadd.s32 @!p0 $0x88, s6;
	s7 =	simm.s32 @p2 $0x1082  }
0x22: {  	[simem:s7], [sflag:s8] =	dma.local @!p0 [hbm:s6], $0xF7A  }
0x23: {  	s9 =	sor.u32 $0xD0000000, s2;
	s6 =	simm.s32 $0x108;
	_ =	swait.ge @!p0 [sflag:s8], $0x0  }
0x24: {  	s3 =	sadd.s32 $0x88, s3;
	s6 =	simm.s32 @!p1 $0x1082;
	[sflag:s4] =	ssyncset.s32 $0xFFFFF086  }
0x25: {  	[simem:s6], [sflag:s4] =	dma.local [hbm:s3], $0xF7A  }
0x26: {  	[smem:$0x3F8F] =	sst s1;
	(tag) =	ssettag s2;
	_ =	strace s9  }
0x27: {  	s1 =	sld [smem:$0x3F9F]  }
0x28: {  	s2 =	sld [smem:$0x3FA0]  }
0x29: {  	s4 =	sld [smem:$0x3FA2]  }
0x2a: {  	p0 =	seq.s32 s5, $0x0;
	s5 =	sld [smem:$0x3FA3]  }
0x2b: {  	s6 =	sld [smem:$0x3FA4]  }
0x2c: {  	s7 =	sld [smem:$0x3FA5]  }
0x2d: {  	s3 =	simm.s32 $0x108;
	s8 =	sld [smem:$0x3FA6]  }
0x2e: {  	s3 =	simm.s32 @!p0 $0x1082;
	s9 =	sld [smem:$0x3FA7]  }
0x2f: {  	lr =	sadd.s32 s0, s3;
	s0 =	sld [smem:$0x3F9E]  }
0x30: {  	s3 =	sld [smem:$0x3FA1]  }
0x31: {  	[smem:$0x3FAA] =	sst s10  }
0x32: {  	s10 =	sld [smem:$0x3FA8];
	_ =	sdelay $0x3  }
0x33: {  	p0 =	seq.s32 s10, $0x1;
	s10 =	sld [smem:$0x3FAA];
	_ =	sdelay $0x3  }
0x34: {  	[smem:$0x3FAA] =	sst s10  }
0x35: {  	s10 =	sld [smem:$0x3FA9];
	_ =	sdelay $0x3  }
0x36: {  	p1 =	seq.s32 s10, $0x1;
	s10 =	sld [smem:$0x3FAA];
	_ =	sdelay $0x3  }
0x37: {  	[smem:$0x3FAA] =	sst s10  }
0x38: {  	s10 =	sld [smem:$0x3FAB]  }
0x39: {  	_ = 	snop;
	(pc) =	sbr.ind lr, $3  }
0x3a: {  	_ = 	snop  }
0x3b: {  	_ = 	snop  }
0x3c: {  	p2 =	seq.s32 s10, $0x1;
	s10 =	sld [smem:$0x3FAA]  }
0x3d: {  	_ =	shalt  }
0x3e: {  	_ =	shalt  }
0x3f: {  	_ =	shalt  }
0x40: {  	_ =	shalt  }
0x41: {  	_ =	shalt  }
0x42: {  	_ =	shalt  }
0x43: {  	_ =	shalt  }
0x44: {  	_ =	shalt  }
0x45: {  	_ =	shalt  }
0x46: {  	_ =	shalt  }
0x47: {  	_ =	shalt  }
0x48: {  	_ =	shalt  }
0x49: {  	_ =	shalt  }
0x4a: {  	_ =	shalt  }
0x4b: {  	_ =	shalt  }
0x4c: {  	_ =	shalt  }
0x4d: {  	_ =	shalt  }
0x4e: {  	_ =	shalt  }
0x4f: {  	_ =	shalt  }
0x50: {  	_ =	shalt  }
0x51: {  	_ =	shalt  }
0x52: {  	_ =	shalt  }
0x53: {  	_ =	shalt  }
0x54: {  	_ =	shalt  }
0x55: {  	_ =	shalt  }
0x56: {  	_ =	shalt  }
0x57: {  	_ =	shalt  }
0x58: {  	_ =	shalt  }
0x59: {  	_ =	shalt  }
0x5a: {  	_ =	shalt  }
0x5b: {  	_ =	shalt  }
0x5c: {  	_ =	shalt  }
0x5d: {  	_ =	shalt  }
0x5e: {  	_ =	shalt  }
0x5f: {  	_ =	shalt  }
0x60: {  	_ =	shalt  }
0x61: {  	_ =	shalt  }
0x62: {  	_ =	shalt  }
0x63: {  	_ =	shalt  }
0x64: {  	_ =	shalt  }
0x65: {  	_ =	shalt  }
0x66: {  	_ =	shalt  }
0x67: {  	_ =	shalt  }
0x68: {  	_ =	shalt  }
0x69: {  	_ =	shalt  }
0x6a: {  	_ =	shalt  }
0x6b: {  	_ =	shalt  }
0x6c: {  	_ =	shalt  }
0x6d: {  	_ =	shalt  }
0x6e: {  	_ =	shalt  }
0x6f: {  	_ =	shalt  }
0x70: {  	_ =	shalt  }
0x71: {  	_ =	shalt  }
0x72: {  	_ =	shalt  }
0x73: {  	_ =	shalt  }
0x74: {  	_ =	shalt  }
0x75: {  	_ =	shalt  }
0x76: {  	_ =	shalt  }
0x77: {  	_ =	shalt  }
0x78: {  	_ =	shalt  }
0x79: {  	_ =	shalt  }
0x7a: {  	_ =	shalt  }
0x7b: {  	_ =	shalt  }
0x7c: {  	_ =	shalt  }
0x7d: {  	_ =	shalt  }
0x7e: {  	_ =	shalt  }
0x7f: {  	_ =	shalt  }
0x80: {  	_ =	shalt  }
0x81: {  	_ =	shalt  }
0x82: {  	_ =	shalt  }
0x83: {  	_ =	shalt  }
0x84: {  	_ =	shalt  }
0x85: {  	_ =	shalt  }
0x86: {  	_ =	shalt  }
0x87: {  	_ =	shalt  }
.Lfunc_end0:
.L_simem_size_0:
called_computation.2_lowered:
.L_overlay_start_0:
0x88: {  	s2 =	sld [smem:$0x3FD9]  }
0x89: {  	s3 =	sld [smem:$0x3FFE];
	_ =	sdelay $0x1  }
0x8a: {  	s1 =	srdreg.scid  }
0x8b: {  	s0 =	sand.u32 $0x1, s1  }
0x8c: {  	s17 =	sshll.u32 s0, $0xA;
	s2 =	sadd.s32 s3, s2  }
0x8d: {  	s2 =	sadd.s32 s2, s17  }
0x8e: {  	[smem:$0x3FB6] =	sst s2  }
0x8f: {  	_ = 	snop  }
0x90: {  	(tm) =	ssettm $0x1  }
0x91: {  	s18 =	sld [smem:$0x3FFB];
	_ =	sdelay $0x3  }
0x92: {  	_ =	strace s18  }
0x93: {  	s2 =	sld [smem:$0x3FFC];
	_ =	sdelay $0x3  }
0x94: {  	_ =	strace s2  }
0x95: {  	s2 =	sld [smem:$0x3FFD];
	_ =	sdelay $0x3  }
0x96: {  	_ =	strace s2  }
0x97: {  	_ =	strace $0x8FFFFFFF  }
0x98: {  	s19 =	sld [smem:$0x3FDB];
	_ =	sdelay $0x1  }
0x99: {  	s20 =	simm.s32 $_scs_section_size  }
0x9a: {  	s4 =	simm.s32 $_size__tile_overlayer_lowered;
	s5 =	simm.s32 $_tile_overlayer_lowered  }
0x9b: {  	s6 =	simm.s32 $0x1BFF;
	s21 =	sshll.u32 s5, $0x1;
	s3 =	sadd.s32 s20, s19  }
0x9c: {  	s22 =	simm.s32 $0x0;
	s4 =	sshll.u32 s4, $0x1;
	s5 =	sadd.s32 s21, s3  }
0x9d: {  	[timem:s22], [sflag:s6] =	dma.local [hbm:s5], s4  }
0x9e: {  	_ =	swait.ge [sflag:s6], s4  }
0x9f: {  	s4 =	ssub.s32 $0x0, s4;
	[sflag:s6] =	ssyncset.done $0x0  }
0xa0: {  	[sflag:s6] =	ssyncadd.s32 s4;
	_ =	sdelay $0x1  }
0xa1: {  	s23 =	simm.s32 $0x1B8B  }
0xa2: {  	_ =	swait.ge [sflag:s23], $0x1  }
0xa3: {  	[sflag:s23] =	ssyncset.done $0x0  }
0xa4: {  	[sflag:s23] =	ssyncadd.s32 $0xFFFFFFFF  }
0xa5: {  	s4 =	sld [smem:$0x0]  }
0xa6: {  	s5 =	sand.u32 $0xFFFFFFFE, s1  }
0xa7: {  	p0 =	sne.s32 s1, s5  }
0xa8: {  	s5 =	sshll.u32 @p0 s5, $0xE  }
0xa9: {  	s5 =	sadd.s32 @p0 $0x11B8D, s5;
	s6 =	sshll.u32 @p0 s4, $0x11  }
0xaa: {  	s5 =	sor.u32 @p0 s6, s5  }
0xab: {  	[sflag:s5] =	ssyncadd.remote.s32 @p0 $0x1;
	_ =	sdelay $0x1  }
0xac: {  	s5 =	simm.s32 @p0 $0x1B8D  }
0xad: {  	_ =	swait.eq @p0 [sflag:s5], $0x1  }
0xae: {  	[sflag:s5] =	ssyncadd.s32 @p0 $0xFFFFFFFF  }
0xaf: {  	s6 =	sshll.u32 @!p0 s1, $0xE  }
0xb0: {  	s6 =	sor.u32 @!p0 $0x4000, s6;
	s5 =	simm.s32 @!p0 $0x1B8D  }
0xb1: {  	s4 =	sshll.u32 @!p0 s4, $0x11;
	s6 =	sadd.s32 @!p0 $0x11B8D, s6;
	_ =	swait.eq @!p0 [sflag:s5], $0x1  }
0xb2: {  	s4 =	sor.u32 @!p0 s4, s6;
	[sflag:s5] =	ssyncadd.s32 @!p0 $0xFFFFFFFF  }
0xb3: {  	s25 =	simm.s32 $0x1B8E;
	s24 =	sld [smem:$0x3FFE];
	[sflag:s4] =	ssyncadd.remote.s32 @!p0 $0x1  }
0xb4: {  	s26 =	simm.s32 $execute0_lowered;
	[smem:$0x3FD2] =	sst s25  }
0xb5: {  	s5 =	sshll.u32 s26, $0x1;
	_ =	strace $0x80000049;
	[dreg:$0x1] =	wrdreg $0xFFFFFFFF  }
0xb6: {  	s28 =	simm.s32 $_size_execute0_lowered;
	s3 =	sadd.s32 s3, s5;
	[dreg:$0x0] =	wrdreg $0x0  }
0xb7: {  	s5 =	sshll.u32 s28, $0x1;
	[dreg:$0x2] =	wrdreg s3  }
0xb8: {  	[dreg:$0x3] =	wrdreg s5  }
0xb9: {  	[dreg:$0x4] =	wrdreg $0xC0  }
0xba: {  	_ =	task [dreg:s22], $0x5FFFF  }
0xbb: {  	[dreg:$0x1] =	wrdreg $0xFFFFFFFF  }
0xbc: {  	[dreg:$0x0] =	wrdreg $0x60  }
0xbd: {  	[dreg:$0x2] =	wrdreg s24  }
0xbe: {  	[dreg:$0x3] =	wrdreg $0xB  }
0xbf: {  	_ =	task.clear_ibuf [dreg:s22], $0x4FFFF;
	_ =	strace $0x90000049  }
0xc0: {  	s29 =	simm.s32 $0xB;
	_ =	strace $0x8000004B  }
0xc1: {  	_ =	swait.ge [sflag:s29], $0x1  }
0xc2: {  	[sflag:s29] =	ssyncadd.s32 $0xFFFFFFFF  }
0xc3: {  	_ =	strace $0x9000004B  }
0xc4: {  	_ =	sfence  }
0xc5: {  	s30 =	sld [smem:$0x0];
	_ =	sdelay $0x2  }
0xc6: {  	s31 =	sshll.u32 s1, $0xD;
	s1 =	sshrl.u32 s1, $0x2  }
0xc7: {  	s4 =	sand.u32 $0x4000, s31;
	s1 =	sadd.s32 s1, s30  }
0xc8: {  	s0 =	sor.u32 s4, s0;
	s1 =	sshll.u32 s1, $0x11  }
0xc9: {  	s0 =	sor.u32 s1, s0  }
0xca: {  	s0 =	sadd.s32 $0x8F2B, s0  }
0xcb: {  	[sflag:s0] =	ssyncadd.remote.s32 $0x1  }
0xcc: {  	_ =	sfence.sel $0xFFFF  }
0xcd: {  	[dreg:$0x0] =	wrdreg $0xFFFFFFFF;
	(pc) =	sbr.abs _section_cstart, $3  }
0xce: {  	[dreg:$0x1] =	wrdreg $0xFFFFFFFF  }
0xcf: {  	_ =	task.clear_ibuf [dreg:s22], $0x2FFFF;
	_ =	strace $0x9FFFFFFF  }
0xd0: {  	(tm) =	ssettm $0x7FFFFFFF  }
0xd1: {  	_ =	shalt  }
tec
execute0_lowered:
.L_overlay_start_1:
0x0: {  	(tag) =	ssettag $0x1  }
0x1: {  	s0 =	srdreg.scid;
	s13 =	stileid.u32  }
0x2: {  	s4 =	rddreg [dreg:$0x0];
	s2 =	simm.s32 $0x0;
	s18 =	simm.s32 $0xA00  }
0x3: {  	s19 =	simm.s32 $0x80;
	s20 =	simm.s32 $0x1400;
	s21 =	simm.s32 $0x5400  }
0x4: {  	s22 =	simm.s32 $0x9400;
	s24 =	simm.s32 $0xD400;
	s25 =	simm.s32 $0x1  }
0x5: {  	s30 =	simm.s32 $0x2;
	s31 =	simm.s32 $0x4;
	s3 =	smul.u32 $0xA00, s13  }
0x6: {  	s23 =	simm.s32 $0x0;
	s0 =	sand.u32 $0x1, s0;
	s17 =	smul.u32 $0xA000, s13  }
0x7: {  	[smem:$0x7FF] =	sst s2;
	s14 =	sadd.s32 $0x2C8E00, s4;
	s1 =	smul.u32 $0xA000, s0  }
0x8: {  	s16 =	sadd.s32 $0x408E00, s4;
	s6 =	ssub.s32 $0x2, s0;
	s0 =	smul.u32 $0xA0000, s0  }
0x9: {  	_ =	strace $0x8000004A;
	s26 =	sshrl.u32 s6, $0x1;
	s1 =	sadd.s32 s3, s1  }
0xa: {  	s3 =	sadd.s32 $0x10400, s4;
	s6 =	ssub.s32 s6, s26;
	s15 =	sadd.s32 s0, s14  }
0xb: {  	s0 =	sadd.s32 s0, s16;
	s26 =	simm.s32 $0x3;
	s5 =	sshrl.u32 s1, $0x3  }
0xc: {  	s1 =	sshll.u32 s1, $0x4;
	s6 =	smax.u32 s6, $0x1;
	s15 =	sadd.s32 s17, s15  }
0xd: {  	s5 =	sadd.s32 s5, s4;
	s10 =	sor.u32 $0x800, s1;
	s7 =	sadd.s32 s14, s1  }
0xe: {  	s8 =	sadd.s32 s16, s1;
	s12 =	sadd.s32 $0x9000, s1;
	s1 =	sadd.s32 $0x9800, s1  }
0xf: {  	s28 =	sadd.s32 $0x2B7600, s5;
	s29 =	sadd.s32 $0x2C1600, s5;
	s9 =	sadd.s32 s14, s10  }
0x10: {  	s10 =	sadd.s32 s16, s10;
	s11 =	sadd.s32 s14, s12;
	s12 =	sadd.s32 s16, s12  }
0x11: {  	s13 =	sadd.s32 s14, s1;
	s14 =	sadd.s32 s16, s1;
	[dreg:$0x2] =	wrdreg s28  }
0x12: {  	s16 =	sadd.s32 s17, s0;
	s17 =	simm.s32 $0x5;
	[dreg:$0x3] =	wrdreg s29  }
.LBB2_1:
0x13: {  	s0 =	rddreg [dreg:$0x2]  }
0x14: {  	[tilespmem:s2], [sflag:$0x5] =	stream.linear.gather [hbm4b:s0+s2], $0xA00, $0x38;
	[tilespmem:$0x11400] =	vst v63  }
0x15: {  	_ =	swait.ge [sflag:s17], $0xA00  }
0x16: {  	[sflag:s17] =	ssyncset.done $0x0  }
0x17: {  	s5 =	rddreg [dreg:$0x3];
	[sflag:s17] =	ssyncadd.s32 $0xFFFFF600  }
0x18: {  	[tilespmem:s18], [sflag:$0x5] =	stream.linear.gather [hbm4b:s5+s2], $0xA00, $0x38;
	[tilespmem:$0x11400] =	vst v63  }
0x19: {  	_ =	swait.ge [sflag:s17], $0xA00  }
0x1a: {  	[sflag:s17] =	ssyncset.done $0x0  }
0x1b: {  	[sflag:s17] =	ssyncadd.s32 $0xFFFFF600  }
0x1c: {  	[tilespmem:s20], [sflag:$0x1] =	stream.indirect.gather [hbm4b:s3+s19], $0x80, s2, s19, $0xb8;
	[tilespmem:$0x11400] =	vst v63  }
0x1d: {  	_ = 	snop  }
0x1e: {  	[tilespmem:s21], [sflag:$0x1] =	stream.indirect.gather [hbm4b:s3+s19], $0x80, s18, s19, $0xb8;
	[tilespmem:$0x11400] =	vst v63  }
0x1f: {  	_ = 	snop  }
0x20: {  	[tilespmem:s22], [sflag:$0x2] =	stream.indirect.gather [hbm4b:s3+s19], $0x80, s19, s19, $0xb8;
	[tilespmem:$0x11400] =	vst v63  }
0x21: {  	s1 =	simm.s32 $0xA80  }
0x22: {  	[tilespmem:s24], [sflag:$0x2] =	stream.indirect.gather [hbm4b:s3+s19], $0x80, s1, s19, $0xb8;
	[tilespmem:$0x11400] =	vst v63  }
0x23: {  	_ =	swait.ge [sflag:s25], $0x4000  }
0x24: {  	[sflag:s25] =	ssyncset.done $0x0  }
0x25: {  	[sflag:s25] =	ssyncadd.s32 $0xFFFFC000  }
0x26: {  	_ =	swait.ge [sflag:s25], $0x4000  }
0x27: {  	[sflag:s25] =	ssyncset.done $0x0  }
0x28: {  	[sflag:s25] =	ssyncadd.s32 $0xFFFFC000  }
0x29: {  	[hbm4b:s7+s2] =	stream.linear.scatter [tilespmem:s20], [sflag:$0x3], $0x4000, $0x38;
	[tilespmem:$0x11400] =	vst v63  }
0x2a: {  	_ = 	snop  }
0x2b: {  	[hbm4b:s8+s2] =	stream.linear.scatter [tilespmem:s21], [sflag:$0x3], $0x4000, $0x38;
	[tilespmem:$0x11400] =	vst v63  }
0x2c: {  	_ =	swait.ge [sflag:s26], $0x4000  }
0x2d: {  	[sflag:s26] =	ssyncset.done $0x0  }
0x2e: {  	[sflag:s26] =	ssyncadd.s32 $0xFFFFC000  }
0x2f: {  	_ =	swait.ge [sflag:s26], $0x4000  }
0x30: {  	[sflag:s26] =	ssyncset.done $0x0  }
0x31: {  	s4 =	simm.s32 $0x100;
	[sflag:s26] =	ssyncadd.s32 $0xFFFFC000  }
0x32: {  	[tilespmem:s20], [sflag:$0x1] =	stream.indirect.gather [hbm4b:s3+s19], $0x80, s4, s19, $0xb8;
	[tilespmem:$0x11400] =	vst v63  }
0x33: {  	s5 =	simm.s32 $0xB00  }
0x34: {  	[tilespmem:s21], [sflag:$0x1] =	stream.indirect.gather [hbm4b:s3+s19], $0x80, s5, s19, $0xb8;
	[tilespmem:$0x11400] =	vst v63  }
0x35: {  	_ =	swait.ge [sflag:s30], $0x4000  }
0x36: {  	[sflag:s30] =	ssyncset.done $0x0  }
0x37: {  	[sflag:s30] =	ssyncadd.s32 $0xFFFFC000  }
0x38: {  	_ =	swait.ge [sflag:s30], $0x4000  }
0x39: {  	[sflag:s30] =	ssyncset.done $0x0  }
0x3a: {  	[sflag:s30] =	ssyncadd.s32 $0xFFFFC000  }
0x3b: {  	[hbm4b:s9+s2] =	stream.linear.scatter [tilespmem:s22], [sflag:$0x4], $0x4000, $0x38;
	[tilespmem:$0x11400] =	vst v63  }
0x3c: {  	_ = 	snop  }
0x3d: {  	[hbm4b:s10+s2] =	stream.linear.scatter [tilespmem:s24], [sflag:$0x4], $0x4000, $0x38;
	[tilespmem:$0x11400] =	vst v63  }
0x3e: {  	_ =	swait.ge [sflag:s31], $0x4000  }
0x3f: {  	[sflag:s31] =	ssyncset.done $0x0  }
0x40: {  	[sflag:s31] =	ssyncadd.s32 $0xFFFFC000  }
0x41: {  	_ =	swait.ge [sflag:s31], $0x4000  }
0x42: {  	[sflag:s31] =	ssyncset.done $0x0  }
0x43: {  	s1 =	simm.s32 $0x180;
	[sflag:s31] =	ssyncadd.s32 $0xFFFFC000  }
0x44: {  	[tilespmem:s22], [sflag:$0x2] =	stream.indirect.gather [hbm4b:s3+s19], $0x80, s1, s19, $0xb8;
	[tilespmem:$0x11400] =	vst v63  }
0x45: {  	s4 =	simm.s32 $0xB80  }
0x46: {  	[tilespmem:s24], [sflag:$0x2] =	stream.indirect.gather [hbm4b:s3+s19], $0x80, s4, s19, $0xb8;
	[tilespmem:$0x11400] =	vst v63  }
0x47: {  	_ =	swait.ge [sflag:s25], $0x4000  }
0x48: {  	[sflag:s25] =	ssyncset.done $0x0  }
0x49: {  	[sflag:s25] =	ssyncadd.s32 $0xFFFFC000  }
0x4a: {  	_ =	swait.ge [sflag:s25], $0x4000  }
0x4b: {  	s0 =	sadd.s32 $0x0, s15;
	[sflag:s25] =	ssyncset.done $0x0  }
0x4c: {  	s29 =	sadd.s32 $0x0, s16;
	s1 =	sadd.s32 $0x1000, s0;
	[sflag:s25] =	ssyncadd.s32 $0xFFFFC000  }
0x4d: {  	[hbm4b:s1+s2] =	stream.linear.scatter [tilespmem:s20], [sflag:$0x3], $0x4000, $0x38;
	[tilespmem:$0x11400] =	vst v63  }
0x4e: {  	s5 =	sadd.s32 $0x1000, s29  }
0x4f: {  	[hbm4b:s5+s2] =	stream.linear.scatter [tilespmem:s21], [sflag:$0x3], $0x4000, $0x38;
	[tilespmem:$0x11400] =	vst v63  }
0x50: {  	_ =	swait.ge [sflag:s26], $0x4000  }
0x51: {  	[sflag:s26] =	ssyncset.done $0x0  }
0x52: {  	[sflag:s26] =	ssyncadd.s32 $0xFFFFC000  }
0x53: {  	_ =	swait.ge [sflag:s26], $0x4000  }
0x54: {  	[sflag:s26] =	ssyncset.done $0x0  }
0x55: {  	s4 =	simm.s32 $0x200;
	[sflag:s26] =	ssyncadd.s32 $0xFFFFC000  }
0x56: {  	[tilespmem:s20], [sflag:$0x1] =	stream.indirect.gather [hbm4b:s3+s19], $0x80, s4, s19, $0xb8;
	[tilespmem:$0x11400] =	vst v63  }
0x57: {  	s5 =	simm.s32 $0xC00  }
0x58: {  	[tilespmem:s21], [sflag:$0x1] =	stream.indirect.gather [hbm4b:s3+s19], $0x80, s5, s19, $0xb8;
	[tilespmem:$0x11400] =	vst v63  }
0x59: {  	_ =	swait.ge [sflag:s30], $0x4000  }
0x5a: {  	[sflag:s30] =	ssyncset.done $0x0  }
0x5b: {  	[sflag:s30] =	ssyncadd.s32 $0xFFFFC000  }
0x5c: {  	_ =	swait.ge [sflag:s30], $0x4000  }
0x5d: {  	[sflag:s30] =	ssyncset.done $0x0  }
0x5e: {  	s28 =	simm.s32 $0x1000;
	s0 =	sadd.s32 $0x1800, s0;
	[sflag:s30] =	ssyncadd.s32 $0xFFFFC000  }
0x5f: {  	[hbm4b:s0+s2] =	stream.linear.scatter [tilespmem:s22], [sflag:$0x4], $0x4000, $0x38;
	[tilespmem:$0x11400] =	vst v63  }
0x60: {  	s1 =	simm.s32 $0xC80;
	s0 =	sadd.s32 $0x1800, s29;
	s29 =	simm.s32 $0x280  }
.LBB2_2:
0x61: {  	[hbm4b:s0+s2] =	stream.linear.scatter [tilespmem:s24], [sflag:$0x4], $0x4000, $0x38;
	[tilespmem:$0x11400] =	vst v63  }
0x62: {  	s0 =	smov.u32 s28  }
0x63: {  	p0 =	sne.s32 s28, $0x7000;
	s28 =	sadd.s32 $0x1000, s28;
	_ =	swait.ge [sflag:s31], $0x4000  }
0x64: {  	[sflag:s31] =	ssyncset.done $0x0  }
0x65: {  	[sflag:s31] =	ssyncadd.s32 $0xFFFFC000  }
0x66: {  	_ =	swait.ge [sflag:s31], $0x4000  }
0x67: {  	[sflag:s31] =	ssyncset.done $0x0  }
0x68: {  	[sflag:s31] =	ssyncadd.s32 $0xFFFFC000  }
0x69: {  	[tilespmem:s22], [sflag:$0x2] =	stream.indirect.gather [hbm4b:s3+s19], $0x80, s29, s19, $0xb8;
	[tilespmem:$0x11400] =	vst v63  }
0x6a: {  	_ = 	snop  }
0x6b: {  	[tilespmem:s24], [sflag:$0x2] =	stream.indirect.gather [hbm4b:s3+s19], $0x80, s1, s19, $0xb8;
	[tilespmem:$0x11400] =	vst v63  }
0x6c: {  	_ =	swait.ge [sflag:s25], $0x4000  }
0x6d: {  	[sflag:s25] =	ssyncset.done $0x0  }
0x6e: {  	[sflag:s25] =	ssyncadd.s32 $0xFFFFC000  }
0x6f: {  	_ =	swait.ge [sflag:s25], $0x4000  }
0x70: {  	s4 =	sadd.s32 s0, s15;
	[sflag:s25] =	ssyncset.done $0x0  }
0x71: {  	s0 =	sadd.s32 s0, s16;
	s5 =	sadd.s32 $0x1000, s4;
	[sflag:s25] =	ssyncadd.s32 $0xFFFFC000  }
0x72: {  	[hbm4b:s5+s2] =	stream.linear.scatter [tilespmem:s20], [sflag:$0x3], $0x4000, $0x38;
	[tilespmem:$0x11400] =	vst v63  }
0x73: {  	s5 =	sadd.s32 $0x1000, s0  }
0x74: {  	[hbm4b:s5+s2] =	stream.linear.scatter [tilespmem:s21], [sflag:$0x3], $0x4000, $0x38;
	[tilespmem:$0x11400] =	vst v63  }
0x75: {  	_ =	swait.ge [sflag:s26], $0x4000  }
0x76: {  	[sflag:s26] =	ssyncset.done $0x0  }
0x77: {  	[sflag:s26] =	ssyncadd.s32 $0xFFFFC000  }
0x78: {  	_ =	swait.ge [sflag:s26], $0x4000  }
0x79: {  	[sflag:s26] =	ssyncset.done $0x0  }
0x7a: {  	s5 =	sadd.s32 $0x80, s29;
	[sflag:s26] =	ssyncadd.s32 $0xFFFFC000  }
0x7b: {  	[tilespmem:s20], [sflag:$0x1] =	stream.indirect.gather [hbm4b:s3+s19], $0x80, s5, s19, $0xb8;
	[tilespmem:$0x11400] =	vst v63  }
0x7c: {  	s5 =	sadd.s32 $0x80, s1  }
0x7d: {  	[tilespmem:s21], [sflag:$0x1] =	stream.indirect.gather [hbm4b:s3+s19], $0x80, s5, s19, $0xb8;
	[tilespmem:$0x11400] =	vst v63  }
0x7e: {  	_ =	swait.ge [sflag:s30], $0x4000  }
0x7f: {  	[sflag:s30] =	ssyncset.done $0x0  }
0x80: {  	[sflag:s30] =	ssyncadd.s32 $0xFFFFC000  }
.Ltmp0:
0x81: {  	_ =	swait.ge [sflag:s30], $0x4000;
	(pc) =	sbr.rel @p0 .LBB2_2-.Ltmp0, $4  }
0x82: {  	[sflag:s30] =	ssyncset.done $0x0  }
0x83: {  	s4 =	sadd.s32 $0x1800, s4;
	[sflag:s30] =	ssyncadd.s32 $0xFFFFC000  }
0x84: {  	[hbm4b:s4+s2] =	stream.linear.scatter [tilespmem:s22], [sflag:$0x4], $0x4000, $0x38;
	[tilespmem:$0x11400] =	vst v63  }
0x85: {  	s0 =	sadd.s32 $0x1800, s0;
	s29 =	sadd.s32 $0x100, s29;
	s1 =	sadd.s32 $0x100, s1  }
0x86: {  	[hbm4b:s0+s2] =	stream.linear.scatter [tilespmem:s24], [sflag:$0x4], $0x4000, $0x38;
	[tilespmem:$0x11400] =	vst v63  }
0x87: {  	_ =	swait.ge [sflag:s31], $0x4000  }
0x88: {  	[sflag:s31] =	ssyncset.done $0x0  }
0x89: {  	[sflag:s31] =	ssyncadd.s32 $0xFFFFC000  }
0x8a: {  	_ =	swait.ge [sflag:s31], $0x4000  }
0x8b: {  	[sflag:s31] =	ssyncset.done $0x0  }
0x8c: {  	s28 =	simm.s32 $0x980;
	[sflag:s31] =	ssyncadd.s32 $0xFFFFC000  }
0x8d: {  	[tilespmem:s22], [sflag:$0x2] =	stream.indirect.gather [hbm4b:s3+s19], $0x80, s28, s19, $0xb8;
	[tilespmem:$0x11400] =	vst v63  }
0x8e: {  	s29 =	simm.s32 $0x1380  }
0x8f: {  	[tilespmem:s24], [sflag:$0x2] =	stream.indirect.gather [hbm4b:s3+s19], $0x80, s29, s19, $0xb8;
	[tilespmem:$0x11400] =	vst v63  }
0x90: {  	_ =	swait.ge [sflag:s25], $0x4000  }
0x91: {  	[sflag:s25] =	ssyncset.done $0x0  }
0x92: {  	[sflag:s25] =	ssyncadd.s32 $0xFFFFC000  }
0x93: {  	_ =	swait.ge [sflag:s25], $0x4000  }
0x94: {  	[sflag:s25] =	ssyncset.done $0x0  }
0x95: {  	[sflag:s25] =	ssyncadd.s32 $0xFFFFC000  }
0x96: {  	[hbm4b:s11+s2] =	stream.linear.scatter [tilespmem:s20], [sflag:$0x3], $0x4000, $0x38;
	[tilespmem:$0x11400] =	vst v63  }
0x97: {  	_ = 	snop  }
0x98: {  	[hbm4b:s12+s2] =	stream.linear.scatter [tilespmem:s21], [sflag:$0x3], $0x4000, $0x38;
	[tilespmem:$0x11400] =	vst v63  }
0x99: {  	_ =	swait.ge [sflag:s26], $0x4000  }
0x9a: {  	[sflag:s26] =	ssyncset.done $0x0  }
0x9b: {  	[sflag:s26] =	ssyncadd.s32 $0xFFFFC000  }
0x9c: {  	_ =	swait.ge [sflag:s26], $0x4000  }
0x9d: {  	[sflag:s26] =	ssyncset.done $0x0  }
0x9e: {  	[sflag:s26] =	ssyncadd.s32 $0xFFFFC000  }
0x9f: {  	_ =	swait.ge [sflag:s30], $0x4000  }
0xa0: {  	[sflag:s30] =	ssyncset.done $0x0  }
0xa1: {  	[sflag:s30] =	ssyncadd.s32 $0xFFFFC000  }
0xa2: {  	_ =	swait.ge [sflag:s30], $0x4000  }
0xa3: {  	[sflag:s30] =	ssyncset.done $0x0  }
0xa4: {  	[sflag:s30] =	ssyncadd.s32 $0xFFFFC000  }
0xa5: {  	[hbm4b:s13+s2] =	stream.linear.scatter [tilespmem:s22], [sflag:$0x4], $0x4000, $0x38;
	[tilespmem:$0x11400] =	vst v63  }
0xa6: {  	s23 =	sadd.s32 $0x1, s23  }
0xa7: {  	[hbm4b:s14+s2] =	stream.linear.scatter [tilespmem:s24], [sflag:$0x4], $0x4000, $0x38;
	[tilespmem:$0x11400] =	vst v63  }
0xa8: {  	p0 =	sne.s32 s23, s6;
	_ =	swait.ge [sflag:s31], $0x4000  }
.Ltmp1:
0xa9: {  	[sflag:s31] =	ssyncset.done $0x0;
	(pc) =	sbr.rel @p0 .LBB2_1-.Ltmp1, $4  }
0xaa: {  	[sflag:s31] =	ssyncadd.s32 $0xFFFFC000  }
0xab: {  	_ =	swait.ge [sflag:s31], $0x4000  }
0xac: {  	[sflag:s31] =	ssyncset.done $0x0  }
0xad: {  	[sflag:s31] =	ssyncadd.s32 $0xFFFFC000  }
0xae: {  	_ =	sfence.sel $0x180000  }
0xaf: {  	[bflag:$0x0] =	sbarrier.arrive $0xFFFF  }
0xb0: {  	_ =	strace $0x9000004A  }
0xb1: {  	s0 =	stileid.u32;
	[bflag:$0x2] =	sbarrier.arrive $0xFFFF  }
0xb2: {  	p0 =	sne.s32 s0, $0x0;
	s0 =	rddreg [dreg:$0x1]  }
0xb3: {  	s0 =	sadd.s32 @!p0 $0x100000, s0  }
0xb4: {  	[sflag:s0] =	ssyncadd.tile.s32 @!p0 $0x1;
	_ =	shalt  }
.Lfunc_end2:
_tile_overlayer_lowered:
.L_overlay_start_2:
0xb5: {  	(tag) =	ssettag $0x2  }
0xb6: {  	s0 =	rddreg [dreg:$0x0];
	s2 =	stileid.u32  }
0xb7: {  	s1 =	rddreg [dreg:$0x1];
	p0 =	sne.s32 s2, $0x0  }
0xb8: {  	s3 =	rddreg [dreg:$0x2];
	[bflag:$0x3] =	sbarrier.arrive $0xFFFF;
	s2 =	simm.s32 @!p0 $0x1C05  }
0xb9: {  	[timem:s3], [sflag:s2] =	dma.local @!p0 [hbm:s0], s1  }
0xba: {  	s0 =	simm.s32 @!p0 $0x5  }
0xbb: {  	_ =	swait.ge @!p0 [sflag:s0], s1  }
0xbc: {  	s1 =	ssub.s32 @!p0 $0x0, s1;
	[sflag:s0] =	ssyncset.done @!p0 $0x0  }
0xbd: {  	[sflag:s0] =	ssyncadd.s32 @!p0 s1  }
0xbe: {  	[bflag:$0x3] =	sbarrier.arrive $0xFFFF  }
0xbf: {  	_ =	shalt  }

// kernel: kernel.24.cloned.1.call-start
scs
__scs_entry_jumppad:
0x0: {  	(pc) =	sbr.rel $0x88, $3  }
0x1: {  	(tag) =	ssettag $0x0;
	lr =	simm.s32 $0x1  }
0x2: {  	[smem:$0x3F8F] =	sst lr;
	_ =	strace $0xD0000000  }
0x3: {  	_ = 	snop  }
0x4: {  	_ = 	snop  }
0x5: {  	_ = 	snop  }
0x6: {  	_ = 	snop  }
0x7: {  	_ = 	snop  }
__scs_overlays_trampoline_lowered:
0x8: {  	[smem:$0x3F9E] =	sst s0  }
0x9: {  	[smem:$0x3F9F] =	sst s1  }
0xa: {  	[smem:$0x3FA0] =	sst s2  }
0xb: {  	[smem:$0x3FA1] =	sst s3  }
0xc: {  	[smem:$0x3FA2] =	sst s4  }
0xd: {  	[smem:$0x3FA3] =	sst s5  }
0xe: {  	[smem:$0x3FA4] =	sst s6  }
0xf: {  	[smem:$0x3FA5] =	sst s7  }
0x10: {  	[smem:$0x3FA6] =	sst s8  }
0x11: {  	[smem:$0x3FA7] =	sst s9;
	s0 =	simm.s32 @!p0 $0x0  }
0x12: {  	s1 =	sld [smem:$0x3F8D];
	s0 =	simm.s32 @p0 $0x1  }
0x13: {  	[smem:$0x3FA8] =	sst s0;
	s0 =	simm.s32 @!p1 $0x0  }
0x14: {  	s2 =	sld [smem:$0x3F8C];
	s0 =	simm.s32 @p1 $0x1  }
0x15: {  	[smem:$0x3FA9] =	sst s0;
	s0 =	simm.s32 @!p2 $0x0  }
0x16: {  	s3 =	sld [smem:$0x3FDB];
	s0 =	simm.s32 @p2 $0x1  }
0x17: {  	s4 =	simm.s32 $0x1BF5;
	[smem:$0x3FAB] =	sst s0  }
0x18: {  	s0 =	sld [smem:$0x3F8E];
	_ =	swait.ge [sflag:s4], $0x0  }
0x19: {  	s7 =	sld [smem:$0x3F8F]  }
0x1a: {  	s8 =	sadd.s32 $0xFFFFE003, lr  }
0x1b: {  	s9 =	sadd.s32 $0xFFFFFEF7, lr;
	s5 =	simm.s32 $0xFFFFFFFF;
	p2 =	slt.u32 s8, $0xFFFFF086  }
0x1c: {  	p1 =	slt.u32 s9, $0xF7A;
	s5 =	simm.s32 @!p2 $0x0  }
0x1d: {  	s5 =	simm.s32 @p1 $0x1;
	p0 =	seq.s32 s7, s2  }
0x1e: {  	s7 =	smul.u32 @!p0 $0xF7A, s2;
	p2 =	seq.s32 @!p0 s5, $0x0  }
0x1f: {  	s9 =	smul.u32 $0xF7A, s1;
	s8 =	simm.s32 @!p0 $0x1BF5;
	p2 =	por !p2, p0  }
0x20: {  	[sflag:s8] =	ssyncset.s32 @!p0 $0xFFFFF086;
	s6 =	sadd.s32 @!p0 s3, s7;
	s7 =	simm.s32 @!p0 $0x108  }
0x21: {  	s3 =	sadd.s32 s3, s9;
	s6 =	sadd.s32 @!p0 $0x88, s6;
	s7 =	simm.s32 @p2 $0x1082  }
0x22: {  	[simem:s7], [sflag:s8] =	dma.local @!p0 [hbm:s6], $0xF7A  }
0x23: {  	s9 =	sor.u32 $0xD0000000, s2;
	s6 =	simm.s32 $0x108;
	_ =	swait.ge @!p0 [sflag:s8], $0x0  }
0x24: {  	s3 =	sadd.s32 $0x88, s3;
	s6 =	simm.s32 @!p1 $0x1082;
	[sflag:s4] =	ssyncset.s32 $0xFFFFF086  }
0x25: {  	[simem:s6], [sflag:s4] =	dma.local [hbm:s3], $0xF7A  }
0x26: {  	[smem:$0x3F8F] =	sst s1;
	(tag) =	ssettag s2;
	_ =	strace s9  }
0x27: {  	s1 =	sld [smem:$0x3F9F]  }
0x28: {  	s2 =	sld [smem:$0x3FA0]  }
0x29: {  	s4 =	sld [smem:$0x3FA2]  }
0x2a: {  	p0 =	seq.s32 s5, $0x0;
	s5 =	sld [smem:$0x3FA3]  }
0x2b: {  	s6 =	sld [smem:$0x3FA4]  }
0x2c: {  	s7 =	sld [smem:$0x3FA5]  }
0x2d: {  	s3 =	simm.s32 $0x108;
	s8 =	sld [smem:$0x3FA6]  }
0x2e: {  	s3 =	simm.s32 @!p0 $0x1082;
	s9 =	sld [smem:$0x3FA7]  }
0x2f: {  	lr =	sadd.s32 s0, s3;
	s0 =	sld [smem:$0x3F9E]  }
0x30: {  	s3 =	sld [smem:$0x3FA1]  }
0x31: {  	[smem:$0x3FAA] =	sst s10  }
0x32: {  	s10 =	sld [smem:$0x3FA8];
	_ =	sdelay $0x3  }
0x33: {  	p0 =	seq.s32 s10, $0x1;
	s10 =	sld [smem:$0x3FAA];
	_ =	sdelay $0x3  }
0x34: {  	[smem:$0x3FAA] =	sst s10  }
0x35: {  	s10 =	sld [smem:$0x3FA9];
	_ =	sdelay $0x3  }
0x36: {  	p1 =	seq.s32 s10, $0x1;
	s10 =	sld [smem:$0x3FAA];
	_ =	sdelay $0x3  }
0x37: {  	[smem:$0x3FAA] =	sst s10  }
0x38: {  	s10 =	sld [smem:$0x3FAB]  }
0x39: {  	_ = 	snop;
	(pc) =	sbr.ind lr, $3  }
0x3a: {  	_ = 	snop  }
0x3b: {  	_ = 	snop  }
0x3c: {  	p2 =	seq.s32 s10, $0x1;
	s10 =	sld [smem:$0x3FAA]  }
0x3d: {  	_ =	shalt  }
0x3e: {  	_ =	shalt  }
0x3f: {  	_ =	shalt  }
0x40: {  	_ =	shalt  }
0x41: {  	_ =	shalt  }
0x42: {  	_ =	shalt  }
0x43: {  	_ =	shalt  }
0x44: {  	_ =	shalt  }
0x45: {  	_ =	shalt  }
0x46: {  	_ =	shalt  }
0x47: {  	_ =	shalt  }
0x48: {  	_ =	shalt  }
0x49: {  	_ =	shalt  }
0x4a: {  	_ =	shalt  }
0x4b: {  	_ =	shalt  }
0x4c: {  	_ =	shalt  }
0x4d: {  	_ =	shalt  }
0x4e: {  	_ =	shalt  }
0x4f: {  	_ =	shalt  }
0x50: {  	_ =	shalt  }
0x51: {  	_ =	shalt  }
0x52: {  	_ =	shalt  }
0x53: {  	_ =	shalt  }
0x54: {  	_ =	shalt  }
0x55: {  	_ =	shalt  }
0x56: {  	_ =	shalt  }
0x57: {  	_ =	shalt  }
0x58: {  	_ =	shalt  }
0x59: {  	_ =	shalt  }
0x5a: {  	_ =	shalt  }
0x5b: {  	_ =	shalt  }
0x5c: {  	_ =	shalt  }
0x5d: {  	_ =	shalt  }
0x5e: {  	_ =	shalt  }
0x5f: {  	_ =	shalt  }
0x60: {  	_ =	shalt  }
0x61: {  	_ =	shalt  }
0x62: {  	_ =	shalt  }
0x63: {  	_ =	shalt  }
0x64: {  	_ =	shalt  }
0x65: {  	_ =	shalt  }
0x66: {  	_ =	shalt  }
0x67: {  	_ =	shalt  }
0x68: {  	_ =	shalt  }
0x69: {  	_ =	shalt  }
0x6a: {  	_ =	shalt  }
0x6b: {  	_ =	shalt  }
0x6c: {  	_ =	shalt  }
0x6d: {  	_ =	shalt  }
0x6e: {  	_ =	shalt  }
0x6f: {  	_ =	shalt  }
0x70: {  	_ =	shalt  }
0x71: {  	_ =	shalt  }
0x72: {  	_ =	shalt  }
0x73: {  	_ =	shalt  }
0x74: {  	_ =	shalt  }
0x75: {  	_ =	shalt  }
0x76: {  	_ =	shalt  }
0x77: {  	_ =	shalt  }
0x78: {  	_ =	shalt  }
0x79: {  	_ =	shalt  }
0x7a: {  	_ =	shalt  }
0x7b: {  	_ =	shalt  }
0x7c: {  	_ =	shalt  }
0x7d: {  	_ =	shalt  }
0x7e: {  	_ =	shalt  }
0x7f: {  	_ =	shalt  }
0x80: {  	_ =	shalt  }
0x81: {  	_ =	shalt  }
0x82: {  	_ =	shalt  }
0x83: {  	_ =	shalt  }
0x84: {  	_ =	shalt  }
0x85: {  	_ =	shalt  }
0x86: {  	_ =	shalt  }
0x87: {  	_ =	shalt  }
.Lfunc_end0:
.L_simem_size_0:
called_computation.3_lowered:
.L_overlay_start_0:
0x88: {  	s2 =	sld [smem:$0x3FD9]  }
0x89: {  	s3 =	sld [smem:$0x3FFE];
	_ =	sdelay $0x1  }
0x8a: {  	s1 =	srdreg.scid  }
0x8b: {  	s0 =	sand.u32 $0x1, s1  }
0x8c: {  	s17 =	sshll.u32 s0, $0xA;
	s2 =	sadd.s32 s3, s2  }
0x8d: {  	s2 =	sadd.s32 s2, s17  }
0x8e: {  	[smem:$0x3FB6] =	sst s2  }
0x8f: {  	_ = 	snop  }
0x90: {  	(tm) =	ssettm $0x1  }
0x91: {  	s18 =	sld [smem:$0x3FFB];
	_ =	sdelay $0x3  }
0x92: {  	_ =	strace s18  }
0x93: {  	s2 =	sld [smem:$0x3FFC];
	_ =	sdelay $0x3  }
0x94: {  	_ =	strace s2  }
0x95: {  	s2 =	sld [smem:$0x3FFD];
	_ =	sdelay $0x3  }
0x96: {  	_ =	strace s2  }
0x97: {  	_ =	strace $0x8FFFFFFF  }
0x98: {  	s19 =	sld [smem:$0x3FDB];
	_ =	sdelay $0x1  }
0x99: {  	s20 =	simm.s32 $_scs_section_size  }
0x9a: {  	s4 =	simm.s32 $_size__tile_overlayer_lowered;
	s5 =	simm.s32 $_tile_overlayer_lowered  }
0x9b: {  	s6 =	simm.s32 $0x1BFF;
	s21 =	sshll.u32 s5, $0x1;
	s3 =	sadd.s32 s20, s19  }
0x9c: {  	s22 =	simm.s32 $0x0;
	s4 =	sshll.u32 s4, $0x1;
	s5 =	sadd.s32 s21, s3  }
0x9d: {  	[timem:s22], [sflag:s6] =	dma.local [hbm:s5], s4  }
0x9e: {  	_ =	swait.ge [sflag:s6], s4  }
0x9f: {  	s4 =	ssub.s32 $0x0, s4;
	[sflag:s6] =	ssyncset.done $0x0  }
0xa0: {  	[sflag:s6] =	ssyncadd.s32 s4;
	_ =	sdelay $0x1  }
0xa1: {  	s23 =	simm.s32 $0x1B8B  }
0xa2: {  	_ =	swait.ge [sflag:s23], $0x1  }
0xa3: {  	[sflag:s23] =	ssyncset.done $0x0  }
0xa4: {  	[sflag:s23] =	ssyncadd.s32 $0xFFFFFFFF  }
0xa5: {  	s4 =	sld [smem:$0x0]  }
0xa6: {  	s5 =	sand.u32 $0xFFFFFFFE, s1  }
0xa7: {  	p0 =	sne.s32 s1, s5  }
0xa8: {  	s5 =	sshll.u32 @p0 s5, $0xE  }
0xa9: {  	s5 =	sadd.s32 @p0 $0x11B8D, s5;
	s6 =	sshll.u32 @p0 s4, $0x11  }
0xaa: {  	s5 =	sor.u32 @p0 s6, s5  }
0xab: {  	[sflag:s5] =	ssyncadd.remote.s32 @p0 $0x1;
	_ =	sdelay $0x1  }
0xac: {  	s5 =	simm.s32 @p0 $0x1B8D  }
0xad: {  	_ =	swait.eq @p0 [sflag:s5], $0x1  }
0xae: {  	[sflag:s5] =	ssyncadd.s32 @p0 $0xFFFFFFFF  }
0xaf: {  	s6 =	sshll.u32 @!p0 s1, $0xE  }
0xb0: {  	s6 =	sor.u32 @!p0 $0x4000, s6;
	s5 =	simm.s32 @!p0 $0x1B8D  }
0xb1: {  	s4 =	sshll.u32 @!p0 s4, $0x11;
	s6 =	sadd.s32 @!p0 $0x11B8D, s6;
	_ =	swait.eq @!p0 [sflag:s5], $0x1  }
0xb2: {  	s4 =	sor.u32 @!p0 s4, s6;
	[sflag:s5] =	ssyncadd.s32 @!p0 $0xFFFFFFFF  }
0xb3: {  	s25 =	simm.s32 $0x1B8E;
	s24 =	sld [smem:$0x3FFE];
	[sflag:s4] =	ssyncadd.remote.s32 @!p0 $0x1  }
0xb4: {  	s26 =	simm.s32 $execute0_lowered;
	[smem:$0x3FD2] =	sst s25  }
0xb5: {  	s5 =	sshll.u32 s26, $0x1;
	_ =	strace $0x80000055;
	[dreg:$0x1] =	wrdreg $0xFFFFFFFF  }
0xb6: {  	s28 =	simm.s32 $_size_execute0_lowered;
	s3 =	sadd.s32 s3, s5;
	[dreg:$0x0] =	wrdreg $0x0  }
0xb7: {  	s5 =	sshll.u32 s28, $0x1;
	[dreg:$0x2] =	wrdreg s3  }
0xb8: {  	[dreg:$0x3] =	wrdreg s5  }
0xb9: {  	[dreg:$0x4] =	wrdreg $0xC0  }
0xba: {  	_ =	task [dreg:s22], $0x5FFFF  }
0xbb: {  	[dreg:$0x1] =	wrdreg $0xFFFFFFFF  }
0xbc: {  	[dreg:$0x0] =	wrdreg $0x60  }
0xbd: {  	[dreg:$0x2] =	wrdreg s24  }
0xbe: {  	[dreg:$0x3] =	wrdreg $0x40800  }
0xbf: {  	[dreg:$0x4] =	wrdreg $0xB  }
0xc0: {  	_ =	task.clear_ibuf [dreg:s22], $0x5FFFF;
	_ =	strace $0x90000055  }
0xc1: {  	s29 =	simm.s32 $0xB;
	_ =	strace $0x80000057  }
0xc2: {  	_ =	swait.ge [sflag:s29], $0x1  }
0xc3: {  	[sflag:s29] =	ssyncadd.s32 $0xFFFFFFFF  }
0xc4: {  	_ =	strace $0x90000057  }
0xc5: {  	_ =	sfence  }
0xc6: {  	s30 =	sld [smem:$0x0];
	_ =	sdelay $0x2  }
0xc7: {  	s31 =	sshll.u32 s1, $0xD;
	s1 =	sshrl.u32 s1, $0x2  }
0xc8: {  	s4 =	sand.u32 $0x4000, s31;
	s1 =	sadd.s32 s1, s30  }
0xc9: {  	s0 =	sor.u32 s4, s0;
	s1 =	sshll.u32 s1, $0x11  }
0xca: {  	s0 =	sor.u32 s1, s0  }
0xcb: {  	s0 =	sadd.s32 $0x8F2B, s0  }
0xcc: {  	[sflag:s0] =	ssyncadd.remote.s32 $0x1  }
0xcd: {  	_ =	sfence.sel $0xFFFF  }
0xce: {  	[dreg:$0x0] =	wrdreg $0xFFFFFFFF;
	(pc) =	sbr.abs _section_cstart, $3  }
0xcf: {  	[dreg:$0x1] =	wrdreg $0xFFFFFFFF  }
0xd0: {  	_ =	task.clear_ibuf [dreg:s22], $0x2FFFF;
	_ =	strace $0x9FFFFFFF  }
0xd1: {  	(tm) =	ssettm $0x7FFFFFFF  }
tec
execute0_lowered:
.L_overlay_start_1:
0x0: {  	(tag) =	ssettag $0x1  }
0x1: {  	s0 =	srdreg.scid  }
0x2: {  	s6 =	rddreg [dreg:$0x0];
	s5 =	sand.u32 $0x1, s0  }
0x3: {  	s2 =	rddreg [dreg:$0x1];
	s4 =	smul.u32 $0xA0000, s5  }
0x4: {  	s0 =	stileid.u32;
	s7 =	smul.u32 $0xA000, s5  }
0x5: {  	s1 =	rddreg [dreg:$0x2];
	s8 =	smul.u32 $0xA00, s0  }
0x6: {  	s3 =	simm.s32 $0x0;
	s14 =	simm.s32 $0x80;
	s9 =	smul.u32 $0x140000, s5  }
0x7: {  	s15 =	simm.s32 $0x0;
	[smem:$0x7FF] =	sst s3;
	s10 =	smul.u32 $0x14000, s0  }
0x8: {  	_ =	strace $0x80000056;
	s29 =	smul.u32 $0x50000, s0;
	s5 =	ssub.s32 $0x2, s5  }
0x9: {  	s11 =	smul.u32 $0xA000, s0;
	s31 =	sshll.u32 s0, $0x6;
	s30 =	sshrl.u32 s5, $0x1  }
0xa: {  	s7 =	sadd.s32 s8, s7;
	s24 =	sadd.s32 s4, s6;
	s26 =	sadd.s32 s10, s9  }
0xb: {  	s4 =	sadd.s32 $0xB400, s6;
	s9 =	sshrl.u32 s29, $0x2;
	s12 =	ssub.s32 s5, s30  }
0xc: {  	s5 =	sor.u32 $0x1C01, s31;
	s25 =	sshrl.u32 s7, $0x3;
	s7 =	sshrl.u32 s26, $0x3  }
0xd: {  	s13 =	sadd.s32 s9, s2;
	s11 =	sadd.s32 s11, s24;
	s8 =	smax.u32 s12, $0x1  }
0xe: {  	s28 =	sadd.s32 s25, s6;
	s7 =	sadd.s32 s7, s6;
	s9 =	sadd.s32 $0xCC8E00, s11  }
0xf: {  	s11 =	sadd.s32 $0x37600, s11;
	s12 =	sshrl.u32 s13, $0x3;
	s6 =	sadd.s32 $0xE08E00, s7  }
0x10: {  	s13 =	simm.s32 $0x1;
	s7 =	sadd.s32 $0xE58E00, s7;
	s10 =	sadd.s32 $0x2C1600, s28  }
.LBB2_1:
0x11: {  	[spmem:s12], [sflag:s5] =	dma.local [hbm:s4], $0x2800  }
0x12: {  	_ =	swait.ge [sflag:s13], $0x2800  }
0x13: {  	[sflag:s13] =	ssyncset.done $0x0  }
0x14: {  	[sflag:s13] =	ssyncadd.s32 $0xFFFFD800  }
0x15: {  	s16 =	sadd.s32 $0x0, s10;
	[bflag:$0x0] =	sbarrier.arrive $0xFFFF  }
0x16: {  	[tilespmem:s3], [sflag:$0x1] =	stream.linear.gather [hbm4b:s16+s3], $0x80, $0x38;
	[tilespmem:$0x18080] =	vst v63  }
0x17: {  	_ =	swait.ge [sflag:s13], $0x80  }
0x18: {  	[sflag:s13] =	ssyncset.done $0x0  }
0x19: {  	[sflag:s13] =	ssyncadd.s32 $0xFFFFFF80  }
0x1a: {  	[tilespmem:s14], [sflag:$0x1] =	stream.linear.gather [hbm4b:s9+s3], $0x4000, $0x38;
	[tilespmem:$0x18080] =	vst v63  }
0x1b: {  	_ =	swait.ge [sflag:s13], $0x4000  }
0x1c: {  	[sflag:s13] =	ssyncset.done $0x0  }
0x1d: {  	[sflag:s13] =	ssyncadd.s32 $0xFFFFC000  }
0x1e: {  	[spmem:s2] =	stream.indirect.scatter.add.f32 [tilespmem:s14], [sflag:$0x1], $0x80, s3, s14, $0xb8;
	[tilespmem:$0x18080] =	vst v63  }
0x1f: {  	s17 =	simm.s32 $0x10;
	_ =	swait.ge [sflag:s13], $0x4000  }
0x20: {  	s18 =	simm.s32 $0x20;
	s16 =	sadd.s32 $0x800, s9;
	[sflag:s13] =	ssyncset.done $0x0  }
.LBB2_2:
0x21: {  	s19 =	sadd.s32 s17, s10  }
0x22: {  	[sflag:s13] =	ssyncadd.s32 $0xFFFFC000;
	s17 =	smov.u32 s18;
	s20 =	sadd.s32 $0x10, s18  }
0x23: {  	[tilespmem:s3], [sflag:$0x1] =	stream.linear.gather [hbm4b:s19+s3], $0x80, $0x38;
	[tilespmem:$0x18080] =	vst v63  }
0x24: {  	p0 =	sne.s32 s18, $0x130;
	_ =	swait.ge [sflag:s13], $0x80  }
0x25: {  	[sflag:s13] =	ssyncset.done $0x0  }
0x26: {  	[sflag:s13] =	ssyncadd.s32 $0xFFFFFF80  }
0x27: {  	[tilespmem:s14], [sflag:$0x1] =	stream.linear.gather [hbm4b:s16+s3], $0x4000, $0x38;
	[tilespmem:$0x18080] =	vst v63  }
0x28: {  	_ =	swait.ge [sflag:s13], $0x4000  }
.Ltmp0:
0x29: {  	[sflag:s13] =	ssyncset.done $0x0;
	(pc) =	sbr.rel @p0 .LBB2_2-.Ltmp0, $4  }
0x2a: {  	[sflag:s13] =	ssyncadd.s32 $0xFFFFC000  }
0x2b: {  	[spmem:s2] =	stream.indirect.scatter.add.f32 [tilespmem:s14], [sflag:$0x1], $0x80, s3, s14, $0xb8;
	[tilespmem:$0x18080] =	vst v63  }
0x2c: {  	_ =	swait.ge [sflag:s13], $0x4000  }
0x2d: {  	s18 =	smov.u32 s20;
	s16 =	sadd.s32 $0x800, s16;
	[sflag:s13] =	ssyncset.done $0x0  }
0x2e: {  	s17 =	sadd.s32 s17, s10;
	[sflag:s13] =	ssyncadd.s32 $0xFFFFC000  }
0x2f: {  	[tilespmem:s3], [sflag:$0x1] =	stream.linear.gather [hbm4b:s17+s3], $0x80, $0x38;
	[tilespmem:$0x18080] =	vst v63  }
0x30: {  	_ =	swait.ge [sflag:s13], $0x80  }
0x31: {  	[sflag:s13] =	ssyncset.done $0x0  }
0x32: {  	[sflag:s13] =	ssyncadd.s32 $0xFFFFFF80  }
0x33: {  	[tilespmem:s14], [sflag:$0x1] =	stream.linear.gather [hbm4b:s16+s3], $0x4000, $0x38;
	[tilespmem:$0x18080] =	vst v63  }
0x34: {  	_ =	swait.ge [sflag:s13], $0x4000  }
0x35: {  	[sflag:s13] =	ssyncset.done $0x0  }
0x36: {  	[sflag:s13] =	ssyncadd.s32 $0xFFFFC000  }
0x37: {  	[spmem:s2] =	stream.indirect.scatter.add.f32 [tilespmem:s14], [sflag:$0x1], $0x80, s3, s14, $0xb8;
	[tilespmem:$0x18080] =	vst v63  }
0x38: {  	_ =	swait.ge [sflag:s13], $0x4000  }
0x39: {  	[sflag:s13] =	ssyncset.done $0x0  }
0x3a: {  	[sflag:s13] =	ssyncadd.s32 $0xFFFFC000  }
0x3b: {  	[bflag:$0x0] =	sbarrier.arrive $0xFFFF  }
0x3c: {  	[hbm:s6], [sflag:s5] =	dma.local [spmem:s12], $0x2800  }
0x3d: {  	_ =	swait.ge [sflag:s13], $0x2800  }
0x3e: {  	[sflag:s13] =	ssyncset.done $0x0  }
0x3f: {  	[sflag:s13] =	ssyncadd.s32 $0xFFFFD800  }
0x40: {  	[bflag:$0x0] =	sbarrier.arrive $0xFFFF  }
0x41: {  	[spmem:s12], [sflag:s5] =	dma.local [hbm:s4], $0x2800  }
0x42: {  	_ =	swait.ge [sflag:s13], $0x2800  }
0x43: {  	[sflag:s13] =	ssyncset.done $0x0  }
0x44: {  	[sflag:s13] =	ssyncadd.s32 $0xFFFFD800  }
0x45: {  	s31 =	sadd.s32 $0x0, s10;
	[bflag:$0x0] =	sbarrier.arrive $0xFFFF  }
0x46: {  	[tilespmem:s3], [sflag:$0x1] =	stream.linear.gather [hbm4b:s31+s3], $0x80, $0x38;
	[tilespmem:$0x18080] =	vst v63  }
0x47: {  	_ =	swait.ge [sflag:s13], $0x80  }
0x48: {  	[sflag:s13] =	ssyncset.done $0x0  }
0x49: {  	[sflag:s13] =	ssyncadd.s32 $0xFFFFFF80  }
0x4a: {  	[tilespmem:s14], [sflag:$0x1] =	stream.linear.gather [hbm4b:s11+s3], $0x4000, $0x38;
	[tilespmem:$0x18080] =	vst v63  }
0x4b: {  	_ =	swait.ge [sflag:s13], $0x4000  }
0x4c: {  	[sflag:s13] =	ssyncset.done $0x0  }
0x4d: {  	[sflag:s13] =	ssyncadd.s32 $0xFFFFC000  }
0x4e: {  	[spmem:s2] =	stream.indirect.scatter.add.f32 [tilespmem:s14], [sflag:$0x1], $0x80, s3, s14, $0xb8;
	[tilespmem:$0x18080] =	vst v63  }
0x4f: {  	s18 =	simm.s32 $0x20;
	_ =	swait.ge [sflag:s13], $0x4000  }
0x50: {  	s17 =	simm.s32 $0x10;
	s16 =	sadd.s32 $0x800, s11;
	[sflag:s13] =	ssyncset.done $0x0  }
.LBB2_4:
0x51: {  	s19 =	sadd.s32 s17, s10  }
0x52: {  	[sflag:s13] =	ssyncadd.s32 $0xFFFFC000;
	s17 =	smov.u32 s18;
	s20 =	sadd.s32 $0x10, s18  }
0x53: {  	[tilespmem:s3], [sflag:$0x1] =	stream.linear.gather [hbm4b:s19+s3], $0x80, $0x38;
	[tilespmem:$0x18080] =	vst v63  }
0x54: {  	p0 =	sne.s32 s18, $0x130;
	_ =	swait.ge [sflag:s13], $0x80  }
0x55: {  	[sflag:s13] =	ssyncset.done $0x0  }
0x56: {  	[sflag:s13] =	ssyncadd.s32 $0xFFFFFF80  }
0x57: {  	[tilespmem:s14], [sflag:$0x1] =	stream.linear.gather [hbm4b:s16+s3], $0x4000, $0x38;
	[tilespmem:$0x18080] =	vst v63  }
0x58: {  	_ =	swait.ge [sflag:s13], $0x4000  }
.Ltmp1:
0x59: {  	[sflag:s13] =	ssyncset.done $0x0;
	(pc) =	sbr.rel @p0 .LBB2_4-.Ltmp1, $4  }
0x5a: {  	[sflag:s13] =	ssyncadd.s32 $0xFFFFC000  }
0x5b: {  	[spmem:s2] =	stream.indirect.scatter.add.f32 [tilespmem:s14], [sflag:$0x1], $0x80, s3, s14, $0xb8;
	[tilespmem:$0x18080] =	vst v63  }
0x5c: {  	_ =	swait.ge [sflag:s13], $0x4000  }
0x5d: {  	s18 =	smov.u32 s20;
	s16 =	sadd.s32 $0x800, s16;
	[sflag:s13] =	ssyncset.done $0x0  }
0x5e: {  	s17 =	sadd.s32 s17, s10;
	[sflag:s13] =	ssyncadd.s32 $0xFFFFC000  }
0x5f: {  	[tilespmem:s3], [sflag:$0x1] =	stream.linear.gather [hbm4b:s17+s3], $0x80, $0x38;
	[tilespmem:$0x18080] =	vst v63  }
0x60: {  	_ =	swait.ge [sflag:s13], $0x80  }
0x61: {  	[sflag:s13] =	ssyncset.done $0x0  }
0x62: {  	[sflag:s13] =	ssyncadd.s32 $0xFFFFFF80  }
0x63: {  	[tilespmem:s14], [sflag:$0x1] =	stream.linear.gather [hbm4b:s16+s3], $0x4000, $0x38;
	[tilespmem:$0x18080] =	vst v63  }
0x64: {  	_ =	swait.ge [sflag:s13], $0x4000  }
0x65: {  	[sflag:s13] =	ssyncset.done $0x0  }
0x66: {  	[sflag:s13] =	ssyncadd.s32 $0xFFFFC000  }
0x67: {  	[spmem:s2] =	stream.indirect.scatter.add.f32 [tilespmem:s14], [sflag:$0x1], $0x80, s3, s14, $0xb8;
	[tilespmem:$0x18080] =	vst v63  }
0x68: {  	_ =	swait.ge [sflag:s13], $0x4000  }
0x69: {  	[sflag:s13] =	ssyncset.done $0x0  }
0x6a: {  	s15 =	sadd.s32 $0x1, s15;
	[sflag:s13] =	ssyncadd.s32 $0xFFFFC000  }
0x6b: {  	p0 =	sne.s32 s15, s8;
	[bflag:$0x0] =	sbarrier.arrive $0xFFFF  }
0x6c: {  	[hbm:s7], [sflag:s5] =	dma.local [spmem:s12], $0x2800  }
.Ltmp2:
0x6d: {  	_ =	swait.ge [sflag:s13], $0x2800;
	(pc) =	sbr.rel @p0 .LBB2_1-.Ltmp2, $3  }
0x6e: {  	[sflag:s13] =	ssyncset.done $0x0  }
0x6f: {  	[sflag:s13] =	ssyncadd.s32 $0xFFFFD800  }
0x70: {  	[bflag:$0x0] =	sbarrier.arrive $0xFFFF;
	_ =	sdelay $0x1  }
0x71: {  	_ =	sfence.sel $0x180000  }
0x72: {  	[bflag:$0x0] =	sbarrier.arrive $0xFFFF  }
0x73: {  	p0 =	sne.s32 s0, $0x0;
	_ =	strace $0x90000056  }
0x74: {  	s0 =	sadd.s32 @!p0 $0x100000, s1;
	[bflag:$0x2] =	sbarrier.arrive $0xFFFF  }
0x75: {  	[sflag:s0] =	ssyncadd.tile.s32 @!p0 $0x1;
	_ =	shalt  }
.Lfunc_end2:
_tile_overlayer_lowered:
.L_overlay_start_2:
0x76: {  	(tag) =	ssettag $0x2  }
0x77: {  	s0 =	rddreg [dreg:$0x0];
	s2 =	stileid.u32  }
0x78: {  	s1 =	rddreg [dreg:$0x1];
	p0 =	sne.s32 s2, $0x0  }
0x79: {  	s3 =	rddreg [dreg:$0x2];
	[bflag:$0x3] =	sbarrier.arrive $0xFFFF;
	s2 =	simm.s32 @!p0 $0x1C01  }
0x7a: {  	[timem:s3], [sflag:s2] =	dma.local @!p0 [hbm:s0], s1  }
0x7b: {  	s0 =	simm.s32 @!p0 $0x1  }
0x7c: {  	_ =	swait.ge @!p0 [sflag:s0], s1  }
0x7d: {  	s1 =	ssub.s32 @!p0 $0x0, s1;
	[sflag:s0] =	ssyncset.done @!p0 $0x0  }
0x7e: {  	[sflag:s0] =	ssyncadd.s32 @!p0 s1  }
0x7f: {  	[bflag:$0x3] =	sbarrier.arrive $0xFFFF  }
0x80: {  	_ =	shalt  }

// kernel: kernel.27.cloned.1.call-start
scs
__scs_entry_jumppad:
0x0: {  	(pc) =	sbr.rel $0x88, $3  }
0x1: {  	(tag) =	ssettag $0x0;
	lr =	simm.s32 $0x1  }
0x2: {  	[smem:$0x3F8F] =	sst lr;
	_ =	strace $0xD0000000  }
0x3: {  	_ = 	snop  }
0x4: {  	_ = 	snop  }
0x5: {  	_ = 	snop  }
0x6: {  	_ = 	snop  }
0x7: {  	_ = 	snop  }
__scs_overlays_trampoline_lowered:
0x8: {  	[smem:$0x3F9E] =	sst s0  }
0x9: {  	[smem:$0x3F9F] =	sst s1  }
0xa: {  	[smem:$0x3FA0] =	sst s2  }
0xb: {  	[smem:$0x3FA1] =	sst s3  }
0xc: {  	[smem:$0x3FA2] =	sst s4  }
0xd: {  	[smem:$0x3FA3] =	sst s5  }
0xe: {  	[smem:$0x3FA4] =	sst s6  }
0xf: {  	[smem:$0x3FA5] =	sst s7  }
0x10: {  	[smem:$0x3FA6] =	sst s8  }
0x11: {  	[smem:$0x3FA7] =	sst s9;
	s0 =	simm.s32 @!p0 $0x0  }
0x12: {  	s1 =	sld [smem:$0x3F8D];
	s0 =	simm.s32 @p0 $0x1  }
0x13: {  	[smem:$0x3FA8] =	sst s0;
	s0 =	simm.s32 @!p1 $0x0  }
0x14: {  	s2 =	sld [smem:$0x3F8C];
	s0 =	simm.s32 @p1 $0x1  }
0x15: {  	[smem:$0x3FA9] =	sst s0;
	s0 =	simm.s32 @!p2 $0x0  }
0x16: {  	s3 =	sld [smem:$0x3FDB];
	s0 =	simm.s32 @p2 $0x1  }
0x17: {  	s4 =	simm.s32 $0x1BF5;
	[smem:$0x3FAB] =	sst s0  }
0x18: {  	s0 =	sld [smem:$0x3F8E];
	_ =	swait.ge [sflag:s4], $0x0  }
0x19: {  	s7 =	sld [smem:$0x3F8F]  }
0x1a: {  	s8 =	sadd.s32 $0xFFFFE003, lr  }
0x1b: {  	s9 =	sadd.s32 $0xFFFFFEF7, lr;
	s5 =	simm.s32 $0xFFFFFFFF;
	p2 =	slt.u32 s8, $0xFFFFF086  }
0x1c: {  	p1 =	slt.u32 s9, $0xF7A;
	s5 =	simm.s32 @!p2 $0x0  }
0x1d: {  	s5 =	simm.s32 @p1 $0x1;
	p0 =	seq.s32 s7, s2  }
0x1e: {  	s7 =	smul.u32 @!p0 $0xF7A, s2;
	p2 =	seq.s32 @!p0 s5, $0x0  }
0x1f: {  	s9 =	smul.u32 $0xF7A, s1;
	s8 =	simm.s32 @!p0 $0x1BF5;
	p2 =	por !p2, p0  }
0x20: {  	[sflag:s8] =	ssyncset.s32 @!p0 $0xFFFFF086;
	s6 =	sadd.s32 @!p0 s3, s7;
	s7 =	simm.s32 @!p0 $0x108  }
0x21: {  	s3 =	sadd.s32 s3, s9;
	s6 =	sadd.s32 @!p0 $0x88, s6;
	s7 =	simm.s32 @p2 $0x1082  }
0x22: {  	[simem:s7], [sflag:s8] =	dma.local @!p0 [hbm:s6], $0xF7A  }
0x23: {  	s9 =	sor.u32 $0xD0000000, s2;
	s6 =	simm.s32 $0x108;
	_ =	swait.ge @!p0 [sflag:s8], $0x0  }
0x24: {  	s3 =	sadd.s32 $0x88, s3;
	s6 =	simm.s32 @!p1 $0x1082;
	[sflag:s4] =	ssyncset.s32 $0xFFFFF086  }
0x25: {  	[simem:s6], [sflag:s4] =	dma.local [hbm:s3], $0xF7A  }
0x26: {  	[smem:$0x3F8F] =	sst s1;
	(tag) =	ssettag s2;
	_ =	strace s9  }
0x27: {  	s1 =	sld [smem:$0x3F9F]  }
0x28: {  	s2 =	sld [smem:$0x3FA0]  }
0x29: {  	s4 =	sld [smem:$0x3FA2]  }
0x2a: {  	p0 =	seq.s32 s5, $0x0;
	s5 =	sld [smem:$0x3FA3]  }
0x2b: {  	s6 =	sld [smem:$0x3FA4]  }
0x2c: {  	s7 =	sld [smem:$0x3FA5]  }
0x2d: {  	s3 =	simm.s32 $0x108;
	s8 =	sld [smem:$0x3FA6]  }
0x2e: {  	s3 =	simm.s32 @!p0 $0x1082;
	s9 =	sld [smem:$0x3FA7]  }
0x2f: {  	lr =	sadd.s32 s0, s3;
	s0 =	sld [smem:$0x3F9E]  }
0x30: {  	s3 =	sld [smem:$0x3FA1]  }
0x31: {  	[smem:$0x3FAA] =	sst s10  }
0x32: {  	s10 =	sld [smem:$0x3FA8];
	_ =	sdelay $0x3  }
0x33: {  	p0 =	seq.s32 s10, $0x1;
	s10 =	sld [smem:$0x3FAA];
	_ =	sdelay $0x3  }
0x34: {  	[smem:$0x3FAA] =	sst s10  }
0x35: {  	s10 =	sld [smem:$0x3FA9];
	_ =	sdelay $0x3  }
0x36: {  	p1 =	seq.s32 s10, $0x1;
	s10 =	sld [smem:$0x3FAA];
	_ =	sdelay $0x3  }
0x37: {  	[smem:$0x3FAA] =	sst s10  }
0x38: {  	s10 =	sld [smem:$0x3FAB]  }
0x39: {  	_ = 	snop;
	(pc) =	sbr.ind lr, $3  }
0x3a: {  	_ = 	snop  }
0x3b: {  	_ = 	snop  }
0x3c: {  	p2 =	seq.s32 s10, $0x1;
	s10 =	sld [smem:$0x3FAA]  }
0x3d: {  	_ =	shalt  }
0x3e: {  	_ =	shalt  }
0x3f: {  	_ =	shalt  }
0x40: {  	_ =	shalt  }
0x41: {  	_ =	shalt  }
0x42: {  	_ =	shalt  }
0x43: {  	_ =	shalt  }
0x44: {  	_ =	shalt  }
0x45: {  	_ =	shalt  }
0x46: {  	_ =	shalt  }
0x47: {  	_ =	shalt  }
0x48: {  	_ =	shalt  }
0x49: {  	_ =	shalt  }
0x4a: {  	_ =	shalt  }
0x4b: {  	_ =	shalt  }
0x4c: {  	_ =	shalt  }
0x4d: {  	_ =	shalt  }
0x4e: {  	_ =	shalt  }
0x4f: {  	_ =	shalt  }
0x50: {  	_ =	shalt  }
0x51: {  	_ =	shalt  }
0x52: {  	_ =	shalt  }
0x53: {  	_ =	shalt  }
0x54: {  	_ =	shalt  }
0x55: {  	_ =	shalt  }
0x56: {  	_ =	shalt  }
0x57: {  	_ =	shalt  }
0x58: {  	_ =	shalt  }
0x59: {  	_ =	shalt  }
0x5a: {  	_ =	shalt  }
0x5b: {  	_ =	shalt  }
0x5c: {  	_ =	shalt  }
0x5d: {  	_ =	shalt  }
0x5e: {  	_ =	shalt  }
0x5f: {  	_ =	shalt  }
0x60: {  	_ =	shalt  }
0x61: {  	_ =	shalt  }
0x62: {  	_ =	shalt  }
0x63: {  	_ =	shalt  }
0x64: {  	_ =	shalt  }
0x65: {  	_ =	shalt  }
0x66: {  	_ =	shalt  }
0x67: {  	_ =	shalt  }
0x68: {  	_ =	shalt  }
0x69: {  	_ =	shalt  }
0x6a: {  	_ =	shalt  }
0x6b: {  	_ =	shalt  }
0x6c: {  	_ =	shalt  }
0x6d: {  	_ =	shalt  }
0x6e: {  	_ =	shalt  }
0x6f: {  	_ =	shalt  }
0x70: {  	_ =	shalt  }
0x71: {  	_ =	shalt  }
0x72: {  	_ =	shalt  }
0x73: {  	_ =	shalt  }
0x74: {  	_ =	shalt  }
0x75: {  	_ =	shalt  }
0x76: {  	_ =	shalt  }
0x77: {  	_ =	shalt  }
0x78: {  	_ =	shalt  }
0x79: {  	_ =	shalt  }
0x7a: {  	_ =	shalt  }
0x7b: {  	_ =	shalt  }
0x7c: {  	_ =	shalt  }
0x7d: {  	_ =	shalt  }
0x7e: {  	_ =	shalt  }
0x7f: {  	_ =	shalt  }
0x80: {  	_ =	shalt  }
0x81: {  	_ =	shalt  }
0x82: {  	_ =	shalt  }
0x83: {  	_ =	shalt  }
0x84: {  	_ =	shalt  }
0x85: {  	_ =	shalt  }
0x86: {  	_ =	shalt  }
0x87: {  	_ =	shalt  }
.Lfunc_end0:
.L_simem_size_0:
called_computation.4_lowered:
.L_overlay_start_0:
0x88: {  	s2 =	sld [smem:$0x3FD9]  }
0x89: {  	s3 =	sld [smem:$0x3FFE];
	_ =	sdelay $0x1  }
0x8a: {  	s1 =	srdreg.scid  }
0x8b: {  	s0 =	sand.u32 $0x1, s1  }
0x8c: {  	s17 =	sshll.u32 s0, $0xA;
	s2 =	sadd.s32 s3, s2  }
0x8d: {  	s2 =	sadd.s32 s2, s17  }
0x8e: {  	[smem:$0x3FB6] =	sst s2  }
0x8f: {  	_ = 	snop  }
0x90: {  	(tm) =	ssettm $0x1  }
0x91: {  	s18 =	sld [smem:$0x3FFB];
	_ =	sdelay $0x3  }
0x92: {  	_ =	strace s18  }
0x93: {  	s2 =	sld [smem:$0x3FFC];
	_ =	sdelay $0x3  }
0x94: {  	_ =	strace s2  }
0x95: {  	s2 =	sld [smem:$0x3FFD];
	_ =	sdelay $0x3  }
0x96: {  	_ =	strace s2  }
0x97: {  	_ =	strace $0x8FFFFFFF  }
0x98: {  	s19 =	sld [smem:$0x3FDB];
	_ =	sdelay $0x1  }
0x99: {  	s20 =	simm.s32 $_scs_section_size  }
0x9a: {  	s4 =	simm.s32 $_size__tile_overlayer_lowered;
	s5 =	simm.s32 $_tile_overlayer_lowered  }
0x9b: {  	s6 =	simm.s32 $0x1BFF;
	s21 =	sshll.u32 s5, $0x1;
	s3 =	sadd.s32 s20, s19  }
0x9c: {  	s22 =	simm.s32 $0x0;
	s4 =	sshll.u32 s4, $0x1;
	s5 =	sadd.s32 s21, s3  }
0x9d: {  	[timem:s22], [sflag:s6] =	dma.local [hbm:s5], s4  }
0x9e: {  	_ =	swait.ge [sflag:s6], s4  }
0x9f: {  	s4 =	ssub.s32 $0x0, s4;
	[sflag:s6] =	ssyncset.done $0x0  }
0xa0: {  	[sflag:s6] =	ssyncadd.s32 s4;
	_ =	sdelay $0x1  }
0xa1: {  	s23 =	simm.s32 $0x1B8B  }
0xa2: {  	_ =	swait.ge [sflag:s23], $0x1  }
0xa3: {  	[sflag:s23] =	ssyncset.done $0x0  }
0xa4: {  	[sflag:s23] =	ssyncadd.s32 $0xFFFFFFFF  }
0xa5: {  	s4 =	sld [smem:$0x0]  }
0xa6: {  	s5 =	sand.u32 $0xFFFFFFFE, s1  }
0xa7: {  	p0 =	sne.s32 s1, s5  }
0xa8: {  	s5 =	sshll.u32 @p0 s5, $0xE  }
0xa9: {  	s5 =	sadd.s32 @p0 $0x11B8D, s5;
	s6 =	sshll.u32 @p0 s4, $0x11  }
0xaa: {  	s5 =	sor.u32 @p0 s6, s5  }
0xab: {  	[sflag:s5] =	ssyncadd.remote.s32 @p0 $0x1;
	_ =	sdelay $0x1  }
0xac: {  	s5 =	simm.s32 @p0 $0x1B8D  }
0xad: {  	_ =	swait.eq @p0 [sflag:s5], $0x1  }
0xae: {  	[sflag:s5] =	ssyncadd.s32 @p0 $0xFFFFFFFF  }
0xaf: {  	s6 =	sshll.u32 @!p0 s1, $0xE  }
0xb0: {  	s6 =	sor.u32 @!p0 $0x4000, s6;
	s5 =	simm.s32 @!p0 $0x1B8D  }
0xb1: {  	s4 =	sshll.u32 @!p0 s4, $0x11;
	s6 =	sadd.s32 @!p0 $0x11B8D, s6;
	_ =	swait.eq @!p0 [sflag:s5], $0x1  }
0xb2: {  	s4 =	sor.u32 @!p0 s4, s6;
	[sflag:s5] =	ssyncadd.s32 @!p0 $0xFFFFFFFF  }
0xb3: {  	s25 =	simm.s32 $0x1B8E;
	s24 =	sld [smem:$0x3FFE];
	[sflag:s4] =	ssyncadd.remote.s32 @!p0 $0x1  }
0xb4: {  	s26 =	simm.s32 $execute0_lowered;
	[smem:$0x3FD2] =	sst s25  }
0xb5: {  	s5 =	sshll.u32 s26, $0x1;
	_ =	strace $0x8000004C;
	[dreg:$0x1] =	wrdreg $0xFFFFFFFF  }
0xb6: {  	s28 =	simm.s32 $_size_execute0_lowered;
	s3 =	sadd.s32 s3, s5;
	[dreg:$0x0] =	wrdreg $0x0  }
0xb7: {  	s5 =	sshll.u32 s28, $0x1;
	[dreg:$0x2] =	wrdreg s3  }
0xb8: {  	[dreg:$0x3] =	wrdreg s5  }
0xb9: {  	[dreg:$0x4] =	wrdreg $0xC0  }
0xba: {  	_ =	task [dreg:s22], $0x5FFFF  }
0xbb: {  	[dreg:$0x1] =	wrdreg $0xFFFFFFFF  }
0xbc: {  	[dreg:$0x0] =	wrdreg $0x60  }
0xbd: {  	[dreg:$0x2] =	wrdreg s24  }
0xbe: {  	[dreg:$0x3] =	wrdreg $0xC  }
0xbf: {  	_ =	task.clear_ibuf [dreg:s22], $0x4FFFF;
	_ =	strace $0x9000004C  }
0xc0: {  	s29 =	simm.s32 $0xC;
	_ =	strace $0x8000004E  }
0xc1: {  	_ =	swait.ge [sflag:s29], $0x1  }
0xc2: {  	[sflag:s29] =	ssyncadd.s32 $0xFFFFFFFF  }
0xc3: {  	_ =	strace $0x9000004E  }
0xc4: {  	_ =	sfence  }
0xc5: {  	s30 =	sld [smem:$0x0];
	_ =	sdelay $0x2  }
0xc6: {  	s31 =	sshll.u32 s1, $0xD;
	s1 =	sshrl.u32 s1, $0x2  }
0xc7: {  	s4 =	sand.u32 $0x4000, s31;
	s1 =	sadd.s32 s1, s30  }
0xc8: {  	s0 =	sor.u32 s4, s0;
	s1 =	sshll.u32 s1, $0x11  }
0xc9: {  	s0 =	sor.u32 s1, s0  }
0xca: {  	s0 =	sadd.s32 $0x8F2B, s0  }
0xcb: {  	[sflag:s0] =	ssyncadd.remote.s32 $0x1  }
0xcc: {  	_ =	sfence.sel $0xFFFF  }
0xcd: {  	[dreg:$0x0] =	wrdreg $0xFFFFFFFF;
	(pc) =	sbr.abs _section_cstart, $3  }
0xce: {  	[dreg:$0x1] =	wrdreg $0xFFFFFFFF  }
0xcf: {  	_ =	task.clear_ibuf [dreg:s22], $0x2FFFF;
	_ =	strace $0x9FFFFFFF  }
0xd0: {  	(tm) =	ssettm $0x7FFFFFFF  }
0xd1: {  	_ =	shalt  }
tec
execute0_lowered:
.L_overlay_start_1:
0x0: {  	(tag) =	ssettag $0x1  }
0x1: {  	s0 =	srdreg.scid;
	s13 =	stileid.u32  }
0x2: {  	s4 =	rddreg [dreg:$0x0];
	s2 =	simm.s32 $0x0;
	s18 =	simm.s32 $0xA00  }
0x3: {  	s19 =	simm.s32 $0x80;
	s20 =	simm.s32 $0x1400;
	s21 =	simm.s32 $0x5400  }
0x4: {  	s22 =	simm.s32 $0x9400;
	s24 =	simm.s32 $0xD400;
	s25 =	simm.s32 $0x1  }
0x5: {  	s30 =	simm.s32 $0x2;
	s31 =	simm.s32 $0x4;
	s3 =	smul.u32 $0xA00, s13  }
0x6: {  	s23 =	simm.s32 $0x0;
	s0 =	sand.u32 $0x1, s0;
	s17 =	smul.u32 $0xA000, s13  }
0x7: {  	[smem:$0x7FF] =	sst s2;
	s14 =	sadd.s32 $0x548E00, s4;
	s1 =	smul.u32 $0xA000, s0  }
0x8: {  	s16 =	sadd.s32 $0x688E00, s4;
	s6 =	ssub.s32 $0x2, s0;
	s0 =	smul.u32 $0xA0000, s0  }
0x9: {  	_ =	strace $0x8000004D;
	s26 =	sshrl.u32 s6, $0x1;
	s1 =	sadd.s32 s3, s1  }
0xa: {  	s3 =	sadd.s32 $0x10400, s4;
	s6 =	ssub.s32 s6, s26;
	s15 =	sadd.s32 s0, s14  }
0xb: {  	s0 =	sadd.s32 s0, s16;
	s26 =	simm.s32 $0x3;
	s5 =	sshrl.u32 s1, $0x3  }
0xc: {  	s1 =	sshll.u32 s1, $0x4;
	s6 =	smax.u32 s6, $0x1;
	s15 =	sadd.s32 s17, s15  }
0xd: {  	s5 =	sadd.s32 s5, s4;
	s10 =	sor.u32 $0x800, s1;
	s7 =	sadd.s32 s14, s1  }
0xe: {  	s8 =	sadd.s32 s16, s1;
	s12 =	sadd.s32 $0x9000, s1;
	s1 =	sadd.s32 $0x9800, s1  }
0xf: {  	s28 =	sadd.s32 $0x2B9E00, s5;
	s29 =	sadd.s32 $0x2C3E00, s5;
	s9 =	sadd.s32 s14, s10  }
0x10: {  	s10 =	sadd.s32 s16, s10;
	s11 =	sadd.s32 s14, s12;
	s12 =	sadd.s32 s16, s12  }
0x11: {  	s13 =	sadd.s32 s14, s1;
	s14 =	sadd.s32 s16, s1;
	[dreg:$0x2] =	wrdreg s28  }
0x12: {  	s16 =	sadd.s32 s17, s0;
	s17 =	simm.s32 $0x5;
	[dreg:$0x3] =	wrdreg s29  }
.LBB2_1:
0x13: {  	s0 =	rddreg [dreg:$0x2]  }
0x14: {  	[tilespmem:s2], [sflag:$0x5] =	stream.linear.gather [hbm4b:s0+s2], $0xA00, $0x38;
	[tilespmem:$0x11400] =	vst v63  }
0x15: {  	_ =	swait.ge [sflag:s17], $0xA00  }
0x16: {  	[sflag:s17] =	ssyncset.done $0x0  }
0x17: {  	s5 =	rddreg [dreg:$0x3];
	[sflag:s17] =	ssyncadd.s32 $0xFFFFF600  }
0x18: {  	[tilespmem:s18], [sflag:$0x5] =	stream.linear.gather [hbm4b:s5+s2], $0xA00, $0x38;
	[tilespmem:$0x11400] =	vst v63  }
0x19: {  	_ =	swait.ge [sflag:s17], $0xA00  }
0x1a: {  	[sflag:s17] =	ssyncset.done $0x0  }
0x1b: {  	[sflag:s17] =	ssyncadd.s32 $0xFFFFF600  }
0x1c: {  	[tilespmem:s20], [sflag:$0x1] =	stream.indirect.gather [hbm4b:s3+s19], $0x80, s2, s19, $0xb8;
	[tilespmem:$0x11400] =	vst v63  }
0x1d: {  	_ = 	snop  }
0x1e: {  	[tilespmem:s21], [sflag:$0x1] =	stream.indirect.gather [hbm4b:s3+s19], $0x80, s18, s19, $0xb8;
	[tilespmem:$0x11400] =	vst v63  }
0x1f: {  	_ = 	snop  }
0x20: {  	[tilespmem:s22], [sflag:$0x2] =	stream.indirect.gather [hbm4b:s3+s19], $0x80, s19, s19, $0xb8;
	[tilespmem:$0x11400] =	vst v63  }
0x21: {  	s1 =	simm.s32 $0xA80  }
0x22: {  	[tilespmem:s24], [sflag:$0x2] =	stream.indirect.gather [hbm4b:s3+s19], $0x80, s1, s19, $0xb8;
	[tilespmem:$0x11400] =	vst v63  }
0x23: {  	_ =	swait.ge [sflag:s25], $0x4000  }
0x24: {  	[sflag:s25] =	ssyncset.done $0x0  }
0x25: {  	[sflag:s25] =	ssyncadd.s32 $0xFFFFC000  }
0x26: {  	_ =	swait.ge [sflag:s25], $0x4000  }
0x27: {  	[sflag:s25] =	ssyncset.done $0x0  }
0x28: {  	[sflag:s25] =	ssyncadd.s32 $0xFFFFC000  }
0x29: {  	[hbm4b:s7+s2] =	stream.linear.scatter [tilespmem:s20], [sflag:$0x3], $0x4000, $0x38;
	[tilespmem:$0x11400] =	vst v63  }
0x2a: {  	_ = 	snop  }
0x2b: {  	[hbm4b:s8+s2] =	stream.linear.scatter [tilespmem:s21], [sflag:$0x3], $0x4000, $0x38;
	[tilespmem:$0x11400] =	vst v63  }
0x2c: {  	_ =	swait.ge [sflag:s26], $0x4000  }
0x2d: {  	[sflag:s26] =	ssyncset.done $0x0  }
0x2e: {  	[sflag:s26] =	ssyncadd.s32 $0xFFFFC000  }
0x2f: {  	_ =	swait.ge [sflag:s26], $0x4000  }
0x30: {  	[sflag:s26] =	ssyncset.done $0x0  }
0x31: {  	s4 =	simm.s32 $0x100;
	[sflag:s26] =	ssyncadd.s32 $0xFFFFC000  }
0x32: {  	[tilespmem:s20], [sflag:$0x1] =	stream.indirect.gather [hbm4b:s3+s19], $0x80, s4, s19, $0xb8;
	[tilespmem:$0x11400] =	vst v63  }
0x33: {  	s5 =	simm.s32 $0xB00  }
0x34: {  	[tilespmem:s21], [sflag:$0x1] =	stream.indirect.gather [hbm4b:s3+s19], $0x80, s5, s19, $0xb8;
	[tilespmem:$0x11400] =	vst v63  }
0x35: {  	_ =	swait.ge [sflag:s30], $0x4000  }
0x36: {  	[sflag:s30] =	ssyncset.done $0x0  }
0x37: {  	[sflag:s30] =	ssyncadd.s32 $0xFFFFC000  }
0x38: {  	_ =	swait.ge [sflag:s30], $0x4000  }
0x39: {  	[sflag:s30] =	ssyncset.done $0x0  }
0x3a: {  	[sflag:s30] =	ssyncadd.s32 $0xFFFFC000  }
0x3b: {  	[hbm4b:s9+s2] =	stream.linear.scatter [tilespmem:s22], [sflag:$0x4], $0x4000, $0x38;
	[tilespmem:$0x11400] =	vst v63  }
0x3c: {  	_ = 	snop  }
0x3d: {  	[hbm4b:s10+s2] =	stream.linear.scatter [tilespmem:s24], [sflag:$0x4], $0x4000, $0x38;
	[tilespmem:$0x11400] =	vst v63  }
0x3e: {  	_ =	swait.ge [sflag:s31], $0x4000  }
0x3f: {  	[sflag:s31] =	ssyncset.done $0x0  }
0x40: {  	[sflag:s31] =	ssyncadd.s32 $0xFFFFC000  }
0x41: {  	_ =	swait.ge [sflag:s31], $0x4000  }
0x42: {  	[sflag:s31] =	ssyncset.done $0x0  }
0x43: {  	s1 =	simm.s32 $0x180;
	[sflag:s31] =	ssyncadd.s32 $0xFFFFC000  }
0x44: {  	[tilespmem:s22], [sflag:$0x2] =	stream.indirect.gather [hbm4b:s3+s19], $0x80, s1, s19, $0xb8;
	[tilespmem:$0x11400] =	vst v63  }
0x45: {  	s4 =	simm.s32 $0xB80  }
0x46: {  	[tilespmem:s24], [sflag:$0x2] =	stream.indirect.gather [hbm4b:s3+s19], $0x80, s4, s19, $0xb8;
	[tilespmem:$0x11400] =	vst v63  }
0x47: {  	_ =	swait.ge [sflag:s25], $0x4000  }
0x48: {  	[sflag:s25] =	ssyncset.done $0x0  }
0x49: {  	[sflag:s25] =	ssyncadd.s32 $0xFFFFC000  }
0x4a: {  	_ =	swait.ge [sflag:s25], $0x4000  }
0x4b: {  	s0 =	sadd.s32 $0x0, s15;
	[sflag:s25] =	ssyncset.done $0x0  }
0x4c: {  	s29 =	sadd.s32 $0x0, s16;
	s1 =	sadd.s32 $0x1000, s0;
	[sflag:s25] =	ssyncadd.s32 $0xFFFFC000  }
0x4d: {  	[hbm4b:s1+s2] =	stream.linear.scatter [tilespmem:s20], [sflag:$0x3], $0x4000, $0x38;
	[tilespmem:$0x11400] =	vst v63  }
0x4e: {  	s5 =	sadd.s32 $0x1000, s29  }
0x4f: {  	[hbm4b:s5+s2] =	stream.linear.scatter [tilespmem:s21], [sflag:$0x3], $0x4000, $0x38;
	[tilespmem:$0x11400] =	vst v63  }
0x50: {  	_ =	swait.ge [sflag:s26], $0x4000  }
0x51: {  	[sflag:s26] =	ssyncset.done $0x0  }
0x52: {  	[sflag:s26] =	ssyncadd.s32 $0xFFFFC000  }
0x53: {  	_ =	swait.ge [sflag:s26], $0x4000  }
0x54: {  	[sflag:s26] =	ssyncset.done $0x0  }
0x55: {  	s4 =	simm.s32 $0x200;
	[sflag:s26] =	ssyncadd.s32 $0xFFFFC000  }
0x56: {  	[tilespmem:s20], [sflag:$0x1] =	stream.indirect.gather [hbm4b:s3+s19], $0x80, s4, s19, $0xb8;
	[tilespmem:$0x11400] =	vst v63  }
0x57: {  	s5 =	simm.s32 $0xC00  }
0x58: {  	[tilespmem:s21], [sflag:$0x1] =	stream.indirect.gather [hbm4b:s3+s19], $0x80, s5, s19, $0xb8;
	[tilespmem:$0x11400] =	vst v63  }
0x59: {  	_ =	swait.ge [sflag:s30], $0x4000  }
0x5a: {  	[sflag:s30] =	ssyncset.done $0x0  }
0x5b: {  	[sflag:s30] =	ssyncadd.s32 $0xFFFFC000  }
0x5c: {  	_ =	swait.ge [sflag:s30], $0x4000  }
0x5d: {  	[sflag:s30] =	ssyncset.done $0x0  }
0x5e: {  	s28 =	simm.s32 $0x1000;
	s0 =	sadd.s32 $0x1800, s0;
	[sflag:s30] =	ssyncadd.s32 $0xFFFFC000  }
0x5f: {  	[hbm4b:s0+s2] =	stream.linear.scatter [tilespmem:s22], [sflag:$0x4], $0x4000, $0x38;
	[tilespmem:$0x11400] =	vst v63  }
0x60: {  	s1 =	simm.s32 $0xC80;
	s0 =	sadd.s32 $0x1800, s29;
	s29 =	simm.s32 $0x280  }
.LBB2_2:
0x61: {  	[hbm4b:s0+s2] =	stream.linear.scatter [tilespmem:s24], [sflag:$0x4], $0x4000, $0x38;
	[tilespmem:$0x11400] =	vst v63  }
0x62: {  	s0 =	smov.u32 s28  }
0x63: {  	p0 =	sne.s32 s28, $0x7000;
	s28 =	sadd.s32 $0x1000, s28;
	_ =	swait.ge [sflag:s31], $0x4000  }
0x64: {  	[sflag:s31] =	ssyncset.done $0x0  }
0x65: {  	[sflag:s31] =	ssyncadd.s32 $0xFFFFC000  }
0x66: {  	_ =	swait.ge [sflag:s31], $0x4000  }
0x67: {  	[sflag:s31] =	ssyncset.done $0x0  }
0x68: {  	[sflag:s31] =	ssyncadd.s32 $0xFFFFC000  }
0x69: {  	[tilespmem:s22], [sflag:$0x2] =	stream.indirect.gather [hbm4b:s3+s19], $0x80, s29, s19, $0xb8;
	[tilespmem:$0x11400] =	vst v63  }
0x6a: {  	_ = 	snop  }
0x6b: {  	[tilespmem:s24], [sflag:$0x2] =	stream.indirect.gather [hbm4b:s3+s19], $0x80, s1, s19, $0xb8;
	[tilespmem:$0x11400] =	vst v63  }
0x6c: {  	_ =	swait.ge [sflag:s25], $0x4000  }
0x6d: {  	[sflag:s25] =	ssyncset.done $0x0  }
0x6e: {  	[sflag:s25] =	ssyncadd.s32 $0xFFFFC000  }
0x6f: {  	_ =	swait.ge [sflag:s25], $0x4000  }
0x70: {  	s4 =	sadd.s32 s0, s15;
	[sflag:s25] =	ssyncset.done $0x0  }
0x71: {  	s0 =	sadd.s32 s0, s16;
	s5 =	sadd.s32 $0x1000, s4;
	[sflag:s25] =	ssyncadd.s32 $0xFFFFC000  }
0x72: {  	[hbm4b:s5+s2] =	stream.linear.scatter [tilespmem:s20], [sflag:$0x3], $0x4000, $0x38;
	[tilespmem:$0x11400] =	vst v63  }
0x73: {  	s5 =	sadd.s32 $0x1000, s0  }
0x74: {  	[hbm4b:s5+s2] =	stream.linear.scatter [tilespmem:s21], [sflag:$0x3], $0x4000, $0x38;
	[tilespmem:$0x11400] =	vst v63  }
0x75: {  	_ =	swait.ge [sflag:s26], $0x4000  }
0x76: {  	[sflag:s26] =	ssyncset.done $0x0  }
0x77: {  	[sflag:s26] =	ssyncadd.s32 $0xFFFFC000  }
0x78: {  	_ =	swait.ge [sflag:s26], $0x4000  }
0x79: {  	[sflag:s26] =	ssyncset.done $0x0  }
0x7a: {  	s5 =	sadd.s32 $0x80, s29;
	[sflag:s26] =	ssyncadd.s32 $0xFFFFC000  }
0x7b: {  	[tilespmem:s20], [sflag:$0x1] =	stream.indirect.gather [hbm4b:s3+s19], $0x80, s5, s19, $0xb8;
	[tilespmem:$0x11400] =	vst v63  }
0x7c: {  	s5 =	sadd.s32 $0x80, s1  }
0x7d: {  	[tilespmem:s21], [sflag:$0x1] =	stream.indirect.gather [hbm4b:s3+s19], $0x80, s5, s19, $0xb8;
	[tilespmem:$0x11400] =	vst v63  }
0x7e: {  	_ =	swait.ge [sflag:s30], $0x4000  }
0x7f: {  	[sflag:s30] =	ssyncset.done $0x0  }
0x80: {  	[sflag:s30] =	ssyncadd.s32 $0xFFFFC000  }
.Ltmp0:
0x81: {  	_ =	swait.ge [sflag:s30], $0x4000;
	(pc) =	sbr.rel @p0 .LBB2_2-.Ltmp0, $4  }
0x82: {  	[sflag:s30] =	ssyncset.done $0x0  }
0x83: {  	s4 =	sadd.s32 $0x1800, s4;
	[sflag:s30] =	ssyncadd.s32 $0xFFFFC000  }
0x84: {  	[hbm4b:s4+s2] =	stream.linear.scatter [tilespmem:s22], [sflag:$0x4], $0x4000, $0x38;
	[tilespmem:$0x11400] =	vst v63  }
0x85: {  	s0 =	sadd.s32 $0x1800, s0;
	s29 =	sadd.s32 $0x100, s29;
	s1 =	sadd.s32 $0x100, s1  }
0x86: {  	[hbm4b:s0+s2] =	stream.linear.scatter [tilespmem:s24], [sflag:$0x4], $0x4000, $0x38;
	[tilespmem:$0x11400] =	vst v63  }
0x87: {  	_ =	swait.ge [sflag:s31], $0x4000  }
0x88: {  	[sflag:s31] =	ssyncset.done $0x0  }
0x89: {  	[sflag:s31] =	ssyncadd.s32 $0xFFFFC000  }
0x8a: {  	_ =	swait.ge [sflag:s31], $0x4000  }
0x8b: {  	[sflag:s31] =	ssyncset.done $0x0  }
0x8c: {  	s28 =	simm.s32 $0x980;
	[sflag:s31] =	ssyncadd.s32 $0xFFFFC000  }
0x8d: {  	[tilespmem:s22], [sflag:$0x2] =	stream.indirect.gather [hbm4b:s3+s19], $0x80, s28, s19, $0xb8;
	[tilespmem:$0x11400] =	vst v63  }
0x8e: {  	s29 =	simm.s32 $0x1380  }
0x8f: {  	[tilespmem:s24], [sflag:$0x2] =	stream.indirect.gather [hbm4b:s3+s19], $0x80, s29, s19, $0xb8;
	[tilespmem:$0x11400] =	vst v63  }
0x90: {  	_ =	swait.ge [sflag:s25], $0x4000  }
0x91: {  	[sflag:s25] =	ssyncset.done $0x0  }
0x92: {  	[sflag:s25] =	ssyncadd.s32 $0xFFFFC000  }
0x93: {  	_ =	swait.ge [sflag:s25], $0x4000  }
0x94: {  	[sflag:s25] =	ssyncset.done $0x0  }
0x95: {  	[sflag:s25] =	ssyncadd.s32 $0xFFFFC000  }
0x96: {  	[hbm4b:s11+s2] =	stream.linear.scatter [tilespmem:s20], [sflag:$0x3], $0x4000, $0x38;
	[tilespmem:$0x11400] =	vst v63  }
0x97: {  	_ = 	snop  }
0x98: {  	[hbm4b:s12+s2] =	stream.linear.scatter [tilespmem:s21], [sflag:$0x3], $0x4000, $0x38;
	[tilespmem:$0x11400] =	vst v63  }
0x99: {  	_ =	swait.ge [sflag:s26], $0x4000  }
0x9a: {  	[sflag:s26] =	ssyncset.done $0x0  }
0x9b: {  	[sflag:s26] =	ssyncadd.s32 $0xFFFFC000  }
0x9c: {  	_ =	swait.ge [sflag:s26], $0x4000  }
0x9d: {  	[sflag:s26] =	ssyncset.done $0x0  }
0x9e: {  	[sflag:s26] =	ssyncadd.s32 $0xFFFFC000  }
0x9f: {  	_ =	swait.ge [sflag:s30], $0x4000  }
0xa0: {  	[sflag:s30] =	ssyncset.done $0x0  }
0xa1: {  	[sflag:s30] =	ssyncadd.s32 $0xFFFFC000  }
0xa2: {  	_ =	swait.ge [sflag:s30], $0x4000  }
0xa3: {  	[sflag:s30] =	ssyncset.done $0x0  }
0xa4: {  	[sflag:s30] =	ssyncadd.s32 $0xFFFFC000  }
0xa5: {  	[hbm4b:s13+s2] =	stream.linear.scatter [tilespmem:s22], [sflag:$0x4], $0x4000, $0x38;
	[tilespmem:$0x11400] =	vst v63  }
0xa6: {  	s23 =	sadd.s32 $0x1, s23  }
0xa7: {  	[hbm4b:s14+s2] =	stream.linear.scatter [tilespmem:s24], [sflag:$0x4], $0x4000, $0x38;
	[tilespmem:$0x11400] =	vst v63  }
0xa8: {  	p0 =	sne.s32 s23, s6;
	_ =	swait.ge [sflag:s31], $0x4000  }
.Ltmp1:
0xa9: {  	[sflag:s31] =	ssyncset.done $0x0;
	(pc) =	sbr.rel @p0 .LBB2_1-.Ltmp1, $4  }
0xaa: {  	[sflag:s31] =	ssyncadd.s32 $0xFFFFC000  }
0xab: {  	_ =	swait.ge [sflag:s31], $0x4000  }
0xac: {  	[sflag:s31] =	ssyncset.done $0x0  }
0xad: {  	[sflag:s31] =	ssyncadd.s32 $0xFFFFC000  }
0xae: {  	_ =	sfence.sel $0x180000  }
0xaf: {  	[bflag:$0x0] =	sbarrier.arrive $0xFFFF  }
0xb0: {  	_ =	strace $0x9000004D  }
0xb1: {  	s0 =	stileid.u32;
	[bflag:$0x2] =	sbarrier.arrive $0xFFFF  }
0xb2: {  	p0 =	sne.s32 s0, $0x0;
	s0 =	rddreg [dreg:$0x1]  }
0xb3: {  	s0 =	sadd.s32 @!p0 $0x100000, s0  }
0xb4: {  	[sflag:s0] =	ssyncadd.tile.s32 @!p0 $0x1;
	_ =	shalt  }
.Lfunc_end2:
_tile_overlayer_lowered:
.L_overlay_start_2:
0xb5: {  	(tag) =	ssettag $0x2  }
0xb6: {  	s0 =	rddreg [dreg:$0x0];
	s2 =	stileid.u32  }
0xb7: {  	s1 =	rddreg [dreg:$0x1];
	p0 =	sne.s32 s2, $0x0  }
0xb8: {  	s3 =	rddreg [dreg:$0x2];
	[bflag:$0x3] =	sbarrier.arrive $0xFFFF;
	s2 =	simm.s32 @!p0 $0x1C05  }
0xb9: {  	[timem:s3], [sflag:s2] =	dma.local @!p0 [hbm:s0], s1  }
0xba: {  	s0 =	simm.s32 @!p0 $0x5  }
0xbb: {  	_ =	swait.ge @!p0 [sflag:s0], s1  }
0xbc: {  	s1 =	ssub.s32 @!p0 $0x0, s1;
	[sflag:s0] =	ssyncset.done @!p0 $0x0  }
0xbd: {  	[sflag:s0] =	ssyncadd.s32 @!p0 s1  }
0xbe: {  	[bflag:$0x3] =	sbarrier.arrive $0xFFFF  }
0xbf: {  	_ =	shalt  }

// kernel: kernel.30.cloned.1.call-start
scs
__scs_entry_jumppad:
0x0: {  	(pc) =	sbr.rel $0x88, $3  }
0x1: {  	(tag) =	ssettag $0x0;
	lr =	simm.s32 $0x1  }
0x2: {  	[smem:$0x3F8F] =	sst lr;
	_ =	strace $0xD0000000  }
0x3: {  	_ = 	snop  }
0x4: {  	_ = 	snop  }
0x5: {  	_ = 	snop  }
0x6: {  	_ = 	snop  }
0x7: {  	_ = 	snop  }
__scs_overlays_trampoline_lowered:
0x8: {  	[smem:$0x3F9E] =	sst s0  }
0x9: {  	[smem:$0x3F9F] =	sst s1  }
0xa: {  	[smem:$0x3FA0] =	sst s2  }
0xb: {  	[smem:$0x3FA1] =	sst s3  }
0xc: {  	[smem:$0x3FA2] =	sst s4  }
0xd: {  	[smem:$0x3FA3] =	sst s5  }
0xe: {  	[smem:$0x3FA4] =	sst s6  }
0xf: {  	[smem:$0x3FA5] =	sst s7  }
0x10: {  	[smem:$0x3FA6] =	sst s8  }
0x11: {  	[smem:$0x3FA7] =	sst s9;
	s0 =	simm.s32 @!p0 $0x0  }
0x12: {  	s1 =	sld [smem:$0x3F8D];
	s0 =	simm.s32 @p0 $0x1  }
0x13: {  	[smem:$0x3FA8] =	sst s0;
	s0 =	simm.s32 @!p1 $0x0  }
0x14: {  	s2 =	sld [smem:$0x3F8C];
	s0 =	simm.s32 @p1 $0x1  }
0x15: {  	[smem:$0x3FA9] =	sst s0;
	s0 =	simm.s32 @!p2 $0x0  }
0x16: {  	s3 =	sld [smem:$0x3FDB];
	s0 =	simm.s32 @p2 $0x1  }
0x17: {  	s4 =	simm.s32 $0x1BF5;
	[smem:$0x3FAB] =	sst s0  }
0x18: {  	s0 =	sld [smem:$0x3F8E];
	_ =	swait.ge [sflag:s4], $0x0  }
0x19: {  	s7 =	sld [smem:$0x3F8F]  }
0x1a: {  	s8 =	sadd.s32 $0xFFFFE003, lr  }
0x1b: {  	s9 =	sadd.s32 $0xFFFFFEF7, lr;
	s5 =	simm.s32 $0xFFFFFFFF;
	p2 =	slt.u32 s8, $0xFFFFF086  }
0x1c: {  	p1 =	slt.u32 s9, $0xF7A;
	s5 =	simm.s32 @!p2 $0x0  }
0x1d: {  	s5 =	simm.s32 @p1 $0x1;
	p0 =	seq.s32 s7, s2  }
0x1e: {  	s7 =	smul.u32 @!p0 $0xF7A, s2;
	p2 =	seq.s32 @!p0 s5, $0x0  }
0x1f: {  	s9 =	smul.u32 $0xF7A, s1;
	s8 =	simm.s32 @!p0 $0x1BF5;
	p2 =	por !p2, p0  }
0x20: {  	[sflag:s8] =	ssyncset.s32 @!p0 $0xFFFFF086;
	s6 =	sadd.s32 @!p0 s3, s7;
	s7 =	simm.s32 @!p0 $0x108  }
0x21: {  	s3 =	sadd.s32 s3, s9;
	s6 =	sadd.s32 @!p0 $0x88, s6;
	s7 =	simm.s32 @p2 $0x1082  }
0x22: {  	[simem:s7], [sflag:s8] =	dma.local @!p0 [hbm:s6], $0xF7A  }
0x23: {  	s9 =	sor.u32 $0xD0000000, s2;
	s6 =	simm.s32 $0x108;
	_ =	swait.ge @!p0 [sflag:s8], $0x0  }
0x24: {  	s3 =	sadd.s32 $0x88, s3;
	s6 =	simm.s32 @!p1 $0x1082;
	[sflag:s4] =	ssyncset.s32 $0xFFFFF086  }
0x25: {  	[simem:s6], [sflag:s4] =	dma.local [hbm:s3], $0xF7A  }
0x26: {  	[smem:$0x3F8F] =	sst s1;
	(tag) =	ssettag s2;
	_ =	strace s9  }
0x27: {  	s1 =	sld [smem:$0x3F9F]  }
0x28: {  	s2 =	sld [smem:$0x3FA0]  }
0x29: {  	s4 =	sld [smem:$0x3FA2]  }
0x2a: {  	p0 =	seq.s32 s5, $0x0;
	s5 =	sld [smem:$0x3FA3]  }
0x2b: {  	s6 =	sld [smem:$0x3FA4]  }
0x2c: {  	s7 =	sld [smem:$0x3FA5]  }
0x2d: {  	s3 =	simm.s32 $0x108;
	s8 =	sld [smem:$0x3FA6]  }
0x2e: {  	s3 =	simm.s32 @!p0 $0x1082;
	s9 =	sld [smem:$0x3FA7]  }
0x2f: {  	lr =	sadd.s32 s0, s3;
	s0 =	sld [smem:$0x3F9E]  }
0x30: {  	s3 =	sld [smem:$0x3FA1]  }
0x31: {  	[smem:$0x3FAA] =	sst s10  }
0x32: {  	s10 =	sld [smem:$0x3FA8];
	_ =	sdelay $0x3  }
0x33: {  	p0 =	seq.s32 s10, $0x1;
	s10 =	sld [smem:$0x3FAA];
	_ =	sdelay $0x3  }
0x34: {  	[smem:$0x3FAA] =	sst s10  }
0x35: {  	s10 =	sld [smem:$0x3FA9];
	_ =	sdelay $0x3  }
0x36: {  	p1 =	seq.s32 s10, $0x1;
	s10 =	sld [smem:$0x3FAA];
	_ =	sdelay $0x3  }
0x37: {  	[smem:$0x3FAA] =	sst s10  }
0x38: {  	s10 =	sld [smem:$0x3FAB]  }
0x39: {  	_ = 	snop;
	(pc) =	sbr.ind lr, $3  }
0x3a: {  	_ = 	snop  }
0x3b: {  	_ = 	snop  }
0x3c: {  	p2 =	seq.s32 s10, $0x1;
	s10 =	sld [smem:$0x3FAA]  }
0x3d: {  	_ =	shalt  }
0x3e: {  	_ =	shalt  }
0x3f: {  	_ =	shalt  }
0x40: {  	_ =	shalt  }
0x41: {  	_ =	shalt  }
0x42: {  	_ =	shalt  }
0x43: {  	_ =	shalt  }
0x44: {  	_ =	shalt  }
0x45: {  	_ =	shalt  }
0x46: {  	_ =	shalt  }
0x47: {  	_ =	shalt  }
0x48: {  	_ =	shalt  }
0x49: {  	_ =	shalt  }
0x4a: {  	_ =	shalt  }
0x4b: {  	_ =	shalt  }
0x4c: {  	_ =	shalt  }
0x4d: {  	_ =	shalt  }
0x4e: {  	_ =	shalt  }
0x4f: {  	_ =	shalt  }
0x50: {  	_ =	shalt  }
0x51: {  	_ =	shalt  }
0x52: {  	_ =	shalt  }
0x53: {  	_ =	shalt  }
0x54: {  	_ =	shalt  }
0x55: {  	_ =	shalt  }
0x56: {  	_ =	shalt  }
0x57: {  	_ =	shalt  }
0x58: {  	_ =	shalt  }
0x59: {  	_ =	shalt  }
0x5a: {  	_ =	shalt  }
0x5b: {  	_ =	shalt  }
0x5c: {  	_ =	shalt  }
0x5d: {  	_ =	shalt  }
0x5e: {  	_ =	shalt  }
0x5f: {  	_ =	shalt  }
0x60: {  	_ =	shalt  }
0x61: {  	_ =	shalt  }
0x62: {  	_ =	shalt  }
0x63: {  	_ =	shalt  }
0x64: {  	_ =	shalt  }
0x65: {  	_ =	shalt  }
0x66: {  	_ =	shalt  }
0x67: {  	_ =	shalt  }
0x68: {  	_ =	shalt  }
0x69: {  	_ =	shalt  }
0x6a: {  	_ =	shalt  }
0x6b: {  	_ =	shalt  }
0x6c: {  	_ =	shalt  }
0x6d: {  	_ =	shalt  }
0x6e: {  	_ =	shalt  }
0x6f: {  	_ =	shalt  }
0x70: {  	_ =	shalt  }
0x71: {  	_ =	shalt  }
0x72: {  	_ =	shalt  }
0x73: {  	_ =	shalt  }
0x74: {  	_ =	shalt  }
0x75: {  	_ =	shalt  }
0x76: {  	_ =	shalt  }
0x77: {  	_ =	shalt  }
0x78: {  	_ =	shalt  }
0x79: {  	_ =	shalt  }
0x7a: {  	_ =	shalt  }
0x7b: {  	_ =	shalt  }
0x7c: {  	_ =	shalt  }
0x7d: {  	_ =	shalt  }
0x7e: {  	_ =	shalt  }
0x7f: {  	_ =	shalt  }
0x80: {  	_ =	shalt  }
0x81: {  	_ =	shalt  }
0x82: {  	_ =	shalt  }
0x83: {  	_ =	shalt  }
0x84: {  	_ =	shalt  }
0x85: {  	_ =	shalt  }
0x86: {  	_ =	shalt  }
0x87: {  	_ =	shalt  }
.Lfunc_end0:
.L_simem_size_0:
called_computation.5_lowered:
.L_overlay_start_0:
0x88: {  	s2 =	sld [smem:$0x3FD9]  }
0x89: {  	s3 =	sld [smem:$0x3FFE];
	_ =	sdelay $0x1  }
0x8a: {  	s1 =	srdreg.scid  }
0x8b: {  	s0 =	sand.u32 $0x1, s1  }
0x8c: {  	s17 =	sshll.u32 s0, $0xA;
	s2 =	sadd.s32 s3, s2  }
0x8d: {  	s2 =	sadd.s32 s2, s17  }
0x8e: {  	[smem:$0x3FB6] =	sst s2  }
0x8f: {  	_ = 	snop  }
0x90: {  	(tm) =	ssettm $0x1  }
0x91: {  	s18 =	sld [smem:$0x3FFB];
	_ =	sdelay $0x3  }
0x92: {  	_ =	strace s18  }
0x93: {  	s2 =	sld [smem:$0x3FFC];
	_ =	sdelay $0x3  }
0x94: {  	_ =	strace s2  }
0x95: {  	s2 =	sld [smem:$0x3FFD];
	_ =	sdelay $0x3  }
0x96: {  	_ =	strace s2  }
0x97: {  	_ =	strace $0x8FFFFFFF  }
0x98: {  	s19 =	sld [smem:$0x3FDB];
	_ =	sdelay $0x1  }
0x99: {  	s20 =	simm.s32 $_scs_section_size  }
0x9a: {  	s4 =	simm.s32 $_size__tile_overlayer_lowered;
	s5 =	simm.s32 $_tile_overlayer_lowered  }
0x9b: {  	s6 =	simm.s32 $0x1BFF;
	s21 =	sshll.u32 s5, $0x1;
	s3 =	sadd.s32 s20, s19  }
0x9c: {  	s22 =	simm.s32 $0x0;
	s4 =	sshll.u32 s4, $0x1;
	s5 =	sadd.s32 s21, s3  }
0x9d: {  	[timem:s22], [sflag:s6] =	dma.local [hbm:s5], s4  }
0x9e: {  	_ =	swait.ge [sflag:s6], s4  }
0x9f: {  	s4 =	ssub.s32 $0x0, s4;
	[sflag:s6] =	ssyncset.done $0x0  }
0xa0: {  	[sflag:s6] =	ssyncadd.s32 s4;
	_ =	sdelay $0x1  }
0xa1: {  	s23 =	simm.s32 $0x1B8B  }
0xa2: {  	_ =	swait.ge [sflag:s23], $0x1  }
0xa3: {  	[sflag:s23] =	ssyncset.done $0x0  }
0xa4: {  	[sflag:s23] =	ssyncadd.s32 $0xFFFFFFFF  }
0xa5: {  	s4 =	sld [smem:$0x0]  }
0xa6: {  	s5 =	sand.u32 $0xFFFFFFFE, s1  }
0xa7: {  	p0 =	sne.s32 s1, s5  }
0xa8: {  	s5 =	sshll.u32 @p0 s5, $0xE  }
0xa9: {  	s5 =	sadd.s32 @p0 $0x11B8D, s5;
	s6 =	sshll.u32 @p0 s4, $0x11  }
0xaa: {  	s5 =	sor.u32 @p0 s6, s5  }
0xab: {  	[sflag:s5] =	ssyncadd.remote.s32 @p0 $0x1;
	_ =	sdelay $0x1  }
0xac: {  	s5 =	simm.s32 @p0 $0x1B8D  }
0xad: {  	_ =	swait.eq @p0 [sflag:s5], $0x1  }
0xae: {  	[sflag:s5] =	ssyncadd.s32 @p0 $0xFFFFFFFF  }
0xaf: {  	s6 =	sshll.u32 @!p0 s1, $0xE  }
0xb0: {  	s6 =	sor.u32 @!p0 $0x4000, s6;
	s5 =	simm.s32 @!p0 $0x1B8D  }
0xb1: {  	s4 =	sshll.u32 @!p0 s4, $0x11;
	s6 =	sadd.s32 @!p0 $0x11B8D, s6;
	_ =	swait.eq @!p0 [sflag:s5], $0x1  }
0xb2: {  	s4 =	sor.u32 @!p0 s4, s6;
	[sflag:s5] =	ssyncadd.s32 @!p0 $0xFFFFFFFF  }
0xb3: {  	s25 =	simm.s32 $0x1B8E;
	s24 =	sld [smem:$0x3FFE];
	[sflag:s4] =	ssyncadd.remote.s32 @!p0 $0x1  }
0xb4: {  	s26 =	simm.s32 $execute0_lowered;
	[smem:$0x3FD2] =	sst s25  }
0xb5: {  	s5 =	sshll.u32 s26, $0x1;
	_ =	strace $0x80000058;
	[dreg:$0x1] =	wrdreg $0xFFFFFFFF  }
0xb6: {  	s28 =	simm.s32 $_size_execute0_lowered;
	s3 =	sadd.s32 s3, s5;
	[dreg:$0x0] =	wrdreg $0x0  }
0xb7: {  	s5 =	sshll.u32 s28, $0x1;
	[dreg:$0x2] =	wrdreg s3  }
0xb8: {  	[dreg:$0x3] =	wrdreg s5  }
0xb9: {  	[dreg:$0x4] =	wrdreg $0xC0  }
0xba: {  	_ =	task [dreg:s22], $0x5FFFF  }
0xbb: {  	[dreg:$0x1] =	wrdreg $0xFFFFFFFF  }
0xbc: {  	[dreg:$0x0] =	wrdreg $0x60  }
0xbd: {  	[dreg:$0x2] =	wrdreg s24  }
0xbe: {  	[dreg:$0x3] =	wrdreg $0x40800  }
0xbf: {  	[dreg:$0x4] =	wrdreg $0xC  }
0xc0: {  	_ =	task.clear_ibuf [dreg:s22], $0x5FFFF;
	_ =	strace $0x90000058  }
0xc1: {  	s29 =	simm.s32 $0xC;
	_ =	strace $0x8000005A  }
0xc2: {  	_ =	swait.ge [sflag:s29], $0x1  }
0xc3: {  	[sflag:s29] =	ssyncadd.s32 $0xFFFFFFFF  }
0xc4: {  	_ =	strace $0x9000005A  }
0xc5: {  	_ =	sfence  }
0xc6: {  	s30 =	sld [smem:$0x0];
	_ =	sdelay $0x2  }
0xc7: {  	s31 =	sshll.u32 s1, $0xD;
	s1 =	sshrl.u32 s1, $0x2  }
0xc8: {  	s4 =	sand.u32 $0x4000, s31;
	s1 =	sadd.s32 s1, s30  }
0xc9: {  	s0 =	sor.u32 s4, s0;
	s1 =	sshll.u32 s1, $0x11  }
0xca: {  	s0 =	sor.u32 s1, s0  }
0xcb: {  	s0 =	sadd.s32 $0x8F2B, s0  }
0xcc: {  	[sflag:s0] =	ssyncadd.remote.s32 $0x1  }
0xcd: {  	_ =	sfence.sel $0xFFFF  }
0xce: {  	[dreg:$0x0] =	wrdreg $0xFFFFFFFF;
	(pc) =	sbr.abs _section_cstart, $3  }
0xcf: {  	[dreg:$0x1] =	wrdreg $0xFFFFFFFF  }
0xd0: {  	_ =	task.clear_ibuf [dreg:s22], $0x2FFFF;
	_ =	strace $0x9FFFFFFF  }
0xd1: {  	(tm) =	ssettm $0x7FFFFFFF  }
tec
execute0_lowered:
.L_overlay_start_1:
0x0: {  	(tag) =	ssettag $0x1  }
0x1: {  	s0 =	srdreg.scid  }
0x2: {  	s6 =	rddreg [dreg:$0x0];
	s5 =	sand.u32 $0x1, s0  }
0x3: {  	s2 =	rddreg [dreg:$0x1];
	s4 =	smul.u32 $0xA0000, s5  }
0x4: {  	s0 =	stileid.u32;
	s7 =	smul.u32 $0xA000, s5  }
0x5: {  	s1 =	rddreg [dreg:$0x2];
	s8 =	smul.u32 $0xA00, s0  }
0x6: {  	s3 =	simm.s32 $0x0;
	s14 =	simm.s32 $0x80;
	s9 =	smul.u32 $0x140000, s5  }
0x7: {  	s15 =	simm.s32 $0x0;
	[smem:$0x7FF] =	sst s3;
	s10 =	smul.u32 $0x14000, s0  }
0x8: {  	_ =	strace $0x80000059;
	s29 =	smul.u32 $0x50000, s0;
	s5 =	ssub.s32 $0x2, s5  }
0x9: {  	s11 =	smul.u32 $0xA000, s0;
	s31 =	sshll.u32 s0, $0x6;
	s30 =	sshrl.u32 s5, $0x1  }
0xa: {  	s7 =	sadd.s32 s8, s7;
	s24 =	sadd.s32 s4, s6;
	s26 =	sadd.s32 s10, s9  }
0xb: {  	s4 =	sadd.s32 $0xB400, s6;
	s9 =	sshrl.u32 s29, $0x2;
	s12 =	ssub.s32 s5, s30  }
0xc: {  	s5 =	sor.u32 $0x1C01, s31;
	s25 =	sshrl.u32 s7, $0x3;
	s7 =	sshrl.u32 s26, $0x3  }
0xd: {  	s13 =	sadd.s32 s9, s2;
	s11 =	sadd.s32 s11, s24;
	s8 =	smax.u32 s12, $0x1  }
0xe: {  	s28 =	sadd.s32 s25, s6;
	s7 =	sadd.s32 s7, s6;
	s9 =	sadd.s32 $0x177600, s11  }
0xf: {  	s11 =	sadd.s32 $0xFCB000, s11;
	s12 =	sshrl.u32 s13, $0x3;
	s6 =	sadd.s32 $0xEA8E00, s7  }
0x10: {  	s13 =	simm.s32 $0x1;
	s7 =	sadd.s32 $0x110B000, s7;
	s10 =	sadd.s32 $0x2C3E00, s28  }
.LBB2_1:
0x11: {  	[spmem:s12], [sflag:s5] =	dma.local [hbm:s4], $0x2800  }
0x12: {  	_ =	swait.ge [sflag:s13], $0x2800  }
0x13: {  	[sflag:s13] =	ssyncset.done $0x0  }
0x14: {  	[sflag:s13] =	ssyncadd.s32 $0xFFFFD800  }
0x15: {  	s16 =	sadd.s32 $0x0, s10;
	[bflag:$0x0] =	sbarrier.arrive $0xFFFF  }
0x16: {  	[tilespmem:s3], [sflag:$0x1] =	stream.linear.gather [hbm4b:s16+s3], $0x80, $0x38;
	[tilespmem:$0x18080] =	vst v63  }
0x17: {  	_ =	swait.ge [sflag:s13], $0x80  }
0x18: {  	[sflag:s13] =	ssyncset.done $0x0  }
0x19: {  	[sflag:s13] =	ssyncadd.s32 $0xFFFFFF80  }
0x1a: {  	[tilespmem:s14], [sflag:$0x1] =	stream.linear.gather [hbm4b:s9+s3], $0x4000, $0x38;
	[tilespmem:$0x18080] =	vst v63  }
0x1b: {  	_ =	swait.ge [sflag:s13], $0x4000  }
0x1c: {  	[sflag:s13] =	ssyncset.done $0x0  }
0x1d: {  	[sflag:s13] =	ssyncadd.s32 $0xFFFFC000  }
0x1e: {  	[spmem:s2] =	stream.indirect.scatter.add.f32 [tilespmem:s14], [sflag:$0x1], $0x80, s3, s14, $0xb8;
	[tilespmem:$0x18080] =	vst v63  }
0x1f: {  	s17 =	simm.s32 $0x10;
	_ =	swait.ge [sflag:s13], $0x4000  }
0x20: {  	s18 =	simm.s32 $0x20;
	s16 =	sadd.s32 $0x800, s9;
	[sflag:s13] =	ssyncset.done $0x0  }
.LBB2_2:
0x21: {  	s19 =	sadd.s32 s17, s10  }
0x22: {  	[sflag:s13] =	ssyncadd.s32 $0xFFFFC000;
	s17 =	smov.u32 s18;
	s20 =	sadd.s32 $0x10, s18  }
0x23: {  	[tilespmem:s3], [sflag:$0x1] =	stream.linear.gather [hbm4b:s19+s3], $0x80, $0x38;
	[tilespmem:$0x18080] =	vst v63  }
0x24: {  	p0 =	sne.s32 s18, $0x130;
	_ =	swait.ge [sflag:s13], $0x80  }
0x25: {  	[sflag:s13] =	ssyncset.done $0x0  }
0x26: {  	[sflag:s13] =	ssyncadd.s32 $0xFFFFFF80  }
0x27: {  	[tilespmem:s14], [sflag:$0x1] =	stream.linear.gather [hbm4b:s16+s3], $0x4000, $0x38;
	[tilespmem:$0x18080] =	vst v63  }
0x28: {  	_ =	swait.ge [sflag:s13], $0x4000  }
.Ltmp0:
0x29: {  	[sflag:s13] =	ssyncset.done $0x0;
	(pc) =	sbr.rel @p0 .LBB2_2-.Ltmp0, $4  }
0x2a: {  	[sflag:s13] =	ssyncadd.s32 $0xFFFFC000  }
0x2b: {  	[spmem:s2] =	stream.indirect.scatter.add.f32 [tilespmem:s14], [sflag:$0x1], $0x80, s3, s14, $0xb8;
	[tilespmem:$0x18080] =	vst v63  }
0x2c: {  	_ =	swait.ge [sflag:s13], $0x4000  }
0x2d: {  	s18 =	smov.u32 s20;
	s16 =	sadd.s32 $0x800, s16;
	[sflag:s13] =	ssyncset.done $0x0  }
0x2e: {  	s17 =	sadd.s32 s17, s10;
	[sflag:s13] =	ssyncadd.s32 $0xFFFFC000  }
0x2f: {  	[tilespmem:s3], [sflag:$0x1] =	stream.linear.gather [hbm4b:s17+s3], $0x80, $0x38;
	[tilespmem:$0x18080] =	vst v63  }
0x30: {  	_ =	swait.ge [sflag:s13], $0x80  }
0x31: {  	[sflag:s13] =	ssyncset.done $0x0  }
0x32: {  	[sflag:s13] =	ssyncadd.s32 $0xFFFFFF80  }
0x33: {  	[tilespmem:s14], [sflag:$0x1] =	stream.linear.gather [hbm4b:s16+s3], $0x4000, $0x38;
	[tilespmem:$0x18080] =	vst v63  }
0x34: {  	_ =	swait.ge [sflag:s13], $0x4000  }
0x35: {  	[sflag:s13] =	ssyncset.done $0x0  }
0x36: {  	[sflag:s13] =	ssyncadd.s32 $0xFFFFC000  }
0x37: {  	[spmem:s2] =	stream.indirect.scatter.add.f32 [tilespmem:s14], [sflag:$0x1], $0x80, s3, s14, $0xb8;
	[tilespmem:$0x18080] =	vst v63  }
0x38: {  	_ =	swait.ge [sflag:s13], $0x4000  }
0x39: {  	[sflag:s13] =	ssyncset.done $0x0  }
0x3a: {  	[sflag:s13] =	ssyncadd.s32 $0xFFFFC000  }
0x3b: {  	[bflag:$0x0] =	sbarrier.arrive $0xFFFF  }
0x3c: {  	[hbm:s6], [sflag:s5] =	dma.local [spmem:s12], $0x2800  }
0x3d: {  	_ =	swait.ge [sflag:s13], $0x2800  }
0x3e: {  	[sflag:s13] =	ssyncset.done $0x0  }
0x3f: {  	[sflag:s13] =	ssyncadd.s32 $0xFFFFD800  }
0x40: {  	[bflag:$0x0] =	sbarrier.arrive $0xFFFF  }
0x41: {  	[spmem:s12], [sflag:s5] =	dma.local [hbm:s4], $0x2800  }
0x42: {  	_ =	swait.ge [sflag:s13], $0x2800  }
0x43: {  	[sflag:s13] =	ssyncset.done $0x0  }
0x44: {  	[sflag:s13] =	ssyncadd.s32 $0xFFFFD800  }
0x45: {  	s31 =	sadd.s32 $0x0, s10;
	[bflag:$0x0] =	sbarrier.arrive $0xFFFF  }
0x46: {  	[tilespmem:s3], [sflag:$0x1] =	stream.linear.gather [hbm4b:s31+s3], $0x80, $0x38;
	[tilespmem:$0x18080] =	vst v63  }
0x47: {  	_ =	swait.ge [sflag:s13], $0x80  }
0x48: {  	[sflag:s13] =	ssyncset.done $0x0  }
0x49: {  	[sflag:s13] =	ssyncadd.s32 $0xFFFFFF80  }
0x4a: {  	[tilespmem:s14], [sflag:$0x1] =	stream.linear.gather [hbm4b:s11+s3], $0x4000, $0x38;
	[tilespmem:$0x18080] =	vst v63  }
0x4b: {  	_ =	swait.ge [sflag:s13], $0x4000  }
0x4c: {  	[sflag:s13] =	ssyncset.done $0x0  }
0x4d: {  	[sflag:s13] =	ssyncadd.s32 $0xFFFFC000  }
0x4e: {  	[spmem:s2] =	stream.indirect.scatter.add.f32 [tilespmem:s14], [sflag:$0x1], $0x80, s3, s14, $0xb8;
	[tilespmem:$0x18080] =	vst v63  }
0x4f: {  	s18 =	simm.s32 $0x20;
	_ =	swait.ge [sflag:s13], $0x4000  }
0x50: {  	s17 =	simm.s32 $0x10;
	s16 =	sadd.s32 $0x800, s11;
	[sflag:s13] =	ssyncset.done $0x0  }
.LBB2_4:
0x51: {  	s19 =	sadd.s32 s17, s10  }
0x52: {  	[sflag:s13] =	ssyncadd.s32 $0xFFFFC000;
	s17 =	smov.u32 s18;
	s20 =	sadd.s32 $0x10, s18  }
0x53: {  	[tilespmem:s3], [sflag:$0x1] =	stream.linear.gather [hbm4b:s19+s3], $0x80, $0x38;
	[tilespmem:$0x18080] =	vst v63  }
0x54: {  	p0 =	sne.s32 s18, $0x130;
	_ =	swait.ge [sflag:s13], $0x80  }
0x55: {  	[sflag:s13] =	ssyncset.done $0x0  }
0x56: {  	[sflag:s13] =	ssyncadd.s32 $0xFFFFFF80  }
0x57: {  	[tilespmem:s14], [sflag:$0x1] =	stream.linear.gather [hbm4b:s16+s3], $0x4000, $0x38;
	[tilespmem:$0x18080] =	vst v63  }
0x58: {  	_ =	swait.ge [sflag:s13], $0x4000  }
.Ltmp1:
0x59: {  	[sflag:s13] =	ssyncset.done $0x0;
	(pc) =	sbr.rel @p0 .LBB2_4-.Ltmp1, $4  }
0x5a: {  	[sflag:s13] =	ssyncadd.s32 $0xFFFFC000  }
0x5b: {  	[spmem:s2] =	stream.indirect.scatter.add.f32 [tilespmem:s14], [sflag:$0x1], $0x80, s3, s14, $0xb8;
	[tilespmem:$0x18080] =	vst v63  }
0x5c: {  	_ =	swait.ge [sflag:s13], $0x4000  }
0x5d: {  	s18 =	smov.u32 s20;
	s16 =	sadd.s32 $0x800, s16;
	[sflag:s13] =	ssyncset.done $0x0  }
0x5e: {  	s17 =	sadd.s32 s17, s10;
	[sflag:s13] =	ssyncadd.s32 $0xFFFFC000  }
0x5f: {  	[tilespmem:s3], [sflag:$0x1] =	stream.linear.gather [hbm4b:s17+s3], $0x80, $0x38;
	[tilespmem:$0x18080] =	vst v63  }
0x60: {  	_ =	swait.ge [sflag:s13], $0x80  }
0x61: {  	[sflag:s13] =	ssyncset.done $0x0  }
0x62: {  	[sflag:s13] =	ssyncadd.s32 $0xFFFFFF80  }
0x63: {  	[tilespmem:s14], [sflag:$0x1] =	stream.linear.gather [hbm4b:s16+s3], $0x4000, $0x38;
	[tilespmem:$0x18080] =	vst v63  }
0x64: {  	_ =	swait.ge [sflag:s13], $0x4000  }
0x65: {  	[sflag:s13] =	ssyncset.done $0x0  }
0x66: {  	[sflag:s13] =	ssyncadd.s32 $0xFFFFC000  }
0x67: {  	[spmem:s2] =	stream.indirect.scatter.add.f32 [tilespmem:s14], [sflag:$0x1], $0x80, s3, s14, $0xb8;
	[tilespmem:$0x18080] =	vst v63  }
0x68: {  	_ =	swait.ge [sflag:s13], $0x4000  }
0x69: {  	[sflag:s13] =	ssyncset.done $0x0  }
0x6a: {  	s15 =	sadd.s32 $0x1, s15;
	[sflag:s13] =	ssyncadd.s32 $0xFFFFC000  }
0x6b: {  	p0 =	sne.s32 s15, s8;
	[bflag:$0x0] =	sbarrier.arrive $0xFFFF  }
0x6c: {  	[hbm:s7], [sflag:s5] =	dma.local [spmem:s12], $0x2800  }
.Ltmp2:
0x6d: {  	_ =	swait.ge [sflag:s13], $0x2800;
	(pc) =	sbr.rel @p0 .LBB2_1-.Ltmp2, $3  }
0x6e: {  	[sflag:s13] =	ssyncset.done $0x0  }
0x6f: {  	[sflag:s13] =	ssyncadd.s32 $0xFFFFD800  }
0x70: {  	[bflag:$0x0] =	sbarrier.arrive $0xFFFF;
	_ =	sdelay $0x1  }
0x71: {  	_ =	sfence.sel $0x180000  }
0x72: {  	[bflag:$0x0] =	sbarrier.arrive $0xFFFF  }
0x73: {  	p0 =	sne.s32 s0, $0x0;
	_ =	strace $0x90000059  }
0x74: {  	s0 =	sadd.s32 @!p0 $0x100000, s1;
	[bflag:$0x2] =	sbarrier.arrive $0xFFFF  }
0x75: {  	[sflag:s0] =	ssyncadd.tile.s32 @!p0 $0x1;
	_ =	shalt  }
.Lfunc_end2:
_tile_overlayer_lowered:
.L_overlay_start_2:
0x76: {  	(tag) =	ssettag $0x2  }
0x77: {  	s0 =	rddreg [dreg:$0x0];
	s2 =	stileid.u32  }
0x78: {  	s1 =	rddreg [dreg:$0x1];
	p0 =	sne.s32 s2, $0x0  }
0x79: {  	s3 =	rddreg [dreg:$0x2];
	[bflag:$0x3] =	sbarrier.arrive $0xFFFF;
	s2 =	simm.s32 @!p0 $0x1C01  }
0x7a: {  	[timem:s3], [sflag:s2] =	dma.local @!p0 [hbm:s0], s1  }
0x7b: {  	s0 =	simm.s32 @!p0 $0x1  }
0x7c: {  	_ =	swait.ge @!p0 [sflag:s0], s1  }
0x7d: {  	s1 =	ssub.s32 @!p0 $0x0, s1;
	[sflag:s0] =	ssyncset.done @!p0 $0x0  }
0x7e: {  	[sflag:s0] =	ssyncadd.s32 @!p0 s1  }
0x7f: {  	[bflag:$0x3] =	sbarrier.arrive $0xFFFF  }
0x80: {  	_ =	shalt  }

// kernel: kernel.33.cloned.1.call-start
scs
__scs_entry_jumppad:
0x0: {  	(pc) =	sbr.rel $0x88, $3  }
0x1: {  	(tag) =	ssettag $0x0;
	lr =	simm.s32 $0x1  }
0x2: {  	[smem:$0x3F8F] =	sst lr;
	_ =	strace $0xD0000000  }
0x3: {  	_ = 	snop  }
0x4: {  	_ = 	snop  }
0x5: {  	_ = 	snop  }
0x6: {  	_ = 	snop  }
0x7: {  	_ = 	snop  }
__scs_overlays_trampoline_lowered:
0x8: {  	[smem:$0x3F9E] =	sst s0  }
0x9: {  	[smem:$0x3F9F] =	sst s1  }
0xa: {  	[smem:$0x3FA0] =	sst s2  }
0xb: {  	[smem:$0x3FA1] =	sst s3  }
0xc: {  	[smem:$0x3FA2] =	sst s4  }
0xd: {  	[smem:$0x3FA3] =	sst s5  }
0xe: {  	[smem:$0x3FA4] =	sst s6  }
0xf: {  	[smem:$0x3FA5] =	sst s7  }
0x10: {  	[smem:$0x3FA6] =	sst s8  }
0x11: {  	[smem:$0x3FA7] =	sst s9;
	s0 =	simm.s32 @!p0 $0x0  }
0x12: {  	s1 =	sld [smem:$0x3F8D];
	s0 =	simm.s32 @p0 $0x1  }
0x13: {  	[smem:$0x3FA8] =	sst s0;
	s0 =	simm.s32 @!p1 $0x0  }
0x14: {  	s2 =	sld [smem:$0x3F8C];
	s0 =	simm.s32 @p1 $0x1  }
0x15: {  	[smem:$0x3FA9] =	sst s0;
	s0 =	simm.s32 @!p2 $0x0  }
0x16: {  	s3 =	sld [smem:$0x3FDB];
	s0 =	simm.s32 @p2 $0x1  }
0x17: {  	s4 =	simm.s32 $0x1BF5;
	[smem:$0x3FAB] =	sst s0  }
0x18: {  	s0 =	sld [smem:$0x3F8E];
	_ =	swait.ge [sflag:s4], $0x0  }
0x19: {  	s7 =	sld [smem:$0x3F8F]  }
0x1a: {  	s8 =	sadd.s32 $0xFFFFE003, lr  }
0x1b: {  	s9 =	sadd.s32 $0xFFFFFEF7, lr;
	s5 =	simm.s32 $0xFFFFFFFF;
	p2 =	slt.u32 s8, $0xFFFFF086  }
0x1c: {  	p1 =	slt.u32 s9, $0xF7A;
	s5 =	simm.s32 @!p2 $0x0  }
0x1d: {  	s5 =	simm.s32 @p1 $0x1;
	p0 =	seq.s32 s7, s2  }
0x1e: {  	s7 =	smul.u32 @!p0 $0xF7A, s2;
	p2 =	seq.s32 @!p0 s5, $0x0  }
0x1f: {  	s9 =	smul.u32 $0xF7A, s1;
	s8 =	simm.s32 @!p0 $0x1BF5;
	p2 =	por !p2, p0  }
0x20: {  	[sflag:s8] =	ssyncset.s32 @!p0 $0xFFFFF086;
	s6 =	sadd.s32 @!p0 s3, s7;
	s7 =	simm.s32 @!p0 $0x108  }
0x21: {  	s3 =	sadd.s32 s3, s9;
	s6 =	sadd.s32 @!p0 $0x88, s6;
	s7 =	simm.s32 @p2 $0x1082  }
0x22: {  	[simem:s7], [sflag:s8] =	dma.local @!p0 [hbm:s6], $0xF7A  }
0x23: {  	s9 =	sor.u32 $0xD0000000, s2;
	s6 =	simm.s32 $0x108;
	_ =	swait.ge @!p0 [sflag:s8], $0x0  }
0x24: {  	s3 =	sadd.s32 $0x88, s3;
	s6 =	simm.s32 @!p1 $0x1082;
	[sflag:s4] =	ssyncset.s32 $0xFFFFF086  }
0x25: {  	[simem:s6], [sflag:s4] =	dma.local [hbm:s3], $0xF7A  }
0x26: {  	[smem:$0x3F8F] =	sst s1;
	(tag) =	ssettag s2;
	_ =	strace s9  }
0x27: {  	s1 =	sld [smem:$0x3F9F]  }
0x28: {  	s2 =	sld [smem:$0x3FA0]  }
0x29: {  	s4 =	sld [smem:$0x3FA2]  }
0x2a: {  	p0 =	seq.s32 s5, $0x0;
	s5 =	sld [smem:$0x3FA3]  }
0x2b: {  	s6 =	sld [smem:$0x3FA4]  }
0x2c: {  	s7 =	sld [smem:$0x3FA5]  }
0x2d: {  	s3 =	simm.s32 $0x108;
	s8 =	sld [smem:$0x3FA6]  }
0x2e: {  	s3 =	simm.s32 @!p0 $0x1082;
	s9 =	sld [smem:$0x3FA7]  }
0x2f: {  	lr =	sadd.s32 s0, s3;
	s0 =	sld [smem:$0x3F9E]  }
0x30: {  	s3 =	sld [smem:$0x3FA1]  }
0x31: {  	[smem:$0x3FAA] =	sst s10  }
0x32: {  	s10 =	sld [smem:$0x3FA8];
	_ =	sdelay $0x3  }
0x33: {  	p0 =	seq.s32 s10, $0x1;
	s10 =	sld [smem:$0x3FAA];
	_ =	sdelay $0x3  }
0x34: {  	[smem:$0x3FAA] =	sst s10  }
0x35: {  	s10 =	sld [smem:$0x3FA9];
	_ =	sdelay $0x3  }
0x36: {  	p1 =	seq.s32 s10, $0x1;
	s10 =	sld [smem:$0x3FAA];
	_ =	sdelay $0x3  }
0x37: {  	[smem:$0x3FAA] =	sst s10  }
0x38: {  	s10 =	sld [smem:$0x3FAB]  }
0x39: {  	_ = 	snop;
	(pc) =	sbr.ind lr, $3  }
0x3a: {  	_ = 	snop  }
0x3b: {  	_ = 	snop  }
0x3c: {  	p2 =	seq.s32 s10, $0x1;
	s10 =	sld [smem:$0x3FAA]  }
0x3d: {  	_ =	shalt  }
0x3e: {  	_ =	shalt  }
0x3f: {  	_ =	shalt  }
0x40: {  	_ =	shalt  }
0x41: {  	_ =	shalt  }
0x42: {  	_ =	shalt  }
0x43: {  	_ =	shalt  }
0x44: {  	_ =	shalt  }
0x45: {  	_ =	shalt  }
0x46: {  	_ =	shalt  }
0x47: {  	_ =	shalt  }
0x48: {  	_ =	shalt  }
0x49: {  	_ =	shalt  }
0x4a: {  	_ =	shalt  }
0x4b: {  	_ =	shalt  }
0x4c: {  	_ =	shalt  }
0x4d: {  	_ =	shalt  }
0x4e: {  	_ =	shalt  }
0x4f: {  	_ =	shalt  }
0x50: {  	_ =	shalt  }
0x51: {  	_ =	shalt  }
0x52: {  	_ =	shalt  }
0x53: {  	_ =	shalt  }
0x54: {  	_ =	shalt  }
0x55: {  	_ =	shalt  }
0x56: {  	_ =	shalt  }
0x57: {  	_ =	shalt  }
0x58: {  	_ =	shalt  }
0x59: {  	_ =	shalt  }
0x5a: {  	_ =	shalt  }
0x5b: {  	_ =	shalt  }
0x5c: {  	_ =	shalt  }
0x5d: {  	_ =	shalt  }
0x5e: {  	_ =	shalt  }
0x5f: {  	_ =	shalt  }
0x60: {  	_ =	shalt  }
0x61: {  	_ =	shalt  }
0x62: {  	_ =	shalt  }
0x63: {  	_ =	shalt  }
0x64: {  	_ =	shalt  }
0x65: {  	_ =	shalt  }
0x66: {  	_ =	shalt  }
0x67: {  	_ =	shalt  }
0x68: {  	_ =	shalt  }
0x69: {  	_ =	shalt  }
0x6a: {  	_ =	shalt  }
0x6b: {  	_ =	shalt  }
0x6c: {  	_ =	shalt  }
0x6d: {  	_ =	shalt  }
0x6e: {  	_ =	shalt  }
0x6f: {  	_ =	shalt  }
0x70: {  	_ =	shalt  }
0x71: {  	_ =	shalt  }
0x72: {  	_ =	shalt  }
0x73: {  	_ =	shalt  }
0x74: {  	_ =	shalt  }
0x75: {  	_ =	shalt  }
0x76: {  	_ =	shalt  }
0x77: {  	_ =	shalt  }
0x78: {  	_ =	shalt  }
0x79: {  	_ =	shalt  }
0x7a: {  	_ =	shalt  }
0x7b: {  	_ =	shalt  }
0x7c: {  	_ =	shalt  }
0x7d: {  	_ =	shalt  }
0x7e: {  	_ =	shalt  }
0x7f: {  	_ =	shalt  }
0x80: {  	_ =	shalt  }
0x81: {  	_ =	shalt  }
0x82: {  	_ =	shalt  }
0x83: {  	_ =	shalt  }
0x84: {  	_ =	shalt  }
0x85: {  	_ =	shalt  }
0x86: {  	_ =	shalt  }
0x87: {  	_ =	shalt  }
.Lfunc_end0:
.L_simem_size_0:
called_computation.6_lowered:
.L_overlay_start_0:
0x88: {  	s2 =	sld [smem:$0x3FD9]  }
0x89: {  	s3 =	sld [smem:$0x3FFE];
	_ =	sdelay $0x1  }
0x8a: {  	s1 =	srdreg.scid  }
0x8b: {  	s0 =	sand.u32 $0x1, s1  }
0x8c: {  	s17 =	sshll.u32 s0, $0xA;
	s2 =	sadd.s32 s3, s2  }
0x8d: {  	s2 =	sadd.s32 s2, s17  }
0x8e: {  	[smem:$0x3FB6] =	sst s2  }
0x8f: {  	_ = 	snop  }
0x90: {  	(tm) =	ssettm $0x1  }
0x91: {  	s18 =	sld [smem:$0x3FFB];
	_ =	sdelay $0x3  }
0x92: {  	_ =	strace s18  }
0x93: {  	s2 =	sld [smem:$0x3FFC];
	_ =	sdelay $0x3  }
0x94: {  	_ =	strace s2  }
0x95: {  	s2 =	sld [smem:$0x3FFD];
	_ =	sdelay $0x3  }
0x96: {  	_ =	strace s2  }
0x97: {  	_ =	strace $0x8FFFFFFF  }
0x98: {  	s19 =	sld [smem:$0x3FDB];
	_ =	sdelay $0x1  }
0x99: {  	s20 =	simm.s32 $_scs_section_size  }
0x9a: {  	s4 =	simm.s32 $_size__tile_overlayer_lowered;
	s5 =	simm.s32 $_tile_overlayer_lowered  }
0x9b: {  	s6 =	simm.s32 $0x1BFF;
	s21 =	sshll.u32 s5, $0x1;
	s3 =	sadd.s32 s20, s19  }
0x9c: {  	s22 =	simm.s32 $0x0;
	s4 =	sshll.u32 s4, $0x1;
	s5 =	sadd.s32 s21, s3  }
0x9d: {  	[timem:s22], [sflag:s6] =	dma.local [hbm:s5], s4  }
0x9e: {  	_ =	swait.ge [sflag:s6], s4  }
0x9f: {  	s4 =	ssub.s32 $0x0, s4;
	[sflag:s6] =	ssyncset.done $0x0  }
0xa0: {  	[sflag:s6] =	ssyncadd.s32 s4;
	_ =	sdelay $0x1  }
0xa1: {  	s23 =	simm.s32 $0x1B8B  }
0xa2: {  	_ =	swait.ge [sflag:s23], $0x1  }
0xa3: {  	[sflag:s23] =	ssyncset.done $0x0  }
0xa4: {  	[sflag:s23] =	ssyncadd.s32 $0xFFFFFFFF  }
0xa5: {  	s4 =	sld [smem:$0x0]  }
0xa6: {  	s5 =	sand.u32 $0xFFFFFFFE, s1  }
0xa7: {  	p0 =	sne.s32 s1, s5  }
0xa8: {  	s5 =	sshll.u32 @p0 s5, $0xE  }
0xa9: {  	s5 =	sadd.s32 @p0 $0x11B8D, s5;
	s6 =	sshll.u32 @p0 s4, $0x11  }
0xaa: {  	s5 =	sor.u32 @p0 s6, s5  }
0xab: {  	[sflag:s5] =	ssyncadd.remote.s32 @p0 $0x1;
	_ =	sdelay $0x1  }
0xac: {  	s5 =	simm.s32 @p0 $0x1B8D  }
0xad: {  	_ =	swait.eq @p0 [sflag:s5], $0x1  }
0xae: {  	[sflag:s5] =	ssyncadd.s32 @p0 $0xFFFFFFFF  }
0xaf: {  	s6 =	sshll.u32 @!p0 s1, $0xE  }
0xb0: {  	s6 =	sor.u32 @!p0 $0x4000, s6;
	s5 =	simm.s32 @!p0 $0x1B8D  }
0xb1: {  	s4 =	sshll.u32 @!p0 s4, $0x11;
	s6 =	sadd.s32 @!p0 $0x11B8D, s6;
	_ =	swait.eq @!p0 [sflag:s5], $0x1  }
0xb2: {  	s4 =	sor.u32 @!p0 s4, s6;
	[sflag:s5] =	ssyncadd.s32 @!p0 $0xFFFFFFFF  }
0xb3: {  	s25 =	simm.s32 $0x1B8E;
	s24 =	sld [smem:$0x3FFE];
	[sflag:s4] =	ssyncadd.remote.s32 @!p0 $0x1  }
0xb4: {  	s26 =	simm.s32 $execute0_lowered;
	[smem:$0x3FD2] =	sst s25  }
0xb5: {  	s5 =	sshll.u32 s26, $0x1;
	_ =	strace $0x8000004F;
	[dreg:$0x1] =	wrdreg $0xFFFFFFFF  }
0xb6: {  	s28 =	simm.s32 $_size_execute0_lowered;
	s3 =	sadd.s32 s3, s5;
	[dreg:$0x0] =	wrdreg $0x0  }
0xb7: {  	s5 =	sshll.u32 s28, $0x1;
	[dreg:$0x2] =	wrdreg s3  }
0xb8: {  	[dreg:$0x3] =	wrdreg s5  }
0xb9: {  	[dreg:$0x4] =	wrdreg $0xC0  }
0xba: {  	_ =	task [dreg:s22], $0x5FFFF  }
0xbb: {  	[dreg:$0x1] =	wrdreg $0xFFFFFFFF  }
0xbc: {  	[dreg:$0x0] =	wrdreg $0x60  }
0xbd: {  	[dreg:$0x2] =	wrdreg s24  }
0xbe: {  	[dreg:$0x3] =	wrdreg $0xA  }
0xbf: {  	_ =	task.clear_ibuf [dreg:s22], $0x4FFFF;
	_ =	strace $0x9000004F  }
0xc0: {  	s29 =	simm.s32 $0xA;
	_ =	strace $0x80000051  }
0xc1: {  	_ =	swait.ge [sflag:s29], $0x1  }
0xc2: {  	[sflag:s29] =	ssyncadd.s32 $0xFFFFFFFF  }
0xc3: {  	_ =	strace $0x90000051  }
0xc4: {  	_ =	sfence  }
0xc5: {  	s30 =	sld [smem:$0x0];
	_ =	sdelay $0x2  }
0xc6: {  	s31 =	sshll.u32 s1, $0xD;
	s1 =	sshrl.u32 s1, $0x2  }
0xc7: {  	s4 =	sand.u32 $0x4000, s31;
	s1 =	sadd.s32 s1, s30  }
0xc8: {  	s0 =	sor.u32 s4, s0;
	s1 =	sshll.u32 s1, $0x11  }
0xc9: {  	s0 =	sor.u32 s1, s0  }
0xca: {  	s0 =	sadd.s32 $0x8F2B, s0  }
0xcb: {  	[sflag:s0] =	ssyncadd.remote.s32 $0x1  }
0xcc: {  	_ =	sfence.sel $0xFFFF  }
0xcd: {  	[dreg:$0x0] =	wrdreg $0xFFFFFFFF;
	(pc) =	sbr.abs _section_cstart, $3  }
0xce: {  	[dreg:$0x1] =	wrdreg $0xFFFFFFFF  }
0xcf: {  	_ =	task.clear_ibuf [dreg:s22], $0x2FFFF;
	_ =	strace $0x9FFFFFFF  }
0xd0: {  	(tm) =	ssettm $0x7FFFFFFF  }
0xd1: {  	_ =	shalt  }
tec
execute0_lowered:
.L_overlay_start_1:
0x0: {  	(tag) =	ssettag $0x1  }
0x1: {  	s0 =	srdreg.scid;
	s13 =	stileid.u32  }
0x2: {  	s4 =	rddreg [dreg:$0x0];
	s2 =	simm.s32 $0x0;
	s18 =	simm.s32 $0xA00  }
0x3: {  	s19 =	simm.s32 $0x80;
	s20 =	simm.s32 $0x1400;
	s21 =	simm.s32 $0x5400  }
0x4: {  	s22 =	simm.s32 $0x9400;
	s24 =	simm.s32 $0xD400;
	s25 =	simm.s32 $0x1  }
0x5: {  	s30 =	simm.s32 $0x2;
	s31 =	simm.s32 $0x4;
	s3 =	smul.u32 $0xA00, s13  }
0x6: {  	s23 =	simm.s32 $0x0;
	s0 =	sand.u32 $0x1, s0;
	s17 =	smul.u32 $0xA000, s13  }
0x7: {  	[smem:$0x7FF] =	sst s2;
	s14 =	sadd.s32 $0x7C8E00, s4;
	s1 =	smul.u32 $0xA000, s0  }
0x8: {  	s16 =	sadd.s32 $0x908E00, s4;
	s6 =	ssub.s32 $0x2, s0;
	s0 =	smul.u32 $0xA0000, s0  }
0x9: {  	_ =	strace $0x80000050;
	s26 =	sshrl.u32 s6, $0x1;
	s1 =	sadd.s32 s3, s1  }
0xa: {  	s3 =	sadd.s32 $0x10400, s4;
	s6 =	ssub.s32 s6, s26;
	s15 =	sadd.s32 s0, s14  }
0xb: {  	s0 =	sadd.s32 s0, s16;
	s26 =	simm.s32 $0x3;
	s5 =	sshrl.u32 s1, $0x3  }
0xc: {  	s1 =	sshll.u32 s1, $0x4;
	s6 =	smax.u32 s6, $0x1;
	s15 =	sadd.s32 s17, s15  }
0xd: {  	s5 =	sadd.s32 s5, s4;
	s10 =	sor.u32 $0x800, s1;
	s7 =	sadd.s32 s14, s1  }
0xe: {  	s8 =	sadd.s32 s16, s1;
	s12 =	sadd.s32 $0x9000, s1;
	s1 =	sadd.s32 $0x9800, s1  }
0xf: {  	s28 =	sadd.s32 $0x2BEE00, s5;
	s29 =	sadd.s32 $0x2BC600, s5;
	s9 =	sadd.s32 s14, s10  }
0x10: {  	s10 =	sadd.s32 s16, s10;
	s11 =	sadd.s32 s14, s12;
	s12 =	sadd.s32 s16, s12  }
0x11: {  	s13 =	sadd.s32 s14, s1;
	s14 =	sadd.s32 s16, s1;
	[dreg:$0x2] =	wrdreg s28  }
0x12: {  	s16 =	sadd.s32 s17, s0;
	s17 =	simm.s32 $0x5;
	[dreg:$0x3] =	wrdreg s29  }
.LBB2_1:
0x13: {  	s0 =	rddreg [dreg:$0x2]  }
0x14: {  	[tilespmem:s2], [sflag:$0x5] =	stream.linear.gather [hbm4b:s0+s2], $0xA00, $0x38;
	[tilespmem:$0x11400] =	vst v63  }
0x15: {  	_ =	swait.ge [sflag:s17], $0xA00  }
0x16: {  	[sflag:s17] =	ssyncset.done $0x0  }
0x17: {  	s5 =	rddreg [dreg:$0x3];
	[sflag:s17] =	ssyncadd.s32 $0xFFFFF600  }
0x18: {  	[tilespmem:s18], [sflag:$0x5] =	stream.linear.gather [hbm4b:s5+s2], $0xA00, $0x38;
	[tilespmem:$0x11400] =	vst v63  }
0x19: {  	_ =	swait.ge [sflag:s17], $0xA00  }
0x1a: {  	[sflag:s17] =	ssyncset.done $0x0  }
0x1b: {  	[sflag:s17] =	ssyncadd.s32 $0xFFFFF600  }
0x1c: {  	[tilespmem:s20], [sflag:$0x1] =	stream.indirect.gather [hbm4b:s3+s19], $0x80, s2, s19, $0xb8;
	[tilespmem:$0x11400] =	vst v63  }
0x1d: {  	_ = 	snop  }
0x1e: {  	[tilespmem:s21], [sflag:$0x1] =	stream.indirect.gather [hbm4b:s3+s19], $0x80, s18, s19, $0xb8;
	[tilespmem:$0x11400] =	vst v63  }
0x1f: {  	_ = 	snop  }
0x20: {  	[tilespmem:s22], [sflag:$0x2] =	stream.indirect.gather [hbm4b:s3+s19], $0x80, s19, s19, $0xb8;
	[tilespmem:$0x11400] =	vst v63  }
0x21: {  	s1 =	simm.s32 $0xA80  }
0x22: {  	[tilespmem:s24], [sflag:$0x2] =	stream.indirect.gather [hbm4b:s3+s19], $0x80, s1, s19, $0xb8;
	[tilespmem:$0x11400] =	vst v63  }
0x23: {  	_ =	swait.ge [sflag:s25], $0x4000  }
0x24: {  	[sflag:s25] =	ssyncset.done $0x0  }
0x25: {  	[sflag:s25] =	ssyncadd.s32 $0xFFFFC000  }
0x26: {  	_ =	swait.ge [sflag:s25], $0x4000  }
0x27: {  	[sflag:s25] =	ssyncset.done $0x0  }
0x28: {  	[sflag:s25] =	ssyncadd.s32 $0xFFFFC000  }
0x29: {  	[hbm4b:s7+s2] =	stream.linear.scatter [tilespmem:s20], [sflag:$0x3], $0x4000, $0x38;
	[tilespmem:$0x11400] =	vst v63  }
0x2a: {  	_ = 	snop  }
0x2b: {  	[hbm4b:s8+s2] =	stream.linear.scatter [tilespmem:s21], [sflag:$0x3], $0x4000, $0x38;
	[tilespmem:$0x11400] =	vst v63  }
0x2c: {  	_ =	swait.ge [sflag:s26], $0x4000  }
0x2d: {  	[sflag:s26] =	ssyncset.done $0x0  }
0x2e: {  	[sflag:s26] =	ssyncadd.s32 $0xFFFFC000  }
0x2f: {  	_ =	swait.ge [sflag:s26], $0x4000  }
0x30: {  	[sflag:s26] =	ssyncset.done $0x0  }
0x31: {  	s4 =	simm.s32 $0x100;
	[sflag:s26] =	ssyncadd.s32 $0xFFFFC000  }
0x32: {  	[tilespmem:s20], [sflag:$0x1] =	stream.indirect.gather [hbm4b:s3+s19], $0x80, s4, s19, $0xb8;
	[tilespmem:$0x11400] =	vst v63  }
0x33: {  	s5 =	simm.s32 $0xB00  }
0x34: {  	[tilespmem:s21], [sflag:$0x1] =	stream.indirect.gather [hbm4b:s3+s19], $0x80, s5, s19, $0xb8;
	[tilespmem:$0x11400] =	vst v63  }
0x35: {  	_ =	swait.ge [sflag:s30], $0x4000  }
0x36: {  	[sflag:s30] =	ssyncset.done $0x0  }
0x37: {  	[sflag:s30] =	ssyncadd.s32 $0xFFFFC000  }
0x38: {  	_ =	swait.ge [sflag:s30], $0x4000  }
0x39: {  	[sflag:s30] =	ssyncset.done $0x0  }
0x3a: {  	[sflag:s30] =	ssyncadd.s32 $0xFFFFC000  }
0x3b: {  	[hbm4b:s9+s2] =	stream.linear.scatter [tilespmem:s22], [sflag:$0x4], $0x4000, $0x38;
	[tilespmem:$0x11400] =	vst v63  }
0x3c: {  	_ = 	snop  }
0x3d: {  	[hbm4b:s10+s2] =	stream.linear.scatter [tilespmem:s24], [sflag:$0x4], $0x4000, $0x38;
	[tilespmem:$0x11400] =	vst v63  }
0x3e: {  	_ =	swait.ge [sflag:s31], $0x4000  }
0x3f: {  	[sflag:s31] =	ssyncset.done $0x0  }
0x40: {  	[sflag:s31] =	ssyncadd.s32 $0xFFFFC000  }
0x41: {  	_ =	swait.ge [sflag:s31], $0x4000  }
0x42: {  	[sflag:s31] =	ssyncset.done $0x0  }
0x43: {  	s1 =	simm.s32 $0x180;
	[sflag:s31] =	ssyncadd.s32 $0xFFFFC000  }
0x44: {  	[tilespmem:s22], [sflag:$0x2] =	stream.indirect.gather [hbm4b:s3+s19], $0x80, s1, s19, $0xb8;
	[tilespmem:$0x11400] =	vst v63  }
0x45: {  	s4 =	simm.s32 $0xB80  }
0x46: {  	[tilespmem:s24], [sflag:$0x2] =	stream.indirect.gather [hbm4b:s3+s19], $0x80, s4, s19, $0xb8;
	[tilespmem:$0x11400] =	vst v63  }
0x47: {  	_ =	swait.ge [sflag:s25], $0x4000  }
0x48: {  	[sflag:s25] =	ssyncset.done $0x0  }
0x49: {  	[sflag:s25] =	ssyncadd.s32 $0xFFFFC000  }
0x4a: {  	_ =	swait.ge [sflag:s25], $0x4000  }
0x4b: {  	s0 =	sadd.s32 $0x0, s15;
	[sflag:s25] =	ssyncset.done $0x0  }
0x4c: {  	s29 =	sadd.s32 $0x0, s16;
	s1 =	sadd.s32 $0x1000, s0;
	[sflag:s25] =	ssyncadd.s32 $0xFFFFC000  }
0x4d: {  	[hbm4b:s1+s2] =	stream.linear.scatter [tilespmem:s20], [sflag:$0x3], $0x4000, $0x38;
	[tilespmem:$0x11400] =	vst v63  }
0x4e: {  	s5 =	sadd.s32 $0x1000, s29  }
0x4f: {  	[hbm4b:s5+s2] =	stream.linear.scatter [tilespmem:s21], [sflag:$0x3], $0x4000, $0x38;
	[tilespmem:$0x11400] =	vst v63  }
0x50: {  	_ =	swait.ge [sflag:s26], $0x4000  }
0x51: {  	[sflag:s26] =	ssyncset.done $0x0  }
0x52: {  	[sflag:s26] =	ssyncadd.s32 $0xFFFFC000  }
0x53: {  	_ =	swait.ge [sflag:s26], $0x4000  }
0x54: {  	[sflag:s26] =	ssyncset.done $0x0  }
0x55: {  	s4 =	simm.s32 $0x200;
	[sflag:s26] =	ssyncadd.s32 $0xFFFFC000  }
0x56: {  	[tilespmem:s20], [sflag:$0x1] =	stream.indirect.gather [hbm4b:s3+s19], $0x80, s4, s19, $0xb8;
	[tilespmem:$0x11400] =	vst v63  }
0x57: {  	s5 =	simm.s32 $0xC00  }
0x58: {  	[tilespmem:s21], [sflag:$0x1] =	stream.indirect.gather [hbm4b:s3+s19], $0x80, s5, s19, $0xb8;
	[tilespmem:$0x11400] =	vst v63  }
0x59: {  	_ =	swait.ge [sflag:s30], $0x4000  }
0x5a: {  	[sflag:s30] =	ssyncset.done $0x0  }
0x5b: {  	[sflag:s30] =	ssyncadd.s32 $0xFFFFC000  }
0x5c: {  	_ =	swait.ge [sflag:s30], $0x4000  }
0x5d: {  	[sflag:s30] =	ssyncset.done $0x0  }
0x5e: {  	s28 =	simm.s32 $0x1000;
	s0 =	sadd.s32 $0x1800, s0;
	[sflag:s30] =	ssyncadd.s32 $0xFFFFC000  }
0x5f: {  	[hbm4b:s0+s2] =	stream.linear.scatter [tilespmem:s22], [sflag:$0x4], $0x4000, $0x38;
	[tilespmem:$0x11400] =	vst v63  }
0x60: {  	s1 =	simm.s32 $0xC80;
	s0 =	sadd.s32 $0x1800, s29;
	s29 =	simm.s32 $0x280  }
.LBB2_2:
0x61: {  	[hbm4b:s0+s2] =	stream.linear.scatter [tilespmem:s24], [sflag:$0x4], $0x4000, $0x38;
	[tilespmem:$0x11400] =	vst v63  }
0x62: {  	s0 =	smov.u32 s28  }
0x63: {  	p0 =	sne.s32 s28, $0x7000;
	s28 =	sadd.s32 $0x1000, s28;
	_ =	swait.ge [sflag:s31], $0x4000  }
0x64: {  	[sflag:s31] =	ssyncset.done $0x0  }
0x65: {  	[sflag:s31] =	ssyncadd.s32 $0xFFFFC000  }
0x66: {  	_ =	swait.ge [sflag:s31], $0x4000  }
0x67: {  	[sflag:s31] =	ssyncset.done $0x0  }
0x68: {  	[sflag:s31] =	ssyncadd.s32 $0xFFFFC000  }
0x69: {  	[tilespmem:s22], [sflag:$0x2] =	stream.indirect.gather [hbm4b:s3+s19], $0x80, s29, s19, $0xb8;
	[tilespmem:$0x11400] =	vst v63  }
0x6a: {  	_ = 	snop  }
0x6b: {  	[tilespmem:s24], [sflag:$0x2] =	stream.indirect.gather [hbm4b:s3+s19], $0x80, s1, s19, $0xb8;
	[tilespmem:$0x11400] =	vst v63  }
0x6c: {  	_ =	swait.ge [sflag:s25], $0x4000  }
0x6d: {  	[sflag:s25] =	ssyncset.done $0x0  }
0x6e: {  	[sflag:s25] =	ssyncadd.s32 $0xFFFFC000  }
0x6f: {  	_ =	swait.ge [sflag:s25], $0x4000  }
0x70: {  	s4 =	sadd.s32 s0, s15;
	[sflag:s25] =	ssyncset.done $0x0  }
0x71: {  	s0 =	sadd.s32 s0, s16;
	s5 =	sadd.s32 $0x1000, s4;
	[sflag:s25] =	ssyncadd.s32 $0xFFFFC000  }
0x72: {  	[hbm4b:s5+s2] =	stream.linear.scatter [tilespmem:s20], [sflag:$0x3], $0x4000, $0x38;
	[tilespmem:$0x11400] =	vst v63  }
0x73: {  	s5 =	sadd.s32 $0x1000, s0  }
0x74: {  	[hbm4b:s5+s2] =	stream.linear.scatter [tilespmem:s21], [sflag:$0x3], $0x4000, $0x38;
	[tilespmem:$0x11400] =	vst v63  }
0x75: {  	_ =	swait.ge [sflag:s26], $0x4000  }
0x76: {  	[sflag:s26] =	ssyncset.done $0x0  }
0x77: {  	[sflag:s26] =	ssyncadd.s32 $0xFFFFC000  }
0x78: {  	_ =	swait.ge [sflag:s26], $0x4000  }
0x79: {  	[sflag:s26] =	ssyncset.done $0x0  }
0x7a: {  	s5 =	sadd.s32 $0x80, s29;
	[sflag:s26] =	ssyncadd.s32 $0xFFFFC000  }
0x7b: {  	[tilespmem:s20], [sflag:$0x1] =	stream.indirect.gather [hbm4b:s3+s19], $0x80, s5, s19, $0xb8;
	[tilespmem:$0x11400] =	vst v63  }
0x7c: {  	s5 =	sadd.s32 $0x80, s1  }
0x7d: {  	[tilespmem:s21], [sflag:$0x1] =	stream.indirect.gather [hbm4b:s3+s19], $0x80, s5, s19, $0xb8;
	[tilespmem:$0x11400] =	vst v63  }
0x7e: {  	_ =	swait.ge [sflag:s30], $0x4000  }
0x7f: {  	[sflag:s30] =	ssyncset.done $0x0  }
0x80: {  	[sflag:s30] =	ssyncadd.s32 $0xFFFFC000  }
.Ltmp0:
0x81: {  	_ =	swait.ge [sflag:s30], $0x4000;
	(pc) =	sbr.rel @p0 .LBB2_2-.Ltmp0, $4  }
0x82: {  	[sflag:s30] =	ssyncset.done $0x0  }
0x83: {  	s4 =	sadd.s32 $0x1800, s4;
	[sflag:s30] =	ssyncadd.s32 $0xFFFFC000  }
0x84: {  	[hbm4b:s4+s2] =	stream.linear.scatter [tilespmem:s22], [sflag:$0x4], $0x4000, $0x38;
	[tilespmem:$0x11400] =	vst v63  }
0x85: {  	s0 =	sadd.s32 $0x1800, s0;
	s29 =	sadd.s32 $0x100, s29;
	s1 =	sadd.s32 $0x100, s1  }
0x86: {  	[hbm4b:s0+s2] =	stream.linear.scatter [tilespmem:s24], [sflag:$0x4], $0x4000, $0x38;
	[tilespmem:$0x11400] =	vst v63  }
0x87: {  	_ =	swait.ge [sflag:s31], $0x4000  }
0x88: {  	[sflag:s31] =	ssyncset.done $0x0  }
0x89: {  	[sflag:s31] =	ssyncadd.s32 $0xFFFFC000  }
0x8a: {  	_ =	swait.ge [sflag:s31], $0x4000  }
0x8b: {  	[sflag:s31] =	ssyncset.done $0x0  }
0x8c: {  	s28 =	simm.s32 $0x980;
	[sflag:s31] =	ssyncadd.s32 $0xFFFFC000  }
0x8d: {  	[tilespmem:s22], [sflag:$0x2] =	stream.indirect.gather [hbm4b:s3+s19], $0x80, s28, s19, $0xb8;
	[tilespmem:$0x11400] =	vst v63  }
0x8e: {  	s29 =	simm.s32 $0x1380  }
0x8f: {  	[tilespmem:s24], [sflag:$0x2] =	stream.indirect.gather [hbm4b:s3+s19], $0x80, s29, s19, $0xb8;
	[tilespmem:$0x11400] =	vst v63  }
0x90: {  	_ =	swait.ge [sflag:s25], $0x4000  }
0x91: {  	[sflag:s25] =	ssyncset.done $0x0  }
0x92: {  	[sflag:s25] =	ssyncadd.s32 $0xFFFFC000  }
0x93: {  	_ =	swait.ge [sflag:s25], $0x4000  }
0x94: {  	[sflag:s25] =	ssyncset.done $0x0  }
0x95: {  	[sflag:s25] =	ssyncadd.s32 $0xFFFFC000  }
0x96: {  	[hbm4b:s11+s2] =	stream.linear.scatter [tilespmem:s20], [sflag:$0x3], $0x4000, $0x38;
	[tilespmem:$0x11400] =	vst v63  }
0x97: {  	_ = 	snop  }
0x98: {  	[hbm4b:s12+s2] =	stream.linear.scatter [tilespmem:s21], [sflag:$0x3], $0x4000, $0x38;
	[tilespmem:$0x11400] =	vst v63  }
0x99: {  	_ =	swait.ge [sflag:s26], $0x4000  }
0x9a: {  	[sflag:s26] =	ssyncset.done $0x0  }
0x9b: {  	[sflag:s26] =	ssyncadd.s32 $0xFFFFC000  }
0x9c: {  	_ =	swait.ge [sflag:s26], $0x4000  }
0x9d: {  	[sflag:s26] =	ssyncset.done $0x0  }
0x9e: {  	[sflag:s26] =	ssyncadd.s32 $0xFFFFC000  }
0x9f: {  	_ =	swait.ge [sflag:s30], $0x4000  }
0xa0: {  	[sflag:s30] =	ssyncset.done $0x0  }
0xa1: {  	[sflag:s30] =	ssyncadd.s32 $0xFFFFC000  }
0xa2: {  	_ =	swait.ge [sflag:s30], $0x4000  }
0xa3: {  	[sflag:s30] =	ssyncset.done $0x0  }
0xa4: {  	[sflag:s30] =	ssyncadd.s32 $0xFFFFC000  }
0xa5: {  	[hbm4b:s13+s2] =	stream.linear.scatter [tilespmem:s22], [sflag:$0x4], $0x4000, $0x38;
	[tilespmem:$0x11400] =	vst v63  }
0xa6: {  	s23 =	sadd.s32 $0x1, s23  }
0xa7: {  	[hbm4b:s14+s2] =	stream.linear.scatter [tilespmem:s24], [sflag:$0x4], $0x4000, $0x38;
	[tilespmem:$0x11400] =	vst v63  }
0xa8: {  	p0 =	sne.s32 s23, s6;
	_ =	swait.ge [sflag:s31], $0x4000  }
.Ltmp1:
0xa9: {  	[sflag:s31] =	ssyncset.done $0x0;
	(pc) =	sbr.rel @p0 .LBB2_1-.Ltmp1, $4  }
0xaa: {  	[sflag:s31] =	ssyncadd.s32 $0xFFFFC000  }
0xab: {  	_ =	swait.ge [sflag:s31], $0x4000  }
0xac: {  	[sflag:s31] =	ssyncset.done $0x0  }
0xad: {  	[sflag:s31] =	ssyncadd.s32 $0xFFFFC000  }
0xae: {  	_ =	sfence.sel $0x180000  }
0xaf: {  	[bflag:$0x0] =	sbarrier.arrive $0xFFFF  }
0xb0: {  	_ =	strace $0x90000050  }
0xb1: {  	s0 =	stileid.u32;
	[bflag:$0x2] =	sbarrier.arrive $0xFFFF  }
0xb2: {  	p0 =	sne.s32 s0, $0x0;
	s0 =	rddreg [dreg:$0x1]  }
0xb3: {  	s0 =	sadd.s32 @!p0 $0x100000, s0  }
0xb4: {  	[sflag:s0] =	ssyncadd.tile.s32 @!p0 $0x1;
	_ =	shalt  }
.Lfunc_end2:
_tile_overlayer_lowered:
.L_overlay_start_2:
0xb5: {  	(tag) =	ssettag $0x2  }
0xb6: {  	s0 =	rddreg [dreg:$0x0];
	s2 =	stileid.u32  }
0xb7: {  	s1 =	rddreg [dreg:$0x1];
	p0 =	sne.s32 s2, $0x0  }
0xb8: {  	s3 =	rddreg [dreg:$0x2];
	[bflag:$0x3] =	sbarrier.arrive $0xFFFF;
	s2 =	simm.s32 @!p0 $0x1C05  }
0xb9: {  	[timem:s3], [sflag:s2] =	dma.local @!p0 [hbm:s0], s1  }
0xba: {  	s0 =	simm.s32 @!p0 $0x5  }
0xbb: {  	_ =	swait.ge @!p0 [sflag:s0], s1  }
0xbc: {  	s1 =	ssub.s32 @!p0 $0x0, s1;
	[sflag:s0] =	ssyncset.done @!p0 $0x0  }
0xbd: {  	[sflag:s0] =	ssyncadd.s32 @!p0 s1  }
0xbe: {  	[bflag:$0x3] =	sbarrier.arrive $0xFFFF  }
0xbf: {  	_ =	shalt  }

// kernel: kernel.36.cloned.1.call-start
scs
__scs_entry_jumppad:
0x0: {  	(pc) =	sbr.rel $0x88, $3  }
0x1: {  	(tag) =	ssettag $0x0;
	lr =	simm.s32 $0x1  }
0x2: {  	[smem:$0x3F8F] =	sst lr;
	_ =	strace $0xD0000000  }
0x3: {  	_ = 	snop  }
0x4: {  	_ = 	snop  }
0x5: {  	_ = 	snop  }
0x6: {  	_ = 	snop  }
0x7: {  	_ = 	snop  }
__scs_overlays_trampoline_lowered:
0x8: {  	[smem:$0x3F9E] =	sst s0  }
0x9: {  	[smem:$0x3F9F] =	sst s1  }
0xa: {  	[smem:$0x3FA0] =	sst s2  }
0xb: {  	[smem:$0x3FA1] =	sst s3  }
0xc: {  	[smem:$0x3FA2] =	sst s4  }
0xd: {  	[smem:$0x3FA3] =	sst s5  }
0xe: {  	[smem:$0x3FA4] =	sst s6  }
0xf: {  	[smem:$0x3FA5] =	sst s7  }
0x10: {  	[smem:$0x3FA6] =	sst s8  }
0x11: {  	[smem:$0x3FA7] =	sst s9;
	s0 =	simm.s32 @!p0 $0x0  }
0x12: {  	s1 =	sld [smem:$0x3F8D];
	s0 =	simm.s32 @p0 $0x1  }
0x13: {  	[smem:$0x3FA8] =	sst s0;
	s0 =	simm.s32 @!p1 $0x0  }
0x14: {  	s2 =	sld [smem:$0x3F8C];
	s0 =	simm.s32 @p1 $0x1  }
0x15: {  	[smem:$0x3FA9] =	sst s0;
	s0 =	simm.s32 @!p2 $0x0  }
0x16: {  	s3 =	sld [smem:$0x3FDB];
	s0 =	simm.s32 @p2 $0x1  }
0x17: {  	s4 =	simm.s32 $0x1BF5;
	[smem:$0x3FAB] =	sst s0  }
0x18: {  	s0 =	sld [smem:$0x3F8E];
	_ =	swait.ge [sflag:s4], $0x0  }
0x19: {  	s7 =	sld [smem:$0x3F8F]  }
0x1a: {  	s8 =	sadd.s32 $0xFFFFE003, lr  }
0x1b: {  	s9 =	sadd.s32 $0xFFFFFEF7, lr;
	s5 =	simm.s32 $0xFFFFFFFF;
	p2 =	slt.u32 s8, $0xFFFFF086  }
0x1c: {  	p1 =	slt.u32 s9, $0xF7A;
	s5 =	simm.s32 @!p2 $0x0  }
0x1d: {  	s5 =	simm.s32 @p1 $0x1;
	p0 =	seq.s32 s7, s2  }
0x1e: {  	s7 =	smul.u32 @!p0 $0xF7A, s2;
	p2 =	seq.s32 @!p0 s5, $0x0  }
0x1f: {  	s9 =	smul.u32 $0xF7A, s1;
	s8 =	simm.s32 @!p0 $0x1BF5;
	p2 =	por !p2, p0  }
0x20: {  	[sflag:s8] =	ssyncset.s32 @!p0 $0xFFFFF086;
	s6 =	sadd.s32 @!p0 s3, s7;
	s7 =	simm.s32 @!p0 $0x108  }
0x21: {  	s3 =	sadd.s32 s3, s9;
	s6 =	sadd.s32 @!p0 $0x88, s6;
	s7 =	simm.s32 @p2 $0x1082  }
0x22: {  	[simem:s7], [sflag:s8] =	dma.local @!p0 [hbm:s6], $0xF7A  }
0x23: {  	s9 =	sor.u32 $0xD0000000, s2;
	s6 =	simm.s32 $0x108;
	_ =	swait.ge @!p0 [sflag:s8], $0x0  }
0x24: {  	s3 =	sadd.s32 $0x88, s3;
	s6 =	simm.s32 @!p1 $0x1082;
	[sflag:s4] =	ssyncset.s32 $0xFFFFF086  }
0x25: {  	[simem:s6], [sflag:s4] =	dma.local [hbm:s3], $0xF7A  }
0x26: {  	[smem:$0x3F8F] =	sst s1;
	(tag) =	ssettag s2;
	_ =	strace s9  }
0x27: {  	s1 =	sld [smem:$0x3F9F]  }
0x28: {  	s2 =	sld [smem:$0x3FA0]  }
0x29: {  	s4 =	sld [smem:$0x3FA2]  }
0x2a: {  	p0 =	seq.s32 s5, $0x0;
	s5 =	sld [smem:$0x3FA3]  }
0x2b: {  	s6 =	sld [smem:$0x3FA4]  }
0x2c: {  	s7 =	sld [smem:$0x3FA5]  }
0x2d: {  	s3 =	simm.s32 $0x108;
	s8 =	sld [smem:$0x3FA6]  }
0x2e: {  	s3 =	simm.s32 @!p0 $0x1082;
	s9 =	sld [smem:$0x3FA7]  }
0x2f: {  	lr =	sadd.s32 s0, s3;
	s0 =	sld [smem:$0x3F9E]  }
0x30: {  	s3 =	sld [smem:$0x3FA1]  }
0x31: {  	[smem:$0x3FAA] =	sst s10  }
0x32: {  	s10 =	sld [smem:$0x3FA8];
	_ =	sdelay $0x3  }
0x33: {  	p0 =	seq.s32 s10, $0x1;
	s10 =	sld [smem:$0x3FAA];
	_ =	sdelay $0x3  }
0x34: {  	[smem:$0x3FAA] =	sst s10  }
0x35: {  	s10 =	sld [smem:$0x3FA9];
	_ =	sdelay $0x3  }
0x36: {  	p1 =	seq.s32 s10, $0x1;
	s10 =	sld [smem:$0x3FAA];
	_ =	sdelay $0x3  }
0x37: {  	[smem:$0x3FAA] =	sst s10  }
0x38: {  	s10 =	sld [smem:$0x3FAB]  }
0x39: {  	_ = 	snop;
	(pc) =	sbr.ind lr, $3  }
0x3a: {  	_ = 	snop  }
0x3b: {  	_ = 	snop  }
0x3c: {  	p2 =	seq.s32 s10, $0x1;
	s10 =	sld [smem:$0x3FAA]  }
0x3d: {  	_ =	shalt  }
0x3e: {  	_ =	shalt  }
0x3f: {  	_ =	shalt  }
0x40: {  	_ =	shalt  }
0x41: {  	_ =	shalt  }
0x42: {  	_ =	shalt  }
0x43: {  	_ =	shalt  }
0x44: {  	_ =	shalt  }
0x45: {  	_ =	shalt  }
0x46: {  	_ =	shalt  }
0x47: {  	_ =	shalt  }
0x48: {  	_ =	shalt  }
0x49: {  	_ =	shalt  }
0x4a: {  	_ =	shalt  }
0x4b: {  	_ =	shalt  }
0x4c: {  	_ =	shalt  }
0x4d: {  	_ =	shalt  }
0x4e: {  	_ =	shalt  }
0x4f: {  	_ =	shalt  }
0x50: {  	_ =	shalt  }
0x51: {  	_ =	shalt  }
0x52: {  	_ =	shalt  }
0x53: {  	_ =	shalt  }
0x54: {  	_ =	shalt  }
0x55: {  	_ =	shalt  }
0x56: {  	_ =	shalt  }
0x57: {  	_ =	shalt  }
0x58: {  	_ =	shalt  }
0x59: {  	_ =	shalt  }
0x5a: {  	_ =	shalt  }
0x5b: {  	_ =	shalt  }
0x5c: {  	_ =	shalt  }
0x5d: {  	_ =	shalt  }
0x5e: {  	_ =	shalt  }
0x5f: {  	_ =	shalt  }
0x60: {  	_ =	shalt  }
0x61: {  	_ =	shalt  }
0x62: {  	_ =	shalt  }
0x63: {  	_ =	shalt  }
0x64: {  	_ =	shalt  }
0x65: {  	_ =	shalt  }
0x66: {  	_ =	shalt  }
0x67: {  	_ =	shalt  }
0x68: {  	_ =	shalt  }
0x69: {  	_ =	shalt  }
0x6a: {  	_ =	shalt  }
0x6b: {  	_ =	shalt  }
0x6c: {  	_ =	shalt  }
0x6d: {  	_ =	shalt  }
0x6e: {  	_ =	shalt  }
0x6f: {  	_ =	shalt  }
0x70: {  	_ =	shalt  }
0x71: {  	_ =	shalt  }
0x72: {  	_ =	shalt  }
0x73: {  	_ =	shalt  }
0x74: {  	_ =	shalt  }
0x75: {  	_ =	shalt  }
0x76: {  	_ =	shalt  }
0x77: {  	_ =	shalt  }
0x78: {  	_ =	shalt  }
0x79: {  	_ =	shalt  }
0x7a: {  	_ =	shalt  }
0x7b: {  	_ =	shalt  }
0x7c: {  	_ =	shalt  }
0x7d: {  	_ =	shalt  }
0x7e: {  	_ =	shalt  }
0x7f: {  	_ =	shalt  }
0x80: {  	_ =	shalt  }
0x81: {  	_ =	shalt  }
0x82: {  	_ =	shalt  }
0x83: {  	_ =	shalt  }
0x84: {  	_ =	shalt  }
0x85: {  	_ =	shalt  }
0x86: {  	_ =	shalt  }
0x87: {  	_ =	shalt  }
.Lfunc_end0:
.L_simem_size_0:
called_computation.7_lowered:
.L_overlay_start_0:
0x88: {  	s2 =	sld [smem:$0x3FD9]  }
0x89: {  	s3 =	sld [smem:$0x3FFE];
	_ =	sdelay $0x1  }
0x8a: {  	s1 =	srdreg.scid  }
0x8b: {  	s0 =	sand.u32 $0x1, s1  }
0x8c: {  	s17 =	sshll.u32 s0, $0xA;
	s2 =	sadd.s32 s3, s2  }
0x8d: {  	s2 =	sadd.s32 s2, s17  }
0x8e: {  	[smem:$0x3FB6] =	sst s2  }
0x8f: {  	_ = 	snop  }
0x90: {  	(tm) =	ssettm $0x1  }
0x91: {  	s18 =	sld [smem:$0x3FFB];
	_ =	sdelay $0x3  }
0x92: {  	_ =	strace s18  }
0x93: {  	s2 =	sld [smem:$0x3FFC];
	_ =	sdelay $0x3  }
0x94: {  	_ =	strace s2  }
0x95: {  	s2 =	sld [smem:$0x3FFD];
	_ =	sdelay $0x3  }
0x96: {  	_ =	strace s2  }
0x97: {  	_ =	strace $0x8FFFFFFF  }
0x98: {  	s19 =	sld [smem:$0x3FDB];
	_ =	sdelay $0x1  }
0x99: {  	s20 =	simm.s32 $_scs_section_size  }
0x9a: {  	s4 =	simm.s32 $_size__tile_overlayer_lowered;
	s5 =	simm.s32 $_tile_overlayer_lowered  }
0x9b: {  	s6 =	simm.s32 $0x1BFF;
	s21 =	sshll.u32 s5, $0x1;
	s3 =	sadd.s32 s20, s19  }
0x9c: {  	s22 =	simm.s32 $0x0;
	s4 =	sshll.u32 s4, $0x1;
	s5 =	sadd.s32 s21, s3  }
0x9d: {  	[timem:s22], [sflag:s6] =	dma.local [hbm:s5], s4  }
0x9e: {  	_ =	swait.ge [sflag:s6], s4  }
0x9f: {  	s4 =	ssub.s32 $0x0, s4;
	[sflag:s6] =	ssyncset.done $0x0  }
0xa0: {  	[sflag:s6] =	ssyncadd.s32 s4;
	_ =	sdelay $0x1  }
0xa1: {  	s23 =	simm.s32 $0x1B8B  }
0xa2: {  	_ =	swait.ge [sflag:s23], $0x1  }
0xa3: {  	[sflag:s23] =	ssyncset.done $0x0  }
0xa4: {  	[sflag:s23] =	ssyncadd.s32 $0xFFFFFFFF  }
0xa5: {  	s4 =	sld [smem:$0x0]  }
0xa6: {  	s5 =	sand.u32 $0xFFFFFFFE, s1  }
0xa7: {  	p0 =	sne.s32 s1, s5  }
0xa8: {  	s5 =	sshll.u32 @p0 s5, $0xE  }
0xa9: {  	s5 =	sadd.s32 @p0 $0x11B8D, s5;
	s6 =	sshll.u32 @p0 s4, $0x11  }
0xaa: {  	s5 =	sor.u32 @p0 s6, s5  }
0xab: {  	[sflag:s5] =	ssyncadd.remote.s32 @p0 $0x1;
	_ =	sdelay $0x1  }
0xac: {  	s5 =	simm.s32 @p0 $0x1B8D  }
0xad: {  	_ =	swait.eq @p0 [sflag:s5], $0x1  }
0xae: {  	[sflag:s5] =	ssyncadd.s32 @p0 $0xFFFFFFFF  }
0xaf: {  	s6 =	sshll.u32 @!p0 s1, $0xE  }
0xb0: {  	s6 =	sor.u32 @!p0 $0x4000, s6;
	s5 =	simm.s32 @!p0 $0x1B8D  }
0xb1: {  	s4 =	sshll.u32 @!p0 s4, $0x11;
	s6 =	sadd.s32 @!p0 $0x11B8D, s6;
	_ =	swait.eq @!p0 [sflag:s5], $0x1  }
0xb2: {  	s4 =	sor.u32 @!p0 s4, s6;
	[sflag:s5] =	ssyncadd.s32 @!p0 $0xFFFFFFFF  }
0xb3: {  	s25 =	simm.s32 $0x1B8E;
	s24 =	sld [smem:$0x3FFE];
	[sflag:s4] =	ssyncadd.remote.s32 @!p0 $0x1  }
0xb4: {  	s26 =	simm.s32 $execute0_lowered;
	[smem:$0x3FD2] =	sst s25  }
0xb5: {  	s5 =	sshll.u32 s26, $0x1;
	_ =	strace $0x8000005B;
	[dreg:$0x1] =	wrdreg $0xFFFFFFFF  }
0xb6: {  	s28 =	simm.s32 $_size_execute0_lowered;
	s3 =	sadd.s32 s3, s5;
	[dreg:$0x0] =	wrdreg $0x0  }
0xb7: {  	s5 =	sshll.u32 s28, $0x1;
	[dreg:$0x2] =	wrdreg s3  }
0xb8: {  	[dreg:$0x3] =	wrdreg s5  }
0xb9: {  	[dreg:$0x4] =	wrdreg $0xC0  }
0xba: {  	_ =	task [dreg:s22], $0x5FFFF  }
0xbb: {  	[dreg:$0x1] =	wrdreg $0xFFFFFFFF  }
0xbc: {  	[dreg:$0x0] =	wrdreg $0x60  }
0xbd: {  	[dreg:$0x2] =	wrdreg s24  }
0xbe: {  	[dreg:$0x3] =	wrdreg $0x40800  }
0xbf: {  	[dreg:$0x4] =	wrdreg $0xA  }
0xc0: {  	_ =	task.clear_ibuf [dreg:s22], $0x5FFFF;
	_ =	strace $0x9000005B  }
0xc1: {  	s29 =	simm.s32 $0xA;
	_ =	strace $0x8000005D  }
0xc2: {  	_ =	swait.ge [sflag:s29], $0x1  }
0xc3: {  	[sflag:s29] =	ssyncadd.s32 $0xFFFFFFFF  }
0xc4: {  	_ =	strace $0x9000005D  }
0xc5: {  	_ =	sfence  }
0xc6: {  	s30 =	sld [smem:$0x0];
	_ =	sdelay $0x2  }
0xc7: {  	s31 =	sshll.u32 s1, $0xD;
	s1 =	sshrl.u32 s1, $0x2  }
0xc8: {  	s4 =	sand.u32 $0x4000, s31;
	s1 =	sadd.s32 s1, s30  }
0xc9: {  	s0 =	sor.u32 s4, s0;
	s1 =	sshll.u32 s1, $0x11  }
0xca: {  	s0 =	sor.u32 s1, s0  }
0xcb: {  	s0 =	sadd.s32 $0x8F2B, s0  }
0xcc: {  	[sflag:s0] =	ssyncadd.remote.s32 $0x1  }
0xcd: {  	_ =	sfence.sel $0xFFFF  }
0xce: {  	[dreg:$0x0] =	wrdreg $0xFFFFFFFF;
	(pc) =	sbr.abs _section_cstart, $3  }
0xcf: {  	[dreg:$0x1] =	wrdreg $0xFFFFFFFF  }
0xd0: {  	_ =	task.clear_ibuf [dreg:s22], $0x2FFFF;
	_ =	strace $0x9FFFFFFF  }
0xd1: {  	(tm) =	ssettm $0x7FFFFFFF  }
tec
execute0_lowered:
.L_overlay_start_1:
0x0: {  	(tag) =	ssettag $0x1  }
0x1: {  	s0 =	srdreg.scid  }
0x2: {  	s6 =	rddreg [dreg:$0x0];
	s5 =	sand.u32 $0x1, s0  }
0x3: {  	s2 =	rddreg [dreg:$0x1];
	s4 =	smul.u32 $0xA0000, s5  }
0x4: {  	s0 =	stileid.u32;
	s7 =	smul.u32 $0xA000, s5  }
0x5: {  	s1 =	rddreg [dreg:$0x2];
	s8 =	smul.u32 $0xA00, s0  }
0x6: {  	s3 =	simm.s32 $0x0;
	s14 =	simm.s32 $0x80;
	s9 =	smul.u32 $0x140000, s5  }
0x7: {  	s15 =	simm.s32 $0x0;
	[smem:$0x7FF] =	sst s3;
	s10 =	smul.u32 $0x14000, s0  }
0x8: {  	_ =	strace $0x8000005C;
	s29 =	smul.u32 $0x50000, s0;
	s5 =	ssub.s32 $0x2, s5  }
0x9: {  	s11 =	smul.u32 $0xA000, s0;
	s31 =	sshll.u32 s0, $0x6;
	s30 =	sshrl.u32 s5, $0x1  }
0xa: {  	s7 =	sadd.s32 s8, s7;
	s24 =	sadd.s32 s4, s6;
	s26 =	sadd.s32 s10, s9  }
0xb: {  	s4 =	sadd.s32 $0xB400, s6;
	s9 =	sshrl.u32 s29, $0x2;
	s12 =	ssub.s32 s5, s30  }
0xc: {  	s5 =	sor.u32 $0x1C01, s31;
	s25 =	sshrl.u32 s7, $0x3;
	s7 =	sshrl.u32 s26, $0x3  }
0xd: {  	s13 =	sadd.s32 s9, s2;
	s11 =	sadd.s32 s11, s24;
	s8 =	smax.u32 s12, $0x1  }
0xe: {  	s28 =	sadd.s32 s25, s6;
	s7 =	sadd.s32 s7, s6;
	s9 =	sadd.s32 $0x115B000, s11  }
0xf: {  	s11 =	sadd.s32 $0x2C8E00, s11;
	s12 =	sshrl.u32 s13, $0x3;
	s6 =	sadd.s32 $0x408E00, s7  }
0x10: {  	s13 =	simm.s32 $0x1;
	s7 =	sadd.s32 $0x458E00, s7;
	s10 =	sadd.s32 $0x2C6600, s28  }
.LBB2_1:
0x11: {  	[spmem:s12], [sflag:s5] =	dma.local [hbm:s4], $0x2800  }
0x12: {  	_ =	swait.ge [sflag:s13], $0x2800  }
0x13: {  	[sflag:s13] =	ssyncset.done $0x0  }
0x14: {  	[sflag:s13] =	ssyncadd.s32 $0xFFFFD800  }
0x15: {  	s16 =	sadd.s32 $0x0, s10;
	[bflag:$0x0] =	sbarrier.arrive $0xFFFF  }
0x16: {  	[tilespmem:s3], [sflag:$0x1] =	stream.linear.gather [hbm4b:s16+s3], $0x80, $0x38;
	[tilespmem:$0x18080] =	vst v63  }
0x17: {  	_ =	swait.ge [sflag:s13], $0x80  }
0x18: {  	[sflag:s13] =	ssyncset.done $0x0  }
0x19: {  	[sflag:s13] =	ssyncadd.s32 $0xFFFFFF80  }
0x1a: {  	[tilespmem:s14], [sflag:$0x1] =	stream.linear.gather [hbm4b:s9+s3], $0x4000, $0x38;
	[tilespmem:$0x18080] =	vst v63  }
0x1b: {  	_ =	swait.ge [sflag:s13], $0x4000  }
0x1c: {  	[sflag:s13] =	ssyncset.done $0x0  }
0x1d: {  	[sflag:s13] =	ssyncadd.s32 $0xFFFFC000  }
0x1e: {  	[spmem:s2] =	stream.indirect.scatter.add.f32 [tilespmem:s14], [sflag:$0x1], $0x80, s3, s14, $0xb8;
	[tilespmem:$0x18080] =	vst v63  }
0x1f: {  	s17 =	simm.s32 $0x10;
	_ =	swait.ge [sflag:s13], $0x4000  }
0x20: {  	s18 =	simm.s32 $0x20;
	s16 =	sadd.s32 $0x800, s9;
	[sflag:s13] =	ssyncset.done $0x0  }
.LBB2_2:
0x21: {  	s19 =	sadd.s32 s17, s10  }
0x22: {  	[sflag:s13] =	ssyncadd.s32 $0xFFFFC000;
	s17 =	smov.u32 s18;
	s20 =	sadd.s32 $0x10, s18  }
0x23: {  	[tilespmem:s3], [sflag:$0x1] =	stream.linear.gather [hbm4b:s19+s3], $0x80, $0x38;
	[tilespmem:$0x18080] =	vst v63  }
0x24: {  	p0 =	sne.s32 s18, $0x130;
	_ =	swait.ge [sflag:s13], $0x80  }
0x25: {  	[sflag:s13] =	ssyncset.done $0x0  }
0x26: {  	[sflag:s13] =	ssyncadd.s32 $0xFFFFFF80  }
0x27: {  	[tilespmem:s14], [sflag:$0x1] =	stream.linear.gather [hbm4b:s16+s3], $0x4000, $0x38;
	[tilespmem:$0x18080] =	vst v63  }
0x28: {  	_ =	swait.ge [sflag:s13], $0x4000  }
.Ltmp0:
0x29: {  	[sflag:s13] =	ssyncset.done $0x0;
	(pc) =	sbr.rel @p0 .LBB2_2-.Ltmp0, $4  }
0x2a: {  	[sflag:s13] =	ssyncadd.s32 $0xFFFFC000  }
0x2b: {  	[spmem:s2] =	stream.indirect.scatter.add.f32 [tilespmem:s14], [sflag:$0x1], $0x80, s3, s14, $0xb8;
	[tilespmem:$0x18080] =	vst v63  }
0x2c: {  	_ =	swait.ge [sflag:s13], $0x4000  }
0x2d: {  	s18 =	smov.u32 s20;
	s16 =	sadd.s32 $0x800, s16;
	[sflag:s13] =	ssyncset.done $0x0  }
0x2e: {  	s17 =	sadd.s32 s17, s10;
	[sflag:s13] =	ssyncadd.s32 $0xFFFFC000  }
0x2f: {  	[tilespmem:s3], [sflag:$0x1] =	stream.linear.gather [hbm4b:s17+s3], $0x80, $0x38;
	[tilespmem:$0x18080] =	vst v63  }
0x30: {  	_ =	swait.ge [sflag:s13], $0x80  }
0x31: {  	[sflag:s13] =	ssyncset.done $0x0  }
0x32: {  	[sflag:s13] =	ssyncadd.s32 $0xFFFFFF80  }
0x33: {  	[tilespmem:s14], [sflag:$0x1] =	stream.linear.gather [hbm4b:s16+s3], $0x4000, $0x38;
	[tilespmem:$0x18080] =	vst v63  }
0x34: {  	_ =	swait.ge [sflag:s13], $0x4000  }
0x35: {  	[sflag:s13] =	ssyncset.done $0x0  }
0x36: {  	[sflag:s13] =	ssyncadd.s32 $0xFFFFC000  }
0x37: {  	[spmem:s2] =	stream.indirect.scatter.add.f32 [tilespmem:s14], [sflag:$0x1], $0x80, s3, s14, $0xb8;
	[tilespmem:$0x18080] =	vst v63  }
0x38: {  	_ =	swait.ge [sflag:s13], $0x4000  }
0x39: {  	[sflag:s13] =	ssyncset.done $0x0  }
0x3a: {  	[sflag:s13] =	ssyncadd.s32 $0xFFFFC000  }
0x3b: {  	[bflag:$0x0] =	sbarrier.arrive $0xFFFF  }
0x3c: {  	[hbm:s6], [sflag:s5] =	dma.local [spmem:s12], $0x2800  }
0x3d: {  	_ =	swait.ge [sflag:s13], $0x2800  }
0x3e: {  	[sflag:s13] =	ssyncset.done $0x0  }
0x3f: {  	[sflag:s13] =	ssyncadd.s32 $0xFFFFD800  }
0x40: {  	[bflag:$0x0] =	sbarrier.arrive $0xFFFF  }
0x41: {  	[spmem:s12], [sflag:s5] =	dma.local [hbm:s4], $0x2800  }
0x42: {  	_ =	swait.ge [sflag:s13], $0x2800  }
0x43: {  	[sflag:s13] =	ssyncset.done $0x0  }
0x44: {  	[sflag:s13] =	ssyncadd.s32 $0xFFFFD800  }
0x45: {  	s31 =	sadd.s32 $0x0, s10;
	[bflag:$0x0] =	sbarrier.arrive $0xFFFF  }
0x46: {  	[tilespmem:s3], [sflag:$0x1] =	stream.linear.gather [hbm4b:s31+s3], $0x80, $0x38;
	[tilespmem:$0x18080] =	vst v63  }
0x47: {  	_ =	swait.ge [sflag:s13], $0x80  }
0x48: {  	[sflag:s13] =	ssyncset.done $0x0  }
0x49: {  	[sflag:s13] =	ssyncadd.s32 $0xFFFFFF80  }
0x4a: {  	[tilespmem:s14], [sflag:$0x1] =	stream.linear.gather [hbm4b:s11+s3], $0x4000, $0x38;
	[tilespmem:$0x18080] =	vst v63  }
0x4b: {  	_ =	swait.ge [sflag:s13], $0x4000  }
0x4c: {  	[sflag:s13] =	ssyncset.done $0x0  }
0x4d: {  	[sflag:s13] =	ssyncadd.s32 $0xFFFFC000  }
0x4e: {  	[spmem:s2] =	stream.indirect.scatter.add.f32 [tilespmem:s14], [sflag:$0x1], $0x80, s3, s14, $0xb8;
	[tilespmem:$0x18080] =	vst v63  }
0x4f: {  	s18 =	simm.s32 $0x20;
	_ =	swait.ge [sflag:s13], $0x4000  }
0x50: {  	s17 =	simm.s32 $0x10;
	s16 =	sadd.s32 $0x800, s11;
	[sflag:s13] =	ssyncset.done $0x0  }
.LBB2_4:
0x51: {  	s19 =	sadd.s32 s17, s10  }
0x52: {  	[sflag:s13] =	ssyncadd.s32 $0xFFFFC000;
	s17 =	smov.u32 s18;
	s20 =	sadd.s32 $0x10, s18  }
0x53: {  	[tilespmem:s3], [sflag:$0x1] =	stream.linear.gather [hbm4b:s19+s3], $0x80, $0x38;
	[tilespmem:$0x18080] =	vst v63  }
0x54: {  	p0 =	sne.s32 s18, $0x130;
	_ =	swait.ge [sflag:s13], $0x80  }
0x55: {  	[sflag:s13] =	ssyncset.done $0x0  }
0x56: {  	[sflag:s13] =	ssyncadd.s32 $0xFFFFFF80  }
0x57: {  	[tilespmem:s14], [sflag:$0x1] =	stream.linear.gather [hbm4b:s16+s3], $0x4000, $0x38;
	[tilespmem:$0x18080] =	vst v63  }
0x58: {  	_ =	swait.ge [sflag:s13], $0x4000  }
.Ltmp1:
0x59: {  	[sflag:s13] =	ssyncset.done $0x0;
	(pc) =	sbr.rel @p0 .LBB2_4-.Ltmp1, $4  }
0x5a: {  	[sflag:s13] =	ssyncadd.s32 $0xFFFFC000  }
0x5b: {  	[spmem:s2] =	stream.indirect.scatter.add.f32 [tilespmem:s14], [sflag:$0x1], $0x80, s3, s14, $0xb8;
	[tilespmem:$0x18080] =	vst v63  }
0x5c: {  	_ =	swait.ge [sflag:s13], $0x4000  }
0x5d: {  	s18 =	smov.u32 s20;
	s16 =	sadd.s32 $0x800, s16;
	[sflag:s13] =	ssyncset.done $0x0  }
0x5e: {  	s17 =	sadd.s32 s17, s10;
	[sflag:s13] =	ssyncadd.s32 $0xFFFFC000  }
0x5f: {  	[tilespmem:s3], [sflag:$0x1] =	stream.linear.gather [hbm4b:s17+s3], $0x80, $0x38;
	[tilespmem:$0x18080] =	vst v63  }
0x60: {  	_ =	swait.ge [sflag:s13], $0x80  }
0x61: {  	[sflag:s13] =	ssyncset.done $0x0  }
0x62: {  	[sflag:s13] =	ssyncadd.s32 $0xFFFFFF80  }
0x63: {  	[tilespmem:s14], [sflag:$0x1] =	stream.linear.gather [hbm4b:s16+s3], $0x4000, $0x38;
	[tilespmem:$0x18080] =	vst v63  }
0x64: {  	_ =	swait.ge [sflag:s13], $0x4000  }
0x65: {  	[sflag:s13] =	ssyncset.done $0x0  }
0x66: {  	[sflag:s13] =	ssyncadd.s32 $0xFFFFC000  }
0x67: {  	[spmem:s2] =	stream.indirect.scatter.add.f32 [tilespmem:s14], [sflag:$0x1], $0x80, s3, s14, $0xb8;
	[tilespmem:$0x18080] =	vst v63  }
0x68: {  	_ =	swait.ge [sflag:s13], $0x4000  }
0x69: {  	[sflag:s13] =	ssyncset.done $0x0  }
0x6a: {  	s15 =	sadd.s32 $0x1, s15;
	[sflag:s13] =	ssyncadd.s32 $0xFFFFC000  }
0x6b: {  	p0 =	sne.s32 s15, s8;
	[bflag:$0x0] =	sbarrier.arrive $0xFFFF  }
0x6c: {  	[hbm:s7], [sflag:s5] =	dma.local [spmem:s12], $0x2800  }
.Ltmp2:
0x6d: {  	_ =	swait.ge [sflag:s13], $0x2800;
	(pc) =	sbr.rel @p0 .LBB2_1-.Ltmp2, $3  }
0x6e: {  	[sflag:s13] =	ssyncset.done $0x0  }
0x6f: {  	[sflag:s13] =	ssyncadd.s32 $0xFFFFD800  }
0x70: {  	[bflag:$0x0] =	sbarrier.arrive $0xFFFF;
	_ =	sdelay $0x1  }
0x71: {  	_ =	sfence.sel $0x180000  }
0x72: {  	[bflag:$0x0] =	sbarrier.arrive $0xFFFF  }
0x73: {  	p0 =	sne.s32 s0, $0x0;
	_ =	strace $0x9000005C  }
0x74: {  	s0 =	sadd.s32 @!p0 $0x100000, s1;
	[bflag:$0x2] =	sbarrier.arrive $0xFFFF  }
0x75: {  	[sflag:s0] =	ssyncadd.tile.s32 @!p0 $0x1;
	_ =	shalt  }
.Lfunc_end2:
_tile_overlayer_lowered:
.L_overlay_start_2:
0x76: {  	(tag) =	ssettag $0x2  }
0x77: {  	s0 =	rddreg [dreg:$0x0];
	s2 =	stileid.u32  }
0x78: {  	s1 =	rddreg [dreg:$0x1];
	p0 =	sne.s32 s2, $0x0  }
0x79: {  	s3 =	rddreg [dreg:$0x2];
	[bflag:$0x3] =	sbarrier.arrive $0xFFFF;
	s2 =	simm.s32 @!p0 $0x1C01  }
0x7a: {  	[timem:s3], [sflag:s2] =	dma.local @!p0 [hbm:s0], s1  }
0x7b: {  	s0 =	simm.s32 @!p0 $0x1  }
0x7c: {  	_ =	swait.ge @!p0 [sflag:s0], s1  }
0x7d: {  	s1 =	ssub.s32 @!p0 $0x0, s1;
	[sflag:s0] =	ssyncset.done @!p0 $0x0  }
0x7e: {  	[sflag:s0] =	ssyncadd.s32 @!p0 s1  }
0x7f: {  	[bflag:$0x3] =	sbarrier.arrive $0xFFFF  }
0x80: {  	_ =	shalt  }

</sc_bundles>
